<compile_context>
chip_gen: v7x
topology: tpu7x:2x2x1
jax: 0.10.2.dev20260603
libtpu: 0.0.44.dev20260713+nightly
codegen_flags: <defaults>
</compile_context>

<pallas_src>
import functools

import jax
import jax.numpy as jnp
from jax import lax
from jax.experimental import pallas as pl
from jax.experimental.pallas import tpu as pltpu
from jax.experimental.pallas import tpu_sc as plsc

NROWS = 128
NCOLS = 32768
KSEL = 64
L = 16
NVEC = NCOLS // L
UNROLL = 8
NCORES = 2
NSUB = 16
NWORKERS = NCORES * NSUB
ROWS_PER_W = NROWS // NWORKERS
T_GUESS = 2.6
_INT_MIN = -(2 ** 31)


def _keyify(xv):
    b = plsc.bitcast(xv, jnp.int32)
    return jnp.where(b < 0, jnp.int32(_INT_MIN) - b, b)


def _collect(row_v, pos_v, thi):
    lane = lax.iota(jnp.int32, L)
    step16 = jnp.full((L,), 16, jnp.int32)
    zero16 = jnp.zeros((L,), jnp.int32)

    @plsc.parallel_loop(0, NVEC, step=1, unroll=UNROLL, carry=lane)
    def idxv(j, idxv):
        base = j * L
        xv = row_v[pl.ds(base, L)]
        msk = jnp.abs(xv) > thi
        posv = lane + base
        plsc.store_scatter(pos_v, [idxv], posv, mask=msk)
        return idxv + jnp.where(msk, step16, zero16)

    return lax.shift_right_logical(idxv - lane, 4)


def _tail_counts(row_v, pos_v, nlane, n_max, thi):
    one = jnp.ones((L,), jnp.int32)
    zero = jnp.zeros((L,), jnp.int32)

    def body(j, acc):
        a_hi, a_lo = acc
        pv = pos_v[pl.ds(j * L, L)] & jnp.int32(NCOLS - 1)
        xc = plsc.load_gather(row_v, [pv])
        valid = nlane > j
        a_hi = a_hi + jnp.where(valid & (xc > thi), one, zero)
        a_lo = a_lo + jnp.where(valid & (xc < -thi), one, zero)
        return a_hi, a_lo

    a_hi, a_lo = lax.fori_loop(0, n_max, body, (zero, zero))
    return jnp.sum(a_hi), jnp.sum(a_lo)


def _select_thresholds(key_v, n_pad, n_max):
    one = jnp.ones((L,), jnp.int32)
    zero = jnp.zeros((L,), jnp.int32)

    def bit_step(i, carry):
        g_t, g_b = carry
        step = (jnp.int32(1) << (31 - i)).astype(jnp.int32)
        c_t = g_t + step
        c_b = g_b + step

        @plsc.parallel_loop(0, n_max, step=1, unroll=4, carry=(zero, zero))
        def acc(j, acc):
            a_t, a_b = acc
            kv = key_v[pl.ds(j * L, L)]
            a_t = a_t + jnp.where(kv > c_t, one, zero)
            a_b = a_b + jnp.where(~kv > c_b, one, zero)
            return a_t, a_b

        a_t, a_b = acc
        g_t = jnp.where(jnp.sum(a_t) >= KSEL, c_t, g_t)
        g_b = jnp.where(jnp.sum(a_b) - n_pad >= KSEL, c_b, g_b)
        return g_t, g_b

    return lax.fori_loop(0, 32, bit_step,
                         (jnp.int32(_INT_MIN), jnp.int32(_INT_MIN)))


def _process_row(r, row_v, pos_v, key_v, x_hbm, out_hbm):
    pltpu.sync_copy(x_hbm.at[r], row_v)

    def attempt(thi):
        nlane = _collect(row_v, pos_v, thi)
        n_max = jnp.max(nlane)
        n_hi, n_lo = _tail_counts(row_v, pos_v, nlane, n_max, thi)
        return nlane, n_max, n_hi, n_lo

    def cond(st):
        _t, _nl, _nm, n_hi, n_lo = st
        return (n_hi < KSEL) | (n_lo < KSEL)

    def retry(st):
        thi = st[0]
        thi = jnp.where(thi > 0, thi - 1.0, thi * 2.0 - 1.0)
        nlane, n_max, n_hi, n_lo = attempt(thi)
        return thi, nlane, n_max, n_hi, n_lo

    t0 = jnp.float32(T_GUESS)
    nl0, nm0, h0, l0 = attempt(t0)
    _t, nlane, n_max, _h, _l = lax.while_loop(cond, retry, (t0, nl0, nm0, h0, l0))

    sentinel = jnp.full((L,), jnp.int32(_INT_MIN), jnp.int32)

    @plsc.parallel_loop(0, n_max, step=1, unroll=4, carry=jnp.int32(0))
    def _kc(j, c):
        pv = pos_v[pl.ds(j * L, L)] & jnp.int32(NCOLS - 1)
        kv = _keyify(plsc.load_gather(row_v, [pv]))
        key_v[pl.ds(j * L, L)] = jnp.where(nlane > j, kv, sentinel)
        return c

    n_pad = n_max * L - jnp.sum(nlane)
    g_t, g_b = _select_thresholds(key_v, n_pad, n_max)

    fzero = jnp.zeros((L,), jnp.float32)

    def kill_scan(j, _):
        kv = key_v[pl.ds(j * L, L)]
        pv = pos_v[pl.ds(j * L, L)] & jnp.int32(NCOLS - 1)
        kill = ((kv > g_t) | (~kv > g_b)) & (nlane > j)
        plsc.store_scatter(row_v, [pv], fzero, mask=kill)
        return 0

    lax.fori_loop(0, n_max, kill_scan, 0)
    pltpu.sync_copy(row_v, out_hbm.at[r])


def _sc_body(x_hbm, out_hbm, row_v, pos_v, key_v):
    wid = lax.axis_index("s") * NCORES + lax.axis_index("c")
    r0 = wid * ROWS_PER_W
    for i in range(ROWS_PER_W):
        _process_row(r0 + i, row_v, pos_v, key_v, x_hbm, out_hbm)


@jax.jit
def kernel(x):
    mesh = plsc.VectorSubcoreMesh(core_axis_name="c", subcore_axis_name="s")
    run = pl.kernel(
        _sc_body,
        out_type=jax.ShapeDtypeStruct((NROWS, NCOLS), jnp.float32),
        mesh=mesh,
        scratch_types=[
            pltpu.VMEM((NCOLS,), jnp.float32),
            pltpu.VMEM((NCOLS,), jnp.int32),
            pltpu.VMEM((NCOLS,), jnp.int32),
        ],
        compiler_params=pltpu.CompilerParams(needs_layout_passes=False),
    )
    return run(x)

# --- scband reference (transcript-rebuilt; emitter-appended) ---
"""Pipeline reference for scband-trunc-clip-3762391352096 (READ-ONLY COPY).

The authoritative reference and input builder live on the scoring server;
editing this copy changes nothing except your own understanding.
"""

import jax, jax.numpy as jnp
import numpy as np

K = 64


def setup_inputs(seed: int = 0) -> dict:
    key = jax.random.key(seed)
    x = jax.random.normal(key, (128, 32768), dtype=jnp.float32)
    return {"x": x}


def reference(x):
    # x_vals = x.clone().detach()
    x_vals = jax.lax.stop_gradient(x)
    # top-k largest and top-k smallest (via top-k of negated values)
    _, idx_top = jax.lax.top_k(x_vals, K)
    _, idx_bot = jax.lax.top_k(-1.0 * x_vals, K)
    # z = ones_like(x); z[rows, idx_top] = 0; z[rows, idx_bot] = 0
    rows = jnp.arange(x.shape[0])[:, None]
    z = jnp.ones_like(x)
    z = z.at[rows, idx_top].set(0.0)
    z = z.at[rows, idx_bot].set(0.0)
    return x * z

if __name__ == "__main__":
    import jax
    _d = setup_inputs()
    print(jax.jit(kernel)(*tuple(_d.values())))

</pallas_src>

<mosaic_0001>
#map = affine_map<(d0, d1) -> (0, 0)>
module attributes {stable_mosaic.version = 14 : i64} {
  func.func @_sc_body(%arg0: i32, %arg1: i32, %arg2: memref<128x32768xf32, #tpu.memory_space<hbm>>, %arg3: memref<128x32768xf32, #tpu.memory_space<hbm>>, %arg4: memref<32768xf32, #tpu.memory_space<vmem>>, %arg5: memref<32768xi32, #tpu.memory_space<vmem>>, %arg6: memref<32768xi32, #tpu.memory_space<vmem>>) attributes {dimension_semantics = [#tpu.dimension_semantics<core_parallel>, #tpu.dimension_semantics<subcore_parallel>], iteration_bounds = array<i64: 2, 16>, scalar_prefetch = 0 : i64, scratch_operands = 3 : i64, tpu.core_type = #tpu.core_type<sc_vector_subcore>, window_params = [{transform_indices = #map}, {transform_indices = #map}]} {
    %mul3A = arith.constant 2 : i32
    %mul3A_0 = arith.muli %arg1, %mul3A : i32
    %add3A = arith.addi %mul3A_0, %arg0 : i32
    %mul3A_1 = arith.constant 4 : i32
    %mul3A_2 = arith.muli %add3A, %mul3A_1 : i32
    %add3A_3 = arith.constant 0 : i32
    %add3A_4 = arith.addi %mul3A_2, %add3A_3 : i32
    "tpu.region"() ({
      %run_scoped3A = tpu.sem_alloc : memref<!tpu.dma_semaphore, #tpu.memory_space<semaphore_mem>>
      %dma_start3A = arith.constant 0 : i32
      %dma_start3A_350 = tpu.memref_slice %arg2[%add3A_4, %dma_start3A] : memref<128x32768xf32, #tpu.memory_space<hbm>> -> memref<1x32768xf32, #tpu.memory_space<hbm>>
      %dma_start3A_351 = tpu.memref_squeeze %dma_start3A_350 : memref<1x32768xf32, #tpu.memory_space<hbm>> -> memref<32768xf32, #tpu.memory_space<hbm>>
      %dma_start3A_352 = arith.constant 0 : i32
      %dma_start3A_353 = tpu.memref_slice %arg2[%add3A_4, %dma_start3A_352] : memref<128x32768xf32, #tpu.memory_space<hbm>> -> memref<1x32768xf32, #tpu.memory_space<hbm>>
      %dma_start3A_354 = tpu.memref_squeeze %dma_start3A_353 : memref<1x32768xf32, #tpu.memory_space<hbm>> -> memref<32768xf32, #tpu.memory_space<hbm>>
      tpu.enqueue_dma source(%dma_start3A_354 : memref<32768xf32, #tpu.memory_space<hbm>>) target(%arg4 : memref<32768xf32, #tpu.memory_space<vmem>>) target_semaphore(%run_scoped3A : memref<!tpu.dma_semaphore, #tpu.memory_space<semaphore_mem>>)
      %dma_wait3A = arith.constant 0 : i32
      %dma_wait3A_355 = tpu.memref_slice %arg2[%add3A_4, %dma_wait3A] : memref<128x32768xf32, #tpu.memory_space<hbm>> -> memref<1x32768xf32, #tpu.memory_space<hbm>>
      %dma_wait3A_356 = tpu.memref_squeeze %dma_wait3A_355 : memref<1x32768xf32, #tpu.memory_space<hbm>> -> memref<32768xf32, #tpu.memory_space<hbm>>
      %dma_wait3A_357 = arith.constant 0 : i32
      %dma_wait3A_358 = tpu.memref_slice %arg2[%add3A_4, %dma_wait3A_357] : memref<128x32768xf32, #tpu.memory_space<hbm>> -> memref<1x32768xf32, #tpu.memory_space<hbm>>
      %dma_wait3A_359 = tpu.memref_squeeze %dma_wait3A_358 : memref<1x32768xf32, #tpu.memory_space<hbm>> -> memref<32768xf32, #tpu.memory_space<hbm>>
      tpu.wait_dma2 semaphore(%run_scoped3A : memref<!tpu.dma_semaphore, #tpu.memory_space<semaphore_mem>>) src(%dma_wait3A_359 : memref<32768xf32, #tpu.memory_space<hbm>>) dst(%arg4 : memref<32768xf32, #tpu.memory_space<vmem>>)
      tpu.yield
    }) : () -> ()
    %iota3A = tpu.iota {dimensions = array<i32: 0>} : vector<16xi32>
    %broadcast_in_dim3A = arith.constant 16 : i32
    %broadcast_in_dim3A_5 = vector.broadcast %broadcast_in_dim3A : i32 to vector<16xi32>
    %broadcast_in_dim3A_6 = arith.constant 0 : i32
    %broadcast_in_dim3A_7 = vector.broadcast %broadcast_in_dim3A_6 : i32 to vector<16xi32>
    %parallel_loop3A = arith.constant 0 : i32
    %parallel_loop3A_8 = arith.constant 2048 : i32
    %parallel_loop3A_9 = arith.constant 1 : i32
    %parallel_loop3A_10 = arith.constant 2.600000e+00 : f32
    %parallel_loop3A_11 = scf.for %parallel_loop3A_350 = %parallel_loop3A to %parallel_loop3A_8 step %parallel_loop3A_9 iter_args(%parallel_loop3A_351 = %iota3A) -> (vector<16xi32>)  : i32 {
      %parallel_loop3A_352 = arith.constant 16 : i32
      %parallel_loop3A_353 = arith.muli %parallel_loop3A_350, %parallel_loop3A_352 : i32
      %parallel_loop3A_354 = arith.index_cast %parallel_loop3A_353 : i32 to index
      %parallel_loop3A_355 = tpu.vector_load %arg4[%parallel_loop3A_354] {strides = array<i32>} : memref<32768xf32, #tpu.memory_space<vmem>>, vector<16xf32>,
      %parallel_loop3A_356 = math.absf %parallel_loop3A_355 : vector<16xf32>
      %parallel_loop3A_357 = vector.broadcast %parallel_loop3A_10 : f32 to vector<16xf32>
      %parallel_loop3A_358 = arith.cmpf ogt, %parallel_loop3A_356, %parallel_loop3A_357 : vector<16xf32>
      %parallel_loop3A_359 = vector.broadcast %parallel_loop3A_353 : i32 to vector<16xi32>
      %parallel_loop3A_360 = arith.addi %iota3A, %parallel_loop3A_359 : vector<16xi32>
      tpu.vector_store_idx %arg5[%parallel_loop3A_351], %parallel_loop3A_360 masked %parallel_loop3A_358 : memref<32768xi32, #tpu.memory_space<vmem>>[vector<16xi32>], vector<16xi32>, vector<16xi1>
      %parallel_loop3A_361 = arith.select %parallel_loop3A_358, %broadcast_in_dim3A_5, %broadcast_in_dim3A_7 : vector<16xi1>, vector<16xi32>
      %parallel_loop3A_362 = arith.addi %parallel_loop3A_351, %parallel_loop3A_361 : vector<16xi32>
      scf.yield %parallel_loop3A_362 : vector<16xi32>
    } {sc.loop_unroll_factor = 8 : i64, sc.parallel_access}
    %sub3A = arith.subi %parallel_loop3A_11, %iota3A : vector<16xi32>
    %shift_right_logical3A = arith.constant 4 : i32
    %shift_right_logical3A_12 = vector.broadcast %shift_right_logical3A : i32 to vector<16xi32>
    %shift_right_logical3A_13 = arith.shrui %sub3A, %shift_right_logical3A_12 : vector<16xi32>
    %reduce_max3A = arith.constant true
    %reduce_max3A_14 = vector.broadcast %reduce_max3A : i1 to vector<16xi1>
    %reduce_max3A_15 = arith.constant -2147483648 : i32
    %reduce_max3A_16 = vector.broadcast %reduce_max3A_15 : i32 to vector<16xi32>
    %reduce_max3A_17 = arith.xori %shift_right_logical3A_13, %reduce_max3A_16 : vector<16xi32>
    %reduce_max3A_18 = tpu.scan <max>, %reduce_max3A_17 masked %reduce_max3A_14 : vector<16xi32>, vector<16xi1> -> vector<16xi32>
    %reduce_max3A_19 = arith.xori %reduce_max3A_18, %reduce_max3A_16 : vector<16xi32>
    %reduce_max3A_20 = vector.extract %reduce_max3A_19[15] : i32 from vector<16xi32>
    %broadcast_in_dim3A_21 = arith.constant 1 : i32
    %broadcast_in_dim3A_22 = vector.broadcast %broadcast_in_dim3A_21 : i32 to vector<16xi32>
    %broadcast_in_dim3A_23 = arith.constant 0 : i32
    %broadcast_in_dim3A_24 = vector.broadcast %broadcast_in_dim3A_23 : i32 to vector<16xi32>
    %while3A = arith.constant 2.600000e+00 : f32
    %while3A_25 = arith.constant 0 : i32
    %while3A_26 = arith.subi %reduce_max3A_20, %while3A_25 : i32
    %while3A_27 = arith.addi %while3A_25, %while3A_26 : i32
    %while3A_28 = arith.constant 1 : i32
    %while3A_29 = arith.divsi %while3A_26, %while3A_28 : i32
    %while3A_30 = arith.muli %while3A_29, %while3A_28 : i32
    %while3A_31 = arith.addi %while3A_25, %while3A_30 : i32
    %while3A_32 = arith.constant 1 : i32
    %while3A_33:2 = scf.for %while3A_350 = %while3A_25 to %while3A_31 step %while3A_32 iter_args(%while3A_351 = %broadcast_in_dim3A_24, %while3A_352 = %broadcast_in_dim3A_24) -> (vector<16xi32>, vector<16xi32>)  : i32 {
      %mul3A_353 = arith.constant 16 : i32
      %mul3A_354 = arith.muli %while3A_350, %mul3A_353 : i32
      %get3A = arith.index_cast %mul3A_354 : i32 to index
      %get3A_355 = tpu.vector_load %arg5[%get3A] {strides = array<i32>} : memref<32768xi32, #tpu.memory_space<vmem>>, vector<16xi32>,
      %and3A = arith.constant 32767 : i32
      %and3A_356 = vector.broadcast %and3A : i32 to vector<16xi32>
      %and3A_357 = arith.andi %get3A_355, %and3A_356 : vector<16xi32>
      %gather3A = tpu.vector_load_idx %arg4[%and3A_357] : memref<32768xf32, #tpu.memory_space<vmem>>[vector<16xi32>], vector<16xf32>,
      %gt3A = vector.broadcast %while3A_350 : i32 to vector<16xi32>
      %gt3A_358 = arith.cmpi sgt, %shift_right_logical3A_13, %gt3A : vector<16xi32>
      %gt3A_359 = vector.broadcast %while3A : f32 to vector<16xf32>
      %gt3A_360 = arith.cmpf ogt, %gather3A, %gt3A_359 : vector<16xf32>
      %and3A_361 = arith.andi %gt3A_358, %gt3A_360 : vector<16xi1>
      %select_n3A = arith.select %and3A_361, %broadcast_in_dim3A_22, %broadcast_in_dim3A_24 : vector<16xi1>, vector<16xi32>
      %add3A_362 = arith.addi %while3A_351, %select_n3A : vector<16xi32>
      %neg3A = arith.constant 0.000000e+00 : f32
      %neg3A_363 = arith.subf %neg3A, %while3A : f32
      %lt3A = vector.broadcast %neg3A_363 : f32 to vector<16xf32>
      %lt3A_364 = arith.cmpf olt, %gather3A, %lt3A : vector<16xf32>
      %and3A_365 = arith.andi %gt3A_358, %lt3A_364 : vector<16xi1>
      %select_n3A_366 = arith.select %and3A_365, %broadcast_in_dim3A_22, %broadcast_in_dim3A_24 : vector<16xi1>, vector<16xi32>
      %add3A_367 = arith.addi %while3A_352, %select_n3A_366 : vector<16xi32>
      scf.yield %add3A_362, %add3A_367 : vector<16xi32>, vector<16xi32>
    }
    %while3A_34 = arith.constant 1 : i32
    %while3A_35:2 = scf.for %while3A_350 = %while3A_31 to %while3A_27 step %while3A_34 iter_args(%while3A_351 = %while3A_33#0, %while3A_352 = %while3A_33#1) -> (vector<16xi32>, vector<16xi32>)  : i32 {
      %mul3A_353 = arith.constant 16 : i32
      %mul3A_354 = arith.muli %while3A_350, %mul3A_353 : i32
      %get3A = arith.index_cast %mul3A_354 : i32 to index
      %get3A_355 = tpu.vector_load %arg5[%get3A] {strides = array<i32>} : memref<32768xi32, #tpu.memory_space<vmem>>, vector<16xi32>,
      %and3A = arith.constant 32767 : i32
      %and3A_356 = vector.broadcast %and3A : i32 to vector<16xi32>
      %and3A_357 = arith.andi %get3A_355, %and3A_356 : vector<16xi32>
      %gather3A = tpu.vector_load_idx %arg4[%and3A_357] : memref<32768xf32, #tpu.memory_space<vmem>>[vector<16xi32>], vector<16xf32>,
      %gt3A = vector.broadcast %while3A_350 : i32 to vector<16xi32>
      %gt3A_358 = arith.cmpi sgt, %shift_right_logical3A_13, %gt3A : vector<16xi32>
      %gt3A_359 = vector.broadcast %while3A : f32 to vector<16xf32>
      %gt3A_360 = arith.cmpf ogt, %gather3A, %gt3A_359 : vector<16xf32>
      %and3A_361 = arith.andi %gt3A_358, %gt3A_360 : vector<16xi1>
      %select_n3A = arith.select %and3A_361, %broadcast_in_dim3A_22, %broadcast_in_dim3A_24 : vector<16xi1>, vector<16xi32>
      %add3A_362 = arith.addi %while3A_351, %select_n3A : vector<16xi32>
      %neg3A = arith.constant 0.000000e+00 : f32
      %neg3A_363 = arith.subf %neg3A, %while3A : f32
      %lt3A = vector.broadcast %neg3A_363 : f32 to vector<16xf32>
      %lt3A_364 = arith.cmpf olt, %gather3A, %lt3A : vector<16xf32>
      %and3A_365 = arith.andi %gt3A_358, %lt3A_364 : vector<16xi1>
      %select_n3A_366 = arith.select %and3A_365, %broadcast_in_dim3A_22, %broadcast_in_dim3A_24 : vector<16xi1>, vector<16xi32>
      %add3A_367 = arith.addi %while3A_352, %select_n3A_366 : vector<16xi32>
      scf.yield %add3A_362, %add3A_367 : vector<16xi32>, vector<16xi32>
    }
    %reduce_sum3A = arith.constant true
    %reduce_sum3A_36 = vector.broadcast %reduce_sum3A : i1 to vector<16xi1>
    %reduce_sum3A_37 = tpu.scan <sum>, %while3A_35#0 masked %reduce_sum3A_36 : vector<16xi32>, vector<16xi1> -> vector<16xi32>
    %reduce_sum3A_38 = vector.extract %reduce_sum3A_37[15] : i32 from vector<16xi32>
    %reduce_sum3A_39 = arith.constant true
    %reduce_sum3A_40 = vector.broadcast %reduce_sum3A_39 : i1 to vector<16xi1>
    %reduce_sum3A_41 = tpu.scan <sum>, %while3A_35#1 masked %reduce_sum3A_40 : vector<16xi32>, vector<16xi1> -> vector<16xi32>
    %reduce_sum3A_42 = vector.extract %reduce_sum3A_41[15] : i32 from vector<16xi32>
    %while3A_43 = arith.constant 2.600000e+00 : f32
    %while3A_44:5 = scf.while (%while3A_350 = %while3A_43, %while3A_351 = %shift_right_logical3A_13, %while3A_352 = %reduce_max3A_20, %while3A_353 = %reduce_sum3A_38, %while3A_354 = %reduce_sum3A_42) : (f32, vector<16xi32>, i32, i32, i32) -> (f32, vector<16xi32>, i32, i32, i32) {
      %lt3A = arith.constant 64 : i32
      %lt3A_355 = arith.cmpi slt, %while3A_353, %lt3A : i32
      %lt3A_356 = arith.constant 64 : i32
      %lt3A_357 = arith.cmpi slt, %while3A_354, %lt3A_356 : i32
      %or3A = arith.ori %lt3A_355, %lt3A_357 : i1
      scf.condition(%or3A) %while3A_350, %while3A_351, %while3A_352, %while3A_353, %while3A_354 : f32, vector<16xi32>, i32, i32, i32
    } do {
    ^bb0(%while3A_350: f32, %while3A_351: vector<16xi32>, %while3A_352: i32, %while3A_353: i32, %while3A_354: i32):
      %gt3A = arith.constant 0.000000e+00 : f32
      %gt3A_355 = arith.cmpf ogt, %while3A_350, %gt3A : f32
      %sub3A_356 = arith.constant 1.000000e+00 : f32
      %sub3A_357 = arith.subf %while3A_350, %sub3A_356 : f32
      %mul3A_358 = arith.constant 2.000000e+00 : f32
      %mul3A_359 = arith.mulf %while3A_350, %mul3A_358 : f32
      %sub3A_360 = arith.constant 1.000000e+00 : f32
      %sub3A_361 = arith.subf %mul3A_359, %sub3A_360 : f32
      %select_n3A = arith.select %gt3A_355, %sub3A_357, %sub3A_361 : f32
      %iota3A_362 = tpu.iota {dimensions = array<i32: 0>} : vector<16xi32>
      %broadcast_in_dim3A_363 = arith.constant 16 : i32
      %broadcast_in_dim3A_364 = vector.broadcast %broadcast_in_dim3A_363 : i32 to vector<16xi32>
      %broadcast_in_dim3A_365 = arith.constant 0 : i32
      %broadcast_in_dim3A_366 = vector.broadcast %broadcast_in_dim3A_365 : i32 to vector<16xi32>
      %parallel_loop3A_367 = arith.constant 0 : i32
      %parallel_loop3A_368 = arith.constant 2048 : i32
      %parallel_loop3A_369 = arith.constant 1 : i32
      %parallel_loop3A_370 = scf.for %parallel_loop3A_406 = %parallel_loop3A_367 to %parallel_loop3A_368 step %parallel_loop3A_369 iter_args(%parallel_loop3A_407 = %iota3A_362) -> (vector<16xi32>)  : i32 {
        %parallel_loop3A_408 = arith.constant 16 : i32
        %parallel_loop3A_409 = arith.muli %parallel_loop3A_406, %parallel_loop3A_408 : i32
        %parallel_loop3A_410 = arith.index_cast %parallel_loop3A_409 : i32 to index
        %parallel_loop3A_411 = tpu.vector_load %arg4[%parallel_loop3A_410] {strides = array<i32>} : memref<32768xf32, #tpu.memory_space<vmem>>, vector<16xf32>,
        %parallel_loop3A_412 = math.absf %parallel_loop3A_411 : vector<16xf32>
        %parallel_loop3A_413 = vector.broadcast %select_n3A : f32 to vector<16xf32>
        %parallel_loop3A_414 = arith.cmpf ogt, %parallel_loop3A_412, %parallel_loop3A_413 : vector<16xf32>
        %parallel_loop3A_415 = vector.broadcast %parallel_loop3A_409 : i32 to vector<16xi32>
        %parallel_loop3A_416 = arith.addi %iota3A_362, %parallel_loop3A_415 : vector<16xi32>
        tpu.vector_store_idx %arg5[%parallel_loop3A_407], %parallel_loop3A_416 masked %parallel_loop3A_414 : memref<32768xi32, #tpu.memory_space<vmem>>[vector<16xi32>], vector<16xi32>, vector<16xi1>
        %parallel_loop3A_417 = arith.select %parallel_loop3A_414, %broadcast_in_dim3A_364, %broadcast_in_dim3A_366 : vector<16xi1>, vector<16xi32>
        %parallel_loop3A_418 = arith.addi %parallel_loop3A_407, %parallel_loop3A_417 : vector<16xi32>
        scf.yield %parallel_loop3A_418 : vector<16xi32>
      } {sc.loop_unroll_factor = 8 : i64, sc.parallel_access}
      %sub3A_371 = arith.subi %parallel_loop3A_370, %iota3A_362 : vector<16xi32>
      %shift_right_logical3A_372 = arith.constant 4 : i32
      %shift_right_logical3A_373 = vector.broadcast %shift_right_logical3A_372 : i32 to vector<16xi32>
      %shift_right_logical3A_374 = arith.shrui %sub3A_371, %shift_right_logical3A_373 : vector<16xi32>
      %reduce_max3A_375 = arith.constant true
      %reduce_max3A_376 = vector.broadcast %reduce_max3A_375 : i1 to vector<16xi1>
      %reduce_max3A_377 = arith.constant -2147483648 : i32
      %reduce_max3A_378 = vector.broadcast %reduce_max3A_377 : i32 to vector<16xi32>
      %reduce_max3A_379 = arith.xori %shift_right_logical3A_374, %reduce_max3A_378 : vector<16xi32>
      %reduce_max3A_380 = tpu.scan <max>, %reduce_max3A_379 masked %reduce_max3A_376 : vector<16xi32>, vector<16xi1> -> vector<16xi32>
      %reduce_max3A_381 = arith.xori %reduce_max3A_380, %reduce_max3A_378 : vector<16xi32>
      %reduce_max3A_382 = vector.extract %reduce_max3A_381[15] : i32 from vector<16xi32>
      %broadcast_in_dim3A_383 = arith.constant 1 : i32
      %broadcast_in_dim3A_384 = vector.broadcast %broadcast_in_dim3A_383 : i32 to vector<16xi32>
      %broadcast_in_dim3A_385 = arith.constant 0 : i32
      %broadcast_in_dim3A_386 = vector.broadcast %broadcast_in_dim3A_385 : i32 to vector<16xi32>
      %while3A_387 = arith.constant 0 : i32
      %while3A_388 = arith.subi %reduce_max3A_382, %while3A_387 : i32
      %while3A_389 = arith.addi %while3A_387, %while3A_388 : i32
      %while3A_390 = arith.constant 1 : i32
      %while3A_391 = arith.divsi %while3A_388, %while3A_390 : i32
      %while3A_392 = arith.muli %while3A_391, %while3A_390 : i32
      %while3A_393 = arith.addi %while3A_387, %while3A_392 : i32
      %while3A_394 = arith.constant 1 : i32
      %while3A_395:2 = scf.for %while3A_406 = %while3A_387 to %while3A_393 step %while3A_394 iter_args(%while3A_407 = %broadcast_in_dim3A_386, %while3A_408 = %broadcast_in_dim3A_386) -> (vector<16xi32>, vector<16xi32>)  : i32 {
        %mul3A_409 = arith.constant 16 : i32
        %mul3A_410 = arith.muli %while3A_406, %mul3A_409 : i32
        %get3A = arith.index_cast %mul3A_410 : i32 to index
        %get3A_411 = tpu.vector_load %arg5[%get3A] {strides = array<i32>} : memref<32768xi32, #tpu.memory_space<vmem>>, vector<16xi32>,
        %and3A = arith.constant 32767 : i32
        %and3A_412 = vector.broadcast %and3A : i32 to vector<16xi32>
        %and3A_413 = arith.andi %get3A_411, %and3A_412 : vector<16xi32>
        %gather3A = tpu.vector_load_idx %arg4[%and3A_413] : memref<32768xf32, #tpu.memory_space<vmem>>[vector<16xi32>], vector<16xf32>,
        %gt3A_414 = vector.broadcast %while3A_406 : i32 to vector<16xi32>
        %gt3A_415 = arith.cmpi sgt, %shift_right_logical3A_374, %gt3A_414 : vector<16xi32>
        %gt3A_416 = vector.broadcast %select_n3A : f32 to vector<16xf32>
        %gt3A_417 = arith.cmpf ogt, %gather3A, %gt3A_416 : vector<16xf32>
        %and3A_418 = arith.andi %gt3A_415, %gt3A_417 : vector<16xi1>
        %select_n3A_419 = arith.select %and3A_418, %broadcast_in_dim3A_384, %broadcast_in_dim3A_386 : vector<16xi1>, vector<16xi32>
        %add3A_420 = arith.addi %while3A_407, %select_n3A_419 : vector<16xi32>
        %neg3A = arith.constant 0.000000e+00 : f32
        %neg3A_421 = arith.subf %neg3A, %select_n3A : f32
        %lt3A = vector.broadcast %neg3A_421 : f32 to vector<16xf32>
        %lt3A_422 = arith.cmpf olt, %gather3A, %lt3A : vector<16xf32>
        %and3A_423 = arith.andi %gt3A_415, %lt3A_422 : vector<16xi1>
        %select_n3A_424 = arith.select %and3A_423, %broadcast_in_dim3A_384, %broadcast_in_dim3A_386 : vector<16xi1>, vector<16xi32>
        %add3A_425 = arith.addi %while3A_408, %select_n3A_424 : vector<16xi32>
        scf.yield %add3A_420, %add3A_425 : vector<16xi32>, vector<16xi32>
      }
      %while3A_396 = arith.constant 1 : i32
      %while3A_397:2 = scf.for %while3A_406 = %while3A_393 to %while3A_389 step %while3A_396 iter_args(%while3A_407 = %while3A_395#0, %while3A_408 = %while3A_395#1) -> (vector<16xi32>, vector<16xi32>)  : i32 {
        %mul3A_409 = arith.constant 16 : i32
        %mul3A_410 = arith.muli %while3A_406, %mul3A_409 : i32
        %get3A = arith.index_cast %mul3A_410 : i32 to index
        %get3A_411 = tpu.vector_load %arg5[%get3A] {strides = array<i32>} : memref<32768xi32, #tpu.memory_space<vmem>>, vector<16xi32>,
        %and3A = arith.constant 32767 : i32
        %and3A_412 = vector.broadcast %and3A : i32 to vector<16xi32>
        %and3A_413 = arith.andi %get3A_411, %and3A_412 : vector<16xi32>
        %gather3A = tpu.vector_load_idx %arg4[%and3A_413] : memref<32768xf32, #tpu.memory_space<vmem>>[vector<16xi32>], vector<16xf32>,
        %gt3A_414 = vector.broadcast %while3A_406 : i32 to vector<16xi32>
        %gt3A_415 = arith.cmpi sgt, %shift_right_logical3A_374, %gt3A_414 : vector<16xi32>
        %gt3A_416 = vector.broadcast %select_n3A : f32 to vector<16xf32>
        %gt3A_417 = arith.cmpf ogt, %gather3A, %gt3A_416 : vector<16xf32>
        %and3A_418 = arith.andi %gt3A_415, %gt3A_417 : vector<16xi1>
        %select_n3A_419 = arith.select %and3A_418, %broadcast_in_dim3A_384, %broadcast_in_dim3A_386 : vector<16xi1>, vector<16xi32>
        %add3A_420 = arith.addi %while3A_407, %select_n3A_419 : vector<16xi32>
        %neg3A = arith.constant 0.000000e+00 : f32
        %neg3A_421 = arith.subf %neg3A, %select_n3A : f32
        %lt3A = vector.broadcast %neg3A_421 : f32 to vector<16xf32>
        %lt3A_422 = arith.cmpf olt, %gather3A, %lt3A : vector<16xf32>
        %and3A_423 = arith.andi %gt3A_415, %lt3A_422 : vector<16xi1>
        %select_n3A_424 = arith.select %and3A_423, %broadcast_in_dim3A_384, %broadcast_in_dim3A_386 : vector<16xi1>, vector<16xi32>
        %add3A_425 = arith.addi %while3A_408, %select_n3A_424 : vector<16xi32>
        scf.yield %add3A_420, %add3A_425 : vector<16xi32>, vector<16xi32>
      }
      %reduce_sum3A_398 = arith.constant true
      %reduce_sum3A_399 = vector.broadcast %reduce_sum3A_398 : i1 to vector<16xi1>
      %reduce_sum3A_400 = tpu.scan <sum>, %while3A_397#0 masked %reduce_sum3A_399 : vector<16xi32>, vector<16xi1> -> vector<16xi32>
      %reduce_sum3A_401 = vector.extract %reduce_sum3A_400[15] : i32 from vector<16xi32>
      %reduce_sum3A_402 = arith.constant true
      %reduce_sum3A_403 = vector.broadcast %reduce_sum3A_402 : i1 to vector<16xi1>
      %reduce_sum3A_404 = tpu.scan <sum>, %while3A_397#1 masked %reduce_sum3A_403 : vector<16xi32>, vector<16xi1> -> vector<16xi32>
      %reduce_sum3A_405 = vector.extract %reduce_sum3A_404[15] : i32 from vector<16xi32>
      scf.yield %select_n3A, %shift_right_logical3A_374, %reduce_max3A_382, %reduce_sum3A_401, %reduce_sum3A_405 : f32, vector<16xi32>, i32, i32, i32
    }
    %broadcast_in_dim3A_45 = arith.constant -2147483648 : i32
    %broadcast_in_dim3A_46 = vector.broadcast %broadcast_in_dim3A_45 : i32 to vector<16xi32>
    %parallel_loop3A_47 = arith.constant 0 : i32
    %parallel_loop3A_48 = arith.constant 1 : i32
    %parallel_loop3A_49 = arith.constant 0 : i32
    %parallel_loop3A_50 = scf.for %parallel_loop3A_350 = %parallel_loop3A_47 to %while3A_44#2 step %parallel_loop3A_48 iter_args(%parallel_loop3A_351 = %parallel_loop3A_49) -> (i32)  : i32 {
      %parallel_loop3A_352 = arith.constant 16 : i32
      %parallel_loop3A_353 = arith.muli %parallel_loop3A_350, %parallel_loop3A_352 : i32
      %parallel_loop3A_354 = arith.index_cast %parallel_loop3A_353 : i32 to index
      %parallel_loop3A_355 = tpu.vector_load %arg5[%parallel_loop3A_354] {strides = array<i32>} : memref<32768xi32, #tpu.memory_space<vmem>>, vector<16xi32>,
      %parallel_loop3A_356 = arith.constant 32767 : i32
      %parallel_loop3A_357 = vector.broadcast %parallel_loop3A_356 : i32 to vector<16xi32>
      %parallel_loop3A_358 = arith.andi %parallel_loop3A_355, %parallel_loop3A_357 : vector<16xi32>
      %parallel_loop3A_359 = tpu.vector_load_idx %arg4[%parallel_loop3A_358] : memref<32768xf32, #tpu.memory_space<vmem>>[vector<16xi32>], vector<16xf32>,
      %parallel_loop3A_360 = vector.bitcast %parallel_loop3A_359 : vector<16xf32> to vector<16xi32>
      %parallel_loop3A_361 = arith.constant 0 : i32
      %parallel_loop3A_362 = vector.broadcast %parallel_loop3A_361 : i32 to vector<16xi32>
      %parallel_loop3A_363 = arith.cmpi slt, %parallel_loop3A_360, %parallel_loop3A_362 : vector<16xi32>
      %parallel_loop3A_364 = arith.constant -2147483648 : i32
      %parallel_loop3A_365 = vector.broadcast %parallel_loop3A_364 : i32 to vector<16xi32>
      %parallel_loop3A_366 = arith.subi %parallel_loop3A_365, %parallel_loop3A_360 : vector<16xi32>
      %parallel_loop3A_367 = arith.select %parallel_loop3A_363, %parallel_loop3A_366, %parallel_loop3A_360 : vector<16xi1>, vector<16xi32>
      %parallel_loop3A_368 = vector.broadcast %parallel_loop3A_350 : i32 to vector<16xi32>
      %parallel_loop3A_369 = arith.cmpi sgt, %while3A_44#1, %parallel_loop3A_368 : vector<16xi32>
      %parallel_loop3A_370 = arith.select %parallel_loop3A_369, %parallel_loop3A_367, %broadcast_in_dim3A_46 : vector<16xi1>, vector<16xi32>
      %parallel_loop3A_371 = arith.constant 16 : i32
      %parallel_loop3A_372 = arith.muli %parallel_loop3A_350, %parallel_loop3A_371 : i32
      %parallel_loop3A_373 = arith.index_cast %parallel_loop3A_372 : i32 to index
      %parallel_loop3A_374 = tpu.vector_load %arg6[%parallel_loop3A_373] {strides = array<i32>} : memref<32768xi32, #tpu.memory_space<vmem>>, vector<16xi32>,
      tpu.vector_store %arg6[%parallel_loop3A_373], %parallel_loop3A_370 {strides = array<i32>} : memref<32768xi32, #tpu.memory_space<vmem>>, vector<16xi32>,
      scf.yield %parallel_loop3A_351 : i32
    } {sc.loop_unroll_factor = 4 : i64, sc.parallel_access}
    %mul3A_51 = arith.constant 16 : i32
    %mul3A_52 = arith.muli %while3A_44#2, %mul3A_51 : i32
    %reduce_sum3A_53 = arith.constant true
    %reduce_sum3A_54 = vector.broadcast %reduce_sum3A_53 : i1 to vector<16xi1>
    %reduce_sum3A_55 = tpu.scan <sum>, %while3A_44#1 masked %reduce_sum3A_54 : vector<16xi32>, vector<16xi1> -> vector<16xi32>
    %reduce_sum3A_56 = vector.extract %reduce_sum3A_55[15] : i32 from vector<16xi32>
    %sub3A_57 = arith.subi %mul3A_52, %reduce_sum3A_56 : i32
    %broadcast_in_dim3A_58 = arith.constant 1 : i32
    %broadcast_in_dim3A_59 = vector.broadcast %broadcast_in_dim3A_58 : i32 to vector<16xi32>
    %broadcast_in_dim3A_60 = arith.constant 0 : i32
    %broadcast_in_dim3A_61 = vector.broadcast %broadcast_in_dim3A_60 : i32 to vector<16xi32>
    %scan3A = arith.constant -2147483648 : i32
    %scan3A_62 = arith.constant -2147483648 : i32
    %scan3A_63 = arith.constant 0 : i32
    %scan3A_64 = arith.constant 32 : i32
    %scan3A_65 = arith.addi %scan3A_63, %scan3A_64 : i32
    %scan3A_66 = arith.constant 1 : i32
    %scan3A_67:2 = scf.for %scan3A_350 = %scan3A_63 to %scan3A_65 step %scan3A_66 iter_args(%scan3A_351 = %scan3A, %scan3A_352 = %scan3A_62) -> (i32, i32)  : i32 {
      %sub3A_353 = arith.constant 31 : i32
      %sub3A_354 = arith.subi %sub3A_353, %scan3A_350 : i32
      %shift_left3A = arith.constant 1 : i32
      %shift_left3A_355 = arith.shli %shift_left3A, %sub3A_354 : i32
      %add3A_356 = arith.addi %scan3A_351, %shift_left3A_355 : i32
      %add3A_357 = arith.addi %scan3A_352, %shift_left3A_355 : i32
      %parallel_loop3A_358 = arith.constant 0 : i32
      %parallel_loop3A_359 = arith.constant 1 : i32
      %parallel_loop3A_360:2 = scf.for %parallel_loop3A_374 = %parallel_loop3A_358 to %while3A_44#2 step %parallel_loop3A_359 iter_args(%parallel_loop3A_375 = %broadcast_in_dim3A_61, %parallel_loop3A_376 = %broadcast_in_dim3A_61) -> (vector<16xi32>, vector<16xi32>)  : i32 {
        %parallel_loop3A_377 = arith.constant 16 : i32
        %parallel_loop3A_378 = arith.muli %parallel_loop3A_374, %parallel_loop3A_377 : i32
        %parallel_loop3A_379 = arith.index_cast %parallel_loop3A_378 : i32 to index
        %parallel_loop3A_380 = tpu.vector_load %arg6[%parallel_loop3A_379] {strides = array<i32>} : memref<32768xi32, #tpu.memory_space<vmem>>, vector<16xi32>,
        %parallel_loop3A_381 = vector.broadcast %add3A_356 : i32 to vector<16xi32>
        %parallel_loop3A_382 = arith.cmpi sgt, %parallel_loop3A_380, %parallel_loop3A_381 : vector<16xi32>
        %parallel_loop3A_383 = arith.select %parallel_loop3A_382, %broadcast_in_dim3A_59, %broadcast_in_dim3A_61 : vector<16xi1>, vector<16xi32>
        %parallel_loop3A_384 = arith.addi %parallel_loop3A_375, %parallel_loop3A_383 : vector<16xi32>
        %parallel_loop3A_385 = arith.constant dense<-1> : vector<16xi32>
        %parallel_loop3A_386 = arith.xori %parallel_loop3A_380, %parallel_loop3A_385 : vector<16xi32>
        %parallel_loop3A_387 = vector.broadcast %add3A_357 : i32 to vector<16xi32>
        %parallel_loop3A_388 = arith.cmpi sgt, %parallel_loop3A_386, %parallel_loop3A_387 : vector<16xi32>
        %parallel_loop3A_389 = arith.select %parallel_loop3A_388, %broadcast_in_dim3A_59, %broadcast_in_dim3A_61 : vector<16xi1>, vector<16xi32>
        %parallel_loop3A_390 = arith.addi %parallel_loop3A_376, %parallel_loop3A_389 : vector<16xi32>
        scf.yield %parallel_loop3A_384, %parallel_loop3A_390 : vector<16xi32>, vector<16xi32>
      } {sc.loop_unroll_factor = 4 : i64, sc.parallel_access}
      %reduce_sum3A_361 = arith.constant true
      %reduce_sum3A_362 = vector.broadcast %reduce_sum3A_361 : i1 to vector<16xi1>
      %reduce_sum3A_363 = tpu.scan <sum>, %parallel_loop3A_360#0 masked %reduce_sum3A_362 : vector<16xi32>, vector<16xi1> -> vector<16xi32>
      %reduce_sum3A_364 = vector.extract %reduce_sum3A_363[15] : i32 from vector<16xi32>
      %ge3A = arith.constant 64 : i32
      %ge3A_365 = arith.cmpi sge, %reduce_sum3A_364, %ge3A : i32
      %select_n3A = arith.select %ge3A_365, %add3A_356, %scan3A_351 : i32
      %reduce_sum3A_366 = arith.constant true
      %reduce_sum3A_367 = vector.broadcast %reduce_sum3A_366 : i1 to vector<16xi1>
      %reduce_sum3A_368 = tpu.scan <sum>, %parallel_loop3A_360#1 masked %reduce_sum3A_367 : vector<16xi32>, vector<16xi1> -> vector<16xi32>
      %reduce_sum3A_369 = vector.extract %reduce_sum3A_368[15] : i32 from vector<16xi32>
      %sub3A_370 = arith.subi %reduce_sum3A_369, %sub3A_57 : i32
      %ge3A_371 = arith.constant 64 : i32
      %ge3A_372 = arith.cmpi sge, %sub3A_370, %ge3A_371 : i32
      %select_n3A_373 = arith.select %ge3A_372, %add3A_357, %scan3A_352 : i32
      scf.yield %select_n3A, %select_n3A_373 : i32, i32
    }
    %scan3A_68 = arith.constant 32 : i32
    %broadcast_in_dim3A_69 = arith.constant 0.000000e+00 : f32
    %broadcast_in_dim3A_70 = vector.broadcast %broadcast_in_dim3A_69 : f32 to vector<16xf32>
    %while3A_71 = arith.constant 0 : i32
    %while3A_72 = arith.constant 0 : i32
    %while3A_73 = arith.subi %while3A_44#2, %while3A_71 : i32
    %while3A_74 = arith.addi %while3A_71, %while3A_73 : i32
    %while3A_75 = arith.constant 1 : i32
    %while3A_76 = arith.divsi %while3A_73, %while3A_75 : i32
    %while3A_77 = arith.muli %while3A_76, %while3A_75 : i32
    %while3A_78 = arith.addi %while3A_71, %while3A_77 : i32
    %while3A_79 = arith.constant 1 : i32
    %while3A_80 = scf.for %while3A_350 = %while3A_71 to %while3A_78 step %while3A_79 iter_args(%while3A_351 = %while3A_72) -> (i32)  : i32 {
      %mul3A_352 = arith.constant 16 : i32
      %mul3A_353 = arith.muli %while3A_350, %mul3A_352 : i32
      %get3A = arith.index_cast %mul3A_353 : i32 to index
      %get3A_354 = tpu.vector_load %arg6[%get3A] {strides = array<i32>} : memref<32768xi32, #tpu.memory_space<vmem>>, vector<16xi32>,
      %mul3A_355 = arith.constant 16 : i32
      %mul3A_356 = arith.muli %while3A_350, %mul3A_355 : i32
      %get3A_357 = arith.index_cast %mul3A_356 : i32 to index
      %get3A_358 = tpu.vector_load %arg5[%get3A_357] {strides = array<i32>} : memref<32768xi32, #tpu.memory_space<vmem>>, vector<16xi32>,
      %and3A = arith.constant 32767 : i32
      %and3A_359 = vector.broadcast %and3A : i32 to vector<16xi32>
      %and3A_360 = arith.andi %get3A_358, %and3A_359 : vector<16xi32>
      %gt3A = vector.broadcast %scan3A_67#0 : i32 to vector<16xi32>
      %gt3A_361 = arith.cmpi sgt, %get3A_354, %gt3A : vector<16xi32>
      %not3A = arith.constant dense<-1> : vector<16xi32>
      %not3A_362 = arith.xori %get3A_354, %not3A : vector<16xi32>
      %gt3A_363 = vector.broadcast %scan3A_67#1 : i32 to vector<16xi32>
      %gt3A_364 = arith.cmpi sgt, %not3A_362, %gt3A_363 : vector<16xi32>
      %or3A = arith.ori %gt3A_361, %gt3A_364 : vector<16xi1>
      %gt3A_365 = vector.broadcast %while3A_350 : i32 to vector<16xi32>
      %gt3A_366 = arith.cmpi sgt, %while3A_44#1, %gt3A_365 : vector<16xi32>
      %and3A_367 = arith.andi %or3A, %gt3A_366 : vector<16xi1>
      tpu.vector_store_idx %arg4[%and3A_360], %broadcast_in_dim3A_70 masked %and3A_367 : memref<32768xf32, #tpu.memory_space<vmem>>[vector<16xi32>], vector<16xf32>, vector<16xi1>
      %while3A_368 = arith.constant 0 : i32
      scf.yield %while3A_368 : i32
    }
    %while3A_81 = arith.constant 1 : i32
    %while3A_82 = scf.for %while3A_350 = %while3A_78 to %while3A_74 step %while3A_81 iter_args(%while3A_351 = %while3A_80) -> (i32)  : i32 {
      %mul3A_352 = arith.constant 16 : i32
      %mul3A_353 = arith.muli %while3A_350, %mul3A_352 : i32
      %get3A = arith.index_cast %mul3A_353 : i32 to index
      %get3A_354 = tpu.vector_load %arg6[%get3A] {strides = array<i32>} : memref<32768xi32, #tpu.memory_space<vmem>>, vector<16xi32>,
      %mul3A_355 = arith.constant 16 : i32
      %mul3A_356 = arith.muli %while3A_350, %mul3A_355 : i32
      %get3A_357 = arith.index_cast %mul3A_356 : i32 to index
      %get3A_358 = tpu.vector_load %arg5[%get3A_357] {strides = array<i32>} : memref<32768xi32, #tpu.memory_space<vmem>>, vector<16xi32>,
      %and3A = arith.constant 32767 : i32
      %and3A_359 = vector.broadcast %and3A : i32 to vector<16xi32>
      %and3A_360 = arith.andi %get3A_358, %and3A_359 : vector<16xi32>
      %gt3A = vector.broadcast %scan3A_67#0 : i32 to vector<16xi32>
      %gt3A_361 = arith.cmpi sgt, %get3A_354, %gt3A : vector<16xi32>
      %not3A = arith.constant dense<-1> : vector<16xi32>
      %not3A_362 = arith.xori %get3A_354, %not3A : vector<16xi32>
      %gt3A_363 = vector.broadcast %scan3A_67#1 : i32 to vector<16xi32>
      %gt3A_364 = arith.cmpi sgt, %not3A_362, %gt3A_363 : vector<16xi32>
      %or3A = arith.ori %gt3A_361, %gt3A_364 : vector<16xi1>
      %gt3A_365 = vector.broadcast %while3A_350 : i32 to vector<16xi32>
      %gt3A_366 = arith.cmpi sgt, %while3A_44#1, %gt3A_365 : vector<16xi32>
      %and3A_367 = arith.andi %or3A, %gt3A_366 : vector<16xi1>
      tpu.vector_store_idx %arg4[%and3A_360], %broadcast_in_dim3A_70 masked %and3A_367 : memref<32768xf32, #tpu.memory_space<vmem>>[vector<16xi32>], vector<16xf32>, vector<16xi1>
      %while3A_368 = arith.constant 0 : i32
      scf.yield %while3A_368 : i32
    }
    "tpu.region"() ({
      %run_scoped3A = tpu.sem_alloc : memref<!tpu.dma_semaphore, #tpu.memory_space<semaphore_mem>>
      %dma_start3A = arith.constant 0 : i32
      %dma_start3A_350 = tpu.memref_slice %arg3[%add3A_4, %dma_start3A] : memref<128x32768xf32, #tpu.memory_space<hbm>> -> memref<1x32768xf32, #tpu.memory_space<hbm>>
      %dma_start3A_351 = tpu.memref_squeeze %dma_start3A_350 : memref<1x32768xf32, #tpu.memory_space<hbm>> -> memref<32768xf32, #tpu.memory_space<hbm>>
      %dma_start3A_352 = arith.constant 0 : i32
      %dma_start3A_353 = tpu.memref_slice %arg3[%add3A_4, %dma_start3A_352] : memref<128x32768xf32, #tpu.memory_space<hbm>> -> memref<1x32768xf32, #tpu.memory_space<hbm>>
      %dma_start3A_354 = tpu.memref_squeeze %dma_start3A_353 : memref<1x32768xf32, #tpu.memory_space<hbm>> -> memref<32768xf32, #tpu.memory_space<hbm>>
      tpu.enqueue_dma source(%arg4 : memref<32768xf32, #tpu.memory_space<vmem>>) target(%dma_start3A_354 : memref<32768xf32, #tpu.memory_space<hbm>>) target_semaphore(%run_scoped3A : memref<!tpu.dma_semaphore, #tpu.memory_space<semaphore_mem>>)
      %dma_wait3A = arith.constant 0 : i32
      %dma_wait3A_355 = tpu.memref_slice %arg3[%add3A_4, %dma_wait3A] : memref<128x32768xf32, #tpu.memory_space<hbm>> -> memref<1x32768xf32, #tpu.memory_space<hbm>>
      %dma_wait3A_356 = tpu.memref_squeeze %dma_wait3A_355 : memref<1x32768xf32, #tpu.memory_space<hbm>> -> memref<32768xf32, #tpu.memory_space<hbm>>
      %dma_wait3A_357 = arith.constant 0 : i32
      %dma_wait3A_358 = tpu.memref_slice %arg3[%add3A_4, %dma_wait3A_357] : memref<128x32768xf32, #tpu.memory_space<hbm>> -> memref<1x32768xf32, #tpu.memory_space<hbm>>
      %dma_wait3A_359 = tpu.memref_squeeze %dma_wait3A_358 : memref<1x32768xf32, #tpu.memory_space<hbm>> -> memref<32768xf32, #tpu.memory_space<hbm>>
      tpu.wait_dma2 semaphore(%run_scoped3A : memref<!tpu.dma_semaphore, #tpu.memory_space<semaphore_mem>>) src(%arg4 : memref<32768xf32, #tpu.memory_space<vmem>>) dst(%dma_wait3A_359 : memref<32768xf32, #tpu.memory_space<hbm>>)
      tpu.yield
    }) : () -> ()
    %add3A_83 = arith.constant 1 : i32
    %add3A_84 = arith.addi %mul3A_2, %add3A_83 : i32
    "tpu.region"() ({
      %run_scoped3A = tpu.sem_alloc : memref<!tpu.dma_semaphore, #tpu.memory_space<semaphore_mem>>
      %dma_start3A = arith.constant 0 : i32
      %dma_start3A_350 = tpu.memref_slice %arg2[%add3A_84, %dma_start3A] : memref<128x32768xf32, #tpu.memory_space<hbm>> -> memref<1x32768xf32, #tpu.memory_space<hbm>>
      %dma_start3A_351 = tpu.memref_squeeze %dma_start3A_350 : memref<1x32768xf32, #tpu.memory_space<hbm>> -> memref<32768xf32, #tpu.memory_space<hbm>>
      %dma_start3A_352 = arith.constant 0 : i32
      %dma_start3A_353 = tpu.memref_slice %arg2[%add3A_84, %dma_start3A_352] : memref<128x32768xf32, #tpu.memory_space<hbm>> -> memref<1x32768xf32, #tpu.memory_space<hbm>>
      %dma_start3A_354 = tpu.memref_squeeze %dma_start3A_353 : memref<1x32768xf32, #tpu.memory_space<hbm>> -> memref<32768xf32, #tpu.memory_space<hbm>>
      tpu.enqueue_dma source(%dma_start3A_354 : memref<32768xf32, #tpu.memory_space<hbm>>) target(%arg4 : memref<32768xf32, #tpu.memory_space<vmem>>) target_semaphore(%run_scoped3A : memref<!tpu.dma_semaphore, #tpu.memory_space<semaphore_mem>>)
      %dma_wait3A = arith.constant 0 : i32
      %dma_wait3A_355 = tpu.memref_slice %arg2[%add3A_84, %dma_wait3A] : memref<128x32768xf32, #tpu.memory_space<hbm>> -> memref<1x32768xf32, #tpu.memory_space<hbm>>
      %dma_wait3A_356 = tpu.memref_squeeze %dma_wait3A_355 : memref<1x32768xf32, #tpu.memory_space<hbm>> -> memref<32768xf32, #tpu.memory_space<hbm>>
      %dma_wait3A_357 = arith.constant 0 : i32
      %dma_wait3A_358 = tpu.memref_slice %arg2[%add3A_84, %dma_wait3A_357] : memref<128x32768xf32, #tpu.memory_space<hbm>> -> memref<1x32768xf32, #tpu.memory_space<hbm>>
      %dma_wait3A_359 = tpu.memref_squeeze %dma_wait3A_358 : memref<1x32768xf32, #tpu.memory_space<hbm>> -> memref<32768xf32, #tpu.memory_space<hbm>>
      tpu.wait_dma2 semaphore(%run_scoped3A : memref<!tpu.dma_semaphore, #tpu.memory_space<semaphore_mem>>) src(%dma_wait3A_359 : memref<32768xf32, #tpu.memory_space<hbm>>) dst(%arg4 : memref<32768xf32, #tpu.memory_space<vmem>>)
      tpu.yield
    }) : () -> ()
    %iota3A_85 = tpu.iota {dimensions = array<i32: 0>} : vector<16xi32>
    %broadcast_in_dim3A_86 = arith.constant 16 : i32
    %broadcast_in_dim3A_87 = vector.broadcast %broadcast_in_dim3A_86 : i32 to vector<16xi32>
    %broadcast_in_dim3A_88 = arith.constant 0 : i32
    %broadcast_in_dim3A_89 = vector.broadcast %broadcast_in_dim3A_88 : i32 to vector<16xi32>
    %parallel_loop3A_90 = arith.constant 0 : i32
    %parallel_loop3A_91 = arith.constant 2048 : i32
    %parallel_loop3A_92 = arith.constant 1 : i32
    %parallel_loop3A_93 = arith.constant 2.600000e+00 : f32
    %parallel_loop3A_94 = scf.for %parallel_loop3A_350 = %parallel_loop3A_90 to %parallel_loop3A_91 step %parallel_loop3A_92 iter_args(%parallel_loop3A_351 = %iota3A_85) -> (vector<16xi32>)  : i32 {
      %parallel_loop3A_352 = arith.constant 16 : i32
      %parallel_loop3A_353 = arith.muli %parallel_loop3A_350, %parallel_loop3A_352 : i32
      %parallel_loop3A_354 = arith.index_cast %parallel_loop3A_353 : i32 to index
      %parallel_loop3A_355 = tpu.vector_load %arg4[%parallel_loop3A_354] {strides = array<i32>} : memref<32768xf32, #tpu.memory_space<vmem>>, vector<16xf32>,
      %parallel_loop3A_356 = math.absf %parallel_loop3A_355 : vector<16xf32>
      %parallel_loop3A_357 = vector.broadcast %parallel_loop3A_93 : f32 to vector<16xf32>
      %parallel_loop3A_358 = arith.cmpf ogt, %parallel_loop3A_356, %parallel_loop3A_357 : vector<16xf32>
      %parallel_loop3A_359 = vector.broadcast %parallel_loop3A_353 : i32 to vector<16xi32>
      %parallel_loop3A_360 = arith.addi %iota3A_85, %parallel_loop3A_359 : vector<16xi32>
      tpu.vector_store_idx %arg5[%parallel_loop3A_351], %parallel_loop3A_360 masked %parallel_loop3A_358 : memref<32768xi32, #tpu.memory_space<vmem>>[vector<16xi32>], vector<16xi32>, vector<16xi1>
      %parallel_loop3A_361 = arith.select %parallel_loop3A_358, %broadcast_in_dim3A_87, %broadcast_in_dim3A_89 : vector<16xi1>, vector<16xi32>
      %parallel_loop3A_362 = arith.addi %parallel_loop3A_351, %parallel_loop3A_361 : vector<16xi32>
      scf.yield %parallel_loop3A_362 : vector<16xi32>
    } {sc.loop_unroll_factor = 8 : i64, sc.parallel_access}
    %sub3A_95 = arith.subi %parallel_loop3A_94, %iota3A_85 : vector<16xi32>
    %shift_right_logical3A_96 = arith.constant 4 : i32
    %shift_right_logical3A_97 = vector.broadcast %shift_right_logical3A_96 : i32 to vector<16xi32>
    %shift_right_logical3A_98 = arith.shrui %sub3A_95, %shift_right_logical3A_97 : vector<16xi32>
    %reduce_max3A_99 = arith.constant true
    %reduce_max3A_100 = vector.broadcast %reduce_max3A_99 : i1 to vector<16xi1>
    %reduce_max3A_101 = arith.constant -2147483648 : i32
    %reduce_max3A_102 = vector.broadcast %reduce_max3A_101 : i32 to vector<16xi32>
    %reduce_max3A_103 = arith.xori %shift_right_logical3A_98, %reduce_max3A_102 : vector<16xi32>
    %reduce_max3A_104 = tpu.scan <max>, %reduce_max3A_103 masked %reduce_max3A_100 : vector<16xi32>, vector<16xi1> -> vector<16xi32>
    %reduce_max3A_105 = arith.xori %reduce_max3A_104, %reduce_max3A_102 : vector<16xi32>
    %reduce_max3A_106 = vector.extract %reduce_max3A_105[15] : i32 from vector<16xi32>
    %broadcast_in_dim3A_107 = arith.constant 1 : i32
    %broadcast_in_dim3A_108 = vector.broadcast %broadcast_in_dim3A_107 : i32 to vector<16xi32>
    %broadcast_in_dim3A_109 = arith.constant 0 : i32
    %broadcast_in_dim3A_110 = vector.broadcast %broadcast_in_dim3A_109 : i32 to vector<16xi32>
    %while3A_111 = arith.constant 2.600000e+00 : f32
    %while3A_112 = arith.constant 0 : i32
    %while3A_113 = arith.subi %reduce_max3A_106, %while3A_112 : i32
    %while3A_114 = arith.addi %while3A_112, %while3A_113 : i32
    %while3A_115 = arith.constant 1 : i32
    %while3A_116 = arith.divsi %while3A_113, %while3A_115 : i32
    %while3A_117 = arith.muli %while3A_116, %while3A_115 : i32
    %while3A_118 = arith.addi %while3A_112, %while3A_117 : i32
    %while3A_119 = arith.constant 1 : i32
    %while3A_120:2 = scf.for %while3A_350 = %while3A_112 to %while3A_118 step %while3A_119 iter_args(%while3A_351 = %broadcast_in_dim3A_110, %while3A_352 = %broadcast_in_dim3A_110) -> (vector<16xi32>, vector<16xi32>)  : i32 {
      %mul3A_353 = arith.constant 16 : i32
      %mul3A_354 = arith.muli %while3A_350, %mul3A_353 : i32
      %get3A = arith.index_cast %mul3A_354 : i32 to index
      %get3A_355 = tpu.vector_load %arg5[%get3A] {strides = array<i32>} : memref<32768xi32, #tpu.memory_space<vmem>>, vector<16xi32>,
      %and3A = arith.constant 32767 : i32
      %and3A_356 = vector.broadcast %and3A : i32 to vector<16xi32>
      %and3A_357 = arith.andi %get3A_355, %and3A_356 : vector<16xi32>
      %gather3A = tpu.vector_load_idx %arg4[%and3A_357] : memref<32768xf32, #tpu.memory_space<vmem>>[vector<16xi32>], vector<16xf32>,
      %gt3A = vector.broadcast %while3A_350 : i32 to vector<16xi32>
      %gt3A_358 = arith.cmpi sgt, %shift_right_logical3A_98, %gt3A : vector<16xi32>
      %gt3A_359 = vector.broadcast %while3A_111 : f32 to vector<16xf32>
      %gt3A_360 = arith.cmpf ogt, %gather3A, %gt3A_359 : vector<16xf32>
      %and3A_361 = arith.andi %gt3A_358, %gt3A_360 : vector<16xi1>
      %select_n3A = arith.select %and3A_361, %broadcast_in_dim3A_108, %broadcast_in_dim3A_110 : vector<16xi1>, vector<16xi32>
      %add3A_362 = arith.addi %while3A_351, %select_n3A : vector<16xi32>
      %neg3A = arith.constant 0.000000e+00 : f32
      %neg3A_363 = arith.subf %neg3A, %while3A_111 : f32
      %lt3A = vector.broadcast %neg3A_363 : f32 to vector<16xf32>
      %lt3A_364 = arith.cmpf olt, %gather3A, %lt3A : vector<16xf32>
      %and3A_365 = arith.andi %gt3A_358, %lt3A_364 : vector<16xi1>
      %select_n3A_366 = arith.select %and3A_365, %broadcast_in_dim3A_108, %broadcast_in_dim3A_110 : vector<16xi1>, vector<16xi32>
      %add3A_367 = arith.addi %while3A_352, %select_n3A_366 : vector<16xi32>
      scf.yield %add3A_362, %add3A_367 : vector<16xi32>, vector<16xi32>
    }
    %while3A_121 = arith.constant 1 : i32
    %while3A_122:2 = scf.for %while3A_350 = %while3A_118 to %while3A_114 step %while3A_121 iter_args(%while3A_351 = %while3A_120#0, %while3A_352 = %while3A_120#1) -> (vector<16xi32>, vector<16xi32>)  : i32 {
      %mul3A_353 = arith.constant 16 : i32
      %mul3A_354 = arith.muli %while3A_350, %mul3A_353 : i32
      %get3A = arith.index_cast %mul3A_354 : i32 to index
      %get3A_355 = tpu.vector_load %arg5[%get3A] {strides = array<i32>} : memref<32768xi32, #tpu.memory_space<vmem>>, vector<16xi32>,
      %and3A = arith.constant 32767 : i32
      %and3A_356 = vector.broadcast %and3A : i32 to vector<16xi32>
      %and3A_357 = arith.andi %get3A_355, %and3A_356 : vector<16xi32>
      %gather3A = tpu.vector_load_idx %arg4[%and3A_357] : memref<32768xf32, #tpu.memory_space<vmem>>[vector<16xi32>], vector<16xf32>,
      %gt3A = vector.broadcast %while3A_350 : i32 to vector<16xi32>
      %gt3A_358 = arith.cmpi sgt, %shift_right_logical3A_98, %gt3A : vector<16xi32>
      %gt3A_359 = vector.broadcast %while3A_111 : f32 to vector<16xf32>
      %gt3A_360 = arith.cmpf ogt, %gather3A, %gt3A_359 : vector<16xf32>
      %and3A_361 = arith.andi %gt3A_358, %gt3A_360 : vector<16xi1>
      %select_n3A = arith.select %and3A_361, %broadcast_in_dim3A_108, %broadcast_in_dim3A_110 : vector<16xi1>, vector<16xi32>
      %add3A_362 = arith.addi %while3A_351, %select_n3A : vector<16xi32>
      %neg3A = arith.constant 0.000000e+00 : f32
      %neg3A_363 = arith.subf %neg3A, %while3A_111 : f32
      %lt3A = vector.broadcast %neg3A_363 : f32 to vector<16xf32>
      %lt3A_364 = arith.cmpf olt, %gather3A, %lt3A : vector<16xf32>
      %and3A_365 = arith.andi %gt3A_358, %lt3A_364 : vector<16xi1>
      %select_n3A_366 = arith.select %and3A_365, %broadcast_in_dim3A_108, %broadcast_in_dim3A_110 : vector<16xi1>, vector<16xi32>
      %add3A_367 = arith.addi %while3A_352, %select_n3A_366 : vector<16xi32>
      scf.yield %add3A_362, %add3A_367 : vector<16xi32>, vector<16xi32>
    }
    %reduce_sum3A_123 = arith.constant true
    %reduce_sum3A_124 = vector.broadcast %reduce_sum3A_123 : i1 to vector<16xi1>
    %reduce_sum3A_125 = tpu.scan <sum>, %while3A_122#0 masked %reduce_sum3A_124 : vector<16xi32>, vector<16xi1> -> vector<16xi32>
    %reduce_sum3A_126 = vector.extract %reduce_sum3A_125[15] : i32 from vector<16xi32>
    %reduce_sum3A_127 = arith.constant true
    %reduce_sum3A_128 = vector.broadcast %reduce_sum3A_127 : i1 to vector<16xi1>
    %reduce_sum3A_129 = tpu.scan <sum>, %while3A_122#1 masked %reduce_sum3A_128 : vector<16xi32>, vector<16xi1> -> vector<16xi32>
    %reduce_sum3A_130 = vector.extract %reduce_sum3A_129[15] : i32 from vector<16xi32>
    %while3A_131 = arith.constant 2.600000e+00 : f32
    %while3A_132:5 = scf.while (%while3A_350 = %while3A_131, %while3A_351 = %shift_right_logical3A_98, %while3A_352 = %reduce_max3A_106, %while3A_353 = %reduce_sum3A_126, %while3A_354 = %reduce_sum3A_130) : (f32, vector<16xi32>, i32, i32, i32) -> (f32, vector<16xi32>, i32, i32, i32) {
      %lt3A = arith.constant 64 : i32
      %lt3A_355 = arith.cmpi slt, %while3A_353, %lt3A : i32
      %lt3A_356 = arith.constant 64 : i32
      %lt3A_357 = arith.cmpi slt, %while3A_354, %lt3A_356 : i32
      %or3A = arith.ori %lt3A_355, %lt3A_357 : i1
      scf.condition(%or3A) %while3A_350, %while3A_351, %while3A_352, %while3A_353, %while3A_354 : f32, vector<16xi32>, i32, i32, i32
    } do {
    ^bb0(%while3A_350: f32, %while3A_351: vector<16xi32>, %while3A_352: i32, %while3A_353: i32, %while3A_354: i32):
      %gt3A = arith.constant 0.000000e+00 : f32
      %gt3A_355 = arith.cmpf ogt, %while3A_350, %gt3A : f32
      %sub3A_356 = arith.constant 1.000000e+00 : f32
      %sub3A_357 = arith.subf %while3A_350, %sub3A_356 : f32
      %mul3A_358 = arith.constant 2.000000e+00 : f32
      %mul3A_359 = arith.mulf %while3A_350, %mul3A_358 : f32
      %sub3A_360 = arith.constant 1.000000e+00 : f32
      %sub3A_361 = arith.subf %mul3A_359, %sub3A_360 : f32
      %select_n3A = arith.select %gt3A_355, %sub3A_357, %sub3A_361 : f32
      %iota3A_362 = tpu.iota {dimensions = array<i32: 0>} : vector<16xi32>
      %broadcast_in_dim3A_363 = arith.constant 16 : i32
      %broadcast_in_dim3A_364 = vector.broadcast %broadcast_in_dim3A_363 : i32 to vector<16xi32>
      %broadcast_in_dim3A_365 = arith.constant 0 : i32
      %broadcast_in_dim3A_366 = vector.broadcast %broadcast_in_dim3A_365 : i32 to vector<16xi32>
      %parallel_loop3A_367 = arith.constant 0 : i32
      %parallel_loop3A_368 = arith.constant 2048 : i32
      %parallel_loop3A_369 = arith.constant 1 : i32
      %parallel_loop3A_370 = scf.for %parallel_loop3A_406 = %parallel_loop3A_367 to %parallel_loop3A_368 step %parallel_loop3A_369 iter_args(%parallel_loop3A_407 = %iota3A_362) -> (vector<16xi32>)  : i32 {
        %parallel_loop3A_408 = arith.constant 16 : i32
        %parallel_loop3A_409 = arith.muli %parallel_loop3A_406, %parallel_loop3A_408 : i32
        %parallel_loop3A_410 = arith.index_cast %parallel_loop3A_409 : i32 to index
        %parallel_loop3A_411 = tpu.vector_load %arg4[%parallel_loop3A_410] {strides = array<i32>} : memref<32768xf32, #tpu.memory_space<vmem>>, vector<16xf32>,
        %parallel_loop3A_412 = math.absf %parallel_loop3A_411 : vector<16xf32>
        %parallel_loop3A_413 = vector.broadcast %select_n3A : f32 to vector<16xf32>
        %parallel_loop3A_414 = arith.cmpf ogt, %parallel_loop3A_412, %parallel_loop3A_413 : vector<16xf32>
        %parallel_loop3A_415 = vector.broadcast %parallel_loop3A_409 : i32 to vector<16xi32>
        %parallel_loop3A_416 = arith.addi %iota3A_362, %parallel_loop3A_415 : vector<16xi32>
        tpu.vector_store_idx %arg5[%parallel_loop3A_407], %parallel_loop3A_416 masked %parallel_loop3A_414 : memref<32768xi32, #tpu.memory_space<vmem>>[vector<16xi32>], vector<16xi32>, vector<16xi1>
        %parallel_loop3A_417 = arith.select %parallel_loop3A_414, %broadcast_in_dim3A_364, %broadcast_in_dim3A_366 : vector<16xi1>, vector<16xi32>
        %parallel_loop3A_418 = arith.addi %parallel_loop3A_407, %parallel_loop3A_417 : vector<16xi32>
        scf.yield %parallel_loop3A_418 : vector<16xi32>
      } {sc.loop_unroll_factor = 8 : i64, sc.parallel_access}
      %sub3A_371 = arith.subi %parallel_loop3A_370, %iota3A_362 : vector<16xi32>
      %shift_right_logical3A_372 = arith.constant 4 : i32
      %shift_right_logical3A_373 = vector.broadcast %shift_right_logical3A_372 : i32 to vector<16xi32>
      %shift_right_logical3A_374 = arith.shrui %sub3A_371, %shift_right_logical3A_373 : vector<16xi32>
      %reduce_max3A_375 = arith.constant true
      %reduce_max3A_376 = vector.broadcast %reduce_max3A_375 : i1 to vector<16xi1>
      %reduce_max3A_377 = arith.constant -2147483648 : i32
      %reduce_max3A_378 = vector.broadcast %reduce_max3A_377 : i32 to vector<16xi32>
      %reduce_max3A_379 = arith.xori %shift_right_logical3A_374, %reduce_max3A_378 : vector<16xi32>
      %reduce_max3A_380 = tpu.scan <max>, %reduce_max3A_379 masked %reduce_max3A_376 : vector<16xi32>, vector<16xi1> -> vector<16xi32>
      %reduce_max3A_381 = arith.xori %reduce_max3A_380, %reduce_max3A_378 : vector<16xi32>
      %reduce_max3A_382 = vector.extract %reduce_max3A_381[15] : i32 from vector<16xi32>
      %broadcast_in_dim3A_383 = arith.constant 1 : i32
      %broadcast_in_dim3A_384 = vector.broadcast %broadcast_in_dim3A_383 : i32 to vector<16xi32>
      %broadcast_in_dim3A_385 = arith.constant 0 : i32
      %broadcast_in_dim3A_386 = vector.broadcast %broadcast_in_dim3A_385 : i32 to vector<16xi32>
      %while3A_387 = arith.constant 0 : i32
      %while3A_388 = arith.subi %reduce_max3A_382, %while3A_387 : i32
      %while3A_389 = arith.addi %while3A_387, %while3A_388 : i32
      %while3A_390 = arith.constant 1 : i32
      %while3A_391 = arith.divsi %while3A_388, %while3A_390 : i32
      %while3A_392 = arith.muli %while3A_391, %while3A_390 : i32
      %while3A_393 = arith.addi %while3A_387, %while3A_392 : i32
      %while3A_394 = arith.constant 1 : i32
      %while3A_395:2 = scf.for %while3A_406 = %while3A_387 to %while3A_393 step %while3A_394 iter_args(%while3A_407 = %broadcast_in_dim3A_386, %while3A_408 = %broadcast_in_dim3A_386) -> (vector<16xi32>, vector<16xi32>)  : i32 {
        %mul3A_409 = arith.constant 16 : i32
        %mul3A_410 = arith.muli %while3A_406, %mul3A_409 : i32
        %get3A = arith.index_cast %mul3A_410 : i32 to index
        %get3A_411 = tpu.vector_load %arg5[%get3A] {strides = array<i32>} : memref<32768xi32, #tpu.memory_space<vmem>>, vector<16xi32>,
        %and3A = arith.constant 32767 : i32
        %and3A_412 = vector.broadcast %and3A : i32 to vector<16xi32>
        %and3A_413 = arith.andi %get3A_411, %and3A_412 : vector<16xi32>
        %gather3A = tpu.vector_load_idx %arg4[%and3A_413] : memref<32768xf32, #tpu.memory_space<vmem>>[vector<16xi32>], vector<16xf32>,
        %gt3A_414 = vector.broadcast %while3A_406 : i32 to vector<16xi32>
        %gt3A_415 = arith.cmpi sgt, %shift_right_logical3A_374, %gt3A_414 : vector<16xi32>
        %gt3A_416 = vector.broadcast %select_n3A : f32 to vector<16xf32>
        %gt3A_417 = arith.cmpf ogt, %gather3A, %gt3A_416 : vector<16xf32>
        %and3A_418 = arith.andi %gt3A_415, %gt3A_417 : vector<16xi1>
        %select_n3A_419 = arith.select %and3A_418, %broadcast_in_dim3A_384, %broadcast_in_dim3A_386 : vector<16xi1>, vector<16xi32>
        %add3A_420 = arith.addi %while3A_407, %select_n3A_419 : vector<16xi32>
        %neg3A = arith.constant 0.000000e+00 : f32
        %neg3A_421 = arith.subf %neg3A, %select_n3A : f32
        %lt3A = vector.broadcast %neg3A_421 : f32 to vector<16xf32>
        %lt3A_422 = arith.cmpf olt, %gather3A, %lt3A : vector<16xf32>
        %and3A_423 = arith.andi %gt3A_415, %lt3A_422 : vector<16xi1>
        %select_n3A_424 = arith.select %and3A_423, %broadcast_in_dim3A_384, %broadcast_in_dim3A_386 : vector<16xi1>, vector<16xi32>
        %add3A_425 = arith.addi %while3A_408, %select_n3A_424 : vector<16xi32>
        scf.yield %add3A_420, %add3A_425 : vector<16xi32>, vector<16xi32>
      }
      %while3A_396 = arith.constant 1 : i32
      %while3A_397:2 = scf.for %while3A_406 = %while3A_393 to %while3A_389 step %while3A_396 iter_args(%while3A_407 = %while3A_395#0, %while3A_408 = %while3A_395#1) -> (vector<16xi32>, vector<16xi32>)  : i32 {
        %mul3A_409 = arith.constant 16 : i32
        %mul3A_410 = arith.muli %while3A_406, %mul3A_409 : i32
        %get3A = arith.index_cast %mul3A_410 : i32 to index
        %get3A_411 = tpu.vector_load %arg5[%get3A] {strides = array<i32>} : memref<32768xi32, #tpu.memory_space<vmem>>, vector<16xi32>,
        %and3A = arith.constant 32767 : i32
        %and3A_412 = vector.broadcast %and3A : i32 to vector<16xi32>
        %and3A_413 = arith.andi %get3A_411, %and3A_412 : vector<16xi32>
        %gather3A = tpu.vector_load_idx %arg4[%and3A_413] : memref<32768xf32, #tpu.memory_space<vmem>>[vector<16xi32>], vector<16xf32>,
        %gt3A_414 = vector.broadcast %while3A_406 : i32 to vector<16xi32>
        %gt3A_415 = arith.cmpi sgt, %shift_right_logical3A_374, %gt3A_414 : vector<16xi32>
        %gt3A_416 = vector.broadcast %select_n3A : f32 to vector<16xf32>
        %gt3A_417 = arith.cmpf ogt, %gather3A, %gt3A_416 : vector<16xf32>
        %and3A_418 = arith.andi %gt3A_415, %gt3A_417 : vector<16xi1>
        %select_n3A_419 = arith.select %and3A_418, %broadcast_in_dim3A_384, %broadcast_in_dim3A_386 : vector<16xi1>, vector<16xi32>
        %add3A_420 = arith.addi %while3A_407, %select_n3A_419 : vector<16xi32>
        %neg3A = arith.constant 0.000000e+00 : f32
        %neg3A_421 = arith.subf %neg3A, %select_n3A : f32
        %lt3A = vector.broadcast %neg3A_421 : f32 to vector<16xf32>
        %lt3A_422 = arith.cmpf olt, %gather3A, %lt3A : vector<16xf32>
        %and3A_423 = arith.andi %gt3A_415, %lt3A_422 : vector<16xi1>
        %select_n3A_424 = arith.select %and3A_423, %broadcast_in_dim3A_384, %broadcast_in_dim3A_386 : vector<16xi1>, vector<16xi32>
        %add3A_425 = arith.addi %while3A_408, %select_n3A_424 : vector<16xi32>
        scf.yield %add3A_420, %add3A_425 : vector<16xi32>, vector<16xi32>
      }
      %reduce_sum3A_398 = arith.constant true
      %reduce_sum3A_399 = vector.broadcast %reduce_sum3A_398 : i1 to vector<16xi1>
      %reduce_sum3A_400 = tpu.scan <sum>, %while3A_397#0 masked %reduce_sum3A_399 : vector<16xi32>, vector<16xi1> -> vector<16xi32>
      %reduce_sum3A_401 = vector.extract %reduce_sum3A_400[15] : i32 from vector<16xi32>
      %reduce_sum3A_402 = arith.constant true
      %reduce_sum3A_403 = vector.broadcast %reduce_sum3A_402 : i1 to vector<16xi1>
      %reduce_sum3A_404 = tpu.scan <sum>, %while3A_397#1 masked %reduce_sum3A_403 : vector<16xi32>, vector<16xi1> -> vector<16xi32>
      %reduce_sum3A_405 = vector.extract %reduce_sum3A_404[15] : i32 from vector<16xi32>
      scf.yield %select_n3A, %shift_right_logical3A_374, %reduce_max3A_382, %reduce_sum3A_401, %reduce_sum3A_405 : f32, vector<16xi32>, i32, i32, i32
    }
    %broadcast_in_dim3A_133 = arith.constant -2147483648 : i32
    %broadcast_in_dim3A_134 = vector.broadcast %broadcast_in_dim3A_133 : i32 to vector<16xi32>
    %parallel_loop3A_135 = arith.constant 0 : i32
    %parallel_loop3A_136 = arith.constant 1 : i32
    %parallel_loop3A_137 = arith.constant 0 : i32
    %parallel_loop3A_138 = scf.for %parallel_loop3A_350 = %parallel_loop3A_135 to %while3A_132#2 step %parallel_loop3A_136 iter_args(%parallel_loop3A_351 = %parallel_loop3A_137) -> (i32)  : i32 {
      %parallel_loop3A_352 = arith.constant 16 : i32
      %parallel_loop3A_353 = arith.muli %parallel_loop3A_350, %parallel_loop3A_352 : i32
      %parallel_loop3A_354 = arith.index_cast %parallel_loop3A_353 : i32 to index
      %parallel_loop3A_355 = tpu.vector_load %arg5[%parallel_loop3A_354] {strides = array<i32>} : memref<32768xi32, #tpu.memory_space<vmem>>, vector<16xi32>,
      %parallel_loop3A_356 = arith.constant 32767 : i32
      %parallel_loop3A_357 = vector.broadcast %parallel_loop3A_356 : i32 to vector<16xi32>
      %parallel_loop3A_358 = arith.andi %parallel_loop3A_355, %parallel_loop3A_357 : vector<16xi32>
      %parallel_loop3A_359 = tpu.vector_load_idx %arg4[%parallel_loop3A_358] : memref<32768xf32, #tpu.memory_space<vmem>>[vector<16xi32>], vector<16xf32>,
      %parallel_loop3A_360 = vector.bitcast %parallel_loop3A_359 : vector<16xf32> to vector<16xi32>
      %parallel_loop3A_361 = arith.constant 0 : i32
      %parallel_loop3A_362 = vector.broadcast %parallel_loop3A_361 : i32 to vector<16xi32>
      %parallel_loop3A_363 = arith.cmpi slt, %parallel_loop3A_360, %parallel_loop3A_362 : vector<16xi32>
      %parallel_loop3A_364 = arith.constant -2147483648 : i32
      %parallel_loop3A_365 = vector.broadcast %parallel_loop3A_364 : i32 to vector<16xi32>
      %parallel_loop3A_366 = arith.subi %parallel_loop3A_365, %parallel_loop3A_360 : vector<16xi32>
      %parallel_loop3A_367 = arith.select %parallel_loop3A_363, %parallel_loop3A_366, %parallel_loop3A_360 : vector<16xi1>, vector<16xi32>
      %parallel_loop3A_368 = vector.broadcast %parallel_loop3A_350 : i32 to vector<16xi32>
      %parallel_loop3A_369 = arith.cmpi sgt, %while3A_132#1, %parallel_loop3A_368 : vector<16xi32>
      %parallel_loop3A_370 = arith.select %parallel_loop3A_369, %parallel_loop3A_367, %broadcast_in_dim3A_134 : vector<16xi1>, vector<16xi32>
      %parallel_loop3A_371 = arith.constant 16 : i32
      %parallel_loop3A_372 = arith.muli %parallel_loop3A_350, %parallel_loop3A_371 : i32
      %parallel_loop3A_373 = arith.index_cast %parallel_loop3A_372 : i32 to index
      %parallel_loop3A_374 = tpu.vector_load %arg6[%parallel_loop3A_373] {strides = array<i32>} : memref<32768xi32, #tpu.memory_space<vmem>>, vector<16xi32>,
      tpu.vector_store %arg6[%parallel_loop3A_373], %parallel_loop3A_370 {strides = array<i32>} : memref<32768xi32, #tpu.memory_space<vmem>>, vector<16xi32>,
      scf.yield %parallel_loop3A_351 : i32
    } {sc.loop_unroll_factor = 4 : i64, sc.parallel_access}
    %mul3A_139 = arith.constant 16 : i32
    %mul3A_140 = arith.muli %while3A_132#2, %mul3A_139 : i32
    %reduce_sum3A_141 = arith.constant true
    %reduce_sum3A_142 = vector.broadcast %reduce_sum3A_141 : i1 to vector<16xi1>
    %reduce_sum3A_143 = tpu.scan <sum>, %while3A_132#1 masked %reduce_sum3A_142 : vector<16xi32>, vector<16xi1> -> vector<16xi32>
    %reduce_sum3A_144 = vector.extract %reduce_sum3A_143[15] : i32 from vector<16xi32>
    %sub3A_145 = arith.subi %mul3A_140, %reduce_sum3A_144 : i32
    %broadcast_in_dim3A_146 = arith.constant 1 : i32
    %broadcast_in_dim3A_147 = vector.broadcast %broadcast_in_dim3A_146 : i32 to vector<16xi32>
    %broadcast_in_dim3A_148 = arith.constant 0 : i32
    %broadcast_in_dim3A_149 = vector.broadcast %broadcast_in_dim3A_148 : i32 to vector<16xi32>
    %scan3A_150 = arith.constant -2147483648 : i32
    %scan3A_151 = arith.constant -2147483648 : i32
    %scan3A_152 = arith.constant 0 : i32
    %scan3A_153 = arith.constant 32 : i32
    %scan3A_154 = arith.addi %scan3A_152, %scan3A_153 : i32
    %scan3A_155 = arith.constant 1 : i32
    %scan3A_156:2 = scf.for %scan3A_350 = %scan3A_152 to %scan3A_154 step %scan3A_155 iter_args(%scan3A_351 = %scan3A_150, %scan3A_352 = %scan3A_151) -> (i32, i32)  : i32 {
      %sub3A_353 = arith.constant 31 : i32
      %sub3A_354 = arith.subi %sub3A_353, %scan3A_350 : i32
      %shift_left3A = arith.constant 1 : i32
      %shift_left3A_355 = arith.shli %shift_left3A, %sub3A_354 : i32
      %add3A_356 = arith.addi %scan3A_351, %shift_left3A_355 : i32
      %add3A_357 = arith.addi %scan3A_352, %shift_left3A_355 : i32
      %parallel_loop3A_358 = arith.constant 0 : i32
      %parallel_loop3A_359 = arith.constant 1 : i32
      %parallel_loop3A_360:2 = scf.for %parallel_loop3A_374 = %parallel_loop3A_358 to %while3A_132#2 step %parallel_loop3A_359 iter_args(%parallel_loop3A_375 = %broadcast_in_dim3A_149, %parallel_loop3A_376 = %broadcast_in_dim3A_149) -> (vector<16xi32>, vector<16xi32>)  : i32 {
        %parallel_loop3A_377 = arith.constant 16 : i32
        %parallel_loop3A_378 = arith.muli %parallel_loop3A_374, %parallel_loop3A_377 : i32
        %parallel_loop3A_379 = arith.index_cast %parallel_loop3A_378 : i32 to index
        %parallel_loop3A_380 = tpu.vector_load %arg6[%parallel_loop3A_379] {strides = array<i32>} : memref<32768xi32, #tpu.memory_space<vmem>>, vector<16xi32>,
        %parallel_loop3A_381 = vector.broadcast %add3A_356 : i32 to vector<16xi32>
        %parallel_loop3A_382 = arith.cmpi sgt, %parallel_loop3A_380, %parallel_loop3A_381 : vector<16xi32>
        %parallel_loop3A_383 = arith.select %parallel_loop3A_382, %broadcast_in_dim3A_147, %broadcast_in_dim3A_149 : vector<16xi1>, vector<16xi32>
        %parallel_loop3A_384 = arith.addi %parallel_loop3A_375, %parallel_loop3A_383 : vector<16xi32>
        %parallel_loop3A_385 = arith.constant dense<-1> : vector<16xi32>
        %parallel_loop3A_386 = arith.xori %parallel_loop3A_380, %parallel_loop3A_385 : vector<16xi32>
        %parallel_loop3A_387 = vector.broadcast %add3A_357 : i32 to vector<16xi32>
        %parallel_loop3A_388 = arith.cmpi sgt, %parallel_loop3A_386, %parallel_loop3A_387 : vector<16xi32>
        %parallel_loop3A_389 = arith.select %parallel_loop3A_388, %broadcast_in_dim3A_147, %broadcast_in_dim3A_149 : vector<16xi1>, vector<16xi32>
        %parallel_loop3A_390 = arith.addi %parallel_loop3A_376, %parallel_loop3A_389 : vector<16xi32>
        scf.yield %parallel_loop3A_384, %parallel_loop3A_390 : vector<16xi32>, vector<16xi32>
      } {sc.loop_unroll_factor = 4 : i64, sc.parallel_access}
      %reduce_sum3A_361 = arith.constant true
      %reduce_sum3A_362 = vector.broadcast %reduce_sum3A_361 : i1 to vector<16xi1>
      %reduce_sum3A_363 = tpu.scan <sum>, %parallel_loop3A_360#0 masked %reduce_sum3A_362 : vector<16xi32>, vector<16xi1> -> vector<16xi32>
      %reduce_sum3A_364 = vector.extract %reduce_sum3A_363[15] : i32 from vector<16xi32>
      %ge3A = arith.constant 64 : i32
      %ge3A_365 = arith.cmpi sge, %reduce_sum3A_364, %ge3A : i32
      %select_n3A = arith.select %ge3A_365, %add3A_356, %scan3A_351 : i32
      %reduce_sum3A_366 = arith.constant true
      %reduce_sum3A_367 = vector.broadcast %reduce_sum3A_366 : i1 to vector<16xi1>
      %reduce_sum3A_368 = tpu.scan <sum>, %parallel_loop3A_360#1 masked %reduce_sum3A_367 : vector<16xi32>, vector<16xi1> -> vector<16xi32>
      %reduce_sum3A_369 = vector.extract %reduce_sum3A_368[15] : i32 from vector<16xi32>
      %sub3A_370 = arith.subi %reduce_sum3A_369, %sub3A_145 : i32
      %ge3A_371 = arith.constant 64 : i32
      %ge3A_372 = arith.cmpi sge, %sub3A_370, %ge3A_371 : i32
      %select_n3A_373 = arith.select %ge3A_372, %add3A_357, %scan3A_352 : i32
      scf.yield %select_n3A, %select_n3A_373 : i32, i32
    }
    %scan3A_157 = arith.constant 32 : i32
    %broadcast_in_dim3A_158 = arith.constant 0.000000e+00 : f32
    %broadcast_in_dim3A_159 = vector.broadcast %broadcast_in_dim3A_158 : f32 to vector<16xf32>
    %while3A_160 = arith.constant 0 : i32
    %while3A_161 = arith.constant 0 : i32
    %while3A_162 = arith.subi %while3A_132#2, %while3A_160 : i32
    %while3A_163 = arith.addi %while3A_160, %while3A_162 : i32
    %while3A_164 = arith.constant 1 : i32
    %while3A_165 = arith.divsi %while3A_162, %while3A_164 : i32
    %while3A_166 = arith.muli %while3A_165, %while3A_164 : i32
    %while3A_167 = arith.addi %while3A_160, %while3A_166 : i32
    %while3A_168 = arith.constant 1 : i32
    %while3A_169 = scf.for %while3A_350 = %while3A_160 to %while3A_167 step %while3A_168 iter_args(%while3A_351 = %while3A_161) -> (i32)  : i32 {
      %mul3A_352 = arith.constant 16 : i32
      %mul3A_353 = arith.muli %while3A_350, %mul3A_352 : i32
      %get3A = arith.index_cast %mul3A_353 : i32 to index
      %get3A_354 = tpu.vector_load %arg6[%get3A] {strides = array<i32>} : memref<32768xi32, #tpu.memory_space<vmem>>, vector<16xi32>,
      %mul3A_355 = arith.constant 16 : i32
      %mul3A_356 = arith.muli %while3A_350, %mul3A_355 : i32
      %get3A_357 = arith.index_cast %mul3A_356 : i32 to index
      %get3A_358 = tpu.vector_load %arg5[%get3A_357] {strides = array<i32>} : memref<32768xi32, #tpu.memory_space<vmem>>, vector<16xi32>,
      %and3A = arith.constant 32767 : i32
      %and3A_359 = vector.broadcast %and3A : i32 to vector<16xi32>
      %and3A_360 = arith.andi %get3A_358, %and3A_359 : vector<16xi32>
      %gt3A = vector.broadcast %scan3A_156#0 : i32 to vector<16xi32>
      %gt3A_361 = arith.cmpi sgt, %get3A_354, %gt3A : vector<16xi32>
      %not3A = arith.constant dense<-1> : vector<16xi32>
      %not3A_362 = arith.xori %get3A_354, %not3A : vector<16xi32>
      %gt3A_363 = vector.broadcast %scan3A_156#1 : i32 to vector<16xi32>
      %gt3A_364 = arith.cmpi sgt, %not3A_362, %gt3A_363 : vector<16xi32>
      %or3A = arith.ori %gt3A_361, %gt3A_364 : vector<16xi1>
      %gt3A_365 = vector.broadcast %while3A_350 : i32 to vector<16xi32>
      %gt3A_366 = arith.cmpi sgt, %while3A_132#1, %gt3A_365 : vector<16xi32>
      %and3A_367 = arith.andi %or3A, %gt3A_366 : vector<16xi1>
      tpu.vector_store_idx %arg4[%and3A_360], %broadcast_in_dim3A_159 masked %and3A_367 : memref<32768xf32, #tpu.memory_space<vmem>>[vector<16xi32>], vector<16xf32>, vector<16xi1>
      %while3A_368 = arith.constant 0 : i32
      scf.yield %while3A_368 : i32
    }
    %while3A_170 = arith.constant 1 : i32
    %while3A_171 = scf.for %while3A_350 = %while3A_167 to %while3A_163 step %while3A_170 iter_args(%while3A_351 = %while3A_169) -> (i32)  : i32 {
      %mul3A_352 = arith.constant 16 : i32
      %mul3A_353 = arith.muli %while3A_350, %mul3A_352 : i32
      %get3A = arith.index_cast %mul3A_353 : i32 to index
      %get3A_354 = tpu.vector_load %arg6[%get3A] {strides = array<i32>} : memref<32768xi32, #tpu.memory_space<vmem>>, vector<16xi32>,
      %mul3A_355 = arith.constant 16 : i32
      %mul3A_356 = arith.muli %while3A_350, %mul3A_355 : i32
      %get3A_357 = arith.index_cast %mul3A_356 : i32 to index
      %get3A_358 = tpu.vector_load %arg5[%get3A_357] {strides = array<i32>} : memref<32768xi32, #tpu.memory_space<vmem>>, vector<16xi32>,
      %and3A = arith.constant 32767 : i32
      %and3A_359 = vector.broadcast %and3A : i32 to vector<16xi32>
      %and3A_360 = arith.andi %get3A_358, %and3A_359 : vector<16xi32>
      %gt3A = vector.broadcast %scan3A_156#0 : i32 to vector<16xi32>
      %gt3A_361 = arith.cmpi sgt, %get3A_354, %gt3A : vector<16xi32>
      %not3A = arith.constant dense<-1> : vector<16xi32>
      %not3A_362 = arith.xori %get3A_354, %not3A : vector<16xi32>
      %gt3A_363 = vector.broadcast %scan3A_156#1 : i32 to vector<16xi32>
      %gt3A_364 = arith.cmpi sgt, %not3A_362, %gt3A_363 : vector<16xi32>
      %or3A = arith.ori %gt3A_361, %gt3A_364 : vector<16xi1>
      %gt3A_365 = vector.broadcast %while3A_350 : i32 to vector<16xi32>
      %gt3A_366 = arith.cmpi sgt, %while3A_132#1, %gt3A_365 : vector<16xi32>
      %and3A_367 = arith.andi %or3A, %gt3A_366 : vector<16xi1>
      tpu.vector_store_idx %arg4[%and3A_360], %broadcast_in_dim3A_159 masked %and3A_367 : memref<32768xf32, #tpu.memory_space<vmem>>[vector<16xi32>], vector<16xf32>, vector<16xi1>
      %while3A_368 = arith.constant 0 : i32
      scf.yield %while3A_368 : i32
    }
    "tpu.region"() ({
      %run_scoped3A = tpu.sem_alloc : memref<!tpu.dma_semaphore, #tpu.memory_space<semaphore_mem>>
      %dma_start3A = arith.constant 0 : i32
      %dma_start3A_350 = tpu.memref_slice %arg3[%add3A_84, %dma_start3A] : memref<128x32768xf32, #tpu.memory_space<hbm>> -> memref<1x32768xf32, #tpu.memory_space<hbm>>
      %dma_start3A_351 = tpu.memref_squeeze %dma_start3A_350 : memref<1x32768xf32, #tpu.memory_space<hbm>> -> memref<32768xf32, #tpu.memory_space<hbm>>
      %dma_start3A_352 = arith.constant 0 : i32
      %dma_start3A_353 = tpu.memref_slice %arg3[%add3A_84, %dma_start3A_352] : memref<128x32768xf32, #tpu.memory_space<hbm>> -> memref<1x32768xf32, #tpu.memory_space<hbm>>
      %dma_start3A_354 = tpu.memref_squeeze %dma_start3A_353 : memref<1x32768xf32, #tpu.memory_space<hbm>> -> memref<32768xf32, #tpu.memory_space<hbm>>
      tpu.enqueue_dma source(%arg4 : memref<32768xf32, #tpu.memory_space<vmem>>) target(%dma_start3A_354 : memref<32768xf32, #tpu.memory_space<hbm>>) target_semaphore(%run_scoped3A : memref<!tpu.dma_semaphore, #tpu.memory_space<semaphore_mem>>)
      %dma_wait3A = arith.constant 0 : i32
      %dma_wait3A_355 = tpu.memref_slice %arg3[%add3A_84, %dma_wait3A] : memref<128x32768xf32, #tpu.memory_space<hbm>> -> memref<1x32768xf32, #tpu.memory_space<hbm>>
      %dma_wait3A_356 = tpu.memref_squeeze %dma_wait3A_355 : memref<1x32768xf32, #tpu.memory_space<hbm>> -> memref<32768xf32, #tpu.memory_space<hbm>>
      %dma_wait3A_357 = arith.constant 0 : i32
      %dma_wait3A_358 = tpu.memref_slice %arg3[%add3A_84, %dma_wait3A_357] : memref<128x32768xf32, #tpu.memory_space<hbm>> -> memref<1x32768xf32, #tpu.memory_space<hbm>>
      %dma_wait3A_359 = tpu.memref_squeeze %dma_wait3A_358 : memref<1x32768xf32, #tpu.memory_space<hbm>> -> memref<32768xf32, #tpu.memory_space<hbm>>
      tpu.wait_dma2 semaphore(%run_scoped3A : memref<!tpu.dma_semaphore, #tpu.memory_space<semaphore_mem>>) src(%arg4 : memref<32768xf32, #tpu.memory_space<vmem>>) dst(%dma_wait3A_359 : memref<32768xf32, #tpu.memory_space<hbm>>)
      tpu.yield
    }) : () -> ()
    %add3A_172 = arith.constant 2 : i32
    %add3A_173 = arith.addi %mul3A_2, %add3A_172 : i32
    "tpu.region"() ({
      %run_scoped3A = tpu.sem_alloc : memref<!tpu.dma_semaphore, #tpu.memory_space<semaphore_mem>>
      %dma_start3A = arith.constant 0 : i32
      %dma_start3A_350 = tpu.memref_slice %arg2[%add3A_173, %dma_start3A] : memref<128x32768xf32, #tpu.memory_space<hbm>> -> memref<1x32768xf32, #tpu.memory_space<hbm>>
      %dma_start3A_351 = tpu.memref_squeeze %dma_start3A_350 : memref<1x32768xf32, #tpu.memory_space<hbm>> -> memref<32768xf32, #tpu.memory_space<hbm>>
      %dma_start3A_352 = arith.constant 0 : i32
      %dma_start3A_353 = tpu.memref_slice %arg2[%add3A_173, %dma_start3A_352] : memref<128x32768xf32, #tpu.memory_space<hbm>> -> memref<1x32768xf32, #tpu.memory_space<hbm>>
      %dma_start3A_354 = tpu.memref_squeeze %dma_start3A_353 : memref<1x32768xf32, #tpu.memory_space<hbm>> -> memref<32768xf32, #tpu.memory_space<hbm>>
      tpu.enqueue_dma source(%dma_start3A_354 : memref<32768xf32, #tpu.memory_space<hbm>>) target(%arg4 : memref<32768xf32, #tpu.memory_space<vmem>>) target_semaphore(%run_scoped3A : memref<!tpu.dma_semaphore, #tpu.memory_space<semaphore_mem>>)
      %dma_wait3A = arith.constant 0 : i32
      %dma_wait3A_355 = tpu.memref_slice %arg2[%add3A_173, %dma_wait3A] : memref<128x32768xf32, #tpu.memory_space<hbm>> -> memref<1x32768xf32, #tpu.memory_space<hbm>>
      %dma_wait3A_356 = tpu.memref_squeeze %dma_wait3A_355 : memref<1x32768xf32, #tpu.memory_space<hbm>> -> memref<32768xf32, #tpu.memory_space<hbm>>
      %dma_wait3A_357 = arith.constant 0 : i32
      %dma_wait3A_358 = tpu.memref_slice %arg2[%add3A_173, %dma_wait3A_357] : memref<128x32768xf32, #tpu.memory_space<hbm>> -> memref<1x32768xf32, #tpu.memory_space<hbm>>
      %dma_wait3A_359 = tpu.memref_squeeze %dma_wait3A_358 : memref<1x32768xf32, #tpu.memory_space<hbm>> -> memref<32768xf32, #tpu.memory_space<hbm>>
      tpu.wait_dma2 semaphore(%run_scoped3A : memref<!tpu.dma_semaphore, #tpu.memory_space<semaphore_mem>>) src(%dma_wait3A_359 : memref<32768xf32, #tpu.memory_space<hbm>>) dst(%arg4 : memref<32768xf32, #tpu.memory_space<vmem>>)
      tpu.yield
    }) : () -> ()
    %iota3A_174 = tpu.iota {dimensions = array<i32: 0>} : vector<16xi32>
    %broadcast_in_dim3A_175 = arith.constant 16 : i32
    %broadcast_in_dim3A_176 = vector.broadcast %broadcast_in_dim3A_175 : i32 to vector<16xi32>
    %broadcast_in_dim3A_177 = arith.constant 0 : i32
    %broadcast_in_dim3A_178 = vector.broadcast %broadcast_in_dim3A_177 : i32 to vector<16xi32>
    %parallel_loop3A_179 = arith.constant 0 : i32
    %parallel_loop3A_180 = arith.constant 2048 : i32
    %parallel_loop3A_181 = arith.constant 1 : i32
    %parallel_loop3A_182 = arith.constant 2.600000e+00 : f32
    %parallel_loop3A_183 = scf.for %parallel_loop3A_350 = %parallel_loop3A_179 to %parallel_loop3A_180 step %parallel_loop3A_181 iter_args(%parallel_loop3A_351 = %iota3A_174) -> (vector<16xi32>)  : i32 {
      %parallel_loop3A_352 = arith.constant 16 : i32
      %parallel_loop3A_353 = arith.muli %parallel_loop3A_350, %parallel_loop3A_352 : i32
      %parallel_loop3A_354 = arith.index_cast %parallel_loop3A_353 : i32 to index
      %parallel_loop3A_355 = tpu.vector_load %arg4[%parallel_loop3A_354] {strides = array<i32>} : memref<32768xf32, #tpu.memory_space<vmem>>, vector<16xf32>,
      %parallel_loop3A_356 = math.absf %parallel_loop3A_355 : vector<16xf32>
      %parallel_loop3A_357 = vector.broadcast %parallel_loop3A_182 : f32 to vector<16xf32>
      %parallel_loop3A_358 = arith.cmpf ogt, %parallel_loop3A_356, %parallel_loop3A_357 : vector<16xf32>
      %parallel_loop3A_359 = vector.broadcast %parallel_loop3A_353 : i32 to vector<16xi32>
      %parallel_loop3A_360 = arith.addi %iota3A_174, %parallel_loop3A_359 : vector<16xi32>
      tpu.vector_store_idx %arg5[%parallel_loop3A_351], %parallel_loop3A_360 masked %parallel_loop3A_358 : memref<32768xi32, #tpu.memory_space<vmem>>[vector<16xi32>], vector<16xi32>, vector<16xi1>
      %parallel_loop3A_361 = arith.select %parallel_loop3A_358, %broadcast_in_dim3A_176, %broadcast_in_dim3A_178 : vector<16xi1>, vector<16xi32>
      %parallel_loop3A_362 = arith.addi %parallel_loop3A_351, %parallel_loop3A_361 : vector<16xi32>
      scf.yield %parallel_loop3A_362 : vector<16xi32>
    } {sc.loop_unroll_factor = 8 : i64, sc.parallel_access}
    %sub3A_184 = arith.subi %parallel_loop3A_183, %iota3A_174 : vector<16xi32>
    %shift_right_logical3A_185 = arith.constant 4 : i32
    %shift_right_logical3A_186 = vector.broadcast %shift_right_logical3A_185 : i32 to vector<16xi32>
    %shift_right_logical3A_187 = arith.shrui %sub3A_184, %shift_right_logical3A_186 : vector<16xi32>
    %reduce_max3A_188 = arith.constant true
    %reduce_max3A_189 = vector.broadcast %reduce_max3A_188 : i1 to vector<16xi1>
    %reduce_max3A_190 = arith.constant -2147483648 : i32
    %reduce_max3A_191 = vector.broadcast %reduce_max3A_190 : i32 to vector<16xi32>
    %reduce_max3A_192 = arith.xori %shift_right_logical3A_187, %reduce_max3A_191 : vector<16xi32>
    %reduce_max3A_193 = tpu.scan <max>, %reduce_max3A_192 masked %reduce_max3A_189 : vector<16xi32>, vector<16xi1> -> vector<16xi32>
    %reduce_max3A_194 = arith.xori %reduce_max3A_193, %reduce_max3A_191 : vector<16xi32>
    %reduce_max3A_195 = vector.extract %reduce_max3A_194[15] : i32 from vector<16xi32>
    %broadcast_in_dim3A_196 = arith.constant 1 : i32
    %broadcast_in_dim3A_197 = vector.broadcast %broadcast_in_dim3A_196 : i32 to vector<16xi32>
    %broadcast_in_dim3A_198 = arith.constant 0 : i32
    %broadcast_in_dim3A_199 = vector.broadcast %broadcast_in_dim3A_198 : i32 to vector<16xi32>
    %while3A_200 = arith.constant 2.600000e+00 : f32
    %while3A_201 = arith.constant 0 : i32
    %while3A_202 = arith.subi %reduce_max3A_195, %while3A_201 : i32
    %while3A_203 = arith.addi %while3A_201, %while3A_202 : i32
    %while3A_204 = arith.constant 1 : i32
    %while3A_205 = arith.divsi %while3A_202, %while3A_204 : i32
    %while3A_206 = arith.muli %while3A_205, %while3A_204 : i32
    %while3A_207 = arith.addi %while3A_201, %while3A_206 : i32
    %while3A_208 = arith.constant 1 : i32
    %while3A_209:2 = scf.for %while3A_350 = %while3A_201 to %while3A_207 step %while3A_208 iter_args(%while3A_351 = %broadcast_in_dim3A_199, %while3A_352 = %broadcast_in_dim3A_199) -> (vector<16xi32>, vector<16xi32>)  : i32 {
      %mul3A_353 = arith.constant 16 : i32
      %mul3A_354 = arith.muli %while3A_350, %mul3A_353 : i32
      %get3A = arith.index_cast %mul3A_354 : i32 to index
      %get3A_355 = tpu.vector_load %arg5[%get3A] {strides = array<i32>} : memref<32768xi32, #tpu.memory_space<vmem>>, vector<16xi32>,
      %and3A = arith.constant 32767 : i32
      %and3A_356 = vector.broadcast %and3A : i32 to vector<16xi32>
      %and3A_357 = arith.andi %get3A_355, %and3A_356 : vector<16xi32>
      %gather3A = tpu.vector_load_idx %arg4[%and3A_357] : memref<32768xf32, #tpu.memory_space<vmem>>[vector<16xi32>], vector<16xf32>,
      %gt3A = vector.broadcast %while3A_350 : i32 to vector<16xi32>
      %gt3A_358 = arith.cmpi sgt, %shift_right_logical3A_187, %gt3A : vector<16xi32>
      %gt3A_359 = vector.broadcast %while3A_200 : f32 to vector<16xf32>
      %gt3A_360 = arith.cmpf ogt, %gather3A, %gt3A_359 : vector<16xf32>
      %and3A_361 = arith.andi %gt3A_358, %gt3A_360 : vector<16xi1>
      %select_n3A = arith.select %and3A_361, %broadcast_in_dim3A_197, %broadcast_in_dim3A_199 : vector<16xi1>, vector<16xi32>
      %add3A_362 = arith.addi %while3A_351, %select_n3A : vector<16xi32>
      %neg3A = arith.constant 0.000000e+00 : f32
      %neg3A_363 = arith.subf %neg3A, %while3A_200 : f32
      %lt3A = vector.broadcast %neg3A_363 : f32 to vector<16xf32>
      %lt3A_364 = arith.cmpf olt, %gather3A, %lt3A : vector<16xf32>
      %and3A_365 = arith.andi %gt3A_358, %lt3A_364 : vector<16xi1>
      %select_n3A_366 = arith.select %and3A_365, %broadcast_in_dim3A_197, %broadcast_in_dim3A_199 : vector<16xi1>, vector<16xi32>
      %add3A_367 = arith.addi %while3A_352, %select_n3A_366 : vector<16xi32>
      scf.yield %add3A_362, %add3A_367 : vector<16xi32>, vector<16xi32>
    }
    %while3A_210 = arith.constant 1 : i32
    %while3A_211:2 = scf.for %while3A_350 = %while3A_207 to %while3A_203 step %while3A_210 iter_args(%while3A_351 = %while3A_209#0, %while3A_352 = %while3A_209#1) -> (vector<16xi32>, vector<16xi32>)  : i32 {
      %mul3A_353 = arith.constant 16 : i32
      %mul3A_354 = arith.muli %while3A_350, %mul3A_353 : i32
      %get3A = arith.index_cast %mul3A_354 : i32 to index
      %get3A_355 = tpu.vector_load %arg5[%get3A] {strides = array<i32>} : memref<32768xi32, #tpu.memory_space<vmem>>, vector<16xi32>,
      %and3A = arith.constant 32767 : i32
      %and3A_356 = vector.broadcast %and3A : i32 to vector<16xi32>
      %and3A_357 = arith.andi %get3A_355, %and3A_356 : vector<16xi32>
      %gather3A = tpu.vector_load_idx %arg4[%and3A_357] : memref<32768xf32, #tpu.memory_space<vmem>>[vector<16xi32>], vector<16xf32>,
      %gt3A = vector.broadcast %while3A_350 : i32 to vector<16xi32>
      %gt3A_358 = arith.cmpi sgt, %shift_right_logical3A_187, %gt3A : vector<16xi32>
      %gt3A_359 = vector.broadcast %while3A_200 : f32 to vector<16xf32>
      %gt3A_360 = arith.cmpf ogt, %gather3A, %gt3A_359 : vector<16xf32>
      %and3A_361 = arith.andi %gt3A_358, %gt3A_360 : vector<16xi1>
      %select_n3A = arith.select %and3A_361, %broadcast_in_dim3A_197, %broadcast_in_dim3A_199 : vector<16xi1>, vector<16xi32>
      %add3A_362 = arith.addi %while3A_351, %select_n3A : vector<16xi32>
      %neg3A = arith.constant 0.000000e+00 : f32
      %neg3A_363 = arith.subf %neg3A, %while3A_200 : f32
      %lt3A = vector.broadcast %neg3A_363 : f32 to vector<16xf32>
      %lt3A_364 = arith.cmpf olt, %gather3A, %lt3A : vector<16xf32>
      %and3A_365 = arith.andi %gt3A_358, %lt3A_364 : vector<16xi1>
      %select_n3A_366 = arith.select %and3A_365, %broadcast_in_dim3A_197, %broadcast_in_dim3A_199 : vector<16xi1>, vector<16xi32>
      %add3A_367 = arith.addi %while3A_352, %select_n3A_366 : vector<16xi32>
      scf.yield %add3A_362, %add3A_367 : vector<16xi32>, vector<16xi32>
    }
    %reduce_sum3A_212 = arith.constant true
    %reduce_sum3A_213 = vector.broadcast %reduce_sum3A_212 : i1 to vector<16xi1>
    %reduce_sum3A_214 = tpu.scan <sum>, %while3A_211#0 masked %reduce_sum3A_213 : vector<16xi32>, vector<16xi1> -> vector<16xi32>
    %reduce_sum3A_215 = vector.extract %reduce_sum3A_214[15] : i32 from vector<16xi32>
    %reduce_sum3A_216 = arith.constant true
    %reduce_sum3A_217 = vector.broadcast %reduce_sum3A_216 : i1 to vector<16xi1>
    %reduce_sum3A_218 = tpu.scan <sum>, %while3A_211#1 masked %reduce_sum3A_217 : vector<16xi32>, vector<16xi1> -> vector<16xi32>
    %reduce_sum3A_219 = vector.extract %reduce_sum3A_218[15] : i32 from vector<16xi32>
    %while3A_220 = arith.constant 2.600000e+00 : f32
    %while3A_221:5 = scf.while (%while3A_350 = %while3A_220, %while3A_351 = %shift_right_logical3A_187, %while3A_352 = %reduce_max3A_195, %while3A_353 = %reduce_sum3A_215, %while3A_354 = %reduce_sum3A_219) : (f32, vector<16xi32>, i32, i32, i32) -> (f32, vector<16xi32>, i32, i32, i32) {
      %lt3A = arith.constant 64 : i32
      %lt3A_355 = arith.cmpi slt, %while3A_353, %lt3A : i32
      %lt3A_356 = arith.constant 64 : i32
      %lt3A_357 = arith.cmpi slt, %while3A_354, %lt3A_356 : i32
      %or3A = arith.ori %lt3A_355, %lt3A_357 : i1
      scf.condition(%or3A) %while3A_350, %while3A_351, %while3A_352, %while3A_353, %while3A_354 : f32, vector<16xi32>, i32, i32, i32
    } do {
    ^bb0(%while3A_350: f32, %while3A_351: vector<16xi32>, %while3A_352: i32, %while3A_353: i32, %while3A_354: i32):
      %gt3A = arith.constant 0.000000e+00 : f32
      %gt3A_355 = arith.cmpf ogt, %while3A_350, %gt3A : f32
      %sub3A_356 = arith.constant 1.000000e+00 : f32
      %sub3A_357 = arith.subf %while3A_350, %sub3A_356 : f32
      %mul3A_358 = arith.constant 2.000000e+00 : f32
      %mul3A_359 = arith.mulf %while3A_350, %mul3A_358 : f32
      %sub3A_360 = arith.constant 1.000000e+00 : f32
      %sub3A_361 = arith.subf %mul3A_359, %sub3A_360 : f32
      %select_n3A = arith.select %gt3A_355, %sub3A_357, %sub3A_361 : f32
      %iota3A_362 = tpu.iota {dimensions = array<i32: 0>} : vector<16xi32>
      %broadcast_in_dim3A_363 = arith.constant 16 : i32
      %broadcast_in_dim3A_364 = vector.broadcast %broadcast_in_dim3A_363 : i32 to vector<16xi32>
      %broadcast_in_dim3A_365 = arith.constant 0 : i32
      %broadcast_in_dim3A_366 = vector.broadcast %broadcast_in_dim3A_365 : i32 to vector<16xi32>
      %parallel_loop3A_367 = arith.constant 0 : i32
      %parallel_loop3A_368 = arith.constant 2048 : i32
      %parallel_loop3A_369 = arith.constant 1 : i32
      %parallel_loop3A_370 = scf.for %parallel_loop3A_406 = %parallel_loop3A_367 to %parallel_loop3A_368 step %parallel_loop3A_369 iter_args(%parallel_loop3A_407 = %iota3A_362) -> (vector<16xi32>)  : i32 {
        %parallel_loop3A_408 = arith.constant 16 : i32
        %parallel_loop3A_409 = arith.muli %parallel_loop3A_406, %parallel_loop3A_408 : i32
        %parallel_loop3A_410 = arith.index_cast %parallel_loop3A_409 : i32 to index
        %parallel_loop3A_411 = tpu.vector_load %arg4[%parallel_loop3A_410] {strides = array<i32>} : memref<32768xf32, #tpu.memory_space<vmem>>, vector<16xf32>,
        %parallel_loop3A_412 = math.absf %parallel_loop3A_411 : vector<16xf32>
        %parallel_loop3A_413 = vector.broadcast %select_n3A : f32 to vector<16xf32>
        %parallel_loop3A_414 = arith.cmpf ogt, %parallel_loop3A_412, %parallel_loop3A_413 : vector<16xf32>
        %parallel_loop3A_415 = vector.broadcast %parallel_loop3A_409 : i32 to vector<16xi32>
        %parallel_loop3A_416 = arith.addi %iota3A_362, %parallel_loop3A_415 : vector<16xi32>
        tpu.vector_store_idx %arg5[%parallel_loop3A_407], %parallel_loop3A_416 masked %parallel_loop3A_414 : memref<32768xi32, #tpu.memory_space<vmem>>[vector<16xi32>], vector<16xi32>, vector<16xi1>
        %parallel_loop3A_417 = arith.select %parallel_loop3A_414, %broadcast_in_dim3A_364, %broadcast_in_dim3A_366 : vector<16xi1>, vector<16xi32>
        %parallel_loop3A_418 = arith.addi %parallel_loop3A_407, %parallel_loop3A_417 : vector<16xi32>
        scf.yield %parallel_loop3A_418 : vector<16xi32>
      } {sc.loop_unroll_factor = 8 : i64, sc.parallel_access}
      %sub3A_371 = arith.subi %parallel_loop3A_370, %iota3A_362 : vector<16xi32>
      %shift_right_logical3A_372 = arith.constant 4 : i32
      %shift_right_logical3A_373 = vector.broadcast %shift_right_logical3A_372 : i32 to vector<16xi32>
      %shift_right_logical3A_374 = arith.shrui %sub3A_371, %shift_right_logical3A_373 : vector<16xi32>
      %reduce_max3A_375 = arith.constant true
      %reduce_max3A_376 = vector.broadcast %reduce_max3A_375 : i1 to vector<16xi1>
      %reduce_max3A_377 = arith.constant -2147483648 : i32
      %reduce_max3A_378 = vector.broadcast %reduce_max3A_377 : i32 to vector<16xi32>
      %reduce_max3A_379 = arith.xori %shift_right_logical3A_374, %reduce_max3A_378 : vector<16xi32>
      %reduce_max3A_380 = tpu.scan <max>, %reduce_max3A_379 masked %reduce_max3A_376 : vector<16xi32>, vector<16xi1> -> vector<16xi32>
      %reduce_max3A_381 = arith.xori %reduce_max3A_380, %reduce_max3A_378 : vector<16xi32>
      %reduce_max3A_382 = vector.extract %reduce_max3A_381[15] : i32 from vector<16xi32>
      %broadcast_in_dim3A_383 = arith.constant 1 : i32
      %broadcast_in_dim3A_384 = vector.broadcast %broadcast_in_dim3A_383 : i32 to vector<16xi32>
      %broadcast_in_dim3A_385 = arith.constant 0 : i32
      %broadcast_in_dim3A_386 = vector.broadcast %broadcast_in_dim3A_385 : i32 to vector<16xi32>
      %while3A_387 = arith.constant 0 : i32
      %while3A_388 = arith.subi %reduce_max3A_382, %while3A_387 : i32
      %while3A_389 = arith.addi %while3A_387, %while3A_388 : i32
      %while3A_390 = arith.constant 1 : i32
      %while3A_391 = arith.divsi %while3A_388, %while3A_390 : i32
      %while3A_392 = arith.muli %while3A_391, %while3A_390 : i32
      %while3A_393 = arith.addi %while3A_387, %while3A_392 : i32
      %while3A_394 = arith.constant 1 : i32
      %while3A_395:2 = scf.for %while3A_406 = %while3A_387 to %while3A_393 step %while3A_394 iter_args(%while3A_407 = %broadcast_in_dim3A_386, %while3A_408 = %broadcast_in_dim3A_386) -> (vector<16xi32>, vector<16xi32>)  : i32 {
        %mul3A_409 = arith.constant 16 : i32
        %mul3A_410 = arith.muli %while3A_406, %mul3A_409 : i32
        %get3A = arith.index_cast %mul3A_410 : i32 to index
        %get3A_411 = tpu.vector_load %arg5[%get3A] {strides = array<i32>} : memref<32768xi32, #tpu.memory_space<vmem>>, vector<16xi32>,
        %and3A = arith.constant 32767 : i32
        %and3A_412 = vector.broadcast %and3A : i32 to vector<16xi32>
        %and3A_413 = arith.andi %get3A_411, %and3A_412 : vector<16xi32>
        %gather3A = tpu.vector_load_idx %arg4[%and3A_413] : memref<32768xf32, #tpu.memory_space<vmem>>[vector<16xi32>], vector<16xf32>,
        %gt3A_414 = vector.broadcast %while3A_406 : i32 to vector<16xi32>
        %gt3A_415 = arith.cmpi sgt, %shift_right_logical3A_374, %gt3A_414 : vector<16xi32>
        %gt3A_416 = vector.broadcast %select_n3A : f32 to vector<16xf32>
        %gt3A_417 = arith.cmpf ogt, %gather3A, %gt3A_416 : vector<16xf32>
        %and3A_418 = arith.andi %gt3A_415, %gt3A_417 : vector<16xi1>
        %select_n3A_419 = arith.select %and3A_418, %broadcast_in_dim3A_384, %broadcast_in_dim3A_386 : vector<16xi1>, vector<16xi32>
        %add3A_420 = arith.addi %while3A_407, %select_n3A_419 : vector<16xi32>
        %neg3A = arith.constant 0.000000e+00 : f32
        %neg3A_421 = arith.subf %neg3A, %select_n3A : f32
        %lt3A = vector.broadcast %neg3A_421 : f32 to vector<16xf32>
        %lt3A_422 = arith.cmpf olt, %gather3A, %lt3A : vector<16xf32>
        %and3A_423 = arith.andi %gt3A_415, %lt3A_422 : vector<16xi1>
        %select_n3A_424 = arith.select %and3A_423, %broadcast_in_dim3A_384, %broadcast_in_dim3A_386 : vector<16xi1>, vector<16xi32>
        %add3A_425 = arith.addi %while3A_408, %select_n3A_424 : vector<16xi32>
        scf.yield %add3A_420, %add3A_425 : vector<16xi32>, vector<16xi32>
      }
      %while3A_396 = arith.constant 1 : i32
      %while3A_397:2 = scf.for %while3A_406 = %while3A_393 to %while3A_389 step %while3A_396 iter_args(%while3A_407 = %while3A_395#0, %while3A_408 = %while3A_395#1) -> (vector<16xi32>, vector<16xi32>)  : i32 {
        %mul3A_409 = arith.constant 16 : i32
        %mul3A_410 = arith.muli %while3A_406, %mul3A_409 : i32
        %get3A = arith.index_cast %mul3A_410 : i32 to index
        %get3A_411 = tpu.vector_load %arg5[%get3A] {strides = array<i32>} : memref<32768xi32, #tpu.memory_space<vmem>>, vector<16xi32>,
        %and3A = arith.constant 32767 : i32
        %and3A_412 = vector.broadcast %and3A : i32 to vector<16xi32>
        %and3A_413 = arith.andi %get3A_411, %and3A_412 : vector<16xi32>
        %gather3A = tpu.vector_load_idx %arg4[%and3A_413] : memref<32768xf32, #tpu.memory_space<vmem>>[vector<16xi32>], vector<16xf32>,
        %gt3A_414 = vector.broadcast %while3A_406 : i32 to vector<16xi32>
        %gt3A_415 = arith.cmpi sgt, %shift_right_logical3A_374, %gt3A_414 : vector<16xi32>
        %gt3A_416 = vector.broadcast %select_n3A : f32 to vector<16xf32>
        %gt3A_417 = arith.cmpf ogt, %gather3A, %gt3A_416 : vector<16xf32>
        %and3A_418 = arith.andi %gt3A_415, %gt3A_417 : vector<16xi1>
        %select_n3A_419 = arith.select %and3A_418, %broadcast_in_dim3A_384, %broadcast_in_dim3A_386 : vector<16xi1>, vector<16xi32>
        %add3A_420 = arith.addi %while3A_407, %select_n3A_419 : vector<16xi32>
        %neg3A = arith.constant 0.000000e+00 : f32
        %neg3A_421 = arith.subf %neg3A, %select_n3A : f32
        %lt3A = vector.broadcast %neg3A_421 : f32 to vector<16xf32>
        %lt3A_422 = arith.cmpf olt, %gather3A, %lt3A : vector<16xf32>
        %and3A_423 = arith.andi %gt3A_415, %lt3A_422 : vector<16xi1>
        %select_n3A_424 = arith.select %and3A_423, %broadcast_in_dim3A_384, %broadcast_in_dim3A_386 : vector<16xi1>, vector<16xi32>
        %add3A_425 = arith.addi %while3A_408, %select_n3A_424 : vector<16xi32>
        scf.yield %add3A_420, %add3A_425 : vector<16xi32>, vector<16xi32>
      }
      %reduce_sum3A_398 = arith.constant true
      %reduce_sum3A_399 = vector.broadcast %reduce_sum3A_398 : i1 to vector<16xi1>
      %reduce_sum3A_400 = tpu.scan <sum>, %while3A_397#0 masked %reduce_sum3A_399 : vector<16xi32>, vector<16xi1> -> vector<16xi32>
      %reduce_sum3A_401 = vector.extract %reduce_sum3A_400[15] : i32 from vector<16xi32>
      %reduce_sum3A_402 = arith.constant true
      %reduce_sum3A_403 = vector.broadcast %reduce_sum3A_402 : i1 to vector<16xi1>
      %reduce_sum3A_404 = tpu.scan <sum>, %while3A_397#1 masked %reduce_sum3A_403 : vector<16xi32>, vector<16xi1> -> vector<16xi32>
      %reduce_sum3A_405 = vector.extract %reduce_sum3A_404[15] : i32 from vector<16xi32>
      scf.yield %select_n3A, %shift_right_logical3A_374, %reduce_max3A_382, %reduce_sum3A_401, %reduce_sum3A_405 : f32, vector<16xi32>, i32, i32, i32
    }
    %broadcast_in_dim3A_222 = arith.constant -2147483648 : i32
    %broadcast_in_dim3A_223 = vector.broadcast %broadcast_in_dim3A_222 : i32 to vector<16xi32>
    %parallel_loop3A_224 = arith.constant 0 : i32
    %parallel_loop3A_225 = arith.constant 1 : i32
    %parallel_loop3A_226 = arith.constant 0 : i32
    %parallel_loop3A_227 = scf.for %parallel_loop3A_350 = %parallel_loop3A_224 to %while3A_221#2 step %parallel_loop3A_225 iter_args(%parallel_loop3A_351 = %parallel_loop3A_226) -> (i32)  : i32 {
      %parallel_loop3A_352 = arith.constant 16 : i32
      %parallel_loop3A_353 = arith.muli %parallel_loop3A_350, %parallel_loop3A_352 : i32
      %parallel_loop3A_354 = arith.index_cast %parallel_loop3A_353 : i32 to index
      %parallel_loop3A_355 = tpu.vector_load %arg5[%parallel_loop3A_354] {strides = array<i32>} : memref<32768xi32, #tpu.memory_space<vmem>>, vector<16xi32>,
      %parallel_loop3A_356 = arith.constant 32767 : i32
      %parallel_loop3A_357 = vector.broadcast %parallel_loop3A_356 : i32 to vector<16xi32>
      %parallel_loop3A_358 = arith.andi %parallel_loop3A_355, %parallel_loop3A_357 : vector<16xi32>
      %parallel_loop3A_359 = tpu.vector_load_idx %arg4[%parallel_loop3A_358] : memref<32768xf32, #tpu.memory_space<vmem>>[vector<16xi32>], vector<16xf32>,
      %parallel_loop3A_360 = vector.bitcast %parallel_loop3A_359 : vector<16xf32> to vector<16xi32>
      %parallel_loop3A_361 = arith.constant 0 : i32
      %parallel_loop3A_362 = vector.broadcast %parallel_loop3A_361 : i32 to vector<16xi32>
      %parallel_loop3A_363 = arith.cmpi slt, %parallel_loop3A_360, %parallel_loop3A_362 : vector<16xi32>
      %parallel_loop3A_364 = arith.constant -2147483648 : i32
      %parallel_loop3A_365 = vector.broadcast %parallel_loop3A_364 : i32 to vector<16xi32>
      %parallel_loop3A_366 = arith.subi %parallel_loop3A_365, %parallel_loop3A_360 : vector<16xi32>
      %parallel_loop3A_367 = arith.select %parallel_loop3A_363, %parallel_loop3A_366, %parallel_loop3A_360 : vector<16xi1>, vector<16xi32>
      %parallel_loop3A_368 = vector.broadcast %parallel_loop3A_350 : i32 to vector<16xi32>
      %parallel_loop3A_369 = arith.cmpi sgt, %while3A_221#1, %parallel_loop3A_368 : vector<16xi32>
      %parallel_loop3A_370 = arith.select %parallel_loop3A_369, %parallel_loop3A_367, %broadcast_in_dim3A_223 : vector<16xi1>, vector<16xi32>
      %parallel_loop3A_371 = arith.constant 16 : i32
      %parallel_loop3A_372 = arith.muli %parallel_loop3A_350, %parallel_loop3A_371 : i32
      %parallel_loop3A_373 = arith.index_cast %parallel_loop3A_372 : i32 to index
      %parallel_loop3A_374 = tpu.vector_load %arg6[%parallel_loop3A_373] {strides = array<i32>} : memref<32768xi32, #tpu.memory_space<vmem>>, vector<16xi32>,
      tpu.vector_store %arg6[%parallel_loop3A_373], %parallel_loop3A_370 {strides = array<i32>} : memref<32768xi32, #tpu.memory_space<vmem>>, vector<16xi32>,
      scf.yield %parallel_loop3A_351 : i32
    } {sc.loop_unroll_factor = 4 : i64, sc.parallel_access}
    %mul3A_228 = arith.constant 16 : i32
    %mul3A_229 = arith.muli %while3A_221#2, %mul3A_228 : i32
    %reduce_sum3A_230 = arith.constant true
    %reduce_sum3A_231 = vector.broadcast %reduce_sum3A_230 : i1 to vector<16xi1>
    %reduce_sum3A_232 = tpu.scan <sum>, %while3A_221#1 masked %reduce_sum3A_231 : vector<16xi32>, vector<16xi1> -> vector<16xi32>
    %reduce_sum3A_233 = vector.extract %reduce_sum3A_232[15] : i32 from vector<16xi32>
    %sub3A_234 = arith.subi %mul3A_229, %reduce_sum3A_233 : i32
    %broadcast_in_dim3A_235 = arith.constant 1 : i32
    %broadcast_in_dim3A_236 = vector.broadcast %broadcast_in_dim3A_235 : i32 to vector<16xi32>
    %broadcast_in_dim3A_237 = arith.constant 0 : i32
    %broadcast_in_dim3A_238 = vector.broadcast %broadcast_in_dim3A_237 : i32 to vector<16xi32>
    %scan3A_239 = arith.constant -2147483648 : i32
    %scan3A_240 = arith.constant -2147483648 : i32
    %scan3A_241 = arith.constant 0 : i32
    %scan3A_242 = arith.constant 32 : i32
    %scan3A_243 = arith.addi %scan3A_241, %scan3A_242 : i32
    %scan3A_244 = arith.constant 1 : i32
    %scan3A_245:2 = scf.for %scan3A_350 = %scan3A_241 to %scan3A_243 step %scan3A_244 iter_args(%scan3A_351 = %scan3A_239, %scan3A_352 = %scan3A_240) -> (i32, i32)  : i32 {
      %sub3A_353 = arith.constant 31 : i32
      %sub3A_354 = arith.subi %sub3A_353, %scan3A_350 : i32
      %shift_left3A = arith.constant 1 : i32
      %shift_left3A_355 = arith.shli %shift_left3A, %sub3A_354 : i32
      %add3A_356 = arith.addi %scan3A_351, %shift_left3A_355 : i32
      %add3A_357 = arith.addi %scan3A_352, %shift_left3A_355 : i32
      %parallel_loop3A_358 = arith.constant 0 : i32
      %parallel_loop3A_359 = arith.constant 1 : i32
      %parallel_loop3A_360:2 = scf.for %parallel_loop3A_374 = %parallel_loop3A_358 to %while3A_221#2 step %parallel_loop3A_359 iter_args(%parallel_loop3A_375 = %broadcast_in_dim3A_238, %parallel_loop3A_376 = %broadcast_in_dim3A_238) -> (vector<16xi32>, vector<16xi32>)  : i32 {
        %parallel_loop3A_377 = arith.constant 16 : i32
        %parallel_loop3A_378 = arith.muli %parallel_loop3A_374, %parallel_loop3A_377 : i32
        %parallel_loop3A_379 = arith.index_cast %parallel_loop3A_378 : i32 to index
        %parallel_loop3A_380 = tpu.vector_load %arg6[%parallel_loop3A_379] {strides = array<i32>} : memref<32768xi32, #tpu.memory_space<vmem>>, vector<16xi32>,
        %parallel_loop3A_381 = vector.broadcast %add3A_356 : i32 to vector<16xi32>
        %parallel_loop3A_382 = arith.cmpi sgt, %parallel_loop3A_380, %parallel_loop3A_381 : vector<16xi32>
        %parallel_loop3A_383 = arith.select %parallel_loop3A_382, %broadcast_in_dim3A_236, %broadcast_in_dim3A_238 : vector<16xi1>, vector<16xi32>
        %parallel_loop3A_384 = arith.addi %parallel_loop3A_375, %parallel_loop3A_383 : vector<16xi32>
        %parallel_loop3A_385 = arith.constant dense<-1> : vector<16xi32>
        %parallel_loop3A_386 = arith.xori %parallel_loop3A_380, %parallel_loop3A_385 : vector<16xi32>
        %parallel_loop3A_387 = vector.broadcast %add3A_357 : i32 to vector<16xi32>
        %parallel_loop3A_388 = arith.cmpi sgt, %parallel_loop3A_386, %parallel_loop3A_387 : vector<16xi32>
        %parallel_loop3A_389 = arith.select %parallel_loop3A_388, %broadcast_in_dim3A_236, %broadcast_in_dim3A_238 : vector<16xi1>, vector<16xi32>
        %parallel_loop3A_390 = arith.addi %parallel_loop3A_376, %parallel_loop3A_389 : vector<16xi32>
        scf.yield %parallel_loop3A_384, %parallel_loop3A_390 : vector<16xi32>, vector<16xi32>
      } {sc.loop_unroll_factor = 4 : i64, sc.parallel_access}
      %reduce_sum3A_361 = arith.constant true
      %reduce_sum3A_362 = vector.broadcast %reduce_sum3A_361 : i1 to vector<16xi1>
      %reduce_sum3A_363 = tpu.scan <sum>, %parallel_loop3A_360#0 masked %reduce_sum3A_362 : vector<16xi32>, vector<16xi1> -> vector<16xi32>
      %reduce_sum3A_364 = vector.extract %reduce_sum3A_363[15] : i32 from vector<16xi32>
      %ge3A = arith.constant 64 : i32
      %ge3A_365 = arith.cmpi sge, %reduce_sum3A_364, %ge3A : i32
      %select_n3A = arith.select %ge3A_365, %add3A_356, %scan3A_351 : i32
      %reduce_sum3A_366 = arith.constant true
      %reduce_sum3A_367 = vector.broadcast %reduce_sum3A_366 : i1 to vector<16xi1>
      %reduce_sum3A_368 = tpu.scan <sum>, %parallel_loop3A_360#1 masked %reduce_sum3A_367 : vector<16xi32>, vector<16xi1> -> vector<16xi32>
      %reduce_sum3A_369 = vector.extract %reduce_sum3A_368[15] : i32 from vector<16xi32>
      %sub3A_370 = arith.subi %reduce_sum3A_369, %sub3A_234 : i32
      %ge3A_371 = arith.constant 64 : i32
      %ge3A_372 = arith.cmpi sge, %sub3A_370, %ge3A_371 : i32
      %select_n3A_373 = arith.select %ge3A_372, %add3A_357, %scan3A_352 : i32
      scf.yield %select_n3A, %select_n3A_373 : i32, i32
    }
    %scan3A_246 = arith.constant 32 : i32
    %broadcast_in_dim3A_247 = arith.constant 0.000000e+00 : f32
    %broadcast_in_dim3A_248 = vector.broadcast %broadcast_in_dim3A_247 : f32 to vector<16xf32>
    %while3A_249 = arith.constant 0 : i32
    %while3A_250 = arith.constant 0 : i32
    %while3A_251 = arith.subi %while3A_221#2, %while3A_249 : i32
    %while3A_252 = arith.addi %while3A_249, %while3A_251 : i32
    %while3A_253 = arith.constant 1 : i32
    %while3A_254 = arith.divsi %while3A_251, %while3A_253 : i32
    %while3A_255 = arith.muli %while3A_254, %while3A_253 : i32
    %while3A_256 = arith.addi %while3A_249, %while3A_255 : i32
    %while3A_257 = arith.constant 1 : i32
    %while3A_258 = scf.for %while3A_350 = %while3A_249 to %while3A_256 step %while3A_257 iter_args(%while3A_351 = %while3A_250) -> (i32)  : i32 {
      %mul3A_352 = arith.constant 16 : i32
      %mul3A_353 = arith.muli %while3A_350, %mul3A_352 : i32
      %get3A = arith.index_cast %mul3A_353 : i32 to index
      %get3A_354 = tpu.vector_load %arg6[%get3A] {strides = array<i32>} : memref<32768xi32, #tpu.memory_space<vmem>>, vector<16xi32>,
      %mul3A_355 = arith.constant 16 : i32
      %mul3A_356 = arith.muli %while3A_350, %mul3A_355 : i32
      %get3A_357 = arith.index_cast %mul3A_356 : i32 to index
      %get3A_358 = tpu.vector_load %arg5[%get3A_357] {strides = array<i32>} : memref<32768xi32, #tpu.memory_space<vmem>>, vector<16xi32>,
      %and3A = arith.constant 32767 : i32
      %and3A_359 = vector.broadcast %and3A : i32 to vector<16xi32>
      %and3A_360 = arith.andi %get3A_358, %and3A_359 : vector<16xi32>
      %gt3A = vector.broadcast %scan3A_245#0 : i32 to vector<16xi32>
      %gt3A_361 = arith.cmpi sgt, %get3A_354, %gt3A : vector<16xi32>
      %not3A = arith.constant dense<-1> : vector<16xi32>
      %not3A_362 = arith.xori %get3A_354, %not3A : vector<16xi32>
      %gt3A_363 = vector.broadcast %scan3A_245#1 : i32 to vector<16xi32>
      %gt3A_364 = arith.cmpi sgt, %not3A_362, %gt3A_363 : vector<16xi32>
      %or3A = arith.ori %gt3A_361, %gt3A_364 : vector<16xi1>
      %gt3A_365 = vector.broadcast %while3A_350 : i32 to vector<16xi32>
      %gt3A_366 = arith.cmpi sgt, %while3A_221#1, %gt3A_365 : vector<16xi32>
      %and3A_367 = arith.andi %or3A, %gt3A_366 : vector<16xi1>
      tpu.vector_store_idx %arg4[%and3A_360], %broadcast_in_dim3A_248 masked %and3A_367 : memref<32768xf32, #tpu.memory_space<vmem>>[vector<16xi32>], vector<16xf32>, vector<16xi1>
      %while3A_368 = arith.constant 0 : i32
      scf.yield %while3A_368 : i32
    }
    %while3A_259 = arith.constant 1 : i32
    %while3A_260 = scf.for %while3A_350 = %while3A_256 to %while3A_252 step %while3A_259 iter_args(%while3A_351 = %while3A_258) -> (i32)  : i32 {
      %mul3A_352 = arith.constant 16 : i32
      %mul3A_353 = arith.muli %while3A_350, %mul3A_352 : i32
      %get3A = arith.index_cast %mul3A_353 : i32 to index
      %get3A_354 = tpu.vector_load %arg6[%get3A] {strides = array<i32>} : memref<32768xi32, #tpu.memory_space<vmem>>, vector<16xi32>,
      %mul3A_355 = arith.constant 16 : i32
      %mul3A_356 = arith.muli %while3A_350, %mul3A_355 : i32
      %get3A_357 = arith.index_cast %mul3A_356 : i32 to index
      %get3A_358 = tpu.vector_load %arg5[%get3A_357] {strides = array<i32>} : memref<32768xi32, #tpu.memory_space<vmem>>, vector<16xi32>,
      %and3A = arith.constant 32767 : i32
      %and3A_359 = vector.broadcast %and3A : i32 to vector<16xi32>
      %and3A_360 = arith.andi %get3A_358, %and3A_359 : vector<16xi32>
      %gt3A = vector.broadcast %scan3A_245#0 : i32 to vector<16xi32>
      %gt3A_361 = arith.cmpi sgt, %get3A_354, %gt3A : vector<16xi32>
      %not3A = arith.constant dense<-1> : vector<16xi32>
      %not3A_362 = arith.xori %get3A_354, %not3A : vector<16xi32>
      %gt3A_363 = vector.broadcast %scan3A_245#1 : i32 to vector<16xi32>
      %gt3A_364 = arith.cmpi sgt, %not3A_362, %gt3A_363 : vector<16xi32>
      %or3A = arith.ori %gt3A_361, %gt3A_364 : vector<16xi1>
      %gt3A_365 = vector.broadcast %while3A_350 : i32 to vector<16xi32>
      %gt3A_366 = arith.cmpi sgt, %while3A_221#1, %gt3A_365 : vector<16xi32>
      %and3A_367 = arith.andi %or3A, %gt3A_366 : vector<16xi1>
      tpu.vector_store_idx %arg4[%and3A_360], %broadcast_in_dim3A_248 masked %and3A_367 : memref<32768xf32, #tpu.memory_space<vmem>>[vector<16xi32>], vector<16xf32>, vector<16xi1>
      %while3A_368 = arith.constant 0 : i32
      scf.yield %while3A_368 : i32
    }
    "tpu.region"() ({
      %run_scoped3A = tpu.sem_alloc : memref<!tpu.dma_semaphore, #tpu.memory_space<semaphore_mem>>
      %dma_start3A = arith.constant 0 : i32
      %dma_start3A_350 = tpu.memref_slice %arg3[%add3A_173, %dma_start3A] : memref<128x32768xf32, #tpu.memory_space<hbm>> -> memref<1x32768xf32, #tpu.memory_space<hbm>>
      %dma_start3A_351 = tpu.memref_squeeze %dma_start3A_350 : memref<1x32768xf32, #tpu.memory_space<hbm>> -> memref<32768xf32, #tpu.memory_space<hbm>>
      %dma_start3A_352 = arith.constant 0 : i32
      %dma_start3A_353 = tpu.memref_slice %arg3[%add3A_173, %dma_start3A_352] : memref<128x32768xf32, #tpu.memory_space<hbm>> -> memref<1x32768xf32, #tpu.memory_space<hbm>>
      %dma_start3A_354 = tpu.memref_squeeze %dma_start3A_353 : memref<1x32768xf32, #tpu.memory_space<hbm>> -> memref<32768xf32, #tpu.memory_space<hbm>>
      tpu.enqueue_dma source(%arg4 : memref<32768xf32, #tpu.memory_space<vmem>>) target(%dma_start3A_354 : memref<32768xf32, #tpu.memory_space<hbm>>) target_semaphore(%run_scoped3A : memref<!tpu.dma_semaphore, #tpu.memory_space<semaphore_mem>>)
      %dma_wait3A = arith.constant 0 : i32
      %dma_wait3A_355 = tpu.memref_slice %arg3[%add3A_173, %dma_wait3A] : memref<128x32768xf32, #tpu.memory_space<hbm>> -> memref<1x32768xf32, #tpu.memory_space<hbm>>
      %dma_wait3A_356 = tpu.memref_squeeze %dma_wait3A_355 : memref<1x32768xf32, #tpu.memory_space<hbm>> -> memref<32768xf32, #tpu.memory_space<hbm>>
      %dma_wait3A_357 = arith.constant 0 : i32
      %dma_wait3A_358 = tpu.memref_slice %arg3[%add3A_173, %dma_wait3A_357] : memref<128x32768xf32, #tpu.memory_space<hbm>> -> memref<1x32768xf32, #tpu.memory_space<hbm>>
      %dma_wait3A_359 = tpu.memref_squeeze %dma_wait3A_358 : memref<1x32768xf32, #tpu.memory_space<hbm>> -> memref<32768xf32, #tpu.memory_space<hbm>>
      tpu.wait_dma2 semaphore(%run_scoped3A : memref<!tpu.dma_semaphore, #tpu.memory_space<semaphore_mem>>) src(%arg4 : memref<32768xf32, #tpu.memory_space<vmem>>) dst(%dma_wait3A_359 : memref<32768xf32, #tpu.memory_space<hbm>>)
      tpu.yield
    }) : () -> ()
    %add3A_261 = arith.constant 3 : i32
    %add3A_262 = arith.addi %mul3A_2, %add3A_261 : i32
    "tpu.region"() ({
      %run_scoped3A = tpu.sem_alloc : memref<!tpu.dma_semaphore, #tpu.memory_space<semaphore_mem>>
      %dma_start3A = arith.constant 0 : i32
      %dma_start3A_350 = tpu.memref_slice %arg2[%add3A_262, %dma_start3A] : memref<128x32768xf32, #tpu.memory_space<hbm>> -> memref<1x32768xf32, #tpu.memory_space<hbm>>
      %dma_start3A_351 = tpu.memref_squeeze %dma_start3A_350 : memref<1x32768xf32, #tpu.memory_space<hbm>> -> memref<32768xf32, #tpu.memory_space<hbm>>
      %dma_start3A_352 = arith.constant 0 : i32
      %dma_start3A_353 = tpu.memref_slice %arg2[%add3A_262, %dma_start3A_352] : memref<128x32768xf32, #tpu.memory_space<hbm>> -> memref<1x32768xf32, #tpu.memory_space<hbm>>
      %dma_start3A_354 = tpu.memref_squeeze %dma_start3A_353 : memref<1x32768xf32, #tpu.memory_space<hbm>> -> memref<32768xf32, #tpu.memory_space<hbm>>
      tpu.enqueue_dma source(%dma_start3A_354 : memref<32768xf32, #tpu.memory_space<hbm>>) target(%arg4 : memref<32768xf32, #tpu.memory_space<vmem>>) target_semaphore(%run_scoped3A : memref<!tpu.dma_semaphore, #tpu.memory_space<semaphore_mem>>)
      %dma_wait3A = arith.constant 0 : i32
      %dma_wait3A_355 = tpu.memref_slice %arg2[%add3A_262, %dma_wait3A] : memref<128x32768xf32, #tpu.memory_space<hbm>> -> memref<1x32768xf32, #tpu.memory_space<hbm>>
      %dma_wait3A_356 = tpu.memref_squeeze %dma_wait3A_355 : memref<1x32768xf32, #tpu.memory_space<hbm>> -> memref<32768xf32, #tpu.memory_space<hbm>>
      %dma_wait3A_357 = arith.constant 0 : i32
      %dma_wait3A_358 = tpu.memref_slice %arg2[%add3A_262, %dma_wait3A_357] : memref<128x32768xf32, #tpu.memory_space<hbm>> -> memref<1x32768xf32, #tpu.memory_space<hbm>>
      %dma_wait3A_359 = tpu.memref_squeeze %dma_wait3A_358 : memref<1x32768xf32, #tpu.memory_space<hbm>> -> memref<32768xf32, #tpu.memory_space<hbm>>
      tpu.wait_dma2 semaphore(%run_scoped3A : memref<!tpu.dma_semaphore, #tpu.memory_space<semaphore_mem>>) src(%dma_wait3A_359 : memref<32768xf32, #tpu.memory_space<hbm>>) dst(%arg4 : memref<32768xf32, #tpu.memory_space<vmem>>)
      tpu.yield
    }) : () -> ()
    %iota3A_263 = tpu.iota {dimensions = array<i32: 0>} : vector<16xi32>
    %broadcast_in_dim3A_264 = arith.constant 16 : i32
    %broadcast_in_dim3A_265 = vector.broadcast %broadcast_in_dim3A_264 : i32 to vector<16xi32>
    %broadcast_in_dim3A_266 = arith.constant 0 : i32
    %broadcast_in_dim3A_267 = vector.broadcast %broadcast_in_dim3A_266 : i32 to vector<16xi32>
    %parallel_loop3A_268 = arith.constant 0 : i32
    %parallel_loop3A_269 = arith.constant 2048 : i32
    %parallel_loop3A_270 = arith.constant 1 : i32
    %parallel_loop3A_271 = arith.constant 2.600000e+00 : f32
    %parallel_loop3A_272 = scf.for %parallel_loop3A_350 = %parallel_loop3A_268 to %parallel_loop3A_269 step %parallel_loop3A_270 iter_args(%parallel_loop3A_351 = %iota3A_263) -> (vector<16xi32>)  : i32 {
      %parallel_loop3A_352 = arith.constant 16 : i32
      %parallel_loop3A_353 = arith.muli %parallel_loop3A_350, %parallel_loop3A_352 : i32
      %parallel_loop3A_354 = arith.index_cast %parallel_loop3A_353 : i32 to index
      %parallel_loop3A_355 = tpu.vector_load %arg4[%parallel_loop3A_354] {strides = array<i32>} : memref<32768xf32, #tpu.memory_space<vmem>>, vector<16xf32>,
      %parallel_loop3A_356 = math.absf %parallel_loop3A_355 : vector<16xf32>
      %parallel_loop3A_357 = vector.broadcast %parallel_loop3A_271 : f32 to vector<16xf32>
      %parallel_loop3A_358 = arith.cmpf ogt, %parallel_loop3A_356, %parallel_loop3A_357 : vector<16xf32>
      %parallel_loop3A_359 = vector.broadcast %parallel_loop3A_353 : i32 to vector<16xi32>
      %parallel_loop3A_360 = arith.addi %iota3A_263, %parallel_loop3A_359 : vector<16xi32>
      tpu.vector_store_idx %arg5[%parallel_loop3A_351], %parallel_loop3A_360 masked %parallel_loop3A_358 : memref<32768xi32, #tpu.memory_space<vmem>>[vector<16xi32>], vector<16xi32>, vector<16xi1>
      %parallel_loop3A_361 = arith.select %parallel_loop3A_358, %broadcast_in_dim3A_265, %broadcast_in_dim3A_267 : vector<16xi1>, vector<16xi32>
      %parallel_loop3A_362 = arith.addi %parallel_loop3A_351, %parallel_loop3A_361 : vector<16xi32>
      scf.yield %parallel_loop3A_362 : vector<16xi32>
    } {sc.loop_unroll_factor = 8 : i64, sc.parallel_access}
    %sub3A_273 = arith.subi %parallel_loop3A_272, %iota3A_263 : vector<16xi32>
    %shift_right_logical3A_274 = arith.constant 4 : i32
    %shift_right_logical3A_275 = vector.broadcast %shift_right_logical3A_274 : i32 to vector<16xi32>
    %shift_right_logical3A_276 = arith.shrui %sub3A_273, %shift_right_logical3A_275 : vector<16xi32>
    %reduce_max3A_277 = arith.constant true
    %reduce_max3A_278 = vector.broadcast %reduce_max3A_277 : i1 to vector<16xi1>
    %reduce_max3A_279 = arith.constant -2147483648 : i32
    %reduce_max3A_280 = vector.broadcast %reduce_max3A_279 : i32 to vector<16xi32>
    %reduce_max3A_281 = arith.xori %shift_right_logical3A_276, %reduce_max3A_280 : vector<16xi32>
    %reduce_max3A_282 = tpu.scan <max>, %reduce_max3A_281 masked %reduce_max3A_278 : vector<16xi32>, vector<16xi1> -> vector<16xi32>
    %reduce_max3A_283 = arith.xori %reduce_max3A_282, %reduce_max3A_280 : vector<16xi32>
    %reduce_max3A_284 = vector.extract %reduce_max3A_283[15] : i32 from vector<16xi32>
    %broadcast_in_dim3A_285 = arith.constant 1 : i32
    %broadcast_in_dim3A_286 = vector.broadcast %broadcast_in_dim3A_285 : i32 to vector<16xi32>
    %broadcast_in_dim3A_287 = arith.constant 0 : i32
    %broadcast_in_dim3A_288 = vector.broadcast %broadcast_in_dim3A_287 : i32 to vector<16xi32>
    %while3A_289 = arith.constant 2.600000e+00 : f32
    %while3A_290 = arith.constant 0 : i32
    %while3A_291 = arith.subi %reduce_max3A_284, %while3A_290 : i32
    %while3A_292 = arith.addi %while3A_290, %while3A_291 : i32
    %while3A_293 = arith.constant 1 : i32
    %while3A_294 = arith.divsi %while3A_291, %while3A_293 : i32
    %while3A_295 = arith.muli %while3A_294, %while3A_293 : i32
    %while3A_296 = arith.addi %while3A_290, %while3A_295 : i32
    %while3A_297 = arith.constant 1 : i32
    %while3A_298:2 = scf.for %while3A_350 = %while3A_290 to %while3A_296 step %while3A_297 iter_args(%while3A_351 = %broadcast_in_dim3A_288, %while3A_352 = %broadcast_in_dim3A_288) -> (vector<16xi32>, vector<16xi32>)  : i32 {
      %mul3A_353 = arith.constant 16 : i32
      %mul3A_354 = arith.muli %while3A_350, %mul3A_353 : i32
      %get3A = arith.index_cast %mul3A_354 : i32 to index
      %get3A_355 = tpu.vector_load %arg5[%get3A] {strides = array<i32>} : memref<32768xi32, #tpu.memory_space<vmem>>, vector<16xi32>,
      %and3A = arith.constant 32767 : i32
      %and3A_356 = vector.broadcast %and3A : i32 to vector<16xi32>
      %and3A_357 = arith.andi %get3A_355, %and3A_356 : vector<16xi32>
      %gather3A = tpu.vector_load_idx %arg4[%and3A_357] : memref<32768xf32, #tpu.memory_space<vmem>>[vector<16xi32>], vector<16xf32>,
      %gt3A = vector.broadcast %while3A_350 : i32 to vector<16xi32>
      %gt3A_358 = arith.cmpi sgt, %shift_right_logical3A_276, %gt3A : vector<16xi32>
      %gt3A_359 = vector.broadcast %while3A_289 : f32 to vector<16xf32>
      %gt3A_360 = arith.cmpf ogt, %gather3A, %gt3A_359 : vector<16xf32>
      %and3A_361 = arith.andi %gt3A_358, %gt3A_360 : vector<16xi1>
      %select_n3A = arith.select %and3A_361, %broadcast_in_dim3A_286, %broadcast_in_dim3A_288 : vector<16xi1>, vector<16xi32>
      %add3A_362 = arith.addi %while3A_351, %select_n3A : vector<16xi32>
      %neg3A = arith.constant 0.000000e+00 : f32
      %neg3A_363 = arith.subf %neg3A, %while3A_289 : f32
      %lt3A = vector.broadcast %neg3A_363 : f32 to vector<16xf32>
      %lt3A_364 = arith.cmpf olt, %gather3A, %lt3A : vector<16xf32>
      %and3A_365 = arith.andi %gt3A_358, %lt3A_364 : vector<16xi1>
      %select_n3A_366 = arith.select %and3A_365, %broadcast_in_dim3A_286, %broadcast_in_dim3A_288 : vector<16xi1>, vector<16xi32>
      %add3A_367 = arith.addi %while3A_352, %select_n3A_366 : vector<16xi32>
      scf.yield %add3A_362, %add3A_367 : vector<16xi32>, vector<16xi32>
    }
    %while3A_299 = arith.constant 1 : i32
    %while3A_300:2 = scf.for %while3A_350 = %while3A_296 to %while3A_292 step %while3A_299 iter_args(%while3A_351 = %while3A_298#0, %while3A_352 = %while3A_298#1) -> (vector<16xi32>, vector<16xi32>)  : i32 {
      %mul3A_353 = arith.constant 16 : i32
      %mul3A_354 = arith.muli %while3A_350, %mul3A_353 : i32
      %get3A = arith.index_cast %mul3A_354 : i32 to index
      %get3A_355 = tpu.vector_load %arg5[%get3A] {strides = array<i32>} : memref<32768xi32, #tpu.memory_space<vmem>>, vector<16xi32>,
      %and3A = arith.constant 32767 : i32
      %and3A_356 = vector.broadcast %and3A : i32 to vector<16xi32>
      %and3A_357 = arith.andi %get3A_355, %and3A_356 : vector<16xi32>
      %gather3A = tpu.vector_load_idx %arg4[%and3A_357] : memref<32768xf32, #tpu.memory_space<vmem>>[vector<16xi32>], vector<16xf32>,
      %gt3A = vector.broadcast %while3A_350 : i32 to vector<16xi32>
      %gt3A_358 = arith.cmpi sgt, %shift_right_logical3A_276, %gt3A : vector<16xi32>
      %gt3A_359 = vector.broadcast %while3A_289 : f32 to vector<16xf32>
      %gt3A_360 = arith.cmpf ogt, %gather3A, %gt3A_359 : vector<16xf32>
      %and3A_361 = arith.andi %gt3A_358, %gt3A_360 : vector<16xi1>
      %select_n3A = arith.select %and3A_361, %broadcast_in_dim3A_286, %broadcast_in_dim3A_288 : vector<16xi1>, vector<16xi32>
      %add3A_362 = arith.addi %while3A_351, %select_n3A : vector<16xi32>
      %neg3A = arith.constant 0.000000e+00 : f32
      %neg3A_363 = arith.subf %neg3A, %while3A_289 : f32
      %lt3A = vector.broadcast %neg3A_363 : f32 to vector<16xf32>
      %lt3A_364 = arith.cmpf olt, %gather3A, %lt3A : vector<16xf32>
      %and3A_365 = arith.andi %gt3A_358, %lt3A_364 : vector<16xi1>
      %select_n3A_366 = arith.select %and3A_365, %broadcast_in_dim3A_286, %broadcast_in_dim3A_288 : vector<16xi1>, vector<16xi32>
      %add3A_367 = arith.addi %while3A_352, %select_n3A_366 : vector<16xi32>
      scf.yield %add3A_362, %add3A_367 : vector<16xi32>, vector<16xi32>
    }
    %reduce_sum3A_301 = arith.constant true
    %reduce_sum3A_302 = vector.broadcast %reduce_sum3A_301 : i1 to vector<16xi1>
    %reduce_sum3A_303 = tpu.scan <sum>, %while3A_300#0 masked %reduce_sum3A_302 : vector<16xi32>, vector<16xi1> -> vector<16xi32>
    %reduce_sum3A_304 = vector.extract %reduce_sum3A_303[15] : i32 from vector<16xi32>
    %reduce_sum3A_305 = arith.constant true
    %reduce_sum3A_306 = vector.broadcast %reduce_sum3A_305 : i1 to vector<16xi1>
    %reduce_sum3A_307 = tpu.scan <sum>, %while3A_300#1 masked %reduce_sum3A_306 : vector<16xi32>, vector<16xi1> -> vector<16xi32>
    %reduce_sum3A_308 = vector.extract %reduce_sum3A_307[15] : i32 from vector<16xi32>
    %while3A_309 = arith.constant 2.600000e+00 : f32
    %while3A_310:5 = scf.while (%while3A_350 = %while3A_309, %while3A_351 = %shift_right_logical3A_276, %while3A_352 = %reduce_max3A_284, %while3A_353 = %reduce_sum3A_304, %while3A_354 = %reduce_sum3A_308) : (f32, vector<16xi32>, i32, i32, i32) -> (f32, vector<16xi32>, i32, i32, i32) {
      %lt3A = arith.constant 64 : i32
      %lt3A_355 = arith.cmpi slt, %while3A_353, %lt3A : i32
      %lt3A_356 = arith.constant 64 : i32
      %lt3A_357 = arith.cmpi slt, %while3A_354, %lt3A_356 : i32
      %or3A = arith.ori %lt3A_355, %lt3A_357 : i1
      scf.condition(%or3A) %while3A_350, %while3A_351, %while3A_352, %while3A_353, %while3A_354 : f32, vector<16xi32>, i32, i32, i32
    } do {
    ^bb0(%while3A_350: f32, %while3A_351: vector<16xi32>, %while3A_352: i32, %while3A_353: i32, %while3A_354: i32):
      %gt3A = arith.constant 0.000000e+00 : f32
      %gt3A_355 = arith.cmpf ogt, %while3A_350, %gt3A : f32
      %sub3A_356 = arith.constant 1.000000e+00 : f32
      %sub3A_357 = arith.subf %while3A_350, %sub3A_356 : f32
      %mul3A_358 = arith.constant 2.000000e+00 : f32
      %mul3A_359 = arith.mulf %while3A_350, %mul3A_358 : f32
      %sub3A_360 = arith.constant 1.000000e+00 : f32
      %sub3A_361 = arith.subf %mul3A_359, %sub3A_360 : f32
      %select_n3A = arith.select %gt3A_355, %sub3A_357, %sub3A_361 : f32
      %iota3A_362 = tpu.iota {dimensions = array<i32: 0>} : vector<16xi32>
      %broadcast_in_dim3A_363 = arith.constant 16 : i32
      %broadcast_in_dim3A_364 = vector.broadcast %broadcast_in_dim3A_363 : i32 to vector<16xi32>
      %broadcast_in_dim3A_365 = arith.constant 0 : i32
      %broadcast_in_dim3A_366 = vector.broadcast %broadcast_in_dim3A_365 : i32 to vector<16xi32>
      %parallel_loop3A_367 = arith.constant 0 : i32
      %parallel_loop3A_368 = arith.constant 2048 : i32
      %parallel_loop3A_369 = arith.constant 1 : i32
      %parallel_loop3A_370 = scf.for %parallel_loop3A_406 = %parallel_loop3A_367 to %parallel_loop3A_368 step %parallel_loop3A_369 iter_args(%parallel_loop3A_407 = %iota3A_362) -> (vector<16xi32>)  : i32 {
        %parallel_loop3A_408 = arith.constant 16 : i32
        %parallel_loop3A_409 = arith.muli %parallel_loop3A_406, %parallel_loop3A_408 : i32
        %parallel_loop3A_410 = arith.index_cast %parallel_loop3A_409 : i32 to index
        %parallel_loop3A_411 = tpu.vector_load %arg4[%parallel_loop3A_410] {strides = array<i32>} : memref<32768xf32, #tpu.memory_space<vmem>>, vector<16xf32>,
        %parallel_loop3A_412 = math.absf %parallel_loop3A_411 : vector<16xf32>
        %parallel_loop3A_413 = vector.broadcast %select_n3A : f32 to vector<16xf32>
        %parallel_loop3A_414 = arith.cmpf ogt, %parallel_loop3A_412, %parallel_loop3A_413 : vector<16xf32>
        %parallel_loop3A_415 = vector.broadcast %parallel_loop3A_409 : i32 to vector<16xi32>
        %parallel_loop3A_416 = arith.addi %iota3A_362, %parallel_loop3A_415 : vector<16xi32>
        tpu.vector_store_idx %arg5[%parallel_loop3A_407], %parallel_loop3A_416 masked %parallel_loop3A_414 : memref<32768xi32, #tpu.memory_space<vmem>>[vector<16xi32>], vector<16xi32>, vector<16xi1>
        %parallel_loop3A_417 = arith.select %parallel_loop3A_414, %broadcast_in_dim3A_364, %broadcast_in_dim3A_366 : vector<16xi1>, vector<16xi32>
        %parallel_loop3A_418 = arith.addi %parallel_loop3A_407, %parallel_loop3A_417 : vector<16xi32>
        scf.yield %parallel_loop3A_418 : vector<16xi32>
      } {sc.loop_unroll_factor = 8 : i64, sc.parallel_access}
      %sub3A_371 = arith.subi %parallel_loop3A_370, %iota3A_362 : vector<16xi32>
      %shift_right_logical3A_372 = arith.constant 4 : i32
      %shift_right_logical3A_373 = vector.broadcast %shift_right_logical3A_372 : i32 to vector<16xi32>
      %shift_right_logical3A_374 = arith.shrui %sub3A_371, %shift_right_logical3A_373 : vector<16xi32>
      %reduce_max3A_375 = arith.constant true
      %reduce_max3A_376 = vector.broadcast %reduce_max3A_375 : i1 to vector<16xi1>
      %reduce_max3A_377 = arith.constant -2147483648 : i32
      %reduce_max3A_378 = vector.broadcast %reduce_max3A_377 : i32 to vector<16xi32>
      %reduce_max3A_379 = arith.xori %shift_right_logical3A_374, %reduce_max3A_378 : vector<16xi32>
      %reduce_max3A_380 = tpu.scan <max>, %reduce_max3A_379 masked %reduce_max3A_376 : vector<16xi32>, vector<16xi1> -> vector<16xi32>
      %reduce_max3A_381 = arith.xori %reduce_max3A_380, %reduce_max3A_378 : vector<16xi32>
      %reduce_max3A_382 = vector.extract %reduce_max3A_381[15] : i32 from vector<16xi32>
      %broadcast_in_dim3A_383 = arith.constant 1 : i32
      %broadcast_in_dim3A_384 = vector.broadcast %broadcast_in_dim3A_383 : i32 to vector<16xi32>
      %broadcast_in_dim3A_385 = arith.constant 0 : i32
      %broadcast_in_dim3A_386 = vector.broadcast %broadcast_in_dim3A_385 : i32 to vector<16xi32>
      %while3A_387 = arith.constant 0 : i32
      %while3A_388 = arith.subi %reduce_max3A_382, %while3A_387 : i32
      %while3A_389 = arith.addi %while3A_387, %while3A_388 : i32
      %while3A_390 = arith.constant 1 : i32
      %while3A_391 = arith.divsi %while3A_388, %while3A_390 : i32
      %while3A_392 = arith.muli %while3A_391, %while3A_390 : i32
      %while3A_393 = arith.addi %while3A_387, %while3A_392 : i32
      %while3A_394 = arith.constant 1 : i32
      %while3A_395:2 = scf.for %while3A_406 = %while3A_387 to %while3A_393 step %while3A_394 iter_args(%while3A_407 = %broadcast_in_dim3A_386, %while3A_408 = %broadcast_in_dim3A_386) -> (vector<16xi32>, vector<16xi32>)  : i32 {
        %mul3A_409 = arith.constant 16 : i32
        %mul3A_410 = arith.muli %while3A_406, %mul3A_409 : i32
        %get3A = arith.index_cast %mul3A_410 : i32 to index
        %get3A_411 = tpu.vector_load %arg5[%get3A] {strides = array<i32>} : memref<32768xi32, #tpu.memory_space<vmem>>, vector<16xi32>,
        %and3A = arith.constant 32767 : i32
        %and3A_412 = vector.broadcast %and3A : i32 to vector<16xi32>
        %and3A_413 = arith.andi %get3A_411, %and3A_412 : vector<16xi32>
        %gather3A = tpu.vector_load_idx %arg4[%and3A_413] : memref<32768xf32, #tpu.memory_space<vmem>>[vector<16xi32>], vector<16xf32>,
        %gt3A_414 = vector.broadcast %while3A_406 : i32 to vector<16xi32>
        %gt3A_415 = arith.cmpi sgt, %shift_right_logical3A_374, %gt3A_414 : vector<16xi32>
        %gt3A_416 = vector.broadcast %select_n3A : f32 to vector<16xf32>
        %gt3A_417 = arith.cmpf ogt, %gather3A, %gt3A_416 : vector<16xf32>
        %and3A_418 = arith.andi %gt3A_415, %gt3A_417 : vector<16xi1>
        %select_n3A_419 = arith.select %and3A_418, %broadcast_in_dim3A_384, %broadcast_in_dim3A_386 : vector<16xi1>, vector<16xi32>
        %add3A_420 = arith.addi %while3A_407, %select_n3A_419 : vector<16xi32>
        %neg3A = arith.constant 0.000000e+00 : f32
        %neg3A_421 = arith.subf %neg3A, %select_n3A : f32
        %lt3A = vector.broadcast %neg3A_421 : f32 to vector<16xf32>
        %lt3A_422 = arith.cmpf olt, %gather3A, %lt3A : vector<16xf32>
        %and3A_423 = arith.andi %gt3A_415, %lt3A_422 : vector<16xi1>
        %select_n3A_424 = arith.select %and3A_423, %broadcast_in_dim3A_384, %broadcast_in_dim3A_386 : vector<16xi1>, vector<16xi32>
        %add3A_425 = arith.addi %while3A_408, %select_n3A_424 : vector<16xi32>
        scf.yield %add3A_420, %add3A_425 : vector<16xi32>, vector<16xi32>
      }
      %while3A_396 = arith.constant 1 : i32
      %while3A_397:2 = scf.for %while3A_406 = %while3A_393 to %while3A_389 step %while3A_396 iter_args(%while3A_407 = %while3A_395#0, %while3A_408 = %while3A_395#1) -> (vector<16xi32>, vector<16xi32>)  : i32 {
        %mul3A_409 = arith.constant 16 : i32
        %mul3A_410 = arith.muli %while3A_406, %mul3A_409 : i32
        %get3A = arith.index_cast %mul3A_410 : i32 to index
        %get3A_411 = tpu.vector_load %arg5[%get3A] {strides = array<i32>} : memref<32768xi32, #tpu.memory_space<vmem>>, vector<16xi32>,
        %and3A = arith.constant 32767 : i32
        %and3A_412 = vector.broadcast %and3A : i32 to vector<16xi32>
        %and3A_413 = arith.andi %get3A_411, %and3A_412 : vector<16xi32>
        %gather3A = tpu.vector_load_idx %arg4[%and3A_413] : memref<32768xf32, #tpu.memory_space<vmem>>[vector<16xi32>], vector<16xf32>,
        %gt3A_414 = vector.broadcast %while3A_406 : i32 to vector<16xi32>
        %gt3A_415 = arith.cmpi sgt, %shift_right_logical3A_374, %gt3A_414 : vector<16xi32>
        %gt3A_416 = vector.broadcast %select_n3A : f32 to vector<16xf32>
        %gt3A_417 = arith.cmpf ogt, %gather3A, %gt3A_416 : vector<16xf32>
        %and3A_418 = arith.andi %gt3A_415, %gt3A_417 : vector<16xi1>
        %select_n3A_419 = arith.select %and3A_418, %broadcast_in_dim3A_384, %broadcast_in_dim3A_386 : vector<16xi1>, vector<16xi32>
        %add3A_420 = arith.addi %while3A_407, %select_n3A_419 : vector<16xi32>
        %neg3A = arith.constant 0.000000e+00 : f32
        %neg3A_421 = arith.subf %neg3A, %select_n3A : f32
        %lt3A = vector.broadcast %neg3A_421 : f32 to vector<16xf32>
        %lt3A_422 = arith.cmpf olt, %gather3A, %lt3A : vector<16xf32>
        %and3A_423 = arith.andi %gt3A_415, %lt3A_422 : vector<16xi1>
        %select_n3A_424 = arith.select %and3A_423, %broadcast_in_dim3A_384, %broadcast_in_dim3A_386 : vector<16xi1>, vector<16xi32>
        %add3A_425 = arith.addi %while3A_408, %select_n3A_424 : vector<16xi32>
        scf.yield %add3A_420, %add3A_425 : vector<16xi32>, vector<16xi32>
      }
      %reduce_sum3A_398 = arith.constant true
      %reduce_sum3A_399 = vector.broadcast %reduce_sum3A_398 : i1 to vector<16xi1>
      %reduce_sum3A_400 = tpu.scan <sum>, %while3A_397#0 masked %reduce_sum3A_399 : vector<16xi32>, vector<16xi1> -> vector<16xi32>
      %reduce_sum3A_401 = vector.extract %reduce_sum3A_400[15] : i32 from vector<16xi32>
      %reduce_sum3A_402 = arith.constant true
      %reduce_sum3A_403 = vector.broadcast %reduce_sum3A_402 : i1 to vector<16xi1>
      %reduce_sum3A_404 = tpu.scan <sum>, %while3A_397#1 masked %reduce_sum3A_403 : vector<16xi32>, vector<16xi1> -> vector<16xi32>
      %reduce_sum3A_405 = vector.extract %reduce_sum3A_404[15] : i32 from vector<16xi32>
      scf.yield %select_n3A, %shift_right_logical3A_374, %reduce_max3A_382, %reduce_sum3A_401, %reduce_sum3A_405 : f32, vector<16xi32>, i32, i32, i32
    }
    %broadcast_in_dim3A_311 = arith.constant -2147483648 : i32
    %broadcast_in_dim3A_312 = vector.broadcast %broadcast_in_dim3A_311 : i32 to vector<16xi32>
    %parallel_loop3A_313 = arith.constant 0 : i32
    %parallel_loop3A_314 = arith.constant 1 : i32
    %parallel_loop3A_315 = arith.constant 0 : i32
    %parallel_loop3A_316 = scf.for %parallel_loop3A_350 = %parallel_loop3A_313 to %while3A_310#2 step %parallel_loop3A_314 iter_args(%parallel_loop3A_351 = %parallel_loop3A_315) -> (i32)  : i32 {
      %parallel_loop3A_352 = arith.constant 16 : i32
      %parallel_loop3A_353 = arith.muli %parallel_loop3A_350, %parallel_loop3A_352 : i32
      %parallel_loop3A_354 = arith.index_cast %parallel_loop3A_353 : i32 to index
      %parallel_loop3A_355 = tpu.vector_load %arg5[%parallel_loop3A_354] {strides = array<i32>} : memref<32768xi32, #tpu.memory_space<vmem>>, vector<16xi32>,
      %parallel_loop3A_356 = arith.constant 32767 : i32
      %parallel_loop3A_357 = vector.broadcast %parallel_loop3A_356 : i32 to vector<16xi32>
      %parallel_loop3A_358 = arith.andi %parallel_loop3A_355, %parallel_loop3A_357 : vector<16xi32>
      %parallel_loop3A_359 = tpu.vector_load_idx %arg4[%parallel_loop3A_358] : memref<32768xf32, #tpu.memory_space<vmem>>[vector<16xi32>], vector<16xf32>,
      %parallel_loop3A_360 = vector.bitcast %parallel_loop3A_359 : vector<16xf32> to vector<16xi32>
      %parallel_loop3A_361 = arith.constant 0 : i32
      %parallel_loop3A_362 = vector.broadcast %parallel_loop3A_361 : i32 to vector<16xi32>
      %parallel_loop3A_363 = arith.cmpi slt, %parallel_loop3A_360, %parallel_loop3A_362 : vector<16xi32>
      %parallel_loop3A_364 = arith.constant -2147483648 : i32
      %parallel_loop3A_365 = vector.broadcast %parallel_loop3A_364 : i32 to vector<16xi32>
      %parallel_loop3A_366 = arith.subi %parallel_loop3A_365, %parallel_loop3A_360 : vector<16xi32>
      %parallel_loop3A_367 = arith.select %parallel_loop3A_363, %parallel_loop3A_366, %parallel_loop3A_360 : vector<16xi1>, vector<16xi32>
      %parallel_loop3A_368 = vector.broadcast %parallel_loop3A_350 : i32 to vector<16xi32>
      %parallel_loop3A_369 = arith.cmpi sgt, %while3A_310#1, %parallel_loop3A_368 : vector<16xi32>
      %parallel_loop3A_370 = arith.select %parallel_loop3A_369, %parallel_loop3A_367, %broadcast_in_dim3A_312 : vector<16xi1>, vector<16xi32>
      %parallel_loop3A_371 = arith.constant 16 : i32
      %parallel_loop3A_372 = arith.muli %parallel_loop3A_350, %parallel_loop3A_371 : i32
      %parallel_loop3A_373 = arith.index_cast %parallel_loop3A_372 : i32 to index
      %parallel_loop3A_374 = tpu.vector_load %arg6[%parallel_loop3A_373] {strides = array<i32>} : memref<32768xi32, #tpu.memory_space<vmem>>, vector<16xi32>,
      tpu.vector_store %arg6[%parallel_loop3A_373], %parallel_loop3A_370 {strides = array<i32>} : memref<32768xi32, #tpu.memory_space<vmem>>, vector<16xi32>,
      scf.yield %parallel_loop3A_351 : i32
    } {sc.loop_unroll_factor = 4 : i64, sc.parallel_access}
    %mul3A_317 = arith.constant 16 : i32
    %mul3A_318 = arith.muli %while3A_310#2, %mul3A_317 : i32
    %reduce_sum3A_319 = arith.constant true
    %reduce_sum3A_320 = vector.broadcast %reduce_sum3A_319 : i1 to vector<16xi1>
    %reduce_sum3A_321 = tpu.scan <sum>, %while3A_310#1 masked %reduce_sum3A_320 : vector<16xi32>, vector<16xi1> -> vector<16xi32>
    %reduce_sum3A_322 = vector.extract %reduce_sum3A_321[15] : i32 from vector<16xi32>
    %sub3A_323 = arith.subi %mul3A_318, %reduce_sum3A_322 : i32
    %broadcast_in_dim3A_324 = arith.constant 1 : i32
    %broadcast_in_dim3A_325 = vector.broadcast %broadcast_in_dim3A_324 : i32 to vector<16xi32>
    %broadcast_in_dim3A_326 = arith.constant 0 : i32
    %broadcast_in_dim3A_327 = vector.broadcast %broadcast_in_dim3A_326 : i32 to vector<16xi32>
    %scan3A_328 = arith.constant -2147483648 : i32
    %scan3A_329 = arith.constant -2147483648 : i32
    %scan3A_330 = arith.constant 0 : i32
    %scan3A_331 = arith.constant 32 : i32
    %scan3A_332 = arith.addi %scan3A_330, %scan3A_331 : i32
    %scan3A_333 = arith.constant 1 : i32
    %scan3A_334:2 = scf.for %scan3A_350 = %scan3A_330 to %scan3A_332 step %scan3A_333 iter_args(%scan3A_351 = %scan3A_328, %scan3A_352 = %scan3A_329) -> (i32, i32)  : i32 {
      %sub3A_353 = arith.constant 31 : i32
      %sub3A_354 = arith.subi %sub3A_353, %scan3A_350 : i32
      %shift_left3A = arith.constant 1 : i32
      %shift_left3A_355 = arith.shli %shift_left3A, %sub3A_354 : i32
      %add3A_356 = arith.addi %scan3A_351, %shift_left3A_355 : i32
      %add3A_357 = arith.addi %scan3A_352, %shift_left3A_355 : i32
      %parallel_loop3A_358 = arith.constant 0 : i32
      %parallel_loop3A_359 = arith.constant 1 : i32
      %parallel_loop3A_360:2 = scf.for %parallel_loop3A_374 = %parallel_loop3A_358 to %while3A_310#2 step %parallel_loop3A_359 iter_args(%parallel_loop3A_375 = %broadcast_in_dim3A_327, %parallel_loop3A_376 = %broadcast_in_dim3A_327) -> (vector<16xi32>, vector<16xi32>)  : i32 {
        %parallel_loop3A_377 = arith.constant 16 : i32
        %parallel_loop3A_378 = arith.muli %parallel_loop3A_374, %parallel_loop3A_377 : i32
        %parallel_loop3A_379 = arith.index_cast %parallel_loop3A_378 : i32 to index
        %parallel_loop3A_380 = tpu.vector_load %arg6[%parallel_loop3A_379] {strides = array<i32>} : memref<32768xi32, #tpu.memory_space<vmem>>, vector<16xi32>,
        %parallel_loop3A_381 = vector.broadcast %add3A_356 : i32 to vector<16xi32>
        %parallel_loop3A_382 = arith.cmpi sgt, %parallel_loop3A_380, %parallel_loop3A_381 : vector<16xi32>
        %parallel_loop3A_383 = arith.select %parallel_loop3A_382, %broadcast_in_dim3A_325, %broadcast_in_dim3A_327 : vector<16xi1>, vector<16xi32>
        %parallel_loop3A_384 = arith.addi %parallel_loop3A_375, %parallel_loop3A_383 : vector<16xi32>
        %parallel_loop3A_385 = arith.constant dense<-1> : vector<16xi32>
        %parallel_loop3A_386 = arith.xori %parallel_loop3A_380, %parallel_loop3A_385 : vector<16xi32>
        %parallel_loop3A_387 = vector.broadcast %add3A_357 : i32 to vector<16xi32>
        %parallel_loop3A_388 = arith.cmpi sgt, %parallel_loop3A_386, %parallel_loop3A_387 : vector<16xi32>
        %parallel_loop3A_389 = arith.select %parallel_loop3A_388, %broadcast_in_dim3A_325, %broadcast_in_dim3A_327 : vector<16xi1>, vector<16xi32>
        %parallel_loop3A_390 = arith.addi %parallel_loop3A_376, %parallel_loop3A_389 : vector<16xi32>
        scf.yield %parallel_loop3A_384, %parallel_loop3A_390 : vector<16xi32>, vector<16xi32>
      } {sc.loop_unroll_factor = 4 : i64, sc.parallel_access}
      %reduce_sum3A_361 = arith.constant true
      %reduce_sum3A_362 = vector.broadcast %reduce_sum3A_361 : i1 to vector<16xi1>
      %reduce_sum3A_363 = tpu.scan <sum>, %parallel_loop3A_360#0 masked %reduce_sum3A_362 : vector<16xi32>, vector<16xi1> -> vector<16xi32>
      %reduce_sum3A_364 = vector.extract %reduce_sum3A_363[15] : i32 from vector<16xi32>
      %ge3A = arith.constant 64 : i32
      %ge3A_365 = arith.cmpi sge, %reduce_sum3A_364, %ge3A : i32
      %select_n3A = arith.select %ge3A_365, %add3A_356, %scan3A_351 : i32
      %reduce_sum3A_366 = arith.constant true
      %reduce_sum3A_367 = vector.broadcast %reduce_sum3A_366 : i1 to vector<16xi1>
      %reduce_sum3A_368 = tpu.scan <sum>, %parallel_loop3A_360#1 masked %reduce_sum3A_367 : vector<16xi32>, vector<16xi1> -> vector<16xi32>
      %reduce_sum3A_369 = vector.extract %reduce_sum3A_368[15] : i32 from vector<16xi32>
      %sub3A_370 = arith.subi %reduce_sum3A_369, %sub3A_323 : i32
      %ge3A_371 = arith.constant 64 : i32
      %ge3A_372 = arith.cmpi sge, %sub3A_370, %ge3A_371 : i32
      %select_n3A_373 = arith.select %ge3A_372, %add3A_357, %scan3A_352 : i32
      scf.yield %select_n3A, %select_n3A_373 : i32, i32
    }
    %scan3A_335 = arith.constant 32 : i32
    %broadcast_in_dim3A_336 = arith.constant 0.000000e+00 : f32
    %broadcast_in_dim3A_337 = vector.broadcast %broadcast_in_dim3A_336 : f32 to vector<16xf32>
    %while3A_338 = arith.constant 0 : i32
    %while3A_339 = arith.constant 0 : i32
    %while3A_340 = arith.subi %while3A_310#2, %while3A_338 : i32
    %while3A_341 = arith.addi %while3A_338, %while3A_340 : i32
    %while3A_342 = arith.constant 1 : i32
    %while3A_343 = arith.divsi %while3A_340, %while3A_342 : i32
    %while3A_344 = arith.muli %while3A_343, %while3A_342 : i32
    %while3A_345 = arith.addi %while3A_338, %while3A_344 : i32
    %while3A_346 = arith.constant 1 : i32
    %while3A_347 = scf.for %while3A_350 = %while3A_338 to %while3A_345 step %while3A_346 iter_args(%while3A_351 = %while3A_339) -> (i32)  : i32 {
      %mul3A_352 = arith.constant 16 : i32
      %mul3A_353 = arith.muli %while3A_350, %mul3A_352 : i32
      %get3A = arith.index_cast %mul3A_353 : i32 to index
      %get3A_354 = tpu.vector_load %arg6[%get3A] {strides = array<i32>} : memref<32768xi32, #tpu.memory_space<vmem>>, vector<16xi32>,
      %mul3A_355 = arith.constant 16 : i32
      %mul3A_356 = arith.muli %while3A_350, %mul3A_355 : i32
      %get3A_357 = arith.index_cast %mul3A_356 : i32 to index
      %get3A_358 = tpu.vector_load %arg5[%get3A_357] {strides = array<i32>} : memref<32768xi32, #tpu.memory_space<vmem>>, vector<16xi32>,
      %and3A = arith.constant 32767 : i32
      %and3A_359 = vector.broadcast %and3A : i32 to vector<16xi32>
      %and3A_360 = arith.andi %get3A_358, %and3A_359 : vector<16xi32>
      %gt3A = vector.broadcast %scan3A_334#0 : i32 to vector<16xi32>
      %gt3A_361 = arith.cmpi sgt, %get3A_354, %gt3A : vector<16xi32>
      %not3A = arith.constant dense<-1> : vector<16xi32>
      %not3A_362 = arith.xori %get3A_354, %not3A : vector<16xi32>
      %gt3A_363 = vector.broadcast %scan3A_334#1 : i32 to vector<16xi32>
      %gt3A_364 = arith.cmpi sgt, %not3A_362, %gt3A_363 : vector<16xi32>
      %or3A = arith.ori %gt3A_361, %gt3A_364 : vector<16xi1>
      %gt3A_365 = vector.broadcast %while3A_350 : i32 to vector<16xi32>
      %gt3A_366 = arith.cmpi sgt, %while3A_310#1, %gt3A_365 : vector<16xi32>
      %and3A_367 = arith.andi %or3A, %gt3A_366 : vector<16xi1>
      tpu.vector_store_idx %arg4[%and3A_360], %broadcast_in_dim3A_337 masked %and3A_367 : memref<32768xf32, #tpu.memory_space<vmem>>[vector<16xi32>], vector<16xf32>, vector<16xi1>
      %while3A_368 = arith.constant 0 : i32
      scf.yield %while3A_368 : i32
    }
    %while3A_348 = arith.constant 1 : i32
    %while3A_349 = scf.for %while3A_350 = %while3A_345 to %while3A_341 step %while3A_348 iter_args(%while3A_351 = %while3A_347) -> (i32)  : i32 {
      %mul3A_352 = arith.constant 16 : i32
      %mul3A_353 = arith.muli %while3A_350, %mul3A_352 : i32
      %get3A = arith.index_cast %mul3A_353 : i32 to index
      %get3A_354 = tpu.vector_load %arg6[%get3A] {strides = array<i32>} : memref<32768xi32, #tpu.memory_space<vmem>>, vector<16xi32>,
      %mul3A_355 = arith.constant 16 : i32
      %mul3A_356 = arith.muli %while3A_350, %mul3A_355 : i32
      %get3A_357 = arith.index_cast %mul3A_356 : i32 to index
      %get3A_358 = tpu.vector_load %arg5[%get3A_357] {strides = array<i32>} : memref<32768xi32, #tpu.memory_space<vmem>>, vector<16xi32>,
      %and3A = arith.constant 32767 : i32
      %and3A_359 = vector.broadcast %and3A : i32 to vector<16xi32>
      %and3A_360 = arith.andi %get3A_358, %and3A_359 : vector<16xi32>
      %gt3A = vector.broadcast %scan3A_334#0 : i32 to vector<16xi32>
      %gt3A_361 = arith.cmpi sgt, %get3A_354, %gt3A : vector<16xi32>
      %not3A = arith.constant dense<-1> : vector<16xi32>
      %not3A_362 = arith.xori %get3A_354, %not3A : vector<16xi32>
      %gt3A_363 = vector.broadcast %scan3A_334#1 : i32 to vector<16xi32>
      %gt3A_364 = arith.cmpi sgt, %not3A_362, %gt3A_363 : vector<16xi32>
      %or3A = arith.ori %gt3A_361, %gt3A_364 : vector<16xi1>
      %gt3A_365 = vector.broadcast %while3A_350 : i32 to vector<16xi32>
      %gt3A_366 = arith.cmpi sgt, %while3A_310#1, %gt3A_365 : vector<16xi32>
      %and3A_367 = arith.andi %or3A, %gt3A_366 : vector<16xi1>
      tpu.vector_store_idx %arg4[%and3A_360], %broadcast_in_dim3A_337 masked %and3A_367 : memref<32768xf32, #tpu.memory_space<vmem>>[vector<16xi32>], vector<16xf32>, vector<16xi1>
      %while3A_368 = arith.constant 0 : i32
      scf.yield %while3A_368 : i32
    }
    "tpu.region"() ({
      %run_scoped3A = tpu.sem_alloc : memref<!tpu.dma_semaphore, #tpu.memory_space<semaphore_mem>>
      %dma_start3A = arith.constant 0 : i32
      %dma_start3A_350 = tpu.memref_slice %arg3[%add3A_262, %dma_start3A] : memref<128x32768xf32, #tpu.memory_space<hbm>> -> memref<1x32768xf32, #tpu.memory_space<hbm>>
      %dma_start3A_351 = tpu.memref_squeeze %dma_start3A_350 : memref<1x32768xf32, #tpu.memory_space<hbm>> -> memref<32768xf32, #tpu.memory_space<hbm>>
      %dma_start3A_352 = arith.constant 0 : i32
      %dma_start3A_353 = tpu.memref_slice %arg3[%add3A_262, %dma_start3A_352] : memref<128x32768xf32, #tpu.memory_space<hbm>> -> memref<1x32768xf32, #tpu.memory_space<hbm>>
      %dma_start3A_354 = tpu.memref_squeeze %dma_start3A_353 : memref<1x32768xf32, #tpu.memory_space<hbm>> -> memref<32768xf32, #tpu.memory_space<hbm>>
      tpu.enqueue_dma source(%arg4 : memref<32768xf32, #tpu.memory_space<vmem>>) target(%dma_start3A_354 : memref<32768xf32, #tpu.memory_space<hbm>>) target_semaphore(%run_scoped3A : memref<!tpu.dma_semaphore, #tpu.memory_space<semaphore_mem>>)
      %dma_wait3A = arith.constant 0 : i32
      %dma_wait3A_355 = tpu.memref_slice %arg3[%add3A_262, %dma_wait3A] : memref<128x32768xf32, #tpu.memory_space<hbm>> -> memref<1x32768xf32, #tpu.memory_space<hbm>>
      %dma_wait3A_356 = tpu.memref_squeeze %dma_wait3A_355 : memref<1x32768xf32, #tpu.memory_space<hbm>> -> memref<32768xf32, #tpu.memory_space<hbm>>
      %dma_wait3A_357 = arith.constant 0 : i32
      %dma_wait3A_358 = tpu.memref_slice %arg3[%add3A_262, %dma_wait3A_357] : memref<128x32768xf32, #tpu.memory_space<hbm>> -> memref<1x32768xf32, #tpu.memory_space<hbm>>
      %dma_wait3A_359 = tpu.memref_squeeze %dma_wait3A_358 : memref<1x32768xf32, #tpu.memory_space<hbm>> -> memref<32768xf32, #tpu.memory_space<hbm>>
      tpu.wait_dma2 semaphore(%run_scoped3A : memref<!tpu.dma_semaphore, #tpu.memory_space<semaphore_mem>>) src(%arg4 : memref<32768xf32, #tpu.memory_space<vmem>>) dst(%dma_wait3A_359 : memref<32768xf32, #tpu.memory_space<hbm>>)
      tpu.yield
    }) : () -> ()
    return
  }
}

</mosaic_0001>

<sc_bundles>
// kernel: kernel.3.cloned.1.call-start
scs
__scs_entry_jumppad:
0x0: {  	(pc) =	sbr.rel $0x88, $3  }
0x1: {  	(tag) =	ssettag $0x0;
	lr =	simm.s32 $0x1  }
0x2: {  	[smem:$0x3FA0] =	sst lr;
	_ =	strace $0xD0000000  }
0x3: {  	_ = 	snop  }
0x4: {  	_ = 	snop  }
0x5: {  	_ = 	snop  }
0x6: {  	_ = 	snop  }
0x7: {  	_ = 	snop  }
__scs_overlays_trampoline_lowered:
0x8: {  	[smem:$0x3FAF] =	sst s0  }
0x9: {  	[smem:$0x3FB0] =	sst s1  }
0xa: {  	[smem:$0x3FB1] =	sst s2  }
0xb: {  	[smem:$0x3FB2] =	sst s3  }
0xc: {  	[smem:$0x3FB3] =	sst s4  }
0xd: {  	[smem:$0x3FB4] =	sst s5  }
0xe: {  	[smem:$0x3FB5] =	sst s6  }
0xf: {  	[smem:$0x3FB6] =	sst s7  }
0x10: {  	[smem:$0x3FB7] =	sst s8  }
0x11: {  	[smem:$0x3FB8] =	sst s9;
	s0 =	simm.s32 @!p0 $0x0  }
0x12: {  	s1 =	sld [smem:$0x3F9E];
	s0 =	simm.s32 @p0 $0x1  }
0x13: {  	[smem:$0x3FB9] =	sst s0;
	s0 =	simm.s32 @!p1 $0x0  }
0x14: {  	s2 =	sld [smem:$0x3F9D];
	s0 =	simm.s32 @p1 $0x1  }
0x15: {  	[smem:$0x3FBA] =	sst s0;
	s0 =	simm.s32 @!p2 $0x0  }
0x16: {  	s3 =	sld [smem:$0x3FDB];
	s0 =	simm.s32 @p2 $0x1  }
0x17: {  	s4 =	simm.s32 $0x1BF5;
	[smem:$0x3FBC] =	sst s0  }
0x18: {  	s0 =	sld [smem:$0x3F9F];
	_ =	swait.ge [sflag:s4], $0x0  }
0x19: {  	s7 =	sld [smem:$0x3FA0]  }
0x1a: {  	s8 =	sadd.s32 $0xFFFFE003, lr  }
0x1b: {  	s9 =	sadd.s32 $0xFFFFFEF7, lr;
	s5 =	simm.s32 $0xFFFFFFFF;
	p2 =	slt.u32 s8, $0xFFFFF086  }
0x1c: {  	p1 =	slt.u32 s9, $0xF7A;
	s5 =	simm.s32 @!p2 $0x0  }
0x1d: {  	s5 =	simm.s32 @p1 $0x1;
	p0 =	seq.s32 s7, s2  }
0x1e: {  	s7 =	smul.u32 @!p0 $0xF7A, s2;
	p2 =	seq.s32 @!p0 s5, $0x0  }
0x1f: {  	s9 =	smul.u32 $0xF7A, s1;
	s8 =	simm.s32 @!p0 $0x1BF5;
	p2 =	por !p2, p0  }
0x20: {  	[sflag:s8] =	ssyncset.s32 @!p0 $0xFFFFF086;
	s6 =	sadd.s32 @!p0 s3, s7;
	s7 =	simm.s32 @!p0 $0x108  }
0x21: {  	s3 =	sadd.s32 s3, s9;
	s6 =	sadd.s32 @!p0 $0x88, s6;
	s7 =	simm.s32 @p2 $0x1082  }
0x22: {  	[simem:s7], [sflag:s8] =	dma.local @!p0 [hbm:s6], $0xF7A  }
0x23: {  	s9 =	sor.u32 $0xD0000000, s2;
	s6 =	simm.s32 $0x108;
	_ =	swait.ge @!p0 [sflag:s8], $0x0  }
0x24: {  	s3 =	sadd.s32 $0x88, s3;
	s6 =	simm.s32 @!p1 $0x1082;
	[sflag:s4] =	ssyncset.s32 $0xFFFFF086  }
0x25: {  	[simem:s6], [sflag:s4] =	dma.local [hbm:s3], $0xF7A  }
0x26: {  	[smem:$0x3FA0] =	sst s1;
	(tag) =	ssettag s2;
	_ =	strace s9  }
0x27: {  	s1 =	sld [smem:$0x3FB0]  }
0x28: {  	s2 =	sld [smem:$0x3FB1]  }
0x29: {  	s4 =	sld [smem:$0x3FB3]  }
0x2a: {  	p0 =	seq.s32 s5, $0x0;
	s5 =	sld [smem:$0x3FB4]  }
0x2b: {  	s6 =	sld [smem:$0x3FB5]  }
0x2c: {  	s7 =	sld [smem:$0x3FB6]  }
0x2d: {  	s3 =	simm.s32 $0x108;
	s8 =	sld [smem:$0x3FB7]  }
0x2e: {  	s3 =	simm.s32 @!p0 $0x1082;
	s9 =	sld [smem:$0x3FB8]  }
0x2f: {  	lr =	sadd.s32 s0, s3;
	s0 =	sld [smem:$0x3FAF]  }
0x30: {  	s3 =	sld [smem:$0x3FB2]  }
0x31: {  	[smem:$0x3FBB] =	sst s10  }
0x32: {  	s10 =	sld [smem:$0x3FB9];
	_ =	sdelay $0x3  }
0x33: {  	p0 =	seq.s32 s10, $0x1;
	s10 =	sld [smem:$0x3FBB];
	_ =	sdelay $0x3  }
0x34: {  	[smem:$0x3FBB] =	sst s10  }
0x35: {  	s10 =	sld [smem:$0x3FBA];
	_ =	sdelay $0x3  }
0x36: {  	p1 =	seq.s32 s10, $0x1;
	s10 =	sld [smem:$0x3FBB];
	_ =	sdelay $0x3  }
0x37: {  	[smem:$0x3FBB] =	sst s10  }
0x38: {  	s10 =	sld [smem:$0x3FBC]  }
0x39: {  	_ = 	snop;
	(pc) =	sbr.ind lr, $3  }
0x3a: {  	_ = 	snop  }
0x3b: {  	_ = 	snop  }
0x3c: {  	p2 =	seq.s32 s10, $0x1;
	s10 =	sld [smem:$0x3FBB]  }
0x3d: {  	_ =	shalt  }
0x3e: {  	_ =	shalt  }
0x3f: {  	_ =	shalt  }
0x40: {  	_ =	shalt  }
0x41: {  	_ =	shalt  }
0x42: {  	_ =	shalt  }
0x43: {  	_ =	shalt  }
0x44: {  	_ =	shalt  }
0x45: {  	_ =	shalt  }
0x46: {  	_ =	shalt  }
0x47: {  	_ =	shalt  }
0x48: {  	_ =	shalt  }
0x49: {  	_ =	shalt  }
0x4a: {  	_ =	shalt  }
0x4b: {  	_ =	shalt  }
0x4c: {  	_ =	shalt  }
0x4d: {  	_ =	shalt  }
0x4e: {  	_ =	shalt  }
0x4f: {  	_ =	shalt  }
0x50: {  	_ =	shalt  }
0x51: {  	_ =	shalt  }
0x52: {  	_ =	shalt  }
0x53: {  	_ =	shalt  }
0x54: {  	_ =	shalt  }
0x55: {  	_ =	shalt  }
0x56: {  	_ =	shalt  }
0x57: {  	_ =	shalt  }
0x58: {  	_ =	shalt  }
0x59: {  	_ =	shalt  }
0x5a: {  	_ =	shalt  }
0x5b: {  	_ =	shalt  }
0x5c: {  	_ =	shalt  }
0x5d: {  	_ =	shalt  }
0x5e: {  	_ =	shalt  }
0x5f: {  	_ =	shalt  }
0x60: {  	_ =	shalt  }
0x61: {  	_ =	shalt  }
0x62: {  	_ =	shalt  }
0x63: {  	_ =	shalt  }
0x64: {  	_ =	shalt  }
0x65: {  	_ =	shalt  }
0x66: {  	_ =	shalt  }
0x67: {  	_ =	shalt  }
0x68: {  	_ =	shalt  }
0x69: {  	_ =	shalt  }
0x6a: {  	_ =	shalt  }
0x6b: {  	_ =	shalt  }
0x6c: {  	_ =	shalt  }
0x6d: {  	_ =	shalt  }
0x6e: {  	_ =	shalt  }
0x6f: {  	_ =	shalt  }
0x70: {  	_ =	shalt  }
0x71: {  	_ =	shalt  }
0x72: {  	_ =	shalt  }
0x73: {  	_ =	shalt  }
0x74: {  	_ =	shalt  }
0x75: {  	_ =	shalt  }
0x76: {  	_ =	shalt  }
0x77: {  	_ =	shalt  }
0x78: {  	_ =	shalt  }
0x79: {  	_ =	shalt  }
0x7a: {  	_ =	shalt  }
0x7b: {  	_ =	shalt  }
0x7c: {  	_ =	shalt  }
0x7d: {  	_ =	shalt  }
0x7e: {  	_ =	shalt  }
0x7f: {  	_ =	shalt  }
0x80: {  	_ =	shalt  }
0x81: {  	_ =	shalt  }
0x82: {  	_ =	shalt  }
0x83: {  	_ =	shalt  }
0x84: {  	_ =	shalt  }
0x85: {  	_ =	shalt  }
0x86: {  	_ =	shalt  }
0x87: {  	_ =	shalt  }
.Lfunc_end0:
.L_simem_size_0:
called_computation_lowered:
.L_overlay_start_0:
0x88: {  	s2 =	sld [smem:$0x3FD9]  }
0x89: {  	s3 =	sld [smem:$0x3FFE];
	_ =	sdelay $0x1  }
0x8a: {  	s1 =	srdreg.scid  }
0x8b: {  	s0 =	sand.u32 $0x1, s1  }
0x8c: {  	s18 =	sshll.u32 s0, $0xA;
	s2 =	sadd.s32 s3, s2  }
0x8d: {  	s2 =	sadd.s32 s2, s18  }
0x8e: {  	[smem:$0x3FC7] =	sst s2  }
0x8f: {  	_ = 	snop  }
0x90: {  	s2 =	sld [smem:$0x3FC9]  }
0x91: {  	s19 =	sld [smem:$0x3FD0];
	(tm) =	ssettm $0x1  }
0x92: {  	s4 =	sld [smem:$0x3FFB];
	_ =	sdelay $0x3  }
0x93: {  	_ =	strace s4  }
0x94: {  	s4 =	sld [smem:$0x3FFC];
	_ =	sdelay $0x3  }
0x95: {  	_ =	strace s4  }
0x96: {  	s4 =	sld [smem:$0x3FFD];
	_ =	sdelay $0x3  }
0x97: {  	_ =	strace s4  }
0x98: {  	_ =	strace $0x8FFFFFFF  }
0x99: {  	s20 =	sld [smem:$0x3FDB];
	_ =	sdelay $0x1  }
0x9a: {  	s5 =	simm.s32 $_scs_section_size  }
0x9b: {  	s6 =	simm.s32 $_size__tile_overlayer_lowered;
	s7 =	simm.s32 $_tile_overlayer_lowered  }
0x9c: {  	s23 =	simm.s32 $0x1BFF;
	s22 =	sshll.u32 s7, $0x1;
	s4 =	sadd.s32 s5, s20  }
0x9d: {  	s8 =	simm.s32 $0x0;
	s21 =	sshll.u32 s6, $0x1;
	s6 =	sadd.s32 s22, s4  }
0x9e: {  	[timem:s8], [sflag:s23] =	dma.local [hbm:s6], s21  }
0x9f: {  	_ =	swait.ge [sflag:s23], s21  }
0xa0: {  	s5 =	ssub.s32 $0x0, s21;
	[sflag:s23] =	ssyncset.done $0x0  }
0xa1: {  	[sflag:s23] =	ssyncadd.s32 s5;
	_ =	sdelay $0x1  }
0xa2: {  	s24 =	simm.s32 $0x1B8B  }
0xa3: {  	_ =	swait.ge [sflag:s24], $0x1  }
0xa4: {  	[sflag:s24] =	ssyncset.done $0x0  }
0xa5: {  	s25 =	simm.s32 $0x1B8E;
	[sflag:s24] =	ssyncadd.s32 $0xFFFFFFFF  }
0xa6: {  	s26 =	simm.s32 $execute0_lowered;
	[smem:$0x3FD2] =	sst s25  }
0xa7: {  	s5 =	sshll.u32 s26, $0x1;
	_ =	strace $0x80000046;
	[dreg:$0x1] =	wrdreg $0xFFFFFFFF  }
0xa8: {  	s28 =	simm.s32 $_size_execute0_lowered;
	s4 =	sadd.s32 s4, s5;
	[dreg:$0x0] =	wrdreg $0x0  }
0xa9: {  	s5 =	sshll.u32 s28, $0x1;
	[dreg:$0x2] =	wrdreg s4  }
0xaa: {  	[dreg:$0x3] =	wrdreg s5  }
0xab: {  	[dreg:$0x4] =	wrdreg $0xC0  }
0xac: {  	_ =	task [dreg:s8], $0x5FFFF  }
0xad: {  	[dreg:$0x1] =	wrdreg $0xFFFFFFFF  }
0xae: {  	[dreg:$0x0] =	wrdreg $0x60  }
0xaf: {  	[dreg:$0x2] =	wrdreg s2  }
0xb0: {  	[dreg:$0x3] =	wrdreg s19  }
0xb1: {  	[dreg:$0x4] =	wrdreg $0x9  }
0xb2: {  	_ =	task.clear_ibuf [dreg:s8], $0x5FFFF;
	_ =	strace $0x90000046  }
0xb3: {  	s29 =	simm.s32 $0x9;
	_ =	strace $0x80000048  }
0xb4: {  	_ =	swait.ge [sflag:s29], $0x1  }
0xb5: {  	[sflag:s29] =	ssyncadd.s32 $0xFFFFFFFF  }
0xb6: {  	_ =	strace $0x90000048  }
0xb7: {  	_ =	sfence  }
0xb8: {  	s30 =	sld [smem:$0x0];
	_ =	sdelay $0x2  }
0xb9: {  	s31 =	sshll.u32 s1, $0xD;
	s1 =	sshrl.u32 s1, $0x2  }
0xba: {  	s3 =	sand.u32 $0x4000, s31;
	s1 =	sadd.s32 s1, s30  }
0xbb: {  	s0 =	sor.u32 s3, s0;
	s1 =	sshll.u32 s1, $0x11  }
0xbc: {  	s0 =	sor.u32 s1, s0  }
0xbd: {  	s0 =	sadd.s32 $0x8F2B, s0  }
0xbe: {  	[sflag:s0] =	ssyncadd.remote.s32 $0x1  }
0xbf: {  	_ =	sfence.sel $0xFFFF  }
0xc0: {  	[dreg:$0x0] =	wrdreg $0xFFFFFFFF;
	(pc) =	sbr.abs _section_cstart, $3  }
0xc1: {  	[dreg:$0x1] =	wrdreg $0xFFFFFFFF  }
0xc2: {  	_ =	task.clear_ibuf [dreg:s8], $0x2FFFF;
	_ =	strace $0x9FFFFFFF  }
0xc3: {  	(tm) =	ssettm $0x7FFFFFFF  }
tec
execute0_lowered:
.L_overlay_start_1:
0x0: {  	(tag) =	ssettag $0x1  }
0x1: {  	s9 =	rddreg [dreg:$0x0]  }
0x2: {  	s10 =	rddreg [dreg:$0x1]  }
0x3: {  	s1 =	srdreg.scid;
	s0 =	rddreg [dreg:$0x2]  }
0x4: {  	s2 =	simm.s32 $0x0;
	s13 =	simm.s32 $0x400;
	s14 =	simm.s32 $0x1  }
0x5: {  	s15 =	simm.s32 $0x8000;
	s16 =	simm.s32 $0x80000000;
	s17 =	simm.s32 $0x0  }
0x6: {  	s3 =	sand.u32 $0x1, s1;
	[smem:$0x7FF] =	sst s2;
	s1 =	stileid.u32  }
0x7: {  	s4 =	ssub.s32 $0x2, s3;
	s6 =	sshll.u32 s1, $0xF;
	s3 =	sshll.u32 s3, $0x6  }
0x8: {  	_ =	strace $0x80000047;
	s5 =	sshrl.u32 s4, $0x1;
	s12 =	sor.u32 s3, s6  }
.Ltmp0:
0x9: {  	s11 =	ssub.s32 s4, s5;
	s3 =	sadd.s32 s9, s12;
	(pc) =	sbr.rel .LBB2_1-.Ltmp0, $4  }
0xa: {  	s4 =	sadd.s32 s10, s12;
	s6 =	sor.u32 $0x10, s12;
	s8 =	sor.u32 $0x20, s12  }
0xb: {  	s12 =	sor.u32 $0x30, s12;
	s5 =	sadd.s32 s9, s6;
	s6 =	sadd.s32 s10, s6  }
0xc: {  	v0 =	vlaneseq.u32;
	s7 =	sadd.s32 s9, s8;
	s8 =	sadd.s32 s10, s8;
	s9 =	sadd.s32 s9, s12  }
0xd: {  	v1 =	vimm.s32 $0x0;
	v3 =	vimm.f32 $0.0e+00;
	v2 =	vmul.u32 $0xFFFFFFFF, v0;
	s10 =	sadd.s32 s10, s12;
	s11 =	smax.u32 s11, $0x1;
	s12 =	simm.s32 $0x80  }
.LBB2_227:
0xe: {  	s17 =	sadd.s32 $0x1, s17  }
0xf: {  	p0 =	sne.s32 s17, s11  }
.Ltmp1:
0x10: {  	_ = 	snop;
	(pc) =	sbr.rel @!p0 .LBB2_228-.Ltmp1, $4  }
0x11: {  	[hbm4b:s10+s12] =	stream.strided.scatter [tilespmem:s2], [sflag:$0x1], $0x8000, s13, s12, $0x38;
	[tilespmem:$0x18000] =	vst v63  }
0x12: {  	_ =	swait.ge [sflag:s14], $0x8000  }
0x13: {  	[sflag:s14] =	ssyncset.done $0x0  }
0x14: {  	[sflag:s14] =	ssyncadd.s32 $0xFFFF8000  }
.LBB2_1:
0x15: {  	[tilespmem:s2], [sflag:$0x1] =	stream.strided.gather [hbm4b:s3+s12], $0x8000, s13, s12, $0x38;
	[tilespmem:$0x18000] =	vst v63  }
0x16: {  	_ =	swait.ge [sflag:s14], $0x8000  }
0x17: {  	[sflag:s14] =	ssyncset.done $0x0  }
0x18: {  	s18 =	simm.s32 $0x40;
	[sflag:s14] =	ssyncadd.s32 $0xFFFF8000  }
0x19: {  	v4 =	vld [tilespmem:s18+$0x30]  }
0x1a: {  	v8 =	vld [tilespmem:s18+$0x20]  }
0x1b: {  	v10 =	vld [tilespmem:s18+$0x10]  }
0x1c: {  	v11 =	vld [tilespmem:s18+$0x0]  }
0x1d: {  	v12 =	vld [tilespmem:s18+$0xFFFFFFC0]  }
0x1e: {  	v14 =	vld [tilespmem:s18+$0xFFFFFFD0]  }
0x1f: {  	v15 =	vld [tilespmem:s18+$0xFFFFFFE0]  }
0x20: {  	s19 =	simm.s32 $0x0;
	s20 =	simm.s32 $0x10;
	s31 =	simm.s32 $0x20  }
0x21: {  	v7 =	vor.u32 s19, v0;
	v6 =	vor.u32 s20, v0;
	v5 =	vor.u32 s31, v0;
	v13 =	vld [tilespmem:s18+$0xFFFFFFF0]  }
0x22: {  	v9 =	vand.u32 $0x7FFFFFFF, v8;
	v4 =	vand.u32 $0x7FFFFFFF, v4;
	v8 =	vand.u32 $0x7FFFFFFF, v12  }
0x23: {  	v12 =	vand.u32 $0x7FFFFFFF, v11;
	vm0 =	vgt.f32 v8, $2.599999900e+00;
	v8 =	vand.u32 $0x7FFFFFFF, v14  }
0x24: {  	v11 =	vand.u32 $0x7FFFFFFF, v10;
	vm1 =	vgt.f32 v8, $2.599999900e+00;
	v8 =	vand.u32 $0x7FFFFFFF, v15  }
0x25: {  	s21 =	simm.s32 $0xC0;
	v10 =	vsel vm0, $0x10, v1;
	vm2 =	vgt.f32 v8, $2.599999900e+00;
	v8 =	vlaneseq.u32  }
0x26: {  	s20 =	simm.s32 $0x0;
	s19 =	simm.s32 $0x70;
	s18 =	simm.s32 $0x70;
	v13 =	vand.u32 $0x7FFFFFFF, v13;
	v10 =	vadd.s32 v0, v10;
	v14 =	vsel vm1, $0x10, v1  }
.LBB2_2:
0x27: {  	v15 =	vld [tilespmem:s21+$0x30];
	v14 =	vadd.s32 v10, v14;
	v16 =	vsel vm2, $0x10, v1;
	vm5 =	vgt.f32 v13, $2.599999900e+00  }
0x28: {  	s20 =	sadd.s32 $0x8, s20;
	vm4 =	vgt.f32 v12, $2.599999900e+00;
	v13 =	vld [tilespmem:s21+$0x20];
	v16 =	vadd.s32 v14, v16;
	v17 =	vsel vm5, $0x10, v1  }
0x29: {  	vm3 =	vgt.f32 v11, $2.599999900e+00;
	p0 =	slt.u32 s20, $0x7F8;
	v18 =	vld [tilespmem:s21+$0x10];
	v12 =	vadd.s32 v16, v17;
	v17 =	vsel vm4, $0x10, v1  }
0x2a: {  	v11 =	vld [tilespmem:s21+$0x0];
	[tilespmem:v8+s15+$0x0] =	vst.idx.msk vm0, v7;
	v17 =	vadd.s32 v12, v17;
	v7 =	vsel vm3, $0x10, v1;
	vm0 =	vgt.f32 v9, $2.599999900e+00  }
0x2b: {  	s22 =	sadd.s32 $0xFFFFFFC0, s18;
	v19 =	vld [tilespmem:s21+$0xFFFFFFF0];
	[tilespmem:v10+s15+$0x0] =	vst.idx.msk vm1, v6;
	v10 =	vadd.s32 v17, v7;
	v6 =	vsel vm0, $0x10, v1;
	vm1 =	vgt.f32 v4, $2.599999900e+00  }
0x2c: {  	v4 =	vor.u32 s22, v0;
	s22 =	sadd.s32 $0xFFFFFFD0, s18;
	v20 =	vld [tilespmem:s21+$0xFFFFFFC0];
	[tilespmem:v14+s15+$0x0] =	vst.idx.msk vm2, v5;
	v14 =	vadd.s32 v10, v6;
	v5 =	vsel vm1, $0x10, v1  }
0x2d: {  	s18 =	sadd.s32 $0x80, s18;
	v21 =	vld [tilespmem:s21+$0xFFFFFFD0];
	[tilespmem:v16+s15+$0x0] =	vst.idx.msk vm5, v4;
	v4 =	vor.u32 s22, v0;
	s22 =	sadd.s32 $0xFFFFFFE0, s19;
	v8 =	vadd.s32 v14, v5  }
0x2e: {  	v22 =	vor.u32 s19, v0;
	s23 =	sadd.s32 $0xFFFFFF90, s18;
	s24 =	sadd.s32 $0xFFFFFFA0, s18;
	v16 =	vld [tilespmem:s21+$0xFFFFFFE0];
	[tilespmem:v12+s15+$0x0] =	vst.idx.msk vm4, v4;
	v4 =	vor.u32 s22, v0;
	s22 =	sadd.s32 $0xFFFFFFF0, s19  }
0x2f: {  	v7 =	vor.u32 s23, v0;
	v6 =	vor.u32 s24, v0;
	s23 =	sadd.s32 $0xFFFFFFB0, s18;
	s19 =	smov.u32 s18;
	[tilespmem:v17+s15+$0x0] =	vst.idx.msk vm3, v4;
	v12 =	vor.u32 s22, v0  }
.Ltmp2:
0x30: {  	v9 =	vand.u32 $0x7FFFFFFF, v13;
	v5 =	vor.u32 s23, v0;
	v4 =	vand.u32 $0x7FFFFFFF, v15;
	[tilespmem:v10+s15+$0x0] =	vst.idx.msk vm0, v12;
	(pc) =	sbr.rel @p0 .LBB2_2-.Ltmp2, $4  }
0x31: {  	v12 =	vand.u32 $0x7FFFFFFF, v11;
	v11 =	vand.u32 $0x7FFFFFFF, v18;
	v10 =	vand.u32 $0x7FFFFFFF, v20;
	[tilespmem:v14+s15+$0x0] =	vst.idx.msk vm1, v22  }
0x32: {  	v13 =	vand.u32 $0x7FFFFFFF, v19;
	vm0 =	vgt.f32 v10, $2.599999900e+00;
	v10 =	vand.u32 $0x7FFFFFFF, v21  }
0x33: {  	v14 =	vsel vm0, $0x10, v1;
	vm1 =	vgt.f32 v10, $2.599999900e+00;
	v15 =	vand.u32 $0x7FFFFFFF, v16  }
0x34: {  	s21 =	sadd.s32 $0x80, s21;
	v10 =	vadd.s32 v8, v14;
	v14 =	vsel vm1, $0x10, v1;
	vm2 =	vgt.f32 v15, $2.599999900e+00  }
0x35: {  	v14 =	vadd.s32 v10, v14;
	v15 =	vsel vm2, $0x10, v1;
	vm3 =	vgt.f32 v13, $2.599999900e+00  }
0x36: {  	vm4 =	vgt.f32 v12, $2.599999900e+00;
	v56 =	vadd.s32 v14, v15;
	v57 =	vsel vm3, $0x10, v1  }
0x37: {  	vm5 =	vgt.f32 v11, $2.599999900e+00;
	v59 =	vsel vm4, $0x10, v1;
	v58 =	vadd.s32 v56, v57  }
0x38: {  	vm6 =	vgt.f32 v9, $2.599999900e+00;
	v61 =	vsel vm5, $0x10, v1;
	v60 =	vadd.s32 v58, v59  }
0x39: {  	vm7 =	vgt.f32 v4, $2.599999900e+00;
	v63 =	vsel vm6, $0x10, v1;
	v62 =	vadd.s32 v60, v61  }
0x3a: {  	v4 =	vsel vm7, $0x10, v1;
	v15 =	vadd.s32 v62, v63  }
0x3b: {  	v4 =	vadd.s32 v15, v4  }
0x3c: {  	v4 =	vadd.s32 v2, v4  }
0x3d: {  	v4 =	vshrl.u32 v4, $0x4  }
0x3e: {  	v16 =	vor.u32 $0x80000000, v4  }
0x3f: {  	(xrf0) =	vmax.scan.msk.u32 $0xffff, v16;
	_ =	sdelay $0x5  }
0x40: {  	v16, _, _ =	vpop (xrf0)  }
0x41: {  	(v2sf) =	vpush v16, $0xF;
	_ =	sdelay $0xe  }
0x42: {  	[tilespmem:v8+s15+$0x0] =	vst.idx.msk vm0, v7;
	s31 =	spop (v2sf)  }
0x43: {  	[tilespmem:v10+s15+$0x0] =	vst.idx.msk vm1, v6;
	s20 =	sadd.s32 $0xFFFFFFC0, s18;
	s28 =	sadd.s32 $0xFFFFFFD0, s18;
	s18 =	sxor.u32 $0x80000000, s31  }
0x44: {  	[tilespmem:v14+s15+$0x0] =	vst.idx.msk vm2, v5;
	v5 =	vor.u32 s20, v0;
	p0 =	slt.s32 s18, $0x1  }
.Ltmp3:
0x45: {  	s29 =	sadd.s32 $0xFFFFFFE0, s19;
	[tilespmem:v56+s15+$0x0] =	vst.idx.msk vm3, v5;
	v5 =	vor.u32 s28, v0;
	(pc) =	sbr.rel @p0 .LBB2_4-.Ltmp3, $4  }
0x46: {  	s30 =	sadd.s32 $0xFFFFFFF0, s19;
	[tilespmem:v58+s15+$0x0] =	vst.idx.msk vm4, v5;
	v5 =	vor.u32 s29, v0  }
0x47: {  	[tilespmem:v60+s15+$0x0] =	vst.idx.msk vm5, v5;
	v5 =	vor.u32 s30, v0  }
0x48: {  	v6 =	vor.u32 s19, v0;
	[tilespmem:v62+s15+$0x0] =	vst.idx.msk vm6, v5  }
0x49: {  	v5 =	vimm.s32 $0x0;
	[tilespmem:v15+s15+$0x0] =	vst.idx.msk vm7, v6  }
0x4a: {  	p3 =	sne.s32 s18, $0x1  }
.Ltmp4:
0x4b: {  	_ = 	snop;
	(pc) =	sbr.rel @!p3 .LBB2_6-.Ltmp4, $3  }
0x4c: {  	_ =	sdelay $0x1  }
0x4d: {  	s20 =	simm.s32 $0x0;
	s21 =	simm.s32 $0x8000;
	s19 =	simm.s32 $0x1  }
0x4e: {  	p0 =	por $0x0, $0x0;
	p1 =	por $0x0, $0x0;
	p2 =	por $0x0, $0x0;
	v6 =	vld [tilespmem:s21+$0x0]  }
0x4f: {  	p3 =	sne.s32 s18, $0x2  }
.Ltmp5:
0x50: {  	_ = 	snop;
	(pc) =	sbr.rel @!p3 .LBB2_8-.Ltmp5, $3  }
0x51: {  	_ =	sdelay $0x1  }
0x52: {  	s22 =	simm.s32 $0x8010  }
0x53: {  	s21 =	simm.s32 $0x2;
	p0 =	por $0x1, $0x1;
	v8 =	vand.u32 $0x7FFF, v6;
	v6 =	vld [tilespmem:s22+$0x0]  }
0x54: {  	p3 =	sne.s32 s18, $0x3  }
.Ltmp6:
0x55: {  	_ = 	snop;
	(pc) =	sbr.rel @!p3 .LBB2_10-.Ltmp6, $3  }
0x56: {  	_ =	sdelay $0x1  }
0x57: {  	v7 =	vld.idx.msk [tilespmem:v8+s2+$0x0], $0xffff;
	s23 =	simm.s32 $0x8020  }
0x58: {  	s22 =	simm.s32 $0x3;
	p1 =	por $0x1, $0x1;
	v8 =	vand.u32 $0x7FFF, v6;
	v6 =	vld [tilespmem:s23+$0x0]  }
0x59: {  	p3 =	sne.s32 s18, $0x4  }
.Ltmp7:
0x5a: {  	_ = 	snop;
	(pc) =	sbr.rel @!p3 .LBB2_12-.Ltmp7, $4  }
0x5b: {  	vm0 =	vgt.u32 v4, s20  }
0x5c: {  	v9 =	vimm.s32 $0x0;
	vm1 =	vgt.f32 v7, $2.599999900e+00;
	vm2 =	vlt.f32 v7, $-2.599999900e+00  }
0x5d: {  	v10 =	vld.idx.msk [tilespmem:v8+s2+$0x0], $0xffff;
	s23 =	simm.s32 $0x8030;
	v11 =	vimm.s32 $0x0;
	vm1 =	vmand vm0, vm1;
	vm0 =	vmand vm0, vm2  }
0x5e: {  	s24 =	simm.s32 $0x4;
	p2 =	por $0x1, $0x1;
	v8 =	vand.u32 $0x7FFF, v6;
	v6 =	vld [tilespmem:s23+$0x0];
	v12 =	vsel vm1, $0x1, v1;
	v13 =	vsel vm0, $0x1, v1  }
.LBB2_13:
0x5f: {  	s25 =	smov.u32 s24;
	s24 =	sadd.s32 $0x1, s24  }
0x60: {  	v9 =	vadd.s32 v12, v9;
	v11 =	vadd.s32 v13, v11;
	p3 =	sne.s32 s18, s24  }
.Ltmp8:
0x61: {  	(pc) =	sbr.rel @p3 .LBB2_13-.Ltmp8, $4  }
0x62: {  	_ = 	snop  }
0x63: {  	vm0 =	vgt.u32 v4, s19;
	s19 =	smov.u32 s21;
	s21 =	smov.u32 s22;
	s22 =	smov.u32 s25;
	vm1 =	vgt.f32 v10, $2.599999900e+00;
	vm2 =	vlt.f32 v10, $-2.599999900e+00;
	v10 =	vld.idx.msk [tilespmem:v8+s2+$0x0], $0xffff  }
0x64: {  	s23 =	sadd.s32 $0x10, s23;
	vm1 =	vmand vm0, vm1;
	vm0 =	vmand vm0, vm2;
	v8 =	vand.u32 $0x7FFF, v6  }
0x65: {  	v12 =	vsel vm1, $0x1, v1;
	v13 =	vsel vm0, $0x1, v1;
	v6 =	vld [tilespmem:s23+$0x0]  }
0x66: {  	s23 =	smov.u32 s19;
	s19 =	smov.u32 s22  }
.LBB2_15:
0x67: {  	_ =	sdelay $0x3  }
0x68: {  	v8 =	vld.idx.msk @p0 [tilespmem:v8+s2+$0x0], $0xffff  }
0x69: {  	vm0 =	vgt.u32 @p1 v4, s23;
	v9 =	vadd.s32 @p2 v12, v9;
	v6 =	vand.u32 $0x7FFF, v6  }
0x6a: {  	vm13 =	vgt.u32 v4, s19;
	vm1 =	vgt.f32 @p1 v10, $2.599999900e+00;
	vm2 =	vlt.f32 @p1 v10, $-2.599999900e+00  }
0x6b: {  	v10 =	vadd.s32 @p2 v13, v11;
	v9 =	vpsel p2, v9, v5;
	vm1 =	vmand @p1 vm0, vm1  }
0x6c: {  	s20 =	smov.u32 @p0 s21;
	vm0 =	vmand @p1 vm0, vm2;
	v10 =	vpsel p2, v10, v5;
	v11 =	vsel @p1 vm1, $0x1, v1  }
0x6d: {  	v12 =	vsel @p1 vm0, $0x1, v1;
	vm0 =	vgt.u32 @p0 v4, s20;
	v7 =	vpsel p0, v8, v7  }
0x6e: {  	v11 =	vpsel p1, v11, v0;
	v12 =	vpsel p1, v12, v0;
	vm1 =	vgt.f32 @p0 v7, $2.599999900e+00;
	v6 =	vld.idx.msk [tilespmem:v6+s2+$0x0], $0xffff  }
0x6f: {  	v8 =	vadd.s32 @p1 v12, v10;
	vm2 =	vlt.f32 @p0 v7, $-2.599999900e+00;
	vm1 =	vmand @p0 vm0, vm1  }
0x70: {  	v7 =	vadd.s32 @p1 v11, v9;
	vm0 =	vmand @p0 vm0, vm2;
	v9 =	vsel @p0 vm1, $0x1, v1  }
0x71: {  	v7 =	vpsel p1, v7, v5;
	v10 =	vsel @p0 vm0, $0x1, v1;
	v9 =	vpsel p0, v9, v0  }
.Ltmp9:
0x72: {  	v8 =	vpsel p1, v8, v5;
	v10 =	vpsel p0, v10, v0;
	v7 =	vadd.s32 @p0 v9, v7;
	(pc) =	sbr.rel .LBB2_16-.Ltmp9, $4  }
0x73: {  	v7 =	vpsel p0, v7, v5;
	vm14 =	vgt.f32 v6, $2.599999900e+00;
	vm15 =	vlt.f32 v6, $-2.599999900e+00  }
0x74: {  	v6 =	vadd.s32 @p0 v10, v8;
	vm1 =	vmand vm13, vm14;
	vm0 =	vmand vm13, vm15  }
0x75: {  	v6 =	vpsel p0, v6, v5;
	v8 =	vsel vm1, $0x1, v1;
	v63 =	vsel vm0, $0x1, v1  }
0x76: {  	v5 =	vadd.s32 v8, v7;
	v6 =	vadd.s32 v63, v6  }
.LBB2_4:
0x77: {  	v6 =	vimm.s32 $0x0  }
.LBB2_16:
0x78: {  	(xrf0) =	vadd.scan.msk.s32 $0xffff, v5  }
0x79: {  	(xrf0) =	vadd.scan.msk.s32 $0xffff, v6;
	_ =	sdelay $0x4  }
0x7a: {  	v5, _, _ =	vpop (xrf0)  }
0x7b: {  	(v2sf) =	vpush v5, $0xF;
	v5, _, _ =	vpop (xrf0)  }
0x7c: {  	(v2sf) =	vpush v5, $0xF;
	_ =	sdelay $0xd  }
0x7d: {  	s19 =	spop (v2sf)  }
0x7e: {  	s20 =	spop (v2sf);
	p0 =	slt.s32 s19, $0x40  }
0x7f: {  	p1 =	sgt.s32 @!p0 s20, $0x3F  }
0x80: {  	p1 =	por p0, !p1  }
.Ltmp10:
0x81: {  	_ = 	snop;
	(pc) =	sbr.rel @p1 .LBB2_17-.Ltmp10, $1  }
0x82: {  	_ =	sdelay $0x3  }
.LBB2_34:
0x83: {  	s19 =	sshra.s32 s18, $0x1F  }
0x84: {  	s19 =	sshrl.u32 s19, $0x1E  }
0x85: {  	s19 =	sadd.s32 s19, s18  }
0x86: {  	s19 =	sand.u32 $0xFFFFFFFC, s19  }
0x87: {  	p0 =	slt.s32 s19, $0x1  }
.Ltmp11:
0x88: {  	_ = 	snop;
	(pc) =	sbr.rel @p0 .LBB2_37-.Ltmp11, $1  }
0x89: {  	_ =	sdelay $0x3  }
0x8a: {  	s23 =	simm.s32 $0x8020  }
0x8b: {  	v5 =	vld [tilespmem:s23+$0x10]  }
0x8c: {  	p3 =	sgt.s32 s19, $0x4;
	v6 =	vld [tilespmem:s23+$0xFFFFFFF0]  }
.Ltmp12:
0x8d: {  	_ = 	snop;
	(pc) =	sbr.rel @!p3 .LBB2_36-.Ltmp12, $3  }
0x8e: {  	_ =	sdelay $0x1  }
0x8f: {  	s22 =	simm.s32 $0x0;
	s20 =	simm.s32 $0x10020;
	s21 =	simm.s32 $0x4;
	v10 =	vld [tilespmem:s23+$0x0]  }
0x90: {  	p1 =	por $0x0, $0x0;
	p2 =	por $0x0, $0x0;
	v9 =	vld [tilespmem:s23+$0xFFFFFFE0];
	s23 =	simm.s32 $0x8060;
	v11 =	vand.u32 $0x7FFF, v5;
	v5 =	vand.u32 $0x7FFF, v6  }
0x91: {  	_ =	sdelay $0x1  }
0x92: {  	v8 =	vld [tilespmem:s23+$0x10]  }
0x93: {  	v12 =	vld [tilespmem:s23+$0xFFFFFFF0];
	v14 =	vand.u32 $0x7FFF, v10  }
0x94: {  	v6 =	vld.idx.msk [tilespmem:v11+s2+$0x0], $0xffff;
	p3 =	sgt.s32 s19, $0x8;
	v13 =	vand.u32 $0x7FFF, v9  }
.Ltmp13:
0x95: {  	v7 =	vld.idx.msk [tilespmem:v5+s2+$0x0], $0xffff;
	(pc) =	sbr.rel @!p3 .LBB2_55-.Ltmp13, $4  }
0x96: {  	v10 =	vld [tilespmem:s23+$0x0]  }
0x97: {  	v9 =	vld [tilespmem:s23+$0xFFFFFFE0]  }
0x98: {  	v11 =	vand.u32 $0x7FFF, v8;
	v8 =	vld.idx.msk [tilespmem:v14+s2+$0x0], $0xffff  }
0x99: {  	s24 =	simm.s32 $0x8;
	p1 =	por $0x1, $0x1;
	s23 =	simm.s32 $0x80A0;
	v5 =	vand.u32 $0x7FFF, v12;
	v13 =	vld.idx.msk [tilespmem:v13+s2+$0x0], $0xffff  }
0x9a: {  	_ =	sdelay $0x1  }
0x9b: {  	v12 =	vld [tilespmem:s23+$0x10];
	vm0 =	vlt.s32 v6, $0x0;
	s25 =	simm.s32 $0x3;
	vm1 =	vgt.s32 v4, s22;
	vm14 =	vlt.s32 v7, $0x0  }
0x9c: {  	v15 =	vld [tilespmem:s23+$0xFFFFFFF0];
	v14 =	vand.u32 $0x7FFF, v10;
	v10 =	vsub.s32 $0x80000000, v6;
	vm13 =	vgt.s32 v4, s25  }
0x9d: {  	s26 =	simm.s32 $0x1;
	p3 =	sgt.s32 s19, $0xC;
	v16 =	vand.u32 $0x7FFF, v9;
	v9 =	vsel vm0, v10, v6;
	v6 =	vld.idx.msk [tilespmem:v11+s2+$0x0], $0xffff;
	v11 =	vsub.s32 $0x80000000, v7  }
.Ltmp14:
0x9e: {  	vm2 =	vgt.s32 v4, s26;
	v10 =	vld [tilespmem:s23+$0x0];
	v17 =	vnsel vm13, $0x80000000, v9;
	v18 =	vsel vm14, v11, v7;
	(pc) =	sbr.rel @!p3 .LBB2_57-.Ltmp14, $4  }
0x9f: {  	v9 =	vld [tilespmem:s23+$0xFFFFFFE0];
	vm15 =	vlt.s32 v8, $0x0;
	vm4 =	vlt.s32 v13, $0x0;
	v11 =	vsub.s32 $0x80000000, v13  }
0xa0: {  	s31 =	simm.s32 $0x2;
	v7 =	vld.idx.msk [tilespmem:v5+s2+$0x0], $0xffff;
	v20 =	vsub.s32 $0x80000000, v8;
	v19 =	vsel vm4, v11, v13;
	v11 =	vand.u32 $0x7FFF, v12  }
0xa1: {  	s22 =	simm.s32 $0xC;
	vm3 =	vgt.s32 v4, s31;
	v5 =	vand.u32 $0x7FFF, v15;
	v12 =	vsel vm15, v20, v8;
	v8 =	vld.idx.msk [tilespmem:v14+s2+$0x0], $0xffff  }
0xa2: {  	p2 =	por $0x1, $0x1;
	s25 =	simm.s32 $0x80E0;
	s23 =	simm.s32 $0x10020;
	[tilespmem:s20+$0x10] =	vst v17;
	v15 =	vnsel vm1, $0x80000000, v19;
	v14 =	vnsel vm2, $0x80000000, v18;
	v12 =	vnsel vm3, $0x80000000, v12;
	v13 =	vld.idx.msk [tilespmem:v16+s2+$0x0], $0xffff  }
.LBB2_58:
0xa3: {  	v16 =	vld [tilespmem:s25+$0x10];
	v17 =	vand.u32 $0x7FFF, v10;
	vm0 =	vlt.s32 v6, $0x0;
	v10 =	vsub.s32 $0x80000000, v6;
	s26 =	sadd.s32 $0x3, s21;
	[tilespmem:s23+$0xFFFFFFE0] =	vst v15;
	s28 =	smov.u32 s22;
	s22 =	sadd.s32 $0x4, s22  }
0xa4: {  	s29 =	sadd.s32 $0x1, s21;
	v15 =	vld [tilespmem:s25+$0xFFFFFFF0];
	p3 =	slt.s32 s22, s19;
	v18 =	vand.u32 $0x7FFF, v9;
	v9 =	vsel vm0, v10, v6;
	vm0 =	vgt.s32 v4, s26;
	[tilespmem:s23+$0xFFFFFFF0] =	vst v14  }
0xa5: {  	vm1 =	vgt.s32 v4, s21;
	vm2 =	vgt.s32 v4, s29;
	s26 =	sadd.s32 $0x2, s21;
	s21 =	smov.u32 s24;
	v6 =	vld.idx.msk [tilespmem:v11+s2+$0x0], $0xffff;
	v9 =	vnsel vm0, $0x80000000, v9;
	[tilespmem:s23+$0x0] =	vst v12;
	s23 =	sadd.s32 $0x40, s23  }
.Ltmp15:
0xa6: {  	s24 =	smov.u32 s28;
	vm0 =	vlt.s32 v7, $0x0;
	v11 =	vsub.s32 $0x80000000, v7;
	vm3 =	vgt.s32 v4, s26;
	v10 =	vld [tilespmem:s25+$0x0];
	[tilespmem:s23+$0x10] =	vst v9;
	(pc) =	sbr.rel @p3 .LBB2_58-.Ltmp15, $4  }
0xa7: {  	vm4 =	vlt.s32 v13, $0x0;
	v12 =	vsub.s32 $0x80000000, v13;
	v14 =	vsel vm0, v11, v7;
	v9 =	vld [tilespmem:s25+$0xFFFFFFE0]  }
0xa8: {  	vm0 =	vlt.s32 v8, $0x0;
	v11 =	vand.u32 $0x7FFF, v16;
	v7 =	vld.idx.msk [tilespmem:v5+s2+$0x0], $0xffff;
	v16 =	vsub.s32 $0x80000000, v8  }
0xa9: {  	v12 =	vsel vm4, v12, v13;
	v5 =	vand.u32 $0x7FFF, v15;
	v13 =	vld.idx.msk [tilespmem:v18+s2+$0x0], $0xffff;
	v16 =	vsel vm0, v16, v8  }
0xaa: {  	s25 =	sadd.s32 $0x40, s25;
	v14 =	vnsel vm2, $0x80000000, v14;
	v15 =	vnsel vm1, $0x80000000, v12;
	v8 =	vld.idx.msk [tilespmem:v17+s2+$0x0], $0xffff;
	v12 =	vnsel vm3, $0x80000000, v16  }
0xab: {  	s22 =	smov.u32 s24  }
.LBB2_60:
0xac: {  	_ = 	snop  }
0xad: {  	vm0 =	vlt.s32 @p1 v6, $0x0;
	v16 =	vsub.s32 @p1 $0x80000000, v6  }
0xae: {  	v10 =	vand.u32 $0x7FFF, v10;
	s24 =	sadd.s32 @p1 $0x3, s21;
	v9 =	vand.u32 $0x7FFF, v9;
	vm1 =	vgt.s32 @p1 v4, s21  }
0xaf: {  	s25 =	sadd.s32 @p1 $0x1, s21;
	s29 =	sadd.s32 $0x3, s22;
	vm12 =	vgt.s32 v4, s22;
	v6 =	vsel @p1 vm0, v16, v6;
	vm0 =	vgt.s32 @p1 v4, s24  }
0xb0: {  	v11 =	vld.idx.msk [tilespmem:v11+s2+$0x0], $0xffff;
	s30 =	sadd.s32 $0x1, s22;
	vm2 =	vgt.s32 @p1 v4, s25;
	v16 =	vsub.s32 @p1 $0x80000000, v7;
	vm11 =	vgt.s32 v4, s29  }
0xb1: {  	v5 =	vld.idx.msk [tilespmem:v5+s2+$0x0], $0xffff;
	vm13 =	vgt.s32 v4, s30;
	v6 =	vnsel @p1 vm0, $0x80000000, v6;
	vm0 =	vlt.s32 @p1 v7, $0x0  }
0xb2: {  	v7 =	vsel @p1 vm0, v16, v7;
	vm0 =	vlt.s32 @p1 v13, $0x0;
	v16 =	vsub.s32 @p1 $0x80000000, v13  }
0xb3: {  	s21 =	sadd.s32 @p1 $0x2, s21;
	[tilespmem:s23+$0xFFFFFFE0] =	vst @p2 v15;
	v13 =	vsel @p1 vm0, v16, v13;
	vm0 =	vlt.s32 @p1 v8, $0x0;
	v16 =	vsub.s32 @p1 $0x80000000, v8  }
0xb4: {  	[tilespmem:s23+$0xFFFFFFF0] =	vst @p2 v14;
	s24 =	simm.s32 $0x10020;
	v7 =	vnsel @p1 vm2, $0x80000000, v7;
	v8 =	vsel @p1 vm0, v16, v8;
	vm0 =	vgt.s32 @p1 v4, s21;
	v9 =	vld.idx.msk [tilespmem:v9+s2+$0x0], $0xffff;
	s21 =	sadd.s32 @p2 $0x40, s23  }
0xb5: {  	[tilespmem:s23+$0x0] =	vst @p2 v12;
	v13 =	vnsel @p1 vm1, $0x80000000, v13;
	v10 =	vld.idx.msk [tilespmem:v10+s2+$0x0], $0xffff;
	v7 =	vpsel p1, v7, v0;
	vm10 =	vlt.s32 v11, $0x0;
	s24 =	smov.u32 @p2 s21  }
0xb6: {  	v61 =	vsub.s32 $0x80000000, v11;
	vm3 =	vlt.s32 v5, $0x0;
	v8 =	vnsel @p1 vm0, $0x80000000, v8;
	[tilespmem:s24+$0x10] =	vst @p1 v6  }
0xb7: {  	v13 =	vpsel p1, v13, v0;
	v62 =	vsel vm10, v61, v11;
	[tilespmem:s24+$0xFFFFFFF0] =	vst @p1 v7;
	v7 =	vsub.s32 $0x80000000, v5  }
0xb8: {  	v6 =	vpsel p1, v8, v0;
	[tilespmem:s24+$0xFFFFFFE0] =	vst @p1 v13;
	s21 =	sadd.s32 @p1 $0x40, s24;
	v8 =	vnsel vm11, $0x80000000, v62;
	v5 =	vsel vm3, v7, v5  }
0xb9: {  	[tilespmem:s24+$0x0] =	vst @p1 v6;
	s20 =	smov.u32 @p1 s21;
	v5 =	vnsel vm13, $0x80000000, v5;
	vm4 =	vlt.s32 v9, $0x0;
	v63 =	vsub.s32 $0x80000000, v9  }
0xba: {  	s31 =	sadd.s32 $0x2, s22;
	[tilespmem:s20+$0x10] =	vst v8;
	vm14 =	vlt.s32 v10, $0x0;
	v7 =	vsub.s32 $0x80000000, v10;
	v6 =	vsel vm4, v63, v9  }
0xbb: {  	vm15 =	vgt.s32 v4, s31;
	[tilespmem:s20+$0xFFFFFFF0] =	vst v5;
	v7 =	vsel vm14, v7, v10;
	v6 =	vnsel vm12, $0x80000000, v6  }
0xbc: {  	[tilespmem:s20+$0xFFFFFFE0] =	vst v6;
	v6 =	vnsel vm15, $0x80000000, v7  }
0xbd: {  	[tilespmem:s20+$0x0] =	vst v6  }
.LBB2_37:
0xbe: {  	p1 =	sge.s32 s19, s18  }
.Ltmp16:
0xbf: {  	_ = 	snop;
	(pc) =	sbr.rel @p1 .LBB2_40-.Ltmp16, $4  }
0xc0: {  	_ = 	snop  }
0xc1: {  	s20 =	ssub.s32 s18, s19  }
0xc2: {  	s21 =	sshll.u32 s18, $0x6;
	s22 =	sshll.u32 s20, $0x6  }
0xc3: {  	s21 =	ssub.s32 s21, s22  }
0xc4: {  	s24 =	sshra.s32 s21, $0x2  }
0xc5: {  	s22 =	ssub.s32 $0x0, s20;
	s23 =	sadd.s32 $0x8000, s24;
	s24 =	sadd.s32 $0x10000, s24  }
.LBB2_39:
0xc6: {  	v5 =	vld [tilespmem:s23+$0x0];
	_ =	sdelay $0x4  }
0xc7: {  	v5 =	vand.u32 $0x7FFF, v5;
	_ =	sdelay $0x4  }
0xc8: {  	v5 =	vld.idx.msk [tilespmem:v5+s2+$0x0], $0xffff;
	_ =	sdelay $0x1  }
0xc9: {  	s25 =	sadd.s32 s22, s18;
	s22 =	sadd.s32 $0x1, s22  }
0xca: {  	p2 =	seq.s32 s22, $0x0  }
.Ltmp17:
0xcb: {  	_ = 	snop;
	(pc) =	sbr.rel @!p2 .LBB2_39-.Ltmp17, $4  }
0xcc: {  	vm0 =	vlt.s32 v5, $0x0;
	v6 =	vsub.s32 $0x80000000, v5  }
0xcd: {  	vm15 =	vgt.s32 v4, s25;
	v5 =	vsel vm0, v6, v5  }
0xce: {  	v5 =	vnsel vm15, $0x80000000, v5  }
0xcf: {  	s23 =	sadd.s32 $0x10, s23;
	[tilespmem:s24+$0x0] =	vst v5;
	s24 =	sadd.s32 $0x10, s24  }
.LBB2_40:
0xd0: {  	(xrf0) =	vadd.scan.msk.s32 $0xffff, v4;
	_ =	sdelay $0x5  }
0xd1: {  	v5, _, _ =	vpop (xrf0)  }
0xd2: {  	(v2sf) =	vpush v5, $0xF;
	_ =	sdelay $0xb  }
.Ltmp18:
0xd3: {  	_ = 	snop;
	(pc) =	sbr.rel .LBB2_41-.Ltmp18, $4  }
0xd4: {  	_ = 	snop  }
0xd5: {  	s23 =	sshll.u32 s18, $0x4;
	s21 =	sshra.s32 s21, $0x2  }
0xd6: {  	s25 =	simm.s32 $0x0;
	s24 =	sadd.s32 $0x10000, s21;
	s22 =	spop (v2sf)  }
0xd7: {  	s21 =	simm.s32 $0x80000000;
	s23 =	ssub.s32 s22, s23;
	s22 =	simm.s32 $0x80000000  }
.LBB2_46:
0xd8: {  	(xrf0) =	vadd.scan.msk.s32 $0xffff, v7  }
0xd9: {  	(xrf0) =	vadd.scan.msk.s32 $0xffff, v8;
	_ =	sdelay $0x4  }
0xda: {  	v5, _, _ =	vpop (xrf0)  }
0xdb: {  	(v2sf) =	vpush v5, $0xF;
	v5, _, _ =	vpop (xrf0)  }
0xdc: {  	(v2sf) =	vpush v5, $0xF;
	_ =	sdelay $0xb  }
0xdd: {  	s25 =	sadd.s32 $0x1, s25  }
0xde: {  	p4 =	seq.s32 s25, $0x20  }
.Ltmp19:
0xdf: {  	s29 =	spop (v2sf);
	(pc) =	sbr.rel @p4 .LBB2_47-.Ltmp19, $4  }
0xe0: {  	s30 =	spop (v2sf)  }
0xe1: {  	s30 =	sadd.s32 s30, s23  }
0xe2: {  	p2 =	sgt.s32 s29, $0x3F;
	p3 =	sgt.s32 s30, $0x3F  }
0xe3: {  	s22 =	smov.u32 @p2 s26;
	s21 =	smov.u32 @p3 s28  }
.LBB2_41:
.Ltmp20:
0xe4: {  	(pc) =	sbr.rel @p0 .LBB2_42-.Ltmp20, $4  }
0xe5: {  	_ = 	snop  }
0xe6: {  	s28 =	sshrl.u32 s16, s25  }
0xe7: {  	s26 =	sadd.s32 s28, s22;
	s28 =	sadd.s32 s28, s21  }
0xe8: {  	v7 =	vimm.s32 $0x0;
	v5 =	vmov s26;
	v6 =	vmov s28  }
0xe9: {  	s29 =	simm.s32 $0x10020  }
0xea: {  	v8 =	vld [tilespmem:s29+$0x10]  }
0xeb: {  	v9 =	vld [tilespmem:s29+$0x0]  }
0xec: {  	v10 =	vld [tilespmem:s29+$0xFFFFFFF0]  }
0xed: {  	v12 =	vld [tilespmem:s29+$0xFFFFFFE0];
	_ =	sdelay $0x1  }
0xee: {  	p2 =	sgt.s32 s19, $0x4  }
.Ltmp21:
0xef: {  	_ = 	snop;
	(pc) =	sbr.rel @!p2 .LBB2_63-.Ltmp21, $4  }
0xf0: {  	vm0 =	vgt.s32 v9, v5;
	vm3 =	vgt.s32 v8, v5;
	vm1 =	vgt.s32 v10, v5  }
0xf1: {  	v11 =	vxor.u32 $0xFFFFFFFF, v9;
	v14 =	vxor.u32 $0xFFFFFFFF, v8;
	vm2 =	vgt.s32 v12, v5  }
0xf2: {  	v13 =	vxor.u32 $0xFFFFFFFF, v12;
	v12 =	vxor.u32 $0xFFFFFFFF, v10;
	v10 =	vimm.s32 $0x0  }
0xf3: {  	s30 =	simm.s32 $0x10060;
	s29 =	simm.s32 $0x4;
	v9 =	vsel vm0, $0x1, v1;
	v8 =	vsel vm3, $0x1, v1;
	vm0 =	vlt.s32 v6, v14  }
.LBB2_62:
0xf4: {  	v14 =	vld [tilespmem:s30+$0x10];
	vm3 =	vlt.s32 v6, v13;
	v13 =	vsel vm1, $0x1, v1;
	vm1 =	vlt.s32 v6, v11  }
0xf5: {  	v15 =	vsel vm2, $0x1, v1;
	vm2 =	vlt.s32 v6, v12;
	v11 =	vld [tilespmem:s30+$0x0];
	v16 =	vsel vm3, $0x1, v1  }
0xf6: {  	v7 =	vadd.s32 v15, v7;
	v15 =	vsel vm2, $0x1, v1;
	v12 =	vld [tilespmem:s30+$0xFFFFFFF0];
	v10 =	vadd.s32 v16, v10  }
0xf7: {  	s29 =	sadd.s32 $0x4, s29;
	v7 =	vadd.s32 v13, v7;
	v13 =	vsel vm1, $0x1, v1;
	v16 =	vld [tilespmem:s30+$0xFFFFFFE0];
	v10 =	vadd.s32 v15, v10  }
0xf8: {  	p2 =	slt.s32 s29, s19;
	v7 =	vadd.s32 v9, v7;
	v9 =	vadd.s32 v13, v10;
	v10 =	vsel vm0, $0x1, v1  }
.Ltmp22:
0xf9: {  	v7 =	vadd.s32 v8, v7;
	v10 =	vadd.s32 v10, v9;
	(pc) =	sbr.rel @p2 .LBB2_62-.Ltmp22, $4  }
0xfa: {  	vm3 =	vgt.s32 v14, v5;
	vm0 =	vgt.s32 v11, v5  }
0xfb: {  	v14 =	vxor.u32 $0xFFFFFFFF, v14;
	v11 =	vxor.u32 $0xFFFFFFFF, v11;
	vm1 =	vgt.s32 v12, v5  }
0xfc: {  	v12 =	vxor.u32 $0xFFFFFFFF, v12;
	vm2 =	vgt.s32 v16, v5;
	v13 =	vxor.u32 $0xFFFFFFFF, v16  }
0xfd: {  	s30 =	sadd.s32 $0x40, s30;
	v8 =	vsel vm3, $0x1, v1;
	v9 =	vsel vm0, $0x1, v1;
	vm0 =	vlt.s32 v6, v14  }
.LBB2_63:
0xfe: {  	vm3 =	vlt.s32 v6, v13;
	v63 =	vsel vm1, $0x1, v1;
	vm14 =	vlt.s32 v6, v11  }
.Ltmp23:
0xff: {  	v11 =	vsel vm2, $0x1, v1;
	vm15 =	vlt.s32 v6, v12;
	v14 =	vsel vm3, $0x1, v1;
	(pc) =	sbr.rel .LBB2_43-.Ltmp23, $4  }
0x100: {  	v7 =	vadd.s32 v11, v7;
	v11 =	vsel vm15, $0x1, v1;
	v10 =	vadd.s32 v14, v10  }
0x101: {  	v7 =	vadd.s32 v63, v7;
	v10 =	vadd.s32 v11, v10;
	v11 =	vsel vm14, $0x1, v1  }
0x102: {  	v7 =	vadd.s32 v9, v7;
	v9 =	vadd.s32 v11, v10;
	v10 =	vsel vm0, $0x1, v1  }
0x103: {  	v7 =	vadd.s32 v8, v7;
	v8 =	vadd.s32 v10, v9  }
.LBB2_42:
0x104: {  	v8 =	vimm.s32 $0x0  }
.LBB2_43:
.Ltmp24:
0x105: {  	(pc) =	sbr.rel @p1 .LBB2_46-.Ltmp24, $1  }
0x106: {  	_ =	sdelay $0x3  }
0x107: {  	s29 =	smov.u32 s24;
	s30 =	smov.u32 s20  }
.LBB2_45:
0x108: {  	v9 =	vld [tilespmem:s29+$0x0];
	_ =	sdelay $0x2  }
0x109: {  	p2 =	sne.s32 s30, $0x1  }
.Ltmp25:
0x10a: {  	_ = 	snop;
	(pc) =	sbr.rel @p2 .LBB2_45-.Ltmp25, $4  }
0x10b: {  	v10 =	vxor.u32 $0xFFFFFFFF, v9  }
0x10c: {  	vm0 =	vgt.s32 v9, v5;
	vm1 =	vlt.s32 v6, v10  }
0x10d: {  	v9 =	vsel vm0, $0x1, v1;
	v10 =	vsel vm1, $0x1, v1  }
0x10e: {  	s29 =	sadd.s32 $0x10, s29;
	s30 =	sadd.s32 $0xFFFFFFFF, s30;
	v7 =	vadd.s32 v9, v7;
	v8 =	vadd.s32 v10, v8  }
.Ltmp26:
0x10f: {  	_ = 	snop;
	(pc) =	sbr.rel .LBB2_46-.Ltmp26, $1  }
0x110: {  	_ =	sdelay $0x3  }
.LBB2_47:
0x111: {  	p0 =	slt.s32 s18, $0x1  }
.Ltmp27:
0x112: {  	_ = 	snop;
	(pc) =	sbr.rel @p0 .LBB2_50-.Ltmp27, $1  }
0x113: {  	_ =	sdelay $0x3  }
0x114: {  	s31 =	simm.s32 $0x10000  }
0x115: {  	v7 =	vld [tilespmem:s31+$0x0];
	_ =	sdelay $0x2  }
0x116: {  	s19 =	simm.s32 $0x8000  }
0x117: {  	v8 =	vld [tilespmem:s19+$0x0]  }
0x118: {  	v5 =	vmov s22;
	v6 =	vmov s21;
	v9 =	vxor.u32 $0xFFFFFFFF, v7  }
0x119: {  	s20 =	simm.s32 $0x0;
	vm0 =	vgt.s32 v7, v5;
	vm1 =	vlt.s32 v6, v9  }
0x11a: {  	vm15 =	vgt.u32 v4, s20;
	vm0 =	vmor vm0, vm1  }
0x11b: {  	vm0 =	vmand vm15, vm0  }
0x11c: {  	p0 =	sne.s32 s18, $0x1;
	v7 =	vand.u32 $0x7FFF, v8  }
.Ltmp28:
0x11d: {  	_ = 	snop;
	(pc) =	sbr.rel @!p0 .LBB2_50-.Ltmp28, $2  }
0x11e: {  	_ =	sdelay $0x2  }
0x11f: {  	s21 =	simm.s32 $0x10010;
	s20 =	simm.s32 $0x1;
	[tilespmem:v7+s2+$0x0] =	vst.idx.msk vm0, v3  }
.LBB2_49:
0x120: {  	v7 =	vld [tilespmem:s21+$0x0];
	s22 =	smov.u32 s20;
	s20 =	sadd.s32 $0x1, s20  }
0x121: {  	p0 =	sne.s32 s18, s20;
	_ =	sdelay $0x1  }
0x122: {  	s19 =	sadd.s32 $0x10, s19  }
0x123: {  	v8 =	vld [tilespmem:s19+$0x0]  }
0x124: {  	v9 =	vxor.u32 $0xFFFFFFFF, v7  }
0x125: {  	vm0 =	vgt.s32 v7, v5;
	vm1 =	vlt.s32 v6, v9  }
0x126: {  	vm0 =	vmor vm0, vm1;
	vm1 =	vgt.u32 v4, s22  }
0x127: {  	vm0 =	vmand vm1, vm0  }
0x128: {  	v7 =	vand.u32 $0x7FFF, v8  }
.Ltmp29:
0x129: {  	(pc) =	sbr.rel @p0 .LBB2_49-.Ltmp29, $2  }
0x12a: {  	_ =	sdelay $0x2  }
0x12b: {  	s21 =	sadd.s32 $0x10, s21;
	[tilespmem:v7+s2+$0x0] =	vst.idx.msk vm0, v3  }
.LBB2_50:
0x12c: {  	[hbm4b:s4+s12] =	stream.strided.scatter [tilespmem:s2], [sflag:$0x1], $0x8000, s13, s12, $0x38;
	[tilespmem:$0x18000] =	vst v63  }
0x12d: {  	_ =	swait.ge [sflag:s14], $0x8000  }
0x12e: {  	[sflag:s14] =	ssyncset.done $0x0  }
0x12f: {  	[sflag:s14] =	ssyncadd.s32 $0xFFFF8000  }
0x130: {  	[tilespmem:s2], [sflag:$0x1] =	stream.strided.gather [hbm4b:s5+s12], $0x8000, s13, s12, $0x38;
	[tilespmem:$0x18000] =	vst v63  }
0x131: {  	_ =	swait.ge [sflag:s14], $0x8000  }
0x132: {  	[sflag:s14] =	ssyncset.done $0x0  }
0x133: {  	s18 =	simm.s32 $0x40;
	[sflag:s14] =	ssyncadd.s32 $0xFFFF8000  }
0x134: {  	v4 =	vld [tilespmem:s18+$0x30]  }
0x135: {  	v9 =	vld [tilespmem:s18+$0x20]  }
0x136: {  	v10 =	vld [tilespmem:s18+$0x10]  }
0x137: {  	v11 =	vld [tilespmem:s18+$0x0]  }
0x138: {  	v13 =	vld [tilespmem:s18+$0xFFFFFFF0]  }
0x139: {  	v12 =	vld [tilespmem:s18+$0xFFFFFFC0]  }
0x13a: {  	v14 =	vld [tilespmem:s18+$0xFFFFFFD0]  }
0x13b: {  	s19 =	simm.s32 $0x0;
	s20 =	simm.s32 $0x10;
	v15 =	vld [tilespmem:s18+$0xFFFFFFE0]  }
0x13c: {  	v5 =	vlaneseq.u32;
	s31 =	simm.s32 $0x20;
	v8 =	vor.u32 s19, v0;
	v7 =	vor.u32 s20, v0  }
0x13d: {  	v6 =	vor.u32 s31, v0;
	v9 =	vand.u32 $0x7FFFFFFF, v9;
	v4 =	vand.u32 $0x7FFFFFFF, v4  }
0x13e: {  	v16 =	vand.u32 $0x7FFFFFFF, v12;
	v12 =	vand.u32 $0x7FFFFFFF, v11;
	v11 =	vand.u32 $0x7FFFFFFF, v10  }
0x13f: {  	s21 =	simm.s32 $0xC0;
	v10 =	vand.u32 $0x7FFFFFFF, v14;
	v13 =	vand.u32 $0x7FFFFFFF, v13;
	vm0 =	vgt.f32 v16, $2.599999900e+00  }
0x140: {  	v15 =	vand.u32 $0x7FFFFFFF, v15;
	vm1 =	vgt.f32 v10, $2.599999900e+00;
	v14 =	vsel vm0, $0x10, v1  }
0x141: {  	s20 =	simm.s32 $0x0;
	s19 =	simm.s32 $0x70;
	s18 =	simm.s32 $0x70;
	vm2 =	vgt.f32 v15, $2.599999900e+00;
	v10 =	vadd.s32 v5, v14;
	v14 =	vsel vm1, $0x10, v1  }
.LBB2_51:
0x142: {  	v15 =	vld [tilespmem:s21+$0x30];
	v14 =	vadd.s32 v10, v14;
	v16 =	vsel vm2, $0x10, v1;
	vm5 =	vgt.f32 v13, $2.599999900e+00  }
0x143: {  	s20 =	sadd.s32 $0x8, s20;
	vm4 =	vgt.f32 v12, $2.599999900e+00;
	v13 =	vld [tilespmem:s21+$0x20];
	v16 =	vadd.s32 v14, v16;
	v17 =	vsel vm5, $0x10, v1  }
0x144: {  	vm3 =	vgt.f32 v11, $2.599999900e+00;
	p0 =	slt.u32 s20, $0x7F8;
	v18 =	vld [tilespmem:s21+$0x10];
	v12 =	vadd.s32 v16, v17;
	v17 =	vsel vm4, $0x10, v1  }
0x145: {  	v11 =	vld [tilespmem:s21+$0x0];
	[tilespmem:v5+s15+$0x0] =	vst.idx.msk vm0, v8;
	v17 =	vadd.s32 v12, v17;
	v5 =	vsel vm3, $0x10, v1;
	vm0 =	vgt.f32 v9, $2.599999900e+00  }
0x146: {  	s22 =	sadd.s32 $0xFFFFFFC0, s18;
	v19 =	vld [tilespmem:s21+$0xFFFFFFF0];
	[tilespmem:v10+s15+$0x0] =	vst.idx.msk vm1, v7;
	v10 =	vadd.s32 v17, v5;
	v5 =	vsel vm0, $0x10, v1;
	vm1 =	vgt.f32 v4, $2.599999900e+00  }
0x147: {  	v4 =	vor.u32 s22, v0;
	s22 =	sadd.s32 $0xFFFFFFD0, s18;
	v20 =	vld [tilespmem:s21+$0xFFFFFFC0];
	[tilespmem:v14+s15+$0x0] =	vst.idx.msk vm2, v6;
	v14 =	vadd.s32 v10, v5;
	v5 =	vsel vm1, $0x10, v1  }
0x148: {  	s18 =	sadd.s32 $0x80, s18;
	v21 =	vld [tilespmem:s21+$0xFFFFFFD0];
	[tilespmem:v16+s15+$0x0] =	vst.idx.msk vm5, v4;
	v4 =	vor.u32 s22, v0;
	s22 =	sadd.s32 $0xFFFFFFE0, s19;
	v5 =	vadd.s32 v14, v5  }
0x149: {  	v22 =	vor.u32 s19, v0;
	s23 =	sadd.s32 $0xFFFFFF90, s18;
	s24 =	sadd.s32 $0xFFFFFFA0, s18;
	v16 =	vld [tilespmem:s21+$0xFFFFFFE0];
	[tilespmem:v12+s15+$0x0] =	vst.idx.msk vm4, v4;
	v4 =	vor.u32 s22, v0;
	s22 =	sadd.s32 $0xFFFFFFF0, s19  }
0x14a: {  	v8 =	vor.u32 s23, v0;
	v7 =	vor.u32 s24, v0;
	s23 =	sadd.s32 $0xFFFFFFB0, s18;
	s19 =	smov.u32 s18;
	[tilespmem:v17+s15+$0x0] =	vst.idx.msk vm3, v4;
	v12 =	vor.u32 s22, v0  }
.Ltmp30:
0x14b: {  	v9 =	vand.u32 $0x7FFFFFFF, v13;
	v6 =	vor.u32 s23, v0;
	v4 =	vand.u32 $0x7FFFFFFF, v15;
	[tilespmem:v10+s15+$0x0] =	vst.idx.msk vm0, v12;
	(pc) =	sbr.rel @p0 .LBB2_51-.Ltmp30, $4  }
0x14c: {  	v12 =	vand.u32 $0x7FFFFFFF, v11;
	v11 =	vand.u32 $0x7FFFFFFF, v18;
	v10 =	vand.u32 $0x7FFFFFFF, v20;
	[tilespmem:v14+s15+$0x0] =	vst.idx.msk vm1, v22  }
0x14d: {  	v13 =	vand.u32 $0x7FFFFFFF, v19;
	vm0 =	vgt.f32 v10, $2.599999900e+00;
	v10 =	vand.u32 $0x7FFFFFFF, v21  }
0x14e: {  	v14 =	vsel vm0, $0x10, v1;
	vm1 =	vgt.f32 v10, $2.599999900e+00;
	v15 =	vand.u32 $0x7FFFFFFF, v16  }
0x14f: {  	s21 =	sadd.s32 $0x80, s21;
	v10 =	vadd.s32 v5, v14;
	v14 =	vsel vm1, $0x10, v1;
	vm2 =	vgt.f32 v15, $2.599999900e+00  }
0x150: {  	v14 =	vadd.s32 v10, v14;
	v15 =	vsel vm2, $0x10, v1;
	vm3 =	vgt.f32 v13, $2.599999900e+00  }
0x151: {  	vm4 =	vgt.f32 v12, $2.599999900e+00;
	v56 =	vadd.s32 v14, v15;
	v57 =	vsel vm3, $0x10, v1  }
0x152: {  	vm5 =	vgt.f32 v11, $2.599999900e+00;
	v59 =	vsel vm4, $0x10, v1;
	v58 =	vadd.s32 v56, v57  }
0x153: {  	vm6 =	vgt.f32 v9, $2.599999900e+00;
	v61 =	vsel vm5, $0x10, v1;
	v60 =	vadd.s32 v58, v59  }
0x154: {  	vm7 =	vgt.f32 v4, $2.599999900e+00;
	v63 =	vsel vm6, $0x10, v1;
	v62 =	vadd.s32 v60, v61  }
0x155: {  	v4 =	vsel vm7, $0x10, v1;
	v15 =	vadd.s32 v62, v63  }
0x156: {  	v4 =	vadd.s32 v15, v4  }
0x157: {  	v4 =	vadd.s32 v2, v4  }
0x158: {  	v4 =	vshrl.u32 v4, $0x4  }
0x159: {  	v16 =	vor.u32 $0x80000000, v4  }
0x15a: {  	(xrf0) =	vmax.scan.msk.u32 $0xffff, v16;
	_ =	sdelay $0x5  }
0x15b: {  	v16, _, _ =	vpop (xrf0)  }
0x15c: {  	(v2sf) =	vpush v16, $0xF;
	_ =	sdelay $0xe  }
0x15d: {  	[tilespmem:v5+s15+$0x0] =	vst.idx.msk vm0, v8;
	s31 =	spop (v2sf)  }
0x15e: {  	[tilespmem:v10+s15+$0x0] =	vst.idx.msk vm1, v7;
	s20 =	sadd.s32 $0xFFFFFFC0, s18;
	s28 =	sadd.s32 $0xFFFFFFD0, s18;
	s18 =	sxor.u32 $0x80000000, s31  }
0x15f: {  	v5 =	vor.u32 s20, v0;
	[tilespmem:v14+s15+$0x0] =	vst.idx.msk vm2, v6;
	p0 =	slt.s32 s18, $0x1  }
.Ltmp31:
0x160: {  	s29 =	sadd.s32 $0xFFFFFFE0, s19;
	[tilespmem:v56+s15+$0x0] =	vst.idx.msk vm3, v5;
	v5 =	vor.u32 s28, v0;
	(pc) =	sbr.rel @p0 .LBB2_53-.Ltmp31, $4  }
0x161: {  	s30 =	sadd.s32 $0xFFFFFFF0, s19;
	[tilespmem:v58+s15+$0x0] =	vst.idx.msk vm4, v5;
	v5 =	vor.u32 s29, v0  }
0x162: {  	[tilespmem:v60+s15+$0x0] =	vst.idx.msk vm5, v5;
	v5 =	vor.u32 s30, v0  }
0x163: {  	v6 =	vor.u32 s19, v0;
	[tilespmem:v62+s15+$0x0] =	vst.idx.msk vm6, v5  }
0x164: {  	v5 =	vimm.s32 $0x0;
	[tilespmem:v15+s15+$0x0] =	vst.idx.msk vm7, v6  }
0x165: {  	p3 =	sne.s32 s18, $0x1  }
.Ltmp32:
0x166: {  	_ = 	snop;
	(pc) =	sbr.rel @!p3 .LBB2_65-.Ltmp32, $3  }
0x167: {  	_ =	sdelay $0x1  }
0x168: {  	s20 =	simm.s32 $0x0;
	s21 =	simm.s32 $0x8000;
	s19 =	simm.s32 $0x1  }
0x169: {  	p0 =	por $0x0, $0x0;
	p1 =	por $0x0, $0x0;
	p2 =	por $0x0, $0x0;
	v6 =	vld [tilespmem:s21+$0x0]  }
0x16a: {  	p3 =	sne.s32 s18, $0x2  }
.Ltmp33:
0x16b: {  	_ = 	snop;
	(pc) =	sbr.rel @!p3 .LBB2_67-.Ltmp33, $3  }
0x16c: {  	_ =	sdelay $0x1  }
0x16d: {  	s22 =	simm.s32 $0x8010  }
0x16e: {  	s21 =	simm.s32 $0x2;
	p0 =	por $0x1, $0x1;
	v8 =	vand.u32 $0x7FFF, v6;
	v6 =	vld [tilespmem:s22+$0x0]  }
0x16f: {  	p3 =	sne.s32 s18, $0x3  }
.Ltmp34:
0x170: {  	_ = 	snop;
	(pc) =	sbr.rel @!p3 .LBB2_69-.Ltmp34, $3  }
0x171: {  	_ =	sdelay $0x1  }
0x172: {  	v7 =	vld.idx.msk [tilespmem:v8+s2+$0x0], $0xffff;
	s23 =	simm.s32 $0x8020  }
0x173: {  	s22 =	simm.s32 $0x3;
	p1 =	por $0x1, $0x1;
	v8 =	vand.u32 $0x7FFF, v6;
	v6 =	vld [tilespmem:s23+$0x0]  }
0x174: {  	p3 =	sne.s32 s18, $0x4  }
.Ltmp35:
0x175: {  	_ = 	snop;
	(pc) =	sbr.rel @!p3 .LBB2_71-.Ltmp35, $4  }
0x176: {  	vm0 =	vgt.u32 v4, s20  }
0x177: {  	v9 =	vimm.s32 $0x0;
	vm1 =	vgt.f32 v7, $2.599999900e+00;
	vm2 =	vlt.f32 v7, $-2.599999900e+00  }
0x178: {  	v10 =	vld.idx.msk [tilespmem:v8+s2+$0x0], $0xffff;
	s23 =	simm.s32 $0x8030;
	v11 =	vimm.s32 $0x0;
	vm1 =	vmand vm0, vm1;
	vm0 =	vmand vm0, vm2  }
0x179: {  	s24 =	simm.s32 $0x4;
	p2 =	por $0x1, $0x1;
	v8 =	vand.u32 $0x7FFF, v6;
	v6 =	vld [tilespmem:s23+$0x0];
	v12 =	vsel vm1, $0x1, v1;
	v13 =	vsel vm0, $0x1, v1  }
.LBB2_72:
0x17a: {  	s25 =	smov.u32 s24;
	s24 =	sadd.s32 $0x1, s24  }
0x17b: {  	v9 =	vadd.s32 v12, v9;
	v11 =	vadd.s32 v13, v11;
	p3 =	sne.s32 s18, s24  }
.Ltmp36:
0x17c: {  	(pc) =	sbr.rel @p3 .LBB2_72-.Ltmp36, $4  }
0x17d: {  	_ = 	snop  }
0x17e: {  	vm0 =	vgt.u32 v4, s19;
	s19 =	smov.u32 s21;
	s21 =	smov.u32 s22;
	s22 =	smov.u32 s25;
	vm1 =	vgt.f32 v10, $2.599999900e+00;
	vm2 =	vlt.f32 v10, $-2.599999900e+00;
	v10 =	vld.idx.msk [tilespmem:v8+s2+$0x0], $0xffff  }
0x17f: {  	s23 =	sadd.s32 $0x10, s23;
	vm1 =	vmand vm0, vm1;
	vm0 =	vmand vm0, vm2;
	v8 =	vand.u32 $0x7FFF, v6  }
0x180: {  	v12 =	vsel vm1, $0x1, v1;
	v13 =	vsel vm0, $0x1, v1;
	v6 =	vld [tilespmem:s23+$0x0]  }
0x181: {  	s23 =	smov.u32 s19;
	s19 =	smov.u32 s22  }
.LBB2_74:
0x182: {  	_ =	sdelay $0x3  }
0x183: {  	v8 =	vld.idx.msk @p0 [tilespmem:v8+s2+$0x0], $0xffff  }
0x184: {  	vm0 =	vgt.u32 @p1 v4, s23;
	v9 =	vadd.s32 @p2 v12, v9;
	v6 =	vand.u32 $0x7FFF, v6  }
0x185: {  	vm13 =	vgt.u32 v4, s19;
	vm1 =	vgt.f32 @p1 v10, $2.599999900e+00;
	vm2 =	vlt.f32 @p1 v10, $-2.599999900e+00  }
0x186: {  	v10 =	vadd.s32 @p2 v13, v11;
	v9 =	vpsel p2, v9, v5;
	vm1 =	vmand @p1 vm0, vm1  }
0x187: {  	s20 =	smov.u32 @p0 s21;
	vm0 =	vmand @p1 vm0, vm2;
	v10 =	vpsel p2, v10, v5;
	v11 =	vsel @p1 vm1, $0x1, v1  }
0x188: {  	v12 =	vsel @p1 vm0, $0x1, v1;
	vm0 =	vgt.u32 @p0 v4, s20;
	v7 =	vpsel p0, v8, v7  }
0x189: {  	v11 =	vpsel p1, v11, v0;
	v12 =	vpsel p1, v12, v0;
	vm1 =	vgt.f32 @p0 v7, $2.599999900e+00;
	v6 =	vld.idx.msk [tilespmem:v6+s2+$0x0], $0xffff  }
0x18a: {  	v8 =	vadd.s32 @p1 v12, v10;
	vm2 =	vlt.f32 @p0 v7, $-2.599999900e+00;
	vm1 =	vmand @p0 vm0, vm1  }
0x18b: {  	v7 =	vadd.s32 @p1 v11, v9;
	vm0 =	vmand @p0 vm0, vm2;
	v9 =	vsel @p0 vm1, $0x1, v1  }
0x18c: {  	v7 =	vpsel p1, v7, v5;
	v10 =	vsel @p0 vm0, $0x1, v1;
	v9 =	vpsel p0, v9, v0  }
.Ltmp37:
0x18d: {  	v8 =	vpsel p1, v8, v5;
	v10 =	vpsel p0, v10, v0;
	v7 =	vadd.s32 @p0 v9, v7;
	(pc) =	sbr.rel .LBB2_75-.Ltmp37, $4  }
0x18e: {  	v7 =	vpsel p0, v7, v5;
	vm14 =	vgt.f32 v6, $2.599999900e+00;
	vm15 =	vlt.f32 v6, $-2.599999900e+00  }
0x18f: {  	v6 =	vadd.s32 @p0 v10, v8;
	vm1 =	vmand vm13, vm14;
	vm0 =	vmand vm13, vm15  }
0x190: {  	v6 =	vpsel p0, v6, v5;
	v8 =	vsel vm1, $0x1, v1;
	v63 =	vsel vm0, $0x1, v1  }
0x191: {  	v5 =	vadd.s32 v8, v7;
	v6 =	vadd.s32 v63, v6  }
.LBB2_53:
0x192: {  	v6 =	vimm.s32 $0x0  }
.LBB2_75:
0x193: {  	(xrf0) =	vadd.scan.msk.s32 $0xffff, v5  }
0x194: {  	(xrf0) =	vadd.scan.msk.s32 $0xffff, v6;
	_ =	sdelay $0x4  }
0x195: {  	v5, _, _ =	vpop (xrf0)  }
0x196: {  	(v2sf) =	vpush v5, $0xF;
	v5, _, _ =	vpop (xrf0)  }
0x197: {  	(v2sf) =	vpush v5, $0xF;
	_ =	sdelay $0xd  }
0x198: {  	s19 =	spop (v2sf)  }
0x199: {  	s20 =	spop (v2sf);
	p0 =	slt.s32 s19, $0x40  }
0x19a: {  	p1 =	sgt.s32 @!p0 s20, $0x3F  }
0x19b: {  	p1 =	por p0, !p1  }
.Ltmp38:
0x19c: {  	_ = 	snop;
	(pc) =	sbr.rel @p1 .LBB2_76-.Ltmp38, $1  }
0x19d: {  	_ =	sdelay $0x3  }
.LBB2_93:
0x19e: {  	s19 =	sshra.s32 s18, $0x1F  }
0x19f: {  	s19 =	sshrl.u32 s19, $0x1E  }
0x1a0: {  	s19 =	sadd.s32 s19, s18  }
0x1a1: {  	s19 =	sand.u32 $0xFFFFFFFC, s19  }
0x1a2: {  	p0 =	slt.s32 s19, $0x1  }
.Ltmp39:
0x1a3: {  	_ = 	snop;
	(pc) =	sbr.rel @p0 .LBB2_96-.Ltmp39, $1  }
0x1a4: {  	_ =	sdelay $0x3  }
0x1a5: {  	s23 =	simm.s32 $0x8020  }
0x1a6: {  	v5 =	vld [tilespmem:s23+$0x10]  }
0x1a7: {  	p3 =	sgt.s32 s19, $0x4;
	v6 =	vld [tilespmem:s23+$0xFFFFFFF0]  }
.Ltmp40:
0x1a8: {  	_ = 	snop;
	(pc) =	sbr.rel @!p3 .LBB2_95-.Ltmp40, $3  }
0x1a9: {  	_ =	sdelay $0x1  }
0x1aa: {  	s22 =	simm.s32 $0x0;
	s20 =	simm.s32 $0x10020;
	s21 =	simm.s32 $0x4;
	v10 =	vld [tilespmem:s23+$0x0]  }
0x1ab: {  	p1 =	por $0x0, $0x0;
	p2 =	por $0x0, $0x0;
	v9 =	vld [tilespmem:s23+$0xFFFFFFE0];
	s23 =	simm.s32 $0x8060;
	v11 =	vand.u32 $0x7FFF, v5;
	v5 =	vand.u32 $0x7FFF, v6  }
0x1ac: {  	_ =	sdelay $0x1  }
0x1ad: {  	v8 =	vld [tilespmem:s23+$0x10]  }
0x1ae: {  	v12 =	vld [tilespmem:s23+$0xFFFFFFF0];
	v14 =	vand.u32 $0x7FFF, v10  }
0x1af: {  	v6 =	vld.idx.msk [tilespmem:v11+s2+$0x0], $0xffff;
	p3 =	sgt.s32 s19, $0x8;
	v13 =	vand.u32 $0x7FFF, v9  }
.Ltmp41:
0x1b0: {  	v7 =	vld.idx.msk [tilespmem:v5+s2+$0x0], $0xffff;
	(pc) =	sbr.rel @!p3 .LBB2_114-.Ltmp41, $4  }
0x1b1: {  	v10 =	vld [tilespmem:s23+$0x0]  }
0x1b2: {  	v9 =	vld [tilespmem:s23+$0xFFFFFFE0]  }
0x1b3: {  	v11 =	vand.u32 $0x7FFF, v8;
	v8 =	vld.idx.msk [tilespmem:v14+s2+$0x0], $0xffff  }
0x1b4: {  	s24 =	simm.s32 $0x8;
	p1 =	por $0x1, $0x1;
	s23 =	simm.s32 $0x80A0;
	v5 =	vand.u32 $0x7FFF, v12;
	v13 =	vld.idx.msk [tilespmem:v13+s2+$0x0], $0xffff  }
0x1b5: {  	_ =	sdelay $0x1  }
0x1b6: {  	v12 =	vld [tilespmem:s23+$0x10];
	vm0 =	vlt.s32 v6, $0x0;
	s25 =	simm.s32 $0x3;
	vm1 =	vgt.s32 v4, s22;
	vm14 =	vlt.s32 v7, $0x0  }
0x1b7: {  	v15 =	vld [tilespmem:s23+$0xFFFFFFF0];
	v14 =	vand.u32 $0x7FFF, v10;
	v10 =	vsub.s32 $0x80000000, v6;
	vm13 =	vgt.s32 v4, s25  }
0x1b8: {  	s26 =	simm.s32 $0x1;
	p3 =	sgt.s32 s19, $0xC;
	v16 =	vand.u32 $0x7FFF, v9;
	v9 =	vsel vm0, v10, v6;
	v6 =	vld.idx.msk [tilespmem:v11+s2+$0x0], $0xffff;
	v11 =	vsub.s32 $0x80000000, v7  }
.Ltmp42:
0x1b9: {  	vm2 =	vgt.s32 v4, s26;
	v10 =	vld [tilespmem:s23+$0x0];
	v17 =	vnsel vm13, $0x80000000, v9;
	v18 =	vsel vm14, v11, v7;
	(pc) =	sbr.rel @!p3 .LBB2_116-.Ltmp42, $4  }
0x1ba: {  	v9 =	vld [tilespmem:s23+$0xFFFFFFE0];
	vm15 =	vlt.s32 v8, $0x0;
	vm4 =	vlt.s32 v13, $0x0;
	v11 =	vsub.s32 $0x80000000, v13  }
0x1bb: {  	s31 =	simm.s32 $0x2;
	v7 =	vld.idx.msk [tilespmem:v5+s2+$0x0], $0xffff;
	v20 =	vsub.s32 $0x80000000, v8;
	v19 =	vsel vm4, v11, v13;
	v11 =	vand.u32 $0x7FFF, v12  }
0x1bc: {  	s22 =	simm.s32 $0xC;
	vm3 =	vgt.s32 v4, s31;
	v5 =	vand.u32 $0x7FFF, v15;
	v12 =	vsel vm15, v20, v8;
	v8 =	vld.idx.msk [tilespmem:v14+s2+$0x0], $0xffff  }
0x1bd: {  	p2 =	por $0x1, $0x1;
	s25 =	simm.s32 $0x80E0;
	s23 =	simm.s32 $0x10020;
	[tilespmem:s20+$0x10] =	vst v17;
	v15 =	vnsel vm1, $0x80000000, v19;
	v14 =	vnsel vm2, $0x80000000, v18;
	v12 =	vnsel vm3, $0x80000000, v12;
	v13 =	vld.idx.msk [tilespmem:v16+s2+$0x0], $0xffff  }
.LBB2_117:
0x1be: {  	v16 =	vld [tilespmem:s25+$0x10];
	v17 =	vand.u32 $0x7FFF, v10;
	vm0 =	vlt.s32 v6, $0x0;
	v10 =	vsub.s32 $0x80000000, v6;
	s26 =	sadd.s32 $0x3, s21;
	[tilespmem:s23+$0xFFFFFFE0] =	vst v15;
	s28 =	smov.u32 s22;
	s22 =	sadd.s32 $0x4, s22  }
0x1bf: {  	s29 =	sadd.s32 $0x1, s21;
	v15 =	vld [tilespmem:s25+$0xFFFFFFF0];
	p3 =	slt.s32 s22, s19;
	v18 =	vand.u32 $0x7FFF, v9;
	v9 =	vsel vm0, v10, v6;
	vm0 =	vgt.s32 v4, s26;
	[tilespmem:s23+$0xFFFFFFF0] =	vst v14  }
0x1c0: {  	vm1 =	vgt.s32 v4, s21;
	vm2 =	vgt.s32 v4, s29;
	s26 =	sadd.s32 $0x2, s21;
	s21 =	smov.u32 s24;
	v6 =	vld.idx.msk [tilespmem:v11+s2+$0x0], $0xffff;
	v9 =	vnsel vm0, $0x80000000, v9;
	[tilespmem:s23+$0x0] =	vst v12;
	s23 =	sadd.s32 $0x40, s23  }
.Ltmp43:
0x1c1: {  	s24 =	smov.u32 s28;
	vm0 =	vlt.s32 v7, $0x0;
	v11 =	vsub.s32 $0x80000000, v7;
	vm3 =	vgt.s32 v4, s26;
	v10 =	vld [tilespmem:s25+$0x0];
	[tilespmem:s23+$0x10] =	vst v9;
	(pc) =	sbr.rel @p3 .LBB2_117-.Ltmp43, $4  }
0x1c2: {  	vm4 =	vlt.s32 v13, $0x0;
	v12 =	vsub.s32 $0x80000000, v13;
	v14 =	vsel vm0, v11, v7;
	v9 =	vld [tilespmem:s25+$0xFFFFFFE0]  }
0x1c3: {  	vm0 =	vlt.s32 v8, $0x0;
	v11 =	vand.u32 $0x7FFF, v16;
	v7 =	vld.idx.msk [tilespmem:v5+s2+$0x0], $0xffff;
	v16 =	vsub.s32 $0x80000000, v8  }
0x1c4: {  	v12 =	vsel vm4, v12, v13;
	v5 =	vand.u32 $0x7FFF, v15;
	v13 =	vld.idx.msk [tilespmem:v18+s2+$0x0], $0xffff;
	v16 =	vsel vm0, v16, v8  }
0x1c5: {  	s25 =	sadd.s32 $0x40, s25;
	v14 =	vnsel vm2, $0x80000000, v14;
	v15 =	vnsel vm1, $0x80000000, v12;
	v8 =	vld.idx.msk [tilespmem:v17+s2+$0x0], $0xffff;
	v12 =	vnsel vm3, $0x80000000, v16  }
0x1c6: {  	s22 =	smov.u32 s24  }
.LBB2_119:
0x1c7: {  	_ = 	snop  }
0x1c8: {  	vm0 =	vlt.s32 @p1 v6, $0x0;
	v16 =	vsub.s32 @p1 $0x80000000, v6  }
0x1c9: {  	v10 =	vand.u32 $0x7FFF, v10;
	s24 =	sadd.s32 @p1 $0x3, s21;
	v9 =	vand.u32 $0x7FFF, v9;
	vm1 =	vgt.s32 @p1 v4, s21  }
0x1ca: {  	s25 =	sadd.s32 @p1 $0x1, s21;
	s29 =	sadd.s32 $0x3, s22;
	vm12 =	vgt.s32 v4, s22;
	v6 =	vsel @p1 vm0, v16, v6;
	vm0 =	vgt.s32 @p1 v4, s24  }
0x1cb: {  	v11 =	vld.idx.msk [tilespmem:v11+s2+$0x0], $0xffff;
	s30 =	sadd.s32 $0x1, s22;
	vm2 =	vgt.s32 @p1 v4, s25;
	v16 =	vsub.s32 @p1 $0x80000000, v7;
	vm11 =	vgt.s32 v4, s29  }
0x1cc: {  	v5 =	vld.idx.msk [tilespmem:v5+s2+$0x0], $0xffff;
	vm13 =	vgt.s32 v4, s30;
	v6 =	vnsel @p1 vm0, $0x80000000, v6;
	vm0 =	vlt.s32 @p1 v7, $0x0  }
0x1cd: {  	v7 =	vsel @p1 vm0, v16, v7;
	vm0 =	vlt.s32 @p1 v13, $0x0;
	v16 =	vsub.s32 @p1 $0x80000000, v13  }
0x1ce: {  	s21 =	sadd.s32 @p1 $0x2, s21;
	[tilespmem:s23+$0xFFFFFFE0] =	vst @p2 v15;
	v13 =	vsel @p1 vm0, v16, v13;
	vm0 =	vlt.s32 @p1 v8, $0x0;
	v16 =	vsub.s32 @p1 $0x80000000, v8  }
0x1cf: {  	[tilespmem:s23+$0xFFFFFFF0] =	vst @p2 v14;
	s24 =	simm.s32 $0x10020;
	v7 =	vnsel @p1 vm2, $0x80000000, v7;
	v8 =	vsel @p1 vm0, v16, v8;
	vm0 =	vgt.s32 @p1 v4, s21;
	v9 =	vld.idx.msk [tilespmem:v9+s2+$0x0], $0xffff;
	s21 =	sadd.s32 @p2 $0x40, s23  }
0x1d0: {  	[tilespmem:s23+$0x0] =	vst @p2 v12;
	v13 =	vnsel @p1 vm1, $0x80000000, v13;
	v10 =	vld.idx.msk [tilespmem:v10+s2+$0x0], $0xffff;
	v7 =	vpsel p1, v7, v0;
	vm10 =	vlt.s32 v11, $0x0;
	s24 =	smov.u32 @p2 s21  }
0x1d1: {  	v61 =	vsub.s32 $0x80000000, v11;
	vm3 =	vlt.s32 v5, $0x0;
	v8 =	vnsel @p1 vm0, $0x80000000, v8;
	[tilespmem:s24+$0x10] =	vst @p1 v6  }
0x1d2: {  	v13 =	vpsel p1, v13, v0;
	v62 =	vsel vm10, v61, v11;
	[tilespmem:s24+$0xFFFFFFF0] =	vst @p1 v7;
	v7 =	vsub.s32 $0x80000000, v5  }
0x1d3: {  	v6 =	vpsel p1, v8, v0;
	[tilespmem:s24+$0xFFFFFFE0] =	vst @p1 v13;
	s21 =	sadd.s32 @p1 $0x40, s24;
	v8 =	vnsel vm11, $0x80000000, v62;
	v5 =	vsel vm3, v7, v5  }
0x1d4: {  	[tilespmem:s24+$0x0] =	vst @p1 v6;
	s20 =	smov.u32 @p1 s21;
	v5 =	vnsel vm13, $0x80000000, v5;
	vm4 =	vlt.s32 v9, $0x0;
	v63 =	vsub.s32 $0x80000000, v9  }
0x1d5: {  	s31 =	sadd.s32 $0x2, s22;
	[tilespmem:s20+$0x10] =	vst v8;
	vm14 =	vlt.s32 v10, $0x0;
	v7 =	vsub.s32 $0x80000000, v10;
	v6 =	vsel vm4, v63, v9  }
0x1d6: {  	vm15 =	vgt.s32 v4, s31;
	[tilespmem:s20+$0xFFFFFFF0] =	vst v5;
	v7 =	vsel vm14, v7, v10;
	v6 =	vnsel vm12, $0x80000000, v6  }
0x1d7: {  	[tilespmem:s20+$0xFFFFFFE0] =	vst v6;
	v6 =	vnsel vm15, $0x80000000, v7  }
0x1d8: {  	[tilespmem:s20+$0x0] =	vst v6  }
.LBB2_96:
0x1d9: {  	p1 =	sge.s32 s19, s18  }
.Ltmp44:
0x1da: {  	_ = 	snop;
	(pc) =	sbr.rel @p1 .LBB2_99-.Ltmp44, $4  }
0x1db: {  	_ = 	snop  }
0x1dc: {  	s20 =	ssub.s32 s18, s19  }
0x1dd: {  	s21 =	sshll.u32 s18, $0x6;
	s22 =	sshll.u32 s20, $0x6  }
0x1de: {  	s21 =	ssub.s32 s21, s22  }
0x1df: {  	s24 =	sshra.s32 s21, $0x2  }
0x1e0: {  	s22 =	ssub.s32 $0x0, s20;
	s23 =	sadd.s32 $0x8000, s24;
	s24 =	sadd.s32 $0x10000, s24  }
.LBB2_98:
0x1e1: {  	v5 =	vld [tilespmem:s23+$0x0];
	_ =	sdelay $0x4  }
0x1e2: {  	v5 =	vand.u32 $0x7FFF, v5;
	_ =	sdelay $0x4  }
0x1e3: {  	v5 =	vld.idx.msk [tilespmem:v5+s2+$0x0], $0xffff;
	_ =	sdelay $0x1  }
0x1e4: {  	s25 =	sadd.s32 s22, s18;
	s22 =	sadd.s32 $0x1, s22  }
0x1e5: {  	p2 =	seq.s32 s22, $0x0  }
.Ltmp45:
0x1e6: {  	_ = 	snop;
	(pc) =	sbr.rel @!p2 .LBB2_98-.Ltmp45, $4  }
0x1e7: {  	vm0 =	vlt.s32 v5, $0x0;
	v6 =	vsub.s32 $0x80000000, v5  }
0x1e8: {  	vm15 =	vgt.s32 v4, s25;
	v5 =	vsel vm0, v6, v5  }
0x1e9: {  	v5 =	vnsel vm15, $0x80000000, v5  }
0x1ea: {  	s23 =	sadd.s32 $0x10, s23;
	[tilespmem:s24+$0x0] =	vst v5;
	s24 =	sadd.s32 $0x10, s24  }
.LBB2_99:
0x1eb: {  	(xrf0) =	vadd.scan.msk.s32 $0xffff, v4;
	_ =	sdelay $0x5  }
0x1ec: {  	v5, _, _ =	vpop (xrf0)  }
0x1ed: {  	(v2sf) =	vpush v5, $0xF;
	_ =	sdelay $0xb  }
.Ltmp46:
0x1ee: {  	_ = 	snop;
	(pc) =	sbr.rel .LBB2_100-.Ltmp46, $4  }
0x1ef: {  	_ = 	snop  }
0x1f0: {  	s23 =	sshll.u32 s18, $0x4;
	s21 =	sshra.s32 s21, $0x2  }
0x1f1: {  	s25 =	simm.s32 $0x0;
	s24 =	sadd.s32 $0x10000, s21;
	s22 =	spop (v2sf)  }
0x1f2: {  	s21 =	simm.s32 $0x80000000;
	s23 =	ssub.s32 s22, s23;
	s22 =	simm.s32 $0x80000000  }
.LBB2_105:
0x1f3: {  	(xrf0) =	vadd.scan.msk.s32 $0xffff, v7  }
0x1f4: {  	(xrf0) =	vadd.scan.msk.s32 $0xffff, v8;
	_ =	sdelay $0x4  }
0x1f5: {  	v5, _, _ =	vpop (xrf0)  }
0x1f6: {  	(v2sf) =	vpush v5, $0xF;
	v5, _, _ =	vpop (xrf0)  }
0x1f7: {  	(v2sf) =	vpush v5, $0xF;
	_ =	sdelay $0xb  }
0x1f8: {  	s25 =	sadd.s32 $0x1, s25  }
0x1f9: {  	p4 =	seq.s32 s25, $0x20  }
.Ltmp47:
0x1fa: {  	s29 =	spop (v2sf);
	(pc) =	sbr.rel @p4 .LBB2_106-.Ltmp47, $4  }
0x1fb: {  	s30 =	spop (v2sf)  }
0x1fc: {  	s30 =	sadd.s32 s30, s23  }
0x1fd: {  	p2 =	sgt.s32 s29, $0x3F;
	p3 =	sgt.s32 s30, $0x3F  }
0x1fe: {  	s22 =	smov.u32 @p2 s26;
	s21 =	smov.u32 @p3 s28  }
.LBB2_100:
.Ltmp48:
0x1ff: {  	(pc) =	sbr.rel @p0 .LBB2_101-.Ltmp48, $4  }
0x200: {  	_ = 	snop  }
0x201: {  	s28 =	sshrl.u32 s16, s25  }
0x202: {  	s26 =	sadd.s32 s28, s22;
	s28 =	sadd.s32 s28, s21  }
0x203: {  	v7 =	vimm.s32 $0x0;
	v5 =	vmov s26;
	v6 =	vmov s28  }
0x204: {  	s29 =	simm.s32 $0x10020  }
0x205: {  	v8 =	vld [tilespmem:s29+$0x10]  }
0x206: {  	v9 =	vld [tilespmem:s29+$0x0]  }
0x207: {  	v10 =	vld [tilespmem:s29+$0xFFFFFFF0]  }
0x208: {  	v12 =	vld [tilespmem:s29+$0xFFFFFFE0];
	_ =	sdelay $0x1  }
0x209: {  	p2 =	sgt.s32 s19, $0x4  }
.Ltmp49:
0x20a: {  	_ = 	snop;
	(pc) =	sbr.rel @!p2 .LBB2_122-.Ltmp49, $4  }
0x20b: {  	vm0 =	vgt.s32 v9, v5;
	vm3 =	vgt.s32 v8, v5;
	vm1 =	vgt.s32 v10, v5  }
0x20c: {  	v11 =	vxor.u32 $0xFFFFFFFF, v9;
	v14 =	vxor.u32 $0xFFFFFFFF, v8;
	vm2 =	vgt.s32 v12, v5  }
0x20d: {  	v13 =	vxor.u32 $0xFFFFFFFF, v12;
	v12 =	vxor.u32 $0xFFFFFFFF, v10;
	v10 =	vimm.s32 $0x0  }
0x20e: {  	s30 =	simm.s32 $0x10060;
	s29 =	simm.s32 $0x4;
	v9 =	vsel vm0, $0x1, v1;
	v8 =	vsel vm3, $0x1, v1;
	vm0 =	vlt.s32 v6, v14  }
.LBB2_121:
0x20f: {  	v14 =	vld [tilespmem:s30+$0x10];
	vm3 =	vlt.s32 v6, v13;
	v13 =	vsel vm1, $0x1, v1;
	vm1 =	vlt.s32 v6, v11  }
0x210: {  	v15 =	vsel vm2, $0x1, v1;
	vm2 =	vlt.s32 v6, v12;
	v11 =	vld [tilespmem:s30+$0x0];
	v16 =	vsel vm3, $0x1, v1  }
0x211: {  	v7 =	vadd.s32 v15, v7;
	v15 =	vsel vm2, $0x1, v1;
	v12 =	vld [tilespmem:s30+$0xFFFFFFF0];
	v10 =	vadd.s32 v16, v10  }
0x212: {  	s29 =	sadd.s32 $0x4, s29;
	v7 =	vadd.s32 v13, v7;
	v13 =	vsel vm1, $0x1, v1;
	v16 =	vld [tilespmem:s30+$0xFFFFFFE0];
	v10 =	vadd.s32 v15, v10  }
0x213: {  	p2 =	slt.s32 s29, s19;
	v7 =	vadd.s32 v9, v7;
	v9 =	vadd.s32 v13, v10;
	v10 =	vsel vm0, $0x1, v1  }
.Ltmp50:
0x214: {  	v7 =	vadd.s32 v8, v7;
	v10 =	vadd.s32 v10, v9;
	(pc) =	sbr.rel @p2 .LBB2_121-.Ltmp50, $4  }
0x215: {  	vm3 =	vgt.s32 v14, v5;
	vm0 =	vgt.s32 v11, v5  }
0x216: {  	v14 =	vxor.u32 $0xFFFFFFFF, v14;
	v11 =	vxor.u32 $0xFFFFFFFF, v11;
	vm1 =	vgt.s32 v12, v5  }
0x217: {  	v12 =	vxor.u32 $0xFFFFFFFF, v12;
	vm2 =	vgt.s32 v16, v5;
	v13 =	vxor.u32 $0xFFFFFFFF, v16  }
0x218: {  	s30 =	sadd.s32 $0x40, s30;
	v8 =	vsel vm3, $0x1, v1;
	v9 =	vsel vm0, $0x1, v1;
	vm0 =	vlt.s32 v6, v14  }
.LBB2_122:
0x219: {  	vm3 =	vlt.s32 v6, v13;
	v63 =	vsel vm1, $0x1, v1;
	vm14 =	vlt.s32 v6, v11  }
.Ltmp51:
0x21a: {  	v11 =	vsel vm2, $0x1, v1;
	vm15 =	vlt.s32 v6, v12;
	v14 =	vsel vm3, $0x1, v1;
	(pc) =	sbr.rel .LBB2_102-.Ltmp51, $4  }
0x21b: {  	v7 =	vadd.s32 v11, v7;
	v11 =	vsel vm15, $0x1, v1;
	v10 =	vadd.s32 v14, v10  }
0x21c: {  	v7 =	vadd.s32 v63, v7;
	v10 =	vadd.s32 v11, v10;
	v11 =	vsel vm14, $0x1, v1  }
0x21d: {  	v7 =	vadd.s32 v9, v7;
	v9 =	vadd.s32 v11, v10;
	v10 =	vsel vm0, $0x1, v1  }
0x21e: {  	v7 =	vadd.s32 v8, v7;
	v8 =	vadd.s32 v10, v9  }
.LBB2_101:
0x21f: {  	v8 =	vimm.s32 $0x0  }
.LBB2_102:
.Ltmp52:
0x220: {  	(pc) =	sbr.rel @p1 .LBB2_105-.Ltmp52, $1  }
0x221: {  	_ =	sdelay $0x3  }
0x222: {  	s29 =	smov.u32 s24;
	s30 =	smov.u32 s20  }
.LBB2_104:
0x223: {  	v9 =	vld [tilespmem:s29+$0x0];
	_ =	sdelay $0x2  }
0x224: {  	p2 =	sne.s32 s30, $0x1  }
.Ltmp53:
0x225: {  	_ = 	snop;
	(pc) =	sbr.rel @p2 .LBB2_104-.Ltmp53, $4  }
0x226: {  	v10 =	vxor.u32 $0xFFFFFFFF, v9  }
0x227: {  	vm0 =	vgt.s32 v9, v5;
	vm1 =	vlt.s32 v6, v10  }
0x228: {  	v9 =	vsel vm0, $0x1, v1;
	v10 =	vsel vm1, $0x1, v1  }
0x229: {  	s29 =	sadd.s32 $0x10, s29;
	s30 =	sadd.s32 $0xFFFFFFFF, s30;
	v7 =	vadd.s32 v9, v7;
	v8 =	vadd.s32 v10, v8  }
.Ltmp54:
0x22a: {  	_ = 	snop;
	(pc) =	sbr.rel .LBB2_105-.Ltmp54, $1  }
0x22b: {  	_ =	sdelay $0x3  }
.LBB2_106:
0x22c: {  	p0 =	slt.s32 s18, $0x1  }
.Ltmp55:
0x22d: {  	_ = 	snop;
	(pc) =	sbr.rel @p0 .LBB2_109-.Ltmp55, $1  }
0x22e: {  	_ =	sdelay $0x3  }
0x22f: {  	s31 =	simm.s32 $0x10000  }
0x230: {  	v7 =	vld [tilespmem:s31+$0x0];
	_ =	sdelay $0x2  }
0x231: {  	s19 =	simm.s32 $0x8000  }
0x232: {  	v8 =	vld [tilespmem:s19+$0x0]  }
0x233: {  	v5 =	vmov s22;
	v6 =	vmov s21;
	v9 =	vxor.u32 $0xFFFFFFFF, v7  }
0x234: {  	s20 =	simm.s32 $0x0;
	vm0 =	vgt.s32 v7, v5;
	vm1 =	vlt.s32 v6, v9  }
0x235: {  	vm15 =	vgt.u32 v4, s20;
	vm0 =	vmor vm0, vm1  }
0x236: {  	vm0 =	vmand vm15, vm0  }
0x237: {  	p0 =	sne.s32 s18, $0x1;
	v7 =	vand.u32 $0x7FFF, v8  }
.Ltmp56:
0x238: {  	_ = 	snop;
	(pc) =	sbr.rel @!p0 .LBB2_109-.Ltmp56, $2  }
0x239: {  	_ =	sdelay $0x2  }
0x23a: {  	s21 =	simm.s32 $0x10010;
	s20 =	simm.s32 $0x1;
	[tilespmem:v7+s2+$0x0] =	vst.idx.msk vm0, v3  }
.LBB2_108:
0x23b: {  	v7 =	vld [tilespmem:s21+$0x0];
	s22 =	smov.u32 s20;
	s20 =	sadd.s32 $0x1, s20  }
0x23c: {  	p0 =	sne.s32 s18, s20;
	_ =	sdelay $0x1  }
0x23d: {  	s19 =	sadd.s32 $0x10, s19  }
0x23e: {  	v8 =	vld [tilespmem:s19+$0x0]  }
0x23f: {  	v9 =	vxor.u32 $0xFFFFFFFF, v7  }
0x240: {  	vm0 =	vgt.s32 v7, v5;
	vm1 =	vlt.s32 v6, v9  }
0x241: {  	vm0 =	vmor vm0, vm1;
	vm1 =	vgt.u32 v4, s22  }
0x242: {  	vm0 =	vmand vm1, vm0  }
0x243: {  	v7 =	vand.u32 $0x7FFF, v8  }
.Ltmp57:
0x244: {  	(pc) =	sbr.rel @p0 .LBB2_108-.Ltmp57, $2  }
0x245: {  	_ =	sdelay $0x2  }
0x246: {  	s21 =	sadd.s32 $0x10, s21;
	[tilespmem:v7+s2+$0x0] =	vst.idx.msk vm0, v3  }
.LBB2_109:
0x247: {  	[hbm4b:s6+s12] =	stream.strided.scatter [tilespmem:s2], [sflag:$0x1], $0x8000, s13, s12, $0x38;
	[tilespmem:$0x18000] =	vst v63  }
0x248: {  	_ =	swait.ge [sflag:s14], $0x8000  }
0x249: {  	[sflag:s14] =	ssyncset.done $0x0  }
0x24a: {  	[sflag:s14] =	ssyncadd.s32 $0xFFFF8000  }
0x24b: {  	[tilespmem:s2], [sflag:$0x1] =	stream.strided.gather [hbm4b:s7+s12], $0x8000, s13, s12, $0x38;
	[tilespmem:$0x18000] =	vst v63  }
0x24c: {  	_ =	swait.ge [sflag:s14], $0x8000  }
0x24d: {  	[sflag:s14] =	ssyncset.done $0x0  }
0x24e: {  	s18 =	simm.s32 $0x40;
	[sflag:s14] =	ssyncadd.s32 $0xFFFF8000  }
0x24f: {  	v4 =	vld [tilespmem:s18+$0x30]  }
0x250: {  	v9 =	vld [tilespmem:s18+$0x20]  }
0x251: {  	v10 =	vld [tilespmem:s18+$0x10]  }
0x252: {  	v11 =	vld [tilespmem:s18+$0x0]  }
0x253: {  	v13 =	vld [tilespmem:s18+$0xFFFFFFF0]  }
0x254: {  	v12 =	vld [tilespmem:s18+$0xFFFFFFC0]  }
0x255: {  	v14 =	vld [tilespmem:s18+$0xFFFFFFD0]  }
0x256: {  	s19 =	simm.s32 $0x0;
	s20 =	simm.s32 $0x10;
	v15 =	vld [tilespmem:s18+$0xFFFFFFE0]  }
0x257: {  	v5 =	vlaneseq.u32;
	s31 =	simm.s32 $0x20;
	v8 =	vor.u32 s19, v0;
	v7 =	vor.u32 s20, v0  }
0x258: {  	v6 =	vor.u32 s31, v0;
	v9 =	vand.u32 $0x7FFFFFFF, v9;
	v4 =	vand.u32 $0x7FFFFFFF, v4  }
0x259: {  	v16 =	vand.u32 $0x7FFFFFFF, v12;
	v12 =	vand.u32 $0x7FFFFFFF, v11;
	v11 =	vand.u32 $0x7FFFFFFF, v10  }
0x25a: {  	s21 =	simm.s32 $0xC0;
	v10 =	vand.u32 $0x7FFFFFFF, v14;
	v13 =	vand.u32 $0x7FFFFFFF, v13;
	vm0 =	vgt.f32 v16, $2.599999900e+00  }
0x25b: {  	v15 =	vand.u32 $0x7FFFFFFF, v15;
	vm1 =	vgt.f32 v10, $2.599999900e+00;
	v14 =	vsel vm0, $0x10, v1  }
0x25c: {  	s20 =	simm.s32 $0x0;
	s19 =	simm.s32 $0x70;
	s18 =	simm.s32 $0x70;
	vm2 =	vgt.f32 v15, $2.599999900e+00;
	v10 =	vadd.s32 v5, v14;
	v14 =	vsel vm1, $0x10, v1  }
.LBB2_110:
0x25d: {  	v15 =	vld [tilespmem:s21+$0x30];
	v14 =	vadd.s32 v10, v14;
	v16 =	vsel vm2, $0x10, v1;
	vm5 =	vgt.f32 v13, $2.599999900e+00  }
0x25e: {  	s20 =	sadd.s32 $0x8, s20;
	vm4 =	vgt.f32 v12, $2.599999900e+00;
	v13 =	vld [tilespmem:s21+$0x20];
	v16 =	vadd.s32 v14, v16;
	v17 =	vsel vm5, $0x10, v1  }
0x25f: {  	vm3 =	vgt.f32 v11, $2.599999900e+00;
	p0 =	slt.u32 s20, $0x7F8;
	v18 =	vld [tilespmem:s21+$0x10];
	v12 =	vadd.s32 v16, v17;
	v17 =	vsel vm4, $0x10, v1  }
0x260: {  	v11 =	vld [tilespmem:s21+$0x0];
	[tilespmem:v5+s15+$0x0] =	vst.idx.msk vm0, v8;
	v17 =	vadd.s32 v12, v17;
	v5 =	vsel vm3, $0x10, v1;
	vm0 =	vgt.f32 v9, $2.599999900e+00  }
0x261: {  	s22 =	sadd.s32 $0xFFFFFFC0, s18;
	v19 =	vld [tilespmem:s21+$0xFFFFFFF0];
	[tilespmem:v10+s15+$0x0] =	vst.idx.msk vm1, v7;
	v10 =	vadd.s32 v17, v5;
	v5 =	vsel vm0, $0x10, v1;
	vm1 =	vgt.f32 v4, $2.599999900e+00  }
0x262: {  	v4 =	vor.u32 s22, v0;
	s22 =	sadd.s32 $0xFFFFFFD0, s18;
	v20 =	vld [tilespmem:s21+$0xFFFFFFC0];
	[tilespmem:v14+s15+$0x0] =	vst.idx.msk vm2, v6;
	v14 =	vadd.s32 v10, v5;
	v5 =	vsel vm1, $0x10, v1  }
0x263: {  	s18 =	sadd.s32 $0x80, s18;
	v21 =	vld [tilespmem:s21+$0xFFFFFFD0];
	[tilespmem:v16+s15+$0x0] =	vst.idx.msk vm5, v4;
	v4 =	vor.u32 s22, v0;
	s22 =	sadd.s32 $0xFFFFFFE0, s19;
	v5 =	vadd.s32 v14, v5  }
0x264: {  	v22 =	vor.u32 s19, v0;
	s23 =	sadd.s32 $0xFFFFFF90, s18;
	s24 =	sadd.s32 $0xFFFFFFA0, s18;
	v16 =	vld [tilespmem:s21+$0xFFFFFFE0];
	[tilespmem:v12+s15+$0x0] =	vst.idx.msk vm4, v4;
	v4 =	vor.u32 s22, v0;
	s22 =	sadd.s32 $0xFFFFFFF0, s19  }
0x265: {  	v8 =	vor.u32 s23, v0;
	v7 =	vor.u32 s24, v0;
	s23 =	sadd.s32 $0xFFFFFFB0, s18;
	s19 =	smov.u32 s18;
	[tilespmem:v17+s15+$0x0] =	vst.idx.msk vm3, v4;
	v12 =	vor.u32 s22, v0  }
.Ltmp58:
0x266: {  	v9 =	vand.u32 $0x7FFFFFFF, v13;
	v6 =	vor.u32 s23, v0;
	v4 =	vand.u32 $0x7FFFFFFF, v15;
	[tilespmem:v10+s15+$0x0] =	vst.idx.msk vm0, v12;
	(pc) =	sbr.rel @p0 .LBB2_110-.Ltmp58, $4  }
0x267: {  	v12 =	vand.u32 $0x7FFFFFFF, v11;
	v11 =	vand.u32 $0x7FFFFFFF, v18;
	v10 =	vand.u32 $0x7FFFFFFF, v20;
	[tilespmem:v14+s15+$0x0] =	vst.idx.msk vm1, v22  }
0x268: {  	v13 =	vand.u32 $0x7FFFFFFF, v19;
	vm0 =	vgt.f32 v10, $2.599999900e+00;
	v10 =	vand.u32 $0x7FFFFFFF, v21  }
0x269: {  	v14 =	vsel vm0, $0x10, v1;
	vm1 =	vgt.f32 v10, $2.599999900e+00;
	v15 =	vand.u32 $0x7FFFFFFF, v16  }
0x26a: {  	s21 =	sadd.s32 $0x80, s21;
	v10 =	vadd.s32 v5, v14;
	v14 =	vsel vm1, $0x10, v1;
	vm2 =	vgt.f32 v15, $2.599999900e+00  }
0x26b: {  	v14 =	vadd.s32 v10, v14;
	v15 =	vsel vm2, $0x10, v1;
	vm3 =	vgt.f32 v13, $2.599999900e+00  }
0x26c: {  	vm4 =	vgt.f32 v12, $2.599999900e+00;
	v56 =	vadd.s32 v14, v15;
	v57 =	vsel vm3, $0x10, v1  }
0x26d: {  	vm5 =	vgt.f32 v11, $2.599999900e+00;
	v59 =	vsel vm4, $0x10, v1;
	v58 =	vadd.s32 v56, v57  }
0x26e: {  	vm6 =	vgt.f32 v9, $2.599999900e+00;
	v61 =	vsel vm5, $0x10, v1;
	v60 =	vadd.s32 v58, v59  }
0x26f: {  	vm7 =	vgt.f32 v4, $2.599999900e+00;
	v63 =	vsel vm6, $0x10, v1;
	v62 =	vadd.s32 v60, v61  }
0x270: {  	v4 =	vsel vm7, $0x10, v1;
	v15 =	vadd.s32 v62, v63  }
0x271: {  	v4 =	vadd.s32 v15, v4  }
0x272: {  	v4 =	vadd.s32 v2, v4  }
0x273: {  	v4 =	vshrl.u32 v4, $0x4  }
0x274: {  	v16 =	vor.u32 $0x80000000, v4  }
0x275: {  	(xrf0) =	vmax.scan.msk.u32 $0xffff, v16;
	_ =	sdelay $0x5  }
0x276: {  	v16, _, _ =	vpop (xrf0)  }
0x277: {  	(v2sf) =	vpush v16, $0xF;
	_ =	sdelay $0xe  }
0x278: {  	[tilespmem:v5+s15+$0x0] =	vst.idx.msk vm0, v8;
	s31 =	spop (v2sf)  }
0x279: {  	[tilespmem:v10+s15+$0x0] =	vst.idx.msk vm1, v7;
	s20 =	sadd.s32 $0xFFFFFFC0, s18;
	s28 =	sadd.s32 $0xFFFFFFD0, s18;
	s18 =	sxor.u32 $0x80000000, s31  }
0x27a: {  	v5 =	vor.u32 s20, v0;
	[tilespmem:v14+s15+$0x0] =	vst.idx.msk vm2, v6;
	p0 =	slt.s32 s18, $0x1  }
.Ltmp59:
0x27b: {  	s29 =	sadd.s32 $0xFFFFFFE0, s19;
	[tilespmem:v56+s15+$0x0] =	vst.idx.msk vm3, v5;
	v5 =	vor.u32 s28, v0;
	(pc) =	sbr.rel @p0 .LBB2_112-.Ltmp59, $4  }
0x27c: {  	s30 =	sadd.s32 $0xFFFFFFF0, s19;
	[tilespmem:v58+s15+$0x0] =	vst.idx.msk vm4, v5;
	v5 =	vor.u32 s29, v0  }
0x27d: {  	[tilespmem:v60+s15+$0x0] =	vst.idx.msk vm5, v5;
	v5 =	vor.u32 s30, v0  }
0x27e: {  	v6 =	vor.u32 s19, v0;
	[tilespmem:v62+s15+$0x0] =	vst.idx.msk vm6, v5  }
0x27f: {  	v5 =	vimm.s32 $0x0;
	[tilespmem:v15+s15+$0x0] =	vst.idx.msk vm7, v6  }
0x280: {  	p3 =	sne.s32 s18, $0x1  }
.Ltmp60:
0x281: {  	_ = 	snop;
	(pc) =	sbr.rel @!p3 .LBB2_124-.Ltmp60, $3  }
0x282: {  	_ =	sdelay $0x1  }
0x283: {  	s20 =	simm.s32 $0x0;
	s21 =	simm.s32 $0x8000;
	s19 =	simm.s32 $0x1  }
0x284: {  	p0 =	por $0x0, $0x0;
	p1 =	por $0x0, $0x0;
	p2 =	por $0x0, $0x0;
	v6 =	vld [tilespmem:s21+$0x0]  }
0x285: {  	p3 =	sne.s32 s18, $0x2  }
.Ltmp61:
0x286: {  	_ = 	snop;
	(pc) =	sbr.rel @!p3 .LBB2_126-.Ltmp61, $3  }
0x287: {  	_ =	sdelay $0x1  }
0x288: {  	s22 =	simm.s32 $0x8010  }
0x289: {  	s21 =	simm.s32 $0x2;
	p0 =	por $0x1, $0x1;
	v8 =	vand.u32 $0x7FFF, v6;
	v6 =	vld [tilespmem:s22+$0x0]  }
0x28a: {  	p3 =	sne.s32 s18, $0x3  }
.Ltmp62:
0x28b: {  	_ = 	snop;
	(pc) =	sbr.rel @!p3 .LBB2_128-.Ltmp62, $3  }
0x28c: {  	_ =	sdelay $0x1  }
0x28d: {  	v7 =	vld.idx.msk [tilespmem:v8+s2+$0x0], $0xffff;
	s23 =	simm.s32 $0x8020  }
0x28e: {  	s22 =	simm.s32 $0x3;
	p1 =	por $0x1, $0x1;
	v8 =	vand.u32 $0x7FFF, v6;
	v6 =	vld [tilespmem:s23+$0x0]  }
0x28f: {  	p3 =	sne.s32 s18, $0x4  }
.Ltmp63:
0x290: {  	_ = 	snop;
	(pc) =	sbr.rel @!p3 .LBB2_130-.Ltmp63, $4  }
0x291: {  	vm0 =	vgt.u32 v4, s20  }
0x292: {  	v9 =	vimm.s32 $0x0;
	vm1 =	vgt.f32 v7, $2.599999900e+00;
	vm2 =	vlt.f32 v7, $-2.599999900e+00  }
0x293: {  	v10 =	vld.idx.msk [tilespmem:v8+s2+$0x0], $0xffff;
	s23 =	simm.s32 $0x8030;
	v11 =	vimm.s32 $0x0;
	vm1 =	vmand vm0, vm1;
	vm0 =	vmand vm0, vm2  }
0x294: {  	s24 =	simm.s32 $0x4;
	p2 =	por $0x1, $0x1;
	v8 =	vand.u32 $0x7FFF, v6;
	v6 =	vld [tilespmem:s23+$0x0];
	v12 =	vsel vm1, $0x1, v1;
	v13 =	vsel vm0, $0x1, v1  }
.LBB2_131:
0x295: {  	s25 =	smov.u32 s24;
	s24 =	sadd.s32 $0x1, s24  }
0x296: {  	v9 =	vadd.s32 v12, v9;
	v11 =	vadd.s32 v13, v11;
	p3 =	sne.s32 s18, s24  }
.Ltmp64:
0x297: {  	(pc) =	sbr.rel @p3 .LBB2_131-.Ltmp64, $4  }
0x298: {  	_ = 	snop  }
0x299: {  	vm0 =	vgt.u32 v4, s19;
	s19 =	smov.u32 s21;
	s21 =	smov.u32 s22;
	s22 =	smov.u32 s25;
	vm1 =	vgt.f32 v10, $2.599999900e+00;
	vm2 =	vlt.f32 v10, $-2.599999900e+00;
	v10 =	vld.idx.msk [tilespmem:v8+s2+$0x0], $0xffff  }
0x29a: {  	s23 =	sadd.s32 $0x10, s23;
	vm1 =	vmand vm0, vm1;
	vm0 =	vmand vm0, vm2;
	v8 =	vand.u32 $0x7FFF, v6  }
0x29b: {  	v12 =	vsel vm1, $0x1, v1;
	v13 =	vsel vm0, $0x1, v1;
	v6 =	vld [tilespmem:s23+$0x0]  }
0x29c: {  	s23 =	smov.u32 s19;
	s19 =	smov.u32 s22  }
.LBB2_133:
0x29d: {  	_ =	sdelay $0x3  }
0x29e: {  	v8 =	vld.idx.msk @p0 [tilespmem:v8+s2+$0x0], $0xffff  }
0x29f: {  	vm0 =	vgt.u32 @p1 v4, s23;
	v9 =	vadd.s32 @p2 v12, v9;
	v6 =	vand.u32 $0x7FFF, v6  }
0x2a0: {  	vm13 =	vgt.u32 v4, s19;
	vm1 =	vgt.f32 @p1 v10, $2.599999900e+00;
	vm2 =	vlt.f32 @p1 v10, $-2.599999900e+00  }
0x2a1: {  	v10 =	vadd.s32 @p2 v13, v11;
	v9 =	vpsel p2, v9, v5;
	vm1 =	vmand @p1 vm0, vm1  }
0x2a2: {  	s20 =	smov.u32 @p0 s21;
	vm0 =	vmand @p1 vm0, vm2;
	v10 =	vpsel p2, v10, v5;
	v11 =	vsel @p1 vm1, $0x1, v1  }
0x2a3: {  	v12 =	vsel @p1 vm0, $0x1, v1;
	vm0 =	vgt.u32 @p0 v4, s20;
	v7 =	vpsel p0, v8, v7  }
0x2a4: {  	v11 =	vpsel p1, v11, v0;
	v12 =	vpsel p1, v12, v0;
	vm1 =	vgt.f32 @p0 v7, $2.599999900e+00;
	v6 =	vld.idx.msk [tilespmem:v6+s2+$0x0], $0xffff  }
0x2a5: {  	v8 =	vadd.s32 @p1 v12, v10;
	vm2 =	vlt.f32 @p0 v7, $-2.599999900e+00;
	vm1 =	vmand @p0 vm0, vm1  }
0x2a6: {  	v7 =	vadd.s32 @p1 v11, v9;
	vm0 =	vmand @p0 vm0, vm2;
	v9 =	vsel @p0 vm1, $0x1, v1  }
0x2a7: {  	v7 =	vpsel p1, v7, v5;
	v10 =	vsel @p0 vm0, $0x1, v1;
	v9 =	vpsel p0, v9, v0  }
.Ltmp65:
0x2a8: {  	v8 =	vpsel p1, v8, v5;
	v10 =	vpsel p0, v10, v0;
	v7 =	vadd.s32 @p0 v9, v7;
	(pc) =	sbr.rel .LBB2_134-.Ltmp65, $4  }
0x2a9: {  	v7 =	vpsel p0, v7, v5;
	vm14 =	vgt.f32 v6, $2.599999900e+00;
	vm15 =	vlt.f32 v6, $-2.599999900e+00  }
0x2aa: {  	v6 =	vadd.s32 @p0 v10, v8;
	vm1 =	vmand vm13, vm14;
	vm0 =	vmand vm13, vm15  }
0x2ab: {  	v6 =	vpsel p0, v6, v5;
	v8 =	vsel vm1, $0x1, v1;
	v63 =	vsel vm0, $0x1, v1  }
0x2ac: {  	v5 =	vadd.s32 v8, v7;
	v6 =	vadd.s32 v63, v6  }
.LBB2_112:
0x2ad: {  	v6 =	vimm.s32 $0x0  }
.LBB2_134:
0x2ae: {  	(xrf0) =	vadd.scan.msk.s32 $0xffff, v5  }
0x2af: {  	(xrf0) =	vadd.scan.msk.s32 $0xffff, v6;
	_ =	sdelay $0x4  }
0x2b0: {  	v5, _, _ =	vpop (xrf0)  }
0x2b1: {  	(v2sf) =	vpush v5, $0xF;
	v5, _, _ =	vpop (xrf0)  }
0x2b2: {  	(v2sf) =	vpush v5, $0xF;
	_ =	sdelay $0xd  }
0x2b3: {  	s19 =	spop (v2sf)  }
0x2b4: {  	s20 =	spop (v2sf);
	p0 =	slt.s32 s19, $0x40  }
0x2b5: {  	p1 =	sgt.s32 @!p0 s20, $0x3F  }
0x2b6: {  	p1 =	por p0, !p1  }
.Ltmp66:
0x2b7: {  	_ = 	snop;
	(pc) =	sbr.rel @p1 .LBB2_135-.Ltmp66, $1  }
0x2b8: {  	_ =	sdelay $0x3  }
.LBB2_152:
0x2b9: {  	s19 =	sshra.s32 s18, $0x1F  }
0x2ba: {  	s19 =	sshrl.u32 s19, $0x1E  }
0x2bb: {  	s19 =	sadd.s32 s19, s18  }
0x2bc: {  	s19 =	sand.u32 $0xFFFFFFFC, s19  }
0x2bd: {  	p0 =	slt.s32 s19, $0x1  }
.Ltmp67:
0x2be: {  	_ = 	snop;
	(pc) =	sbr.rel @p0 .LBB2_155-.Ltmp67, $1  }
0x2bf: {  	_ =	sdelay $0x3  }
0x2c0: {  	s23 =	simm.s32 $0x8020  }
0x2c1: {  	v5 =	vld [tilespmem:s23+$0x10]  }
0x2c2: {  	p3 =	sgt.s32 s19, $0x4;
	v6 =	vld [tilespmem:s23+$0xFFFFFFF0]  }
.Ltmp68:
0x2c3: {  	_ = 	snop;
	(pc) =	sbr.rel @!p3 .LBB2_154-.Ltmp68, $3  }
0x2c4: {  	_ =	sdelay $0x1  }
0x2c5: {  	s22 =	simm.s32 $0x0;
	s20 =	simm.s32 $0x10020;
	s21 =	simm.s32 $0x4;
	v10 =	vld [tilespmem:s23+$0x0]  }
0x2c6: {  	p1 =	por $0x0, $0x0;
	p2 =	por $0x0, $0x0;
	v9 =	vld [tilespmem:s23+$0xFFFFFFE0];
	s23 =	simm.s32 $0x8060;
	v11 =	vand.u32 $0x7FFF, v5;
	v5 =	vand.u32 $0x7FFF, v6  }
0x2c7: {  	_ =	sdelay $0x1  }
0x2c8: {  	v8 =	vld [tilespmem:s23+$0x10]  }
0x2c9: {  	v12 =	vld [tilespmem:s23+$0xFFFFFFF0];
	v14 =	vand.u32 $0x7FFF, v10  }
0x2ca: {  	v6 =	vld.idx.msk [tilespmem:v11+s2+$0x0], $0xffff;
	p3 =	sgt.s32 s19, $0x8;
	v13 =	vand.u32 $0x7FFF, v9  }
.Ltmp69:
0x2cb: {  	v7 =	vld.idx.msk [tilespmem:v5+s2+$0x0], $0xffff;
	(pc) =	sbr.rel @!p3 .LBB2_173-.Ltmp69, $4  }
0x2cc: {  	v10 =	vld [tilespmem:s23+$0x0]  }
0x2cd: {  	v9 =	vld [tilespmem:s23+$0xFFFFFFE0]  }
0x2ce: {  	v11 =	vand.u32 $0x7FFF, v8;
	v8 =	vld.idx.msk [tilespmem:v14+s2+$0x0], $0xffff  }
0x2cf: {  	s24 =	simm.s32 $0x8;
	p1 =	por $0x1, $0x1;
	s23 =	simm.s32 $0x80A0;
	v5 =	vand.u32 $0x7FFF, v12;
	v13 =	vld.idx.msk [tilespmem:v13+s2+$0x0], $0xffff  }
0x2d0: {  	_ =	sdelay $0x1  }
0x2d1: {  	v12 =	vld [tilespmem:s23+$0x10];
	vm0 =	vlt.s32 v6, $0x0;
	s25 =	simm.s32 $0x3;
	vm1 =	vgt.s32 v4, s22;
	vm14 =	vlt.s32 v7, $0x0  }
0x2d2: {  	v15 =	vld [tilespmem:s23+$0xFFFFFFF0];
	v14 =	vand.u32 $0x7FFF, v10;
	v10 =	vsub.s32 $0x80000000, v6;
	vm13 =	vgt.s32 v4, s25  }
0x2d3: {  	s26 =	simm.s32 $0x1;
	p3 =	sgt.s32 s19, $0xC;
	v16 =	vand.u32 $0x7FFF, v9;
	v9 =	vsel vm0, v10, v6;
	v6 =	vld.idx.msk [tilespmem:v11+s2+$0x0], $0xffff;
	v11 =	vsub.s32 $0x80000000, v7  }
.Ltmp70:
0x2d4: {  	vm2 =	vgt.s32 v4, s26;
	v10 =	vld [tilespmem:s23+$0x0];
	v17 =	vnsel vm13, $0x80000000, v9;
	v18 =	vsel vm14, v11, v7;
	(pc) =	sbr.rel @!p3 .LBB2_175-.Ltmp70, $4  }
0x2d5: {  	v9 =	vld [tilespmem:s23+$0xFFFFFFE0];
	vm15 =	vlt.s32 v8, $0x0;
	vm4 =	vlt.s32 v13, $0x0;
	v11 =	vsub.s32 $0x80000000, v13  }
0x2d6: {  	s31 =	simm.s32 $0x2;
	v7 =	vld.idx.msk [tilespmem:v5+s2+$0x0], $0xffff;
	v20 =	vsub.s32 $0x80000000, v8;
	v19 =	vsel vm4, v11, v13;
	v11 =	vand.u32 $0x7FFF, v12  }
0x2d7: {  	s22 =	simm.s32 $0xC;
	vm3 =	vgt.s32 v4, s31;
	v5 =	vand.u32 $0x7FFF, v15;
	v12 =	vsel vm15, v20, v8;
	v8 =	vld.idx.msk [tilespmem:v14+s2+$0x0], $0xffff  }
0x2d8: {  	p2 =	por $0x1, $0x1;
	s25 =	simm.s32 $0x80E0;
	s23 =	simm.s32 $0x10020;
	[tilespmem:s20+$0x10] =	vst v17;
	v15 =	vnsel vm1, $0x80000000, v19;
	v14 =	vnsel vm2, $0x80000000, v18;
	v12 =	vnsel vm3, $0x80000000, v12;
	v13 =	vld.idx.msk [tilespmem:v16+s2+$0x0], $0xffff  }
.LBB2_176:
0x2d9: {  	v16 =	vld [tilespmem:s25+$0x10];
	v17 =	vand.u32 $0x7FFF, v10;
	vm0 =	vlt.s32 v6, $0x0;
	v10 =	vsub.s32 $0x80000000, v6;
	s26 =	sadd.s32 $0x3, s21;
	[tilespmem:s23+$0xFFFFFFE0] =	vst v15;
	s28 =	smov.u32 s22;
	s22 =	sadd.s32 $0x4, s22  }
0x2da: {  	s29 =	sadd.s32 $0x1, s21;
	v15 =	vld [tilespmem:s25+$0xFFFFFFF0];
	p3 =	slt.s32 s22, s19;
	v18 =	vand.u32 $0x7FFF, v9;
	v9 =	vsel vm0, v10, v6;
	vm0 =	vgt.s32 v4, s26;
	[tilespmem:s23+$0xFFFFFFF0] =	vst v14  }
0x2db: {  	vm1 =	vgt.s32 v4, s21;
	vm2 =	vgt.s32 v4, s29;
	s26 =	sadd.s32 $0x2, s21;
	s21 =	smov.u32 s24;
	v6 =	vld.idx.msk [tilespmem:v11+s2+$0x0], $0xffff;
	v9 =	vnsel vm0, $0x80000000, v9;
	[tilespmem:s23+$0x0] =	vst v12;
	s23 =	sadd.s32 $0x40, s23  }
.Ltmp71:
0x2dc: {  	s24 =	smov.u32 s28;
	vm0 =	vlt.s32 v7, $0x0;
	v11 =	vsub.s32 $0x80000000, v7;
	vm3 =	vgt.s32 v4, s26;
	v10 =	vld [tilespmem:s25+$0x0];
	[tilespmem:s23+$0x10] =	vst v9;
	(pc) =	sbr.rel @p3 .LBB2_176-.Ltmp71, $4  }
0x2dd: {  	vm4 =	vlt.s32 v13, $0x0;
	v12 =	vsub.s32 $0x80000000, v13;
	v14 =	vsel vm0, v11, v7;
	v9 =	vld [tilespmem:s25+$0xFFFFFFE0]  }
0x2de: {  	vm0 =	vlt.s32 v8, $0x0;
	v11 =	vand.u32 $0x7FFF, v16;
	v7 =	vld.idx.msk [tilespmem:v5+s2+$0x0], $0xffff;
	v16 =	vsub.s32 $0x80000000, v8  }
0x2df: {  	v12 =	vsel vm4, v12, v13;
	v5 =	vand.u32 $0x7FFF, v15;
	v13 =	vld.idx.msk [tilespmem:v18+s2+$0x0], $0xffff;
	v16 =	vsel vm0, v16, v8  }
0x2e0: {  	s25 =	sadd.s32 $0x40, s25;
	v14 =	vnsel vm2, $0x80000000, v14;
	v15 =	vnsel vm1, $0x80000000, v12;
	v8 =	vld.idx.msk [tilespmem:v17+s2+$0x0], $0xffff;
	v12 =	vnsel vm3, $0x80000000, v16  }
0x2e1: {  	s22 =	smov.u32 s24  }
.LBB2_178:
0x2e2: {  	_ = 	snop  }
0x2e3: {  	vm0 =	vlt.s32 @p1 v6, $0x0;
	v16 =	vsub.s32 @p1 $0x80000000, v6  }
0x2e4: {  	v10 =	vand.u32 $0x7FFF, v10;
	s24 =	sadd.s32 @p1 $0x3, s21;
	v9 =	vand.u32 $0x7FFF, v9;
	vm1 =	vgt.s32 @p1 v4, s21  }
0x2e5: {  	s25 =	sadd.s32 @p1 $0x1, s21;
	s29 =	sadd.s32 $0x3, s22;
	vm12 =	vgt.s32 v4, s22;
	v6 =	vsel @p1 vm0, v16, v6;
	vm0 =	vgt.s32 @p1 v4, s24  }
0x2e6: {  	v11 =	vld.idx.msk [tilespmem:v11+s2+$0x0], $0xffff;
	s30 =	sadd.s32 $0x1, s22;
	vm2 =	vgt.s32 @p1 v4, s25;
	v16 =	vsub.s32 @p1 $0x80000000, v7;
	vm11 =	vgt.s32 v4, s29  }
0x2e7: {  	v5 =	vld.idx.msk [tilespmem:v5+s2+$0x0], $0xffff;
	vm13 =	vgt.s32 v4, s30;
	v6 =	vnsel @p1 vm0, $0x80000000, v6;
	vm0 =	vlt.s32 @p1 v7, $0x0  }
0x2e8: {  	v7 =	vsel @p1 vm0, v16, v7;
	vm0 =	vlt.s32 @p1 v13, $0x0;
	v16 =	vsub.s32 @p1 $0x80000000, v13  }
0x2e9: {  	s21 =	sadd.s32 @p1 $0x2, s21;
	[tilespmem:s23+$0xFFFFFFE0] =	vst @p2 v15;
	v13 =	vsel @p1 vm0, v16, v13;
	vm0 =	vlt.s32 @p1 v8, $0x0;
	v16 =	vsub.s32 @p1 $0x80000000, v8  }
0x2ea: {  	[tilespmem:s23+$0xFFFFFFF0] =	vst @p2 v14;
	s24 =	simm.s32 $0x10020;
	v7 =	vnsel @p1 vm2, $0x80000000, v7;
	v8 =	vsel @p1 vm0, v16, v8;
	vm0 =	vgt.s32 @p1 v4, s21;
	v9 =	vld.idx.msk [tilespmem:v9+s2+$0x0], $0xffff;
	s21 =	sadd.s32 @p2 $0x40, s23  }
0x2eb: {  	[tilespmem:s23+$0x0] =	vst @p2 v12;
	v13 =	vnsel @p1 vm1, $0x80000000, v13;
	v10 =	vld.idx.msk [tilespmem:v10+s2+$0x0], $0xffff;
	v7 =	vpsel p1, v7, v0;
	vm10 =	vlt.s32 v11, $0x0;
	s24 =	smov.u32 @p2 s21  }
0x2ec: {  	v61 =	vsub.s32 $0x80000000, v11;
	vm3 =	vlt.s32 v5, $0x0;
	v8 =	vnsel @p1 vm0, $0x80000000, v8;
	[tilespmem:s24+$0x10] =	vst @p1 v6  }
0x2ed: {  	v13 =	vpsel p1, v13, v0;
	v62 =	vsel vm10, v61, v11;
	[tilespmem:s24+$0xFFFFFFF0] =	vst @p1 v7;
	v7 =	vsub.s32 $0x80000000, v5  }
0x2ee: {  	v6 =	vpsel p1, v8, v0;
	[tilespmem:s24+$0xFFFFFFE0] =	vst @p1 v13;
	s21 =	sadd.s32 @p1 $0x40, s24;
	v8 =	vnsel vm11, $0x80000000, v62;
	v5 =	vsel vm3, v7, v5  }
0x2ef: {  	[tilespmem:s24+$0x0] =	vst @p1 v6;
	s20 =	smov.u32 @p1 s21;
	v5 =	vnsel vm13, $0x80000000, v5;
	vm4 =	vlt.s32 v9, $0x0;
	v63 =	vsub.s32 $0x80000000, v9  }
0x2f0: {  	s31 =	sadd.s32 $0x2, s22;
	[tilespmem:s20+$0x10] =	vst v8;
	vm14 =	vlt.s32 v10, $0x0;
	v7 =	vsub.s32 $0x80000000, v10;
	v6 =	vsel vm4, v63, v9  }
0x2f1: {  	vm15 =	vgt.s32 v4, s31;
	[tilespmem:s20+$0xFFFFFFF0] =	vst v5;
	v7 =	vsel vm14, v7, v10;
	v6 =	vnsel vm12, $0x80000000, v6  }
0x2f2: {  	[tilespmem:s20+$0xFFFFFFE0] =	vst v6;
	v6 =	vnsel vm15, $0x80000000, v7  }
0x2f3: {  	[tilespmem:s20+$0x0] =	vst v6  }
.LBB2_155:
0x2f4: {  	p1 =	sge.s32 s19, s18  }
.Ltmp72:
0x2f5: {  	_ = 	snop;
	(pc) =	sbr.rel @p1 .LBB2_158-.Ltmp72, $4  }
0x2f6: {  	_ = 	snop  }
0x2f7: {  	s20 =	ssub.s32 s18, s19  }
0x2f8: {  	s21 =	sshll.u32 s18, $0x6;
	s22 =	sshll.u32 s20, $0x6  }
0x2f9: {  	s21 =	ssub.s32 s21, s22  }
0x2fa: {  	s24 =	sshra.s32 s21, $0x2  }
0x2fb: {  	s22 =	ssub.s32 $0x0, s20;
	s23 =	sadd.s32 $0x8000, s24;
	s24 =	sadd.s32 $0x10000, s24  }
.LBB2_157:
0x2fc: {  	v5 =	vld [tilespmem:s23+$0x0];
	_ =	sdelay $0x4  }
0x2fd: {  	v5 =	vand.u32 $0x7FFF, v5;
	_ =	sdelay $0x4  }
0x2fe: {  	v5 =	vld.idx.msk [tilespmem:v5+s2+$0x0], $0xffff;
	_ =	sdelay $0x1  }
0x2ff: {  	s25 =	sadd.s32 s22, s18;
	s22 =	sadd.s32 $0x1, s22  }
0x300: {  	p2 =	seq.s32 s22, $0x0  }
.Ltmp73:
0x301: {  	_ = 	snop;
	(pc) =	sbr.rel @!p2 .LBB2_157-.Ltmp73, $4  }
0x302: {  	vm0 =	vlt.s32 v5, $0x0;
	v6 =	vsub.s32 $0x80000000, v5  }
0x303: {  	vm15 =	vgt.s32 v4, s25;
	v5 =	vsel vm0, v6, v5  }
0x304: {  	v5 =	vnsel vm15, $0x80000000, v5  }
0x305: {  	s23 =	sadd.s32 $0x10, s23;
	[tilespmem:s24+$0x0] =	vst v5;
	s24 =	sadd.s32 $0x10, s24  }
.LBB2_158:
0x306: {  	(xrf0) =	vadd.scan.msk.s32 $0xffff, v4;
	_ =	sdelay $0x5  }
0x307: {  	v5, _, _ =	vpop (xrf0)  }
0x308: {  	(v2sf) =	vpush v5, $0xF;
	_ =	sdelay $0xb  }
.Ltmp74:
0x309: {  	_ = 	snop;
	(pc) =	sbr.rel .LBB2_159-.Ltmp74, $4  }
0x30a: {  	_ = 	snop  }
0x30b: {  	s23 =	sshll.u32 s18, $0x4;
	s21 =	sshra.s32 s21, $0x2  }
0x30c: {  	s25 =	simm.s32 $0x0;
	s24 =	sadd.s32 $0x10000, s21;
	s22 =	spop (v2sf)  }
0x30d: {  	s21 =	simm.s32 $0x80000000;
	s23 =	ssub.s32 s22, s23;
	s22 =	simm.s32 $0x80000000  }
.LBB2_164:
0x30e: {  	(xrf0) =	vadd.scan.msk.s32 $0xffff, v7  }
0x30f: {  	(xrf0) =	vadd.scan.msk.s32 $0xffff, v8;
	_ =	sdelay $0x4  }
0x310: {  	v5, _, _ =	vpop (xrf0)  }
0x311: {  	(v2sf) =	vpush v5, $0xF;
	v5, _, _ =	vpop (xrf0)  }
0x312: {  	(v2sf) =	vpush v5, $0xF;
	_ =	sdelay $0xb  }
0x313: {  	s25 =	sadd.s32 $0x1, s25  }
0x314: {  	p4 =	seq.s32 s25, $0x20  }
.Ltmp75:
0x315: {  	s29 =	spop (v2sf);
	(pc) =	sbr.rel @p4 .LBB2_165-.Ltmp75, $4  }
0x316: {  	s30 =	spop (v2sf)  }
0x317: {  	s30 =	sadd.s32 s30, s23  }
0x318: {  	p2 =	sgt.s32 s29, $0x3F;
	p3 =	sgt.s32 s30, $0x3F  }
0x319: {  	s22 =	smov.u32 @p2 s26;
	s21 =	smov.u32 @p3 s28  }
.LBB2_159:
.Ltmp76:
0x31a: {  	(pc) =	sbr.rel @p0 .LBB2_160-.Ltmp76, $4  }
0x31b: {  	_ = 	snop  }
0x31c: {  	s28 =	sshrl.u32 s16, s25  }
0x31d: {  	s26 =	sadd.s32 s28, s22;
	s28 =	sadd.s32 s28, s21  }
0x31e: {  	v7 =	vimm.s32 $0x0;
	v5 =	vmov s26;
	v6 =	vmov s28  }
0x31f: {  	s29 =	simm.s32 $0x10020  }
0x320: {  	v8 =	vld [tilespmem:s29+$0x10]  }
0x321: {  	v9 =	vld [tilespmem:s29+$0x0]  }
0x322: {  	v10 =	vld [tilespmem:s29+$0xFFFFFFF0]  }
0x323: {  	v12 =	vld [tilespmem:s29+$0xFFFFFFE0];
	_ =	sdelay $0x1  }
0x324: {  	p2 =	sgt.s32 s19, $0x4  }
.Ltmp77:
0x325: {  	_ = 	snop;
	(pc) =	sbr.rel @!p2 .LBB2_181-.Ltmp77, $4  }
0x326: {  	vm0 =	vgt.s32 v9, v5;
	vm3 =	vgt.s32 v8, v5;
	vm1 =	vgt.s32 v10, v5  }
0x327: {  	v11 =	vxor.u32 $0xFFFFFFFF, v9;
	v14 =	vxor.u32 $0xFFFFFFFF, v8;
	vm2 =	vgt.s32 v12, v5  }
0x328: {  	v13 =	vxor.u32 $0xFFFFFFFF, v12;
	v12 =	vxor.u32 $0xFFFFFFFF, v10;
	v10 =	vimm.s32 $0x0  }
0x329: {  	s30 =	simm.s32 $0x10060;
	s29 =	simm.s32 $0x4;
	v9 =	vsel vm0, $0x1, v1;
	v8 =	vsel vm3, $0x1, v1;
	vm0 =	vlt.s32 v6, v14  }
.LBB2_180:
0x32a: {  	v14 =	vld [tilespmem:s30+$0x10];
	vm3 =	vlt.s32 v6, v13;
	v13 =	vsel vm1, $0x1, v1;
	vm1 =	vlt.s32 v6, v11  }
0x32b: {  	v15 =	vsel vm2, $0x1, v1;
	vm2 =	vlt.s32 v6, v12;
	v11 =	vld [tilespmem:s30+$0x0];
	v16 =	vsel vm3, $0x1, v1  }
0x32c: {  	v7 =	vadd.s32 v15, v7;
	v15 =	vsel vm2, $0x1, v1;
	v12 =	vld [tilespmem:s30+$0xFFFFFFF0];
	v10 =	vadd.s32 v16, v10  }
0x32d: {  	s29 =	sadd.s32 $0x4, s29;
	v7 =	vadd.s32 v13, v7;
	v13 =	vsel vm1, $0x1, v1;
	v16 =	vld [tilespmem:s30+$0xFFFFFFE0];
	v10 =	vadd.s32 v15, v10  }
0x32e: {  	p2 =	slt.s32 s29, s19;
	v7 =	vadd.s32 v9, v7;
	v9 =	vadd.s32 v13, v10;
	v10 =	vsel vm0, $0x1, v1  }
.Ltmp78:
0x32f: {  	v7 =	vadd.s32 v8, v7;
	v10 =	vadd.s32 v10, v9;
	(pc) =	sbr.rel @p2 .LBB2_180-.Ltmp78, $4  }
0x330: {  	vm3 =	vgt.s32 v14, v5;
	vm0 =	vgt.s32 v11, v5  }
0x331: {  	v14 =	vxor.u32 $0xFFFFFFFF, v14;
	v11 =	vxor.u32 $0xFFFFFFFF, v11;
	vm1 =	vgt.s32 v12, v5  }
0x332: {  	v12 =	vxor.u32 $0xFFFFFFFF, v12;
	vm2 =	vgt.s32 v16, v5;
	v13 =	vxor.u32 $0xFFFFFFFF, v16  }
0x333: {  	s30 =	sadd.s32 $0x40, s30;
	v8 =	vsel vm3, $0x1, v1;
	v9 =	vsel vm0, $0x1, v1;
	vm0 =	vlt.s32 v6, v14  }
.LBB2_181:
0x334: {  	vm3 =	vlt.s32 v6, v13;
	v63 =	vsel vm1, $0x1, v1;
	vm14 =	vlt.s32 v6, v11  }
.Ltmp79:
0x335: {  	v11 =	vsel vm2, $0x1, v1;
	vm15 =	vlt.s32 v6, v12;
	v14 =	vsel vm3, $0x1, v1;
	(pc) =	sbr.rel .LBB2_161-.Ltmp79, $4  }
0x336: {  	v7 =	vadd.s32 v11, v7;
	v11 =	vsel vm15, $0x1, v1;
	v10 =	vadd.s32 v14, v10  }
0x337: {  	v7 =	vadd.s32 v63, v7;
	v10 =	vadd.s32 v11, v10;
	v11 =	vsel vm14, $0x1, v1  }
0x338: {  	v7 =	vadd.s32 v9, v7;
	v9 =	vadd.s32 v11, v10;
	v10 =	vsel vm0, $0x1, v1  }
0x339: {  	v7 =	vadd.s32 v8, v7;
	v8 =	vadd.s32 v10, v9  }
.LBB2_160:
0x33a: {  	v8 =	vimm.s32 $0x0  }
.LBB2_161:
.Ltmp80:
0x33b: {  	(pc) =	sbr.rel @p1 .LBB2_164-.Ltmp80, $1  }
0x33c: {  	_ =	sdelay $0x3  }
0x33d: {  	s29 =	smov.u32 s24;
	s30 =	smov.u32 s20  }
.LBB2_163:
0x33e: {  	v9 =	vld [tilespmem:s29+$0x0];
	_ =	sdelay $0x2  }
0x33f: {  	p2 =	sne.s32 s30, $0x1  }
.Ltmp81:
0x340: {  	_ = 	snop;
	(pc) =	sbr.rel @p2 .LBB2_163-.Ltmp81, $4  }
0x341: {  	v10 =	vxor.u32 $0xFFFFFFFF, v9  }
0x342: {  	vm0 =	vgt.s32 v9, v5;
	vm1 =	vlt.s32 v6, v10  }
0x343: {  	v9 =	vsel vm0, $0x1, v1;
	v10 =	vsel vm1, $0x1, v1  }
0x344: {  	s29 =	sadd.s32 $0x10, s29;
	s30 =	sadd.s32 $0xFFFFFFFF, s30;
	v7 =	vadd.s32 v9, v7;
	v8 =	vadd.s32 v10, v8  }
.Ltmp82:
0x345: {  	_ = 	snop;
	(pc) =	sbr.rel .LBB2_164-.Ltmp82, $1  }
0x346: {  	_ =	sdelay $0x3  }
.LBB2_165:
0x347: {  	p0 =	slt.s32 s18, $0x1  }
.Ltmp83:
0x348: {  	_ = 	snop;
	(pc) =	sbr.rel @p0 .LBB2_168-.Ltmp83, $1  }
0x349: {  	_ =	sdelay $0x3  }
0x34a: {  	s31 =	simm.s32 $0x10000  }
0x34b: {  	v7 =	vld [tilespmem:s31+$0x0];
	_ =	sdelay $0x2  }
0x34c: {  	s19 =	simm.s32 $0x8000  }
0x34d: {  	v8 =	vld [tilespmem:s19+$0x0]  }
0x34e: {  	v5 =	vmov s22;
	v6 =	vmov s21;
	v9 =	vxor.u32 $0xFFFFFFFF, v7  }
0x34f: {  	s20 =	simm.s32 $0x0;
	vm0 =	vgt.s32 v7, v5;
	vm1 =	vlt.s32 v6, v9  }
0x350: {  	vm15 =	vgt.u32 v4, s20;
	vm0 =	vmor vm0, vm1  }
0x351: {  	vm0 =	vmand vm15, vm0  }
0x352: {  	p0 =	sne.s32 s18, $0x1;
	v7 =	vand.u32 $0x7FFF, v8  }
.Ltmp84:
0x353: {  	_ = 	snop;
	(pc) =	sbr.rel @!p0 .LBB2_168-.Ltmp84, $2  }
0x354: {  	_ =	sdelay $0x2  }
0x355: {  	s21 =	simm.s32 $0x10010;
	s20 =	simm.s32 $0x1;
	[tilespmem:v7+s2+$0x0] =	vst.idx.msk vm0, v3  }
.LBB2_167:
0x356: {  	v7 =	vld [tilespmem:s21+$0x0];
	s22 =	smov.u32 s20;
	s20 =	sadd.s32 $0x1, s20  }
0x357: {  	p0 =	sne.s32 s18, s20;
	_ =	sdelay $0x1  }
0x358: {  	s19 =	sadd.s32 $0x10, s19  }
0x359: {  	v8 =	vld [tilespmem:s19+$0x0]  }
0x35a: {  	v9 =	vxor.u32 $0xFFFFFFFF, v7  }
0x35b: {  	vm0 =	vgt.s32 v7, v5;
	vm1 =	vlt.s32 v6, v9  }
0x35c: {  	vm0 =	vmor vm0, vm1;
	vm1 =	vgt.u32 v4, s22  }
0x35d: {  	vm0 =	vmand vm1, vm0  }
0x35e: {  	v7 =	vand.u32 $0x7FFF, v8  }
.Ltmp85:
0x35f: {  	(pc) =	sbr.rel @p0 .LBB2_167-.Ltmp85, $2  }
0x360: {  	_ =	sdelay $0x2  }
0x361: {  	s21 =	sadd.s32 $0x10, s21;
	[tilespmem:v7+s2+$0x0] =	vst.idx.msk vm0, v3  }
.LBB2_168:
0x362: {  	[hbm4b:s8+s12] =	stream.strided.scatter [tilespmem:s2], [sflag:$0x1], $0x8000, s13, s12, $0x38;
	[tilespmem:$0x18000] =	vst v63  }
0x363: {  	_ =	swait.ge [sflag:s14], $0x8000  }
0x364: {  	[sflag:s14] =	ssyncset.done $0x0  }
0x365: {  	[sflag:s14] =	ssyncadd.s32 $0xFFFF8000  }
0x366: {  	[tilespmem:s2], [sflag:$0x1] =	stream.strided.gather [hbm4b:s9+s12], $0x8000, s13, s12, $0x38;
	[tilespmem:$0x18000] =	vst v63  }
0x367: {  	_ =	swait.ge [sflag:s14], $0x8000  }
0x368: {  	[sflag:s14] =	ssyncset.done $0x0  }
0x369: {  	s18 =	simm.s32 $0x40;
	[sflag:s14] =	ssyncadd.s32 $0xFFFF8000  }
0x36a: {  	v4 =	vld [tilespmem:s18+$0x30]  }
0x36b: {  	v9 =	vld [tilespmem:s18+$0x20]  }
0x36c: {  	v10 =	vld [tilespmem:s18+$0x10]  }
0x36d: {  	v11 =	vld [tilespmem:s18+$0x0]  }
0x36e: {  	v13 =	vld [tilespmem:s18+$0xFFFFFFF0]  }
0x36f: {  	v12 =	vld [tilespmem:s18+$0xFFFFFFC0]  }
0x370: {  	v14 =	vld [tilespmem:s18+$0xFFFFFFD0]  }
0x371: {  	s19 =	simm.s32 $0x0;
	s20 =	simm.s32 $0x10;
	v15 =	vld [tilespmem:s18+$0xFFFFFFE0]  }
0x372: {  	v5 =	vlaneseq.u32;
	s31 =	simm.s32 $0x20;
	v8 =	vor.u32 s19, v0;
	v7 =	vor.u32 s20, v0  }
0x373: {  	v6 =	vor.u32 s31, v0;
	v9 =	vand.u32 $0x7FFFFFFF, v9;
	v4 =	vand.u32 $0x7FFFFFFF, v4  }
0x374: {  	v16 =	vand.u32 $0x7FFFFFFF, v12;
	v12 =	vand.u32 $0x7FFFFFFF, v11;
	v11 =	vand.u32 $0x7FFFFFFF, v10  }
0x375: {  	s21 =	simm.s32 $0xC0;
	v10 =	vand.u32 $0x7FFFFFFF, v14;
	v13 =	vand.u32 $0x7FFFFFFF, v13;
	vm0 =	vgt.f32 v16, $2.599999900e+00  }
0x376: {  	v15 =	vand.u32 $0x7FFFFFFF, v15;
	vm1 =	vgt.f32 v10, $2.599999900e+00;
	v14 =	vsel vm0, $0x10, v1  }
0x377: {  	s20 =	simm.s32 $0x0;
	s19 =	simm.s32 $0x70;
	s18 =	simm.s32 $0x70;
	vm2 =	vgt.f32 v15, $2.599999900e+00;
	v10 =	vadd.s32 v5, v14;
	v14 =	vsel vm1, $0x10, v1  }
.LBB2_169:
0x378: {  	v15 =	vld [tilespmem:s21+$0x30];
	v14 =	vadd.s32 v10, v14;
	v16 =	vsel vm2, $0x10, v1;
	vm5 =	vgt.f32 v13, $2.599999900e+00  }
0x379: {  	s20 =	sadd.s32 $0x8, s20;
	vm4 =	vgt.f32 v12, $2.599999900e+00;
	v13 =	vld [tilespmem:s21+$0x20];
	v16 =	vadd.s32 v14, v16;
	v17 =	vsel vm5, $0x10, v1  }
0x37a: {  	vm3 =	vgt.f32 v11, $2.599999900e+00;
	p0 =	slt.u32 s20, $0x7F8;
	v18 =	vld [tilespmem:s21+$0x10];
	v12 =	vadd.s32 v16, v17;
	v17 =	vsel vm4, $0x10, v1  }
0x37b: {  	v11 =	vld [tilespmem:s21+$0x0];
	[tilespmem:v5+s15+$0x0] =	vst.idx.msk vm0, v8;
	v17 =	vadd.s32 v12, v17;
	v5 =	vsel vm3, $0x10, v1;
	vm0 =	vgt.f32 v9, $2.599999900e+00  }
0x37c: {  	s22 =	sadd.s32 $0xFFFFFFC0, s18;
	v19 =	vld [tilespmem:s21+$0xFFFFFFF0];
	[tilespmem:v10+s15+$0x0] =	vst.idx.msk vm1, v7;
	v10 =	vadd.s32 v17, v5;
	v5 =	vsel vm0, $0x10, v1;
	vm1 =	vgt.f32 v4, $2.599999900e+00  }
0x37d: {  	v4 =	vor.u32 s22, v0;
	s22 =	sadd.s32 $0xFFFFFFD0, s18;
	v20 =	vld [tilespmem:s21+$0xFFFFFFC0];
	[tilespmem:v14+s15+$0x0] =	vst.idx.msk vm2, v6;
	v14 =	vadd.s32 v10, v5;
	v5 =	vsel vm1, $0x10, v1  }
0x37e: {  	s18 =	sadd.s32 $0x80, s18;
	v21 =	vld [tilespmem:s21+$0xFFFFFFD0];
	[tilespmem:v16+s15+$0x0] =	vst.idx.msk vm5, v4;
	v4 =	vor.u32 s22, v0;
	s22 =	sadd.s32 $0xFFFFFFE0, s19;
	v5 =	vadd.s32 v14, v5  }
0x37f: {  	v22 =	vor.u32 s19, v0;
	s23 =	sadd.s32 $0xFFFFFF90, s18;
	s24 =	sadd.s32 $0xFFFFFFA0, s18;
	v16 =	vld [tilespmem:s21+$0xFFFFFFE0];
	[tilespmem:v12+s15+$0x0] =	vst.idx.msk vm4, v4;
	v4 =	vor.u32 s22, v0;
	s22 =	sadd.s32 $0xFFFFFFF0, s19  }
0x380: {  	v8 =	vor.u32 s23, v0;
	v7 =	vor.u32 s24, v0;
	s23 =	sadd.s32 $0xFFFFFFB0, s18;
	s19 =	smov.u32 s18;
	[tilespmem:v17+s15+$0x0] =	vst.idx.msk vm3, v4;
	v12 =	vor.u32 s22, v0  }
.Ltmp86:
0x381: {  	v9 =	vand.u32 $0x7FFFFFFF, v13;
	v6 =	vor.u32 s23, v0;
	v4 =	vand.u32 $0x7FFFFFFF, v15;
	[tilespmem:v10+s15+$0x0] =	vst.idx.msk vm0, v12;
	(pc) =	sbr.rel @p0 .LBB2_169-.Ltmp86, $4  }
0x382: {  	v12 =	vand.u32 $0x7FFFFFFF, v11;
	v11 =	vand.u32 $0x7FFFFFFF, v18;
	v10 =	vand.u32 $0x7FFFFFFF, v20;
	[tilespmem:v14+s15+$0x0] =	vst.idx.msk vm1, v22  }
0x383: {  	v13 =	vand.u32 $0x7FFFFFFF, v19;
	vm0 =	vgt.f32 v10, $2.599999900e+00;
	v10 =	vand.u32 $0x7FFFFFFF, v21  }
0x384: {  	v14 =	vsel vm0, $0x10, v1;
	vm1 =	vgt.f32 v10, $2.599999900e+00;
	v15 =	vand.u32 $0x7FFFFFFF, v16  }
0x385: {  	s21 =	sadd.s32 $0x80, s21;
	v10 =	vadd.s32 v5, v14;
	v14 =	vsel vm1, $0x10, v1;
	vm2 =	vgt.f32 v15, $2.599999900e+00  }
0x386: {  	v14 =	vadd.s32 v10, v14;
	v15 =	vsel vm2, $0x10, v1;
	vm3 =	vgt.f32 v13, $2.599999900e+00  }
0x387: {  	vm4 =	vgt.f32 v12, $2.599999900e+00;
	v56 =	vadd.s32 v14, v15;
	v57 =	vsel vm3, $0x10, v1  }
0x388: {  	vm5 =	vgt.f32 v11, $2.599999900e+00;
	v59 =	vsel vm4, $0x10, v1;
	v58 =	vadd.s32 v56, v57  }
0x389: {  	vm6 =	vgt.f32 v9, $2.599999900e+00;
	v61 =	vsel vm5, $0x10, v1;
	v60 =	vadd.s32 v58, v59  }
0x38a: {  	vm7 =	vgt.f32 v4, $2.599999900e+00;
	v63 =	vsel vm6, $0x10, v1;
	v62 =	vadd.s32 v60, v61  }
0x38b: {  	v4 =	vsel vm7, $0x10, v1;
	v15 =	vadd.s32 v62, v63  }
0x38c: {  	v4 =	vadd.s32 v15, v4  }
0x38d: {  	v4 =	vadd.s32 v2, v4  }
0x38e: {  	v4 =	vshrl.u32 v4, $0x4  }
0x38f: {  	v16 =	vor.u32 $0x80000000, v4  }
0x390: {  	(xrf0) =	vmax.scan.msk.u32 $0xffff, v16;
	_ =	sdelay $0x5  }
0x391: {  	v16, _, _ =	vpop (xrf0)  }
0x392: {  	(v2sf) =	vpush v16, $0xF;
	_ =	sdelay $0xe  }
0x393: {  	[tilespmem:v5+s15+$0x0] =	vst.idx.msk vm0, v8;
	s31 =	spop (v2sf)  }
0x394: {  	[tilespmem:v10+s15+$0x0] =	vst.idx.msk vm1, v7;
	s20 =	sadd.s32 $0xFFFFFFC0, s18;
	s28 =	sadd.s32 $0xFFFFFFD0, s18;
	s18 =	sxor.u32 $0x80000000, s31  }
0x395: {  	v5 =	vor.u32 s20, v0;
	[tilespmem:v14+s15+$0x0] =	vst.idx.msk vm2, v6;
	p0 =	slt.s32 s18, $0x1  }
.Ltmp87:
0x396: {  	s29 =	sadd.s32 $0xFFFFFFE0, s19;
	[tilespmem:v56+s15+$0x0] =	vst.idx.msk vm3, v5;
	v5 =	vor.u32 s28, v0;
	(pc) =	sbr.rel @p0 .LBB2_171-.Ltmp87, $4  }
0x397: {  	s30 =	sadd.s32 $0xFFFFFFF0, s19;
	[tilespmem:v58+s15+$0x0] =	vst.idx.msk vm4, v5;
	v5 =	vor.u32 s29, v0  }
0x398: {  	[tilespmem:v60+s15+$0x0] =	vst.idx.msk vm5, v5;
	v5 =	vor.u32 s30, v0  }
0x399: {  	v6 =	vor.u32 s19, v0;
	[tilespmem:v62+s15+$0x0] =	vst.idx.msk vm6, v5  }
0x39a: {  	v5 =	vimm.s32 $0x0;
	[tilespmem:v15+s15+$0x0] =	vst.idx.msk vm7, v6  }
0x39b: {  	p3 =	sne.s32 s18, $0x1  }
.Ltmp88:
0x39c: {  	_ = 	snop;
	(pc) =	sbr.rel @!p3 .LBB2_183-.Ltmp88, $3  }
0x39d: {  	_ =	sdelay $0x1  }
0x39e: {  	s20 =	simm.s32 $0x0;
	s21 =	simm.s32 $0x8000;
	s19 =	simm.s32 $0x1  }
0x39f: {  	p0 =	por $0x0, $0x0;
	p1 =	por $0x0, $0x0;
	p2 =	por $0x0, $0x0;
	v6 =	vld [tilespmem:s21+$0x0]  }
0x3a0: {  	p3 =	sne.s32 s18, $0x2  }
.Ltmp89:
0x3a1: {  	_ = 	snop;
	(pc) =	sbr.rel @!p3 .LBB2_185-.Ltmp89, $3  }
0x3a2: {  	_ =	sdelay $0x1  }
0x3a3: {  	s22 =	simm.s32 $0x8010  }
0x3a4: {  	s21 =	simm.s32 $0x2;
	p0 =	por $0x1, $0x1;
	v8 =	vand.u32 $0x7FFF, v6;
	v6 =	vld [tilespmem:s22+$0x0]  }
0x3a5: {  	p3 =	sne.s32 s18, $0x3  }
.Ltmp90:
0x3a6: {  	_ = 	snop;
	(pc) =	sbr.rel @!p3 .LBB2_187-.Ltmp90, $3  }
0x3a7: {  	_ =	sdelay $0x1  }
0x3a8: {  	v7 =	vld.idx.msk [tilespmem:v8+s2+$0x0], $0xffff;
	s23 =	simm.s32 $0x8020  }
0x3a9: {  	s22 =	simm.s32 $0x3;
	p1 =	por $0x1, $0x1;
	v8 =	vand.u32 $0x7FFF, v6;
	v6 =	vld [tilespmem:s23+$0x0]  }
0x3aa: {  	p3 =	sne.s32 s18, $0x4  }
.Ltmp91:
0x3ab: {  	_ = 	snop;
	(pc) =	sbr.rel @!p3 .LBB2_189-.Ltmp91, $4  }
0x3ac: {  	vm0 =	vgt.u32 v4, s20  }
0x3ad: {  	v9 =	vimm.s32 $0x0;
	vm1 =	vgt.f32 v7, $2.599999900e+00;
	vm2 =	vlt.f32 v7, $-2.599999900e+00  }
0x3ae: {  	v10 =	vld.idx.msk [tilespmem:v8+s2+$0x0], $0xffff;
	s23 =	simm.s32 $0x8030;
	v11 =	vimm.s32 $0x0;
	vm1 =	vmand vm0, vm1;
	vm0 =	vmand vm0, vm2  }
0x3af: {  	s24 =	simm.s32 $0x4;
	p2 =	por $0x1, $0x1;
	v8 =	vand.u32 $0x7FFF, v6;
	v6 =	vld [tilespmem:s23+$0x0];
	v12 =	vsel vm1, $0x1, v1;
	v13 =	vsel vm0, $0x1, v1  }
.LBB2_190:
0x3b0: {  	s25 =	smov.u32 s24;
	s24 =	sadd.s32 $0x1, s24  }
0x3b1: {  	v9 =	vadd.s32 v12, v9;
	v11 =	vadd.s32 v13, v11;
	p3 =	sne.s32 s18, s24  }
.Ltmp92:
0x3b2: {  	(pc) =	sbr.rel @p3 .LBB2_190-.Ltmp92, $4  }
0x3b3: {  	_ = 	snop  }
0x3b4: {  	vm0 =	vgt.u32 v4, s19;
	s19 =	smov.u32 s21;
	s21 =	smov.u32 s22;
	s22 =	smov.u32 s25;
	vm1 =	vgt.f32 v10, $2.599999900e+00;
	vm2 =	vlt.f32 v10, $-2.599999900e+00;
	v10 =	vld.idx.msk [tilespmem:v8+s2+$0x0], $0xffff  }
0x3b5: {  	s23 =	sadd.s32 $0x10, s23;
	vm1 =	vmand vm0, vm1;
	vm0 =	vmand vm0, vm2;
	v8 =	vand.u32 $0x7FFF, v6  }
0x3b6: {  	v12 =	vsel vm1, $0x1, v1;
	v13 =	vsel vm0, $0x1, v1;
	v6 =	vld [tilespmem:s23+$0x0]  }
0x3b7: {  	s23 =	smov.u32 s19;
	s19 =	smov.u32 s22  }
.LBB2_192:
0x3b8: {  	_ =	sdelay $0x3  }
0x3b9: {  	v8 =	vld.idx.msk @p0 [tilespmem:v8+s2+$0x0], $0xffff  }
0x3ba: {  	vm0 =	vgt.u32 @p1 v4, s23;
	v9 =	vadd.s32 @p2 v12, v9;
	v6 =	vand.u32 $0x7FFF, v6  }
0x3bb: {  	vm13 =	vgt.u32 v4, s19;
	vm1 =	vgt.f32 @p1 v10, $2.599999900e+00;
	vm2 =	vlt.f32 @p1 v10, $-2.599999900e+00  }
0x3bc: {  	v10 =	vadd.s32 @p2 v13, v11;
	v9 =	vpsel p2, v9, v5;
	vm1 =	vmand @p1 vm0, vm1  }
0x3bd: {  	s20 =	smov.u32 @p0 s21;
	vm0 =	vmand @p1 vm0, vm2;
	v10 =	vpsel p2, v10, v5;
	v11 =	vsel @p1 vm1, $0x1, v1  }
0x3be: {  	v12 =	vsel @p1 vm0, $0x1, v1;
	vm0 =	vgt.u32 @p0 v4, s20;
	v7 =	vpsel p0, v8, v7  }
0x3bf: {  	v11 =	vpsel p1, v11, v0;
	v12 =	vpsel p1, v12, v0;
	vm1 =	vgt.f32 @p0 v7, $2.599999900e+00;
	v6 =	vld.idx.msk [tilespmem:v6+s2+$0x0], $0xffff  }
0x3c0: {  	v8 =	vadd.s32 @p1 v12, v10;
	vm2 =	vlt.f32 @p0 v7, $-2.599999900e+00;
	vm1 =	vmand @p0 vm0, vm1  }
0x3c1: {  	v7 =	vadd.s32 @p1 v11, v9;
	vm0 =	vmand @p0 vm0, vm2;
	v9 =	vsel @p0 vm1, $0x1, v1  }
0x3c2: {  	v7 =	vpsel p1, v7, v5;
	v10 =	vsel @p0 vm0, $0x1, v1;
	v9 =	vpsel p0, v9, v0  }
.Ltmp93:
0x3c3: {  	v8 =	vpsel p1, v8, v5;
	v10 =	vpsel p0, v10, v0;
	v7 =	vadd.s32 @p0 v9, v7;
	(pc) =	sbr.rel .LBB2_193-.Ltmp93, $4  }
0x3c4: {  	v7 =	vpsel p0, v7, v5;
	vm14 =	vgt.f32 v6, $2.599999900e+00;
	vm15 =	vlt.f32 v6, $-2.599999900e+00  }
0x3c5: {  	v6 =	vadd.s32 @p0 v10, v8;
	vm1 =	vmand vm13, vm14;
	vm0 =	vmand vm13, vm15  }
0x3c6: {  	v6 =	vpsel p0, v6, v5;
	v8 =	vsel vm1, $0x1, v1;
	v63 =	vsel vm0, $0x1, v1  }
0x3c7: {  	v5 =	vadd.s32 v8, v7;
	v6 =	vadd.s32 v63, v6  }
.LBB2_171:
0x3c8: {  	v6 =	vimm.s32 $0x0  }
.LBB2_193:
0x3c9: {  	(xrf0) =	vadd.scan.msk.s32 $0xffff, v5  }
0x3ca: {  	(xrf0) =	vadd.scan.msk.s32 $0xffff, v6;
	_ =	sdelay $0x4  }
0x3cb: {  	v5, _, _ =	vpop (xrf0)  }
0x3cc: {  	(v2sf) =	vpush v5, $0xF;
	v5, _, _ =	vpop (xrf0)  }
0x3cd: {  	(v2sf) =	vpush v5, $0xF;
	_ =	sdelay $0xd  }
0x3ce: {  	s19 =	spop (v2sf)  }
0x3cf: {  	s20 =	spop (v2sf);
	p0 =	slt.s32 s19, $0x40  }
0x3d0: {  	p1 =	sgt.s32 @!p0 s20, $0x3F  }
0x3d1: {  	p1 =	por p0, !p1  }
.Ltmp94:
0x3d2: {  	_ = 	snop;
	(pc) =	sbr.rel @p1 .LBB2_194-.Ltmp94, $1  }
0x3d3: {  	_ =	sdelay $0x3  }
.LBB2_211:
0x3d4: {  	s19 =	sshra.s32 s18, $0x1F  }
0x3d5: {  	s19 =	sshrl.u32 s19, $0x1E  }
0x3d6: {  	s19 =	sadd.s32 s19, s18  }
0x3d7: {  	s19 =	sand.u32 $0xFFFFFFFC, s19  }
0x3d8: {  	p0 =	slt.s32 s19, $0x1  }
.Ltmp95:
0x3d9: {  	_ = 	snop;
	(pc) =	sbr.rel @p0 .LBB2_214-.Ltmp95, $1  }
0x3da: {  	_ =	sdelay $0x3  }
0x3db: {  	s23 =	simm.s32 $0x8020  }
0x3dc: {  	v5 =	vld [tilespmem:s23+$0x10]  }
0x3dd: {  	p3 =	sgt.s32 s19, $0x4;
	v6 =	vld [tilespmem:s23+$0xFFFFFFF0]  }
.Ltmp96:
0x3de: {  	_ = 	snop;
	(pc) =	sbr.rel @!p3 .LBB2_213-.Ltmp96, $3  }
0x3df: {  	_ =	sdelay $0x1  }
0x3e0: {  	s22 =	simm.s32 $0x0;
	s20 =	simm.s32 $0x10020;
	s21 =	simm.s32 $0x4;
	v10 =	vld [tilespmem:s23+$0x0]  }
0x3e1: {  	p1 =	por $0x0, $0x0;
	p2 =	por $0x0, $0x0;
	v9 =	vld [tilespmem:s23+$0xFFFFFFE0];
	s23 =	simm.s32 $0x8060;
	v11 =	vand.u32 $0x7FFF, v5;
	v5 =	vand.u32 $0x7FFF, v6  }
0x3e2: {  	_ =	sdelay $0x1  }
0x3e3: {  	v8 =	vld [tilespmem:s23+$0x10]  }
0x3e4: {  	v12 =	vld [tilespmem:s23+$0xFFFFFFF0];
	v14 =	vand.u32 $0x7FFF, v10  }
0x3e5: {  	v6 =	vld.idx.msk [tilespmem:v11+s2+$0x0], $0xffff;
	p3 =	sgt.s32 s19, $0x8;
	v13 =	vand.u32 $0x7FFF, v9  }
.Ltmp97:
0x3e6: {  	v7 =	vld.idx.msk [tilespmem:v5+s2+$0x0], $0xffff;
	(pc) =	sbr.rel @!p3 .LBB2_230-.Ltmp97, $4  }
0x3e7: {  	v10 =	vld [tilespmem:s23+$0x0]  }
0x3e8: {  	v9 =	vld [tilespmem:s23+$0xFFFFFFE0]  }
0x3e9: {  	v11 =	vand.u32 $0x7FFF, v8;
	v8 =	vld.idx.msk [tilespmem:v14+s2+$0x0], $0xffff  }
0x3ea: {  	s24 =	simm.s32 $0x8;
	p1 =	por $0x1, $0x1;
	s23 =	simm.s32 $0x80A0;
	v5 =	vand.u32 $0x7FFF, v12;
	v13 =	vld.idx.msk [tilespmem:v13+s2+$0x0], $0xffff  }
0x3eb: {  	_ =	sdelay $0x1  }
0x3ec: {  	v12 =	vld [tilespmem:s23+$0x10];
	vm0 =	vlt.s32 v6, $0x0;
	s25 =	simm.s32 $0x3;
	vm1 =	vgt.s32 v4, s22;
	vm14 =	vlt.s32 v7, $0x0  }
0x3ed: {  	v15 =	vld [tilespmem:s23+$0xFFFFFFF0];
	v14 =	vand.u32 $0x7FFF, v10;
	v10 =	vsub.s32 $0x80000000, v6;
	vm13 =	vgt.s32 v4, s25  }
0x3ee: {  	s26 =	simm.s32 $0x1;
	p3 =	sgt.s32 s19, $0xC;
	v16 =	vand.u32 $0x7FFF, v9;
	v9 =	vsel vm0, v10, v6;
	v6 =	vld.idx.msk [tilespmem:v11+s2+$0x0], $0xffff;
	v11 =	vsub.s32 $0x80000000, v7  }
.Ltmp98:
0x3ef: {  	vm2 =	vgt.s32 v4, s26;
	v10 =	vld [tilespmem:s23+$0x0];
	v17 =	vnsel vm13, $0x80000000, v9;
	v18 =	vsel vm14, v11, v7;
	(pc) =	sbr.rel @!p3 .LBB2_232-.Ltmp98, $4  }
0x3f0: {  	v9 =	vld [tilespmem:s23+$0xFFFFFFE0];
	vm15 =	vlt.s32 v8, $0x0;
	vm4 =	vlt.s32 v13, $0x0;
	v11 =	vsub.s32 $0x80000000, v13  }
0x3f1: {  	s31 =	simm.s32 $0x2;
	v7 =	vld.idx.msk [tilespmem:v5+s2+$0x0], $0xffff;
	v20 =	vsub.s32 $0x80000000, v8;
	v19 =	vsel vm4, v11, v13;
	v11 =	vand.u32 $0x7FFF, v12  }
0x3f2: {  	s22 =	simm.s32 $0xC;
	vm3 =	vgt.s32 v4, s31;
	v5 =	vand.u32 $0x7FFF, v15;
	v12 =	vsel vm15, v20, v8;
	v8 =	vld.idx.msk [tilespmem:v14+s2+$0x0], $0xffff  }
0x3f3: {  	p2 =	por $0x1, $0x1;
	s25 =	simm.s32 $0x80E0;
	s23 =	simm.s32 $0x10020;
	[tilespmem:s20+$0x10] =	vst v17;
	v15 =	vnsel vm1, $0x80000000, v19;
	v14 =	vnsel vm2, $0x80000000, v18;
	v12 =	vnsel vm3, $0x80000000, v12;
	v13 =	vld.idx.msk [tilespmem:v16+s2+$0x0], $0xffff  }
.LBB2_233:
0x3f4: {  	v16 =	vld [tilespmem:s25+$0x10];
	v17 =	vand.u32 $0x7FFF, v10;
	vm0 =	vlt.s32 v6, $0x0;
	v10 =	vsub.s32 $0x80000000, v6;
	s26 =	sadd.s32 $0x3, s21;
	[tilespmem:s23+$0xFFFFFFE0] =	vst v15;
	s28 =	smov.u32 s22;
	s22 =	sadd.s32 $0x4, s22  }
0x3f5: {  	s29 =	sadd.s32 $0x1, s21;
	v15 =	vld [tilespmem:s25+$0xFFFFFFF0];
	p3 =	slt.s32 s22, s19;
	v18 =	vand.u32 $0x7FFF, v9;
	v9 =	vsel vm0, v10, v6;
	vm0 =	vgt.s32 v4, s26;
	[tilespmem:s23+$0xFFFFFFF0] =	vst v14  }
0x3f6: {  	vm1 =	vgt.s32 v4, s21;
	vm2 =	vgt.s32 v4, s29;
	s26 =	sadd.s32 $0x2, s21;
	s21 =	smov.u32 s24;
	v6 =	vld.idx.msk [tilespmem:v11+s2+$0x0], $0xffff;
	v9 =	vnsel vm0, $0x80000000, v9;
	[tilespmem:s23+$0x0] =	vst v12;
	s23 =	sadd.s32 $0x40, s23  }
.Ltmp99:
0x3f7: {  	s24 =	smov.u32 s28;
	vm0 =	vlt.s32 v7, $0x0;
	v11 =	vsub.s32 $0x80000000, v7;
	vm3 =	vgt.s32 v4, s26;
	v10 =	vld [tilespmem:s25+$0x0];
	[tilespmem:s23+$0x10] =	vst v9;
	(pc) =	sbr.rel @p3 .LBB2_233-.Ltmp99, $4  }
0x3f8: {  	vm4 =	vlt.s32 v13, $0x0;
	v12 =	vsub.s32 $0x80000000, v13;
	v14 =	vsel vm0, v11, v7;
	v9 =	vld [tilespmem:s25+$0xFFFFFFE0]  }
0x3f9: {  	vm0 =	vlt.s32 v8, $0x0;
	v11 =	vand.u32 $0x7FFF, v16;
	v7 =	vld.idx.msk [tilespmem:v5+s2+$0x0], $0xffff;
	v16 =	vsub.s32 $0x80000000, v8  }
0x3fa: {  	v12 =	vsel vm4, v12, v13;
	v5 =	vand.u32 $0x7FFF, v15;
	v13 =	vld.idx.msk [tilespmem:v18+s2+$0x0], $0xffff;
	v16 =	vsel vm0, v16, v8  }
0x3fb: {  	s25 =	sadd.s32 $0x40, s25;
	v14 =	vnsel vm2, $0x80000000, v14;
	v15 =	vnsel vm1, $0x80000000, v12;
	v8 =	vld.idx.msk [tilespmem:v17+s2+$0x0], $0xffff;
	v12 =	vnsel vm3, $0x80000000, v16  }
0x3fc: {  	s22 =	smov.u32 s24  }
.LBB2_235:
0x3fd: {  	_ = 	snop  }
0x3fe: {  	vm0 =	vlt.s32 @p1 v6, $0x0;
	v16 =	vsub.s32 @p1 $0x80000000, v6  }
0x3ff: {  	v10 =	vand.u32 $0x7FFF, v10;
	s24 =	sadd.s32 @p1 $0x3, s21;
	v9 =	vand.u32 $0x7FFF, v9;
	vm1 =	vgt.s32 @p1 v4, s21  }
0x400: {  	s25 =	sadd.s32 @p1 $0x1, s21;
	s29 =	sadd.s32 $0x3, s22;
	vm12 =	vgt.s32 v4, s22;
	v6 =	vsel @p1 vm0, v16, v6;
	vm0 =	vgt.s32 @p1 v4, s24  }
0x401: {  	v11 =	vld.idx.msk [tilespmem:v11+s2+$0x0], $0xffff;
	s30 =	sadd.s32 $0x1, s22;
	vm2 =	vgt.s32 @p1 v4, s25;
	v16 =	vsub.s32 @p1 $0x80000000, v7;
	vm11 =	vgt.s32 v4, s29  }
0x402: {  	v5 =	vld.idx.msk [tilespmem:v5+s2+$0x0], $0xffff;
	vm13 =	vgt.s32 v4, s30;
	v6 =	vnsel @p1 vm0, $0x80000000, v6;
	vm0 =	vlt.s32 @p1 v7, $0x0  }
0x403: {  	v7 =	vsel @p1 vm0, v16, v7;
	vm0 =	vlt.s32 @p1 v13, $0x0;
	v16 =	vsub.s32 @p1 $0x80000000, v13  }
0x404: {  	s21 =	sadd.s32 @p1 $0x2, s21;
	[tilespmem:s23+$0xFFFFFFE0] =	vst @p2 v15;
	v13 =	vsel @p1 vm0, v16, v13;
	vm0 =	vlt.s32 @p1 v8, $0x0;
	v16 =	vsub.s32 @p1 $0x80000000, v8  }
0x405: {  	[tilespmem:s23+$0xFFFFFFF0] =	vst @p2 v14;
	s24 =	simm.s32 $0x10020;
	v7 =	vnsel @p1 vm2, $0x80000000, v7;
	v8 =	vsel @p1 vm0, v16, v8;
	vm0 =	vgt.s32 @p1 v4, s21;
	v9 =	vld.idx.msk [tilespmem:v9+s2+$0x0], $0xffff;
	s21 =	sadd.s32 @p2 $0x40, s23  }
0x406: {  	[tilespmem:s23+$0x0] =	vst @p2 v12;
	v13 =	vnsel @p1 vm1, $0x80000000, v13;
	v10 =	vld.idx.msk [tilespmem:v10+s2+$0x0], $0xffff;
	v7 =	vpsel p1, v7, v0;
	vm10 =	vlt.s32 v11, $0x0;
	s24 =	smov.u32 @p2 s21  }
0x407: {  	v61 =	vsub.s32 $0x80000000, v11;
	vm3 =	vlt.s32 v5, $0x0;
	v8 =	vnsel @p1 vm0, $0x80000000, v8;
	[tilespmem:s24+$0x10] =	vst @p1 v6  }
0x408: {  	v13 =	vpsel p1, v13, v0;
	v62 =	vsel vm10, v61, v11;
	[tilespmem:s24+$0xFFFFFFF0] =	vst @p1 v7;
	v7 =	vsub.s32 $0x80000000, v5  }
0x409: {  	v6 =	vpsel p1, v8, v0;
	[tilespmem:s24+$0xFFFFFFE0] =	vst @p1 v13;
	s21 =	sadd.s32 @p1 $0x40, s24;
	v8 =	vnsel vm11, $0x80000000, v62;
	v5 =	vsel vm3, v7, v5  }
0x40a: {  	[tilespmem:s24+$0x0] =	vst @p1 v6;
	s20 =	smov.u32 @p1 s21;
	v5 =	vnsel vm13, $0x80000000, v5;
	vm4 =	vlt.s32 v9, $0x0;
	v63 =	vsub.s32 $0x80000000, v9  }
0x40b: {  	s31 =	sadd.s32 $0x2, s22;
	[tilespmem:s20+$0x10] =	vst v8;
	vm14 =	vlt.s32 v10, $0x0;
	v7 =	vsub.s32 $0x80000000, v10;
	v6 =	vsel vm4, v63, v9  }
0x40c: {  	vm15 =	vgt.s32 v4, s31;
	[tilespmem:s20+$0xFFFFFFF0] =	vst v5;
	v7 =	vsel vm14, v7, v10;
	v6 =	vnsel vm12, $0x80000000, v6  }
0x40d: {  	[tilespmem:s20+$0xFFFFFFE0] =	vst v6;
	v6 =	vnsel vm15, $0x80000000, v7  }
0x40e: {  	[tilespmem:s20+$0x0] =	vst v6  }
.LBB2_214:
0x40f: {  	p1 =	sge.s32 s19, s18  }
.Ltmp100:
0x410: {  	_ = 	snop;
	(pc) =	sbr.rel @p1 .LBB2_217-.Ltmp100, $4  }
0x411: {  	_ = 	snop  }
0x412: {  	s20 =	ssub.s32 s18, s19  }
0x413: {  	s21 =	sshll.u32 s18, $0x6;
	s22 =	sshll.u32 s20, $0x6  }
0x414: {  	s21 =	ssub.s32 s21, s22  }
0x415: {  	s24 =	sshra.s32 s21, $0x2  }
0x416: {  	s22 =	ssub.s32 $0x0, s20;
	s23 =	sadd.s32 $0x8000, s24;
	s24 =	sadd.s32 $0x10000, s24  }
.LBB2_216:
0x417: {  	v5 =	vld [tilespmem:s23+$0x0];
	_ =	sdelay $0x4  }
0x418: {  	v5 =	vand.u32 $0x7FFF, v5;
	_ =	sdelay $0x4  }
0x419: {  	v5 =	vld.idx.msk [tilespmem:v5+s2+$0x0], $0xffff;
	_ =	sdelay $0x1  }
0x41a: {  	s25 =	sadd.s32 s22, s18;
	s22 =	sadd.s32 $0x1, s22  }
0x41b: {  	p2 =	seq.s32 s22, $0x0  }
.Ltmp101:
0x41c: {  	_ = 	snop;
	(pc) =	sbr.rel @!p2 .LBB2_216-.Ltmp101, $4  }
0x41d: {  	vm0 =	vlt.s32 v5, $0x0;
	v6 =	vsub.s32 $0x80000000, v5  }
0x41e: {  	vm15 =	vgt.s32 v4, s25;
	v5 =	vsel vm0, v6, v5  }
0x41f: {  	v5 =	vnsel vm15, $0x80000000, v5  }
0x420: {  	s23 =	sadd.s32 $0x10, s23;
	[tilespmem:s24+$0x0] =	vst v5;
	s24 =	sadd.s32 $0x10, s24  }
.LBB2_217:
0x421: {  	(xrf0) =	vadd.scan.msk.s32 $0xffff, v4;
	_ =	sdelay $0x5  }
0x422: {  	v5, _, _ =	vpop (xrf0)  }
0x423: {  	(v2sf) =	vpush v5, $0xF;
	_ =	sdelay $0xb  }
.Ltmp102:
0x424: {  	_ = 	snop;
	(pc) =	sbr.rel .LBB2_218-.Ltmp102, $4  }
0x425: {  	_ = 	snop  }
0x426: {  	s23 =	sshll.u32 s18, $0x4;
	s21 =	sshra.s32 s21, $0x2  }
0x427: {  	s25 =	simm.s32 $0x0;
	s24 =	sadd.s32 $0x10000, s21;
	s22 =	spop (v2sf)  }
0x428: {  	s21 =	simm.s32 $0x80000000;
	s23 =	ssub.s32 s22, s23;
	s22 =	simm.s32 $0x80000000  }
.LBB2_223:
0x429: {  	(xrf0) =	vadd.scan.msk.s32 $0xffff, v7  }
0x42a: {  	(xrf0) =	vadd.scan.msk.s32 $0xffff, v8;
	_ =	sdelay $0x4  }
0x42b: {  	v5, _, _ =	vpop (xrf0)  }
0x42c: {  	(v2sf) =	vpush v5, $0xF;
	v5, _, _ =	vpop (xrf0)  }
0x42d: {  	(v2sf) =	vpush v5, $0xF;
	_ =	sdelay $0xb  }
0x42e: {  	s25 =	sadd.s32 $0x1, s25  }
0x42f: {  	p4 =	seq.s32 s25, $0x20  }
.Ltmp103:
0x430: {  	s29 =	spop (v2sf);
	(pc) =	sbr.rel @p4 .LBB2_224-.Ltmp103, $4  }
0x431: {  	s30 =	spop (v2sf)  }
0x432: {  	s30 =	sadd.s32 s30, s23  }
0x433: {  	p2 =	sgt.s32 s29, $0x3F;
	p3 =	sgt.s32 s30, $0x3F  }
0x434: {  	s22 =	smov.u32 @p2 s26;
	s21 =	smov.u32 @p3 s28  }
.LBB2_218:
.Ltmp104:
0x435: {  	(pc) =	sbr.rel @p0 .LBB2_219-.Ltmp104, $4  }
0x436: {  	_ = 	snop  }
0x437: {  	s28 =	sshrl.u32 s16, s25  }
0x438: {  	s26 =	sadd.s32 s28, s22;
	s28 =	sadd.s32 s28, s21  }
0x439: {  	v7 =	vimm.s32 $0x0;
	v5 =	vmov s26;
	v6 =	vmov s28  }
0x43a: {  	s29 =	simm.s32 $0x10020  }
0x43b: {  	v8 =	vld [tilespmem:s29+$0x10]  }
0x43c: {  	v9 =	vld [tilespmem:s29+$0x0]  }
0x43d: {  	v10 =	vld [tilespmem:s29+$0xFFFFFFF0]  }
0x43e: {  	v12 =	vld [tilespmem:s29+$0xFFFFFFE0];
	_ =	sdelay $0x1  }
0x43f: {  	p2 =	sgt.s32 s19, $0x4  }
.Ltmp105:
0x440: {  	_ = 	snop;
	(pc) =	sbr.rel @!p2 .LBB2_238-.Ltmp105, $4  }
0x441: {  	vm0 =	vgt.s32 v9, v5;
	vm3 =	vgt.s32 v8, v5;
	vm1 =	vgt.s32 v10, v5  }
0x442: {  	v11 =	vxor.u32 $0xFFFFFFFF, v9;
	v14 =	vxor.u32 $0xFFFFFFFF, v8;
	vm2 =	vgt.s32 v12, v5  }
0x443: {  	v13 =	vxor.u32 $0xFFFFFFFF, v12;
	v12 =	vxor.u32 $0xFFFFFFFF, v10;
	v10 =	vimm.s32 $0x0  }
0x444: {  	s30 =	simm.s32 $0x10060;
	s29 =	simm.s32 $0x4;
	v9 =	vsel vm0, $0x1, v1;
	v8 =	vsel vm3, $0x1, v1;
	vm0 =	vlt.s32 v6, v14  }
.LBB2_237:
0x445: {  	v14 =	vld [tilespmem:s30+$0x10];
	vm3 =	vlt.s32 v6, v13;
	v13 =	vsel vm1, $0x1, v1;
	vm1 =	vlt.s32 v6, v11  }
0x446: {  	v15 =	vsel vm2, $0x1, v1;
	vm2 =	vlt.s32 v6, v12;
	v11 =	vld [tilespmem:s30+$0x0];
	v16 =	vsel vm3, $0x1, v1  }
0x447: {  	v7 =	vadd.s32 v15, v7;
	v15 =	vsel vm2, $0x1, v1;
	v12 =	vld [tilespmem:s30+$0xFFFFFFF0];
	v10 =	vadd.s32 v16, v10  }
0x448: {  	s29 =	sadd.s32 $0x4, s29;
	v7 =	vadd.s32 v13, v7;
	v13 =	vsel vm1, $0x1, v1;
	v16 =	vld [tilespmem:s30+$0xFFFFFFE0];
	v10 =	vadd.s32 v15, v10  }
0x449: {  	p2 =	slt.s32 s29, s19;
	v7 =	vadd.s32 v9, v7;
	v9 =	vadd.s32 v13, v10;
	v10 =	vsel vm0, $0x1, v1  }
.Ltmp106:
0x44a: {  	v7 =	vadd.s32 v8, v7;
	v10 =	vadd.s32 v10, v9;
	(pc) =	sbr.rel @p2 .LBB2_237-.Ltmp106, $4  }
0x44b: {  	vm3 =	vgt.s32 v14, v5;
	vm0 =	vgt.s32 v11, v5  }
0x44c: {  	v14 =	vxor.u32 $0xFFFFFFFF, v14;
	v11 =	vxor.u32 $0xFFFFFFFF, v11;
	vm1 =	vgt.s32 v12, v5  }
0x44d: {  	v12 =	vxor.u32 $0xFFFFFFFF, v12;
	vm2 =	vgt.s32 v16, v5;
	v13 =	vxor.u32 $0xFFFFFFFF, v16  }
0x44e: {  	s30 =	sadd.s32 $0x40, s30;
	v8 =	vsel vm3, $0x1, v1;
	v9 =	vsel vm0, $0x1, v1;
	vm0 =	vlt.s32 v6, v14  }
.LBB2_238:
0x44f: {  	vm3 =	vlt.s32 v6, v13;
	v63 =	vsel vm1, $0x1, v1;
	vm14 =	vlt.s32 v6, v11  }
.Ltmp107:
0x450: {  	v11 =	vsel vm2, $0x1, v1;
	vm15 =	vlt.s32 v6, v12;
	v14 =	vsel vm3, $0x1, v1;
	(pc) =	sbr.rel .LBB2_220-.Ltmp107, $4  }
0x451: {  	v7 =	vadd.s32 v11, v7;
	v11 =	vsel vm15, $0x1, v1;
	v10 =	vadd.s32 v14, v10  }
0x452: {  	v7 =	vadd.s32 v63, v7;
	v10 =	vadd.s32 v11, v10;
	v11 =	vsel vm14, $0x1, v1  }
0x453: {  	v7 =	vadd.s32 v9, v7;
	v9 =	vadd.s32 v11, v10;
	v10 =	vsel vm0, $0x1, v1  }
0x454: {  	v7 =	vadd.s32 v8, v7;
	v8 =	vadd.s32 v10, v9  }
.LBB2_219:
0x455: {  	v8 =	vimm.s32 $0x0  }
.LBB2_220:
.Ltmp108:
0x456: {  	(pc) =	sbr.rel @p1 .LBB2_223-.Ltmp108, $1  }
0x457: {  	_ =	sdelay $0x3  }
0x458: {  	s29 =	smov.u32 s24;
	s30 =	smov.u32 s20  }
.LBB2_222:
0x459: {  	v9 =	vld [tilespmem:s29+$0x0];
	_ =	sdelay $0x2  }
0x45a: {  	p2 =	sne.s32 s30, $0x1  }
.Ltmp109:
0x45b: {  	_ = 	snop;
	(pc) =	sbr.rel @p2 .LBB2_222-.Ltmp109, $4  }
0x45c: {  	v10 =	vxor.u32 $0xFFFFFFFF, v9  }
0x45d: {  	vm0 =	vgt.s32 v9, v5;
	vm1 =	vlt.s32 v6, v10  }
0x45e: {  	v9 =	vsel vm0, $0x1, v1;
	v10 =	vsel vm1, $0x1, v1  }
0x45f: {  	s29 =	sadd.s32 $0x10, s29;
	s30 =	sadd.s32 $0xFFFFFFFF, s30;
	v7 =	vadd.s32 v9, v7;
	v8 =	vadd.s32 v10, v8  }
.Ltmp110:
0x460: {  	_ = 	snop;
	(pc) =	sbr.rel .LBB2_223-.Ltmp110, $1  }
0x461: {  	_ =	sdelay $0x3  }
.LBB2_224:
0x462: {  	p0 =	slt.s32 s18, $0x1  }
.Ltmp111:
0x463: {  	_ = 	snop;
	(pc) =	sbr.rel @p0 .LBB2_227-.Ltmp111, $1  }
0x464: {  	_ =	sdelay $0x3  }
0x465: {  	s31 =	simm.s32 $0x10000  }
0x466: {  	v7 =	vld [tilespmem:s31+$0x0];
	_ =	sdelay $0x2  }
0x467: {  	s19 =	simm.s32 $0x8000  }
0x468: {  	v8 =	vld [tilespmem:s19+$0x0]  }
0x469: {  	v5 =	vmov s22;
	v6 =	vmov s21;
	v9 =	vxor.u32 $0xFFFFFFFF, v7  }
0x46a: {  	s20 =	simm.s32 $0x0;
	vm0 =	vgt.s32 v7, v5;
	vm1 =	vlt.s32 v6, v9  }
0x46b: {  	vm15 =	vgt.u32 v4, s20;
	vm0 =	vmor vm0, vm1  }
0x46c: {  	vm0 =	vmand vm15, vm0  }
0x46d: {  	p0 =	sne.s32 s18, $0x1;
	v7 =	vand.u32 $0x7FFF, v8  }
.Ltmp112:
0x46e: {  	_ = 	snop;
	(pc) =	sbr.rel @!p0 .LBB2_227-.Ltmp112, $2  }
0x46f: {  	_ =	sdelay $0x2  }
0x470: {  	s21 =	simm.s32 $0x10010;
	s20 =	simm.s32 $0x1;
	[tilespmem:v7+s2+$0x0] =	vst.idx.msk vm0, v3  }
.LBB2_226:
0x471: {  	v7 =	vld [tilespmem:s21+$0x0];
	s22 =	smov.u32 s20;
	s20 =	sadd.s32 $0x1, s20  }
0x472: {  	p0 =	sne.s32 s18, s20;
	_ =	sdelay $0x1  }
0x473: {  	s19 =	sadd.s32 $0x10, s19  }
0x474: {  	v8 =	vld [tilespmem:s19+$0x0]  }
0x475: {  	v9 =	vxor.u32 $0xFFFFFFFF, v7  }
0x476: {  	vm0 =	vgt.s32 v7, v5;
	vm1 =	vlt.s32 v6, v9  }
0x477: {  	vm0 =	vmor vm0, vm1;
	vm1 =	vgt.u32 v4, s22  }
0x478: {  	vm0 =	vmand vm1, vm0  }
0x479: {  	v7 =	vand.u32 $0x7FFF, v8  }
.Ltmp113:
0x47a: {  	(pc) =	sbr.rel @p0 .LBB2_226-.Ltmp113, $2  }
0x47b: {  	_ =	sdelay $0x2  }
0x47c: {  	s21 =	sadd.s32 $0x10, s21;
	[tilespmem:v7+s2+$0x0] =	vst.idx.msk vm0, v3  }
.Ltmp114:
0x47d: {  	_ = 	snop;
	(pc) =	sbr.rel .LBB2_227-.Ltmp114, $1  }
0x47e: {  	_ =	sdelay $0x3  }
.LBB2_17:
.Ltmp115:
0x47f: {  	(pc) =	sbr.rel .LBB2_18-.Ltmp115, $3  }
0x480: {  	_ =	sdelay $0x1  }
0x481: {  	s19 =	simm.f32 $2.599999900e+00  }
0x482: {  	s19 =	simm.f32 @p0 $2.599999900e+00  }
.LBB2_21:
0x483: {  	v5 =	vimm.s32 $0x0;
	v6 =	vimm.s32 $0x0  }
.LBB2_33:
0x484: {  	(xrf0) =	vadd.scan.msk.s32 $0xffff, v5  }
0x485: {  	(xrf0) =	vadd.scan.msk.s32 $0xffff, v6;
	_ =	sdelay $0x4  }
0x486: {  	v5, _, _ =	vpop (xrf0)  }
0x487: {  	(v2sf) =	vpush v5, $0xF;
	v5, _, _ =	vpop (xrf0)  }
0x488: {  	(v2sf) =	vpush v5, $0xF;
	_ =	sdelay $0xd  }
0x489: {  	s20 =	spop (v2sf)  }
0x48a: {  	s21 =	spop (v2sf);
	p0 =	slt.s32 s20, $0x40  }
0x48b: {  	p1 =	slt.s32 @!p0 s21, $0x40  }
0x48c: {  	p1 =	por p0, p1  }
.Ltmp116:
0x48d: {  	_ = 	snop;
	(pc) =	sbr.rel @!p1 .LBB2_34-.Ltmp116, $2  }
0x48e: {  	_ =	sdelay $0x2  }
0x48f: {  	s19 =	smov.u32 @p0 s19  }
.LBB2_18:
0x490: {  	s18 =	simm.s32 $0x40  }
0x491: {  	v4 =	vld [tilespmem:s18+$0x30]  }
0x492: {  	v10 =	vld [tilespmem:s18+$0x20]  }
0x493: {  	v11 =	vld [tilespmem:s18+$0x10]  }
0x494: {  	v12 =	vld [tilespmem:s18+$0x0]  }
0x495: {  	p0 =	sgt.f32 s19, $0.0e+00;
	s20 =	sadd.f32 s19, s19;
	v14 =	vld [tilespmem:s18+$0xFFFFFFF0]  }
0x496: {  	v13 =	vld [tilespmem:s18+$0xFFFFFFC0]  }
0x497: {  	s30 =	simm.s32 $0x0;
	v15 =	vld [tilespmem:s18+$0xFFFFFFD0];
	s20 =	smov.u32 @p0 s19  }
0x498: {  	s21 =	simm.s32 $0x10;
	v6 =	vlaneseq.u32;
	s31 =	simm.s32 $0x20;
	v16 =	vld [tilespmem:s18+$0xFFFFFFE0];
	s19 =	sadd.f32 $-1.000000000e+00, s20  }
0x499: {  	v9 =	vor.u32 s30, v0;
	v8 =	vor.u32 s21, v0;
	v7 =	vor.u32 s31, v0  }
0x49a: {  	v5 =	vmov s19;
	v10 =	vand.u32 $0x7FFFFFFF, v10;
	v4 =	vand.u32 $0x7FFFFFFF, v4  }
0x49b: {  	v17 =	vand.u32 $0x7FFFFFFF, v13;
	v13 =	vand.u32 $0x7FFFFFFF, v12;
	v12 =	vand.u32 $0x7FFFFFFF, v11  }
0x49c: {  	v11 =	vand.u32 $0x7FFFFFFF, v15;
	v14 =	vand.u32 $0x7FFFFFFF, v14;
	vm0 =	vgt.f32 v17, v5  }
0x49d: {  	s22 =	simm.s32 $0xC0;
	v16 =	vand.u32 $0x7FFFFFFF, v16;
	vm1 =	vgt.f32 v11, v5;
	v15 =	vsel vm0, $0x10, v1  }
0x49e: {  	s18 =	simm.s32 $0x70;
	s21 =	simm.s32 $0x0;
	s20 =	simm.s32 $0x70;
	vm2 =	vgt.f32 v16, v5;
	v11 =	vadd.s32 v6, v15;
	v15 =	vsel vm1, $0x10, v1  }
.LBB2_19:
0x49f: {  	v16 =	vld [tilespmem:s22+$0x30];
	v15 =	vadd.s32 v11, v15;
	v17 =	vsel vm2, $0x10, v1;
	vm5 =	vgt.f32 v14, v5  }
0x4a0: {  	s21 =	sadd.s32 $0x8, s21;
	vm4 =	vgt.f32 v13, v5;
	v14 =	vld [tilespmem:s22+$0x20];
	v17 =	vadd.s32 v15, v17;
	v18 =	vsel vm5, $0x10, v1  }
0x4a1: {  	vm3 =	vgt.f32 v12, v5;
	p0 =	slt.u32 s21, $0x7F8;
	v19 =	vld [tilespmem:s22+$0x10];
	v13 =	vadd.s32 v17, v18;
	v18 =	vsel vm4, $0x10, v1  }
0x4a2: {  	v12 =	vld [tilespmem:s22+$0x0];
	[tilespmem:v6+s15+$0x0] =	vst.idx.msk vm0, v9;
	v18 =	vadd.s32 v13, v18;
	v6 =	vsel vm3, $0x10, v1;
	vm0 =	vgt.f32 v10, v5  }
0x4a3: {  	s23 =	sadd.s32 $0xFFFFFFC0, s18;
	v20 =	vld [tilespmem:s22+$0xFFFFFFF0];
	[tilespmem:v11+s15+$0x0] =	vst.idx.msk vm1, v8;
	v11 =	vadd.s32 v18, v6;
	v6 =	vsel vm0, $0x10, v1;
	vm1 =	vgt.f32 v4, v5  }
0x4a4: {  	v4 =	vor.u32 s23, v0;
	s23 =	sadd.s32 $0xFFFFFFD0, s18;
	v21 =	vld [tilespmem:s22+$0xFFFFFFC0];
	[tilespmem:v15+s15+$0x0] =	vst.idx.msk vm2, v7;
	v15 =	vadd.s32 v11, v6;
	v6 =	vsel vm1, $0x10, v1  }
0x4a5: {  	s18 =	sadd.s32 $0x80, s18;
	v22 =	vld [tilespmem:s22+$0xFFFFFFD0];
	[tilespmem:v17+s15+$0x0] =	vst.idx.msk vm5, v4;
	v4 =	vor.u32 s23, v0;
	s23 =	sadd.s32 $0xFFFFFFE0, s20;
	v6 =	vadd.s32 v15, v6  }
0x4a6: {  	v23 =	vor.u32 s20, v0;
	s24 =	sadd.s32 $0xFFFFFF90, s18;
	s25 =	sadd.s32 $0xFFFFFFA0, s18;
	v17 =	vld [tilespmem:s22+$0xFFFFFFE0];
	[tilespmem:v13+s15+$0x0] =	vst.idx.msk vm4, v4;
	v4 =	vor.u32 s23, v0;
	s23 =	sadd.s32 $0xFFFFFFF0, s20  }
0x4a7: {  	v9 =	vor.u32 s24, v0;
	v8 =	vor.u32 s25, v0;
	s24 =	sadd.s32 $0xFFFFFFB0, s18;
	s20 =	smov.u32 s18;
	[tilespmem:v18+s15+$0x0] =	vst.idx.msk vm3, v4;
	v13 =	vor.u32 s23, v0  }
.Ltmp117:
0x4a8: {  	v10 =	vand.u32 $0x7FFFFFFF, v14;
	v7 =	vor.u32 s24, v0;
	v4 =	vand.u32 $0x7FFFFFFF, v16;
	[tilespmem:v11+s15+$0x0] =	vst.idx.msk vm0, v13;
	(pc) =	sbr.rel @p0 .LBB2_19-.Ltmp117, $4  }
0x4a9: {  	v13 =	vand.u32 $0x7FFFFFFF, v12;
	v12 =	vand.u32 $0x7FFFFFFF, v19;
	v11 =	vand.u32 $0x7FFFFFFF, v21;
	[tilespmem:v15+s15+$0x0] =	vst.idx.msk vm1, v23  }
0x4aa: {  	v14 =	vand.u32 $0x7FFFFFFF, v20;
	vm0 =	vgt.f32 v11, v5;
	v11 =	vand.u32 $0x7FFFFFFF, v22  }
0x4ab: {  	v15 =	vsel vm0, $0x10, v1;
	vm1 =	vgt.f32 v11, v5;
	v16 =	vand.u32 $0x7FFFFFFF, v17  }
0x4ac: {  	s22 =	sadd.s32 $0x80, s22;
	v11 =	vadd.s32 v6, v15;
	v15 =	vsel vm1, $0x10, v1;
	vm2 =	vgt.f32 v16, v5  }
0x4ad: {  	v15 =	vadd.s32 v11, v15;
	v16 =	vsel vm2, $0x10, v1;
	vm3 =	vgt.f32 v14, v5  }
0x4ae: {  	vm4 =	vgt.f32 v13, v5;
	v56 =	vadd.s32 v15, v16;
	v57 =	vsel vm3, $0x10, v1  }
0x4af: {  	vm5 =	vgt.f32 v12, v5;
	v59 =	vsel vm4, $0x10, v1;
	v58 =	vadd.s32 v56, v57  }
0x4b0: {  	vm6 =	vgt.f32 v10, v5;
	v61 =	vsel vm5, $0x10, v1;
	v60 =	vadd.s32 v58, v59  }
0x4b1: {  	vm7 =	vgt.f32 v4, v5;
	v63 =	vsel vm6, $0x10, v1;
	v62 =	vadd.s32 v60, v61  }
0x4b2: {  	v4 =	vsel vm7, $0x10, v1;
	v16 =	vadd.s32 v62, v63  }
0x4b3: {  	v4 =	vadd.s32 v16, v4  }
0x4b4: {  	v4 =	vadd.s32 v2, v4  }
0x4b5: {  	v4 =	vshrl.u32 v4, $0x4  }
0x4b6: {  	v17 =	vor.u32 $0x80000000, v4  }
0x4b7: {  	(xrf0) =	vmax.scan.msk.u32 $0xffff, v17;
	_ =	sdelay $0x5  }
0x4b8: {  	v17, _, _ =	vpop (xrf0)  }
0x4b9: {  	(v2sf) =	vpush v17, $0xF;
	_ =	sdelay $0xe  }
0x4ba: {  	[tilespmem:v6+s15+$0x0] =	vst.idx.msk vm0, v9;
	s31 =	spop (v2sf)  }
0x4bb: {  	[tilespmem:v11+s15+$0x0] =	vst.idx.msk vm1, v8;
	s21 =	sadd.s32 $0xFFFFFFC0, s18;
	s28 =	sadd.s32 $0xFFFFFFD0, s18;
	s18 =	sxor.u32 $0x80000000, s31  }
0x4bc: {  	v6 =	vor.u32 s21, v0;
	[tilespmem:v15+s15+$0x0] =	vst.idx.msk vm2, v7;
	p0 =	slt.s32 s18, $0x1  }
.Ltmp118:
0x4bd: {  	s29 =	sadd.s32 $0xFFFFFFE0, s20;
	[tilespmem:v56+s15+$0x0] =	vst.idx.msk vm3, v6;
	v6 =	vor.u32 s28, v0;
	(pc) =	sbr.rel @p0 .LBB2_21-.Ltmp118, $4  }
0x4be: {  	s30 =	sadd.s32 $0xFFFFFFF0, s20;
	[tilespmem:v58+s15+$0x0] =	vst.idx.msk vm4, v6;
	v6 =	vor.u32 s29, v0  }
0x4bf: {  	[tilespmem:v60+s15+$0x0] =	vst.idx.msk vm5, v6;
	v6 =	vor.u32 s30, v0  }
0x4c0: {  	v7 =	vor.u32 s20, v0;
	[tilespmem:v62+s15+$0x0] =	vst.idx.msk vm6, v6  }
0x4c1: {  	[tilespmem:v16+s15+$0x0] =	vst.idx.msk vm7, v7  }
0x4c2: {  	p3 =	sne.s32 s18, $0x1  }
.Ltmp119:
0x4c3: {  	_ = 	snop;
	(pc) =	sbr.rel @!p3 .LBB2_23-.Ltmp119, $4  }
0x4c4: {  	_ = 	snop  }
0x4c5: {  	s22 =	ssub.f32 $0.0e+00, s19  }
0x4c6: {  	s21 =	simm.s32 $0x0;
	s23 =	simm.s32 $0x8000;
	s20 =	simm.s32 $0x1  }
0x4c7: {  	v6 =	vimm.s32 $0x0;
	p0 =	por $0x0, $0x0;
	p1 =	por $0x0, $0x0;
	p2 =	por $0x0, $0x0;
	v8 =	vld [tilespmem:s23+$0x0];
	v7 =	vmov s22  }
0x4c8: {  	p3 =	sne.s32 s18, $0x2  }
.Ltmp120:
0x4c9: {  	_ = 	snop;
	(pc) =	sbr.rel @!p3 .LBB2_25-.Ltmp120, $3  }
0x4ca: {  	_ =	sdelay $0x1  }
0x4cb: {  	s23 =	simm.s32 $0x8010  }
0x4cc: {  	s22 =	simm.s32 $0x2;
	p0 =	por $0x1, $0x1;
	v10 =	vand.u32 $0x7FFF, v8;
	v8 =	vld [tilespmem:s23+$0x0]  }
0x4cd: {  	p3 =	sne.s32 s18, $0x3  }
.Ltmp121:
0x4ce: {  	_ = 	snop;
	(pc) =	sbr.rel @!p3 .LBB2_27-.Ltmp121, $3  }
0x4cf: {  	_ =	sdelay $0x1  }
0x4d0: {  	v9 =	vld.idx.msk [tilespmem:v10+s2+$0x0], $0xffff;
	s24 =	simm.s32 $0x8020  }
0x4d1: {  	s23 =	simm.s32 $0x3;
	p1 =	por $0x1, $0x1;
	v10 =	vand.u32 $0x7FFF, v8;
	v8 =	vld [tilespmem:s24+$0x0]  }
0x4d2: {  	p3 =	sne.s32 s18, $0x4  }
.Ltmp122:
0x4d3: {  	_ = 	snop;
	(pc) =	sbr.rel @!p3 .LBB2_29-.Ltmp122, $4  }
0x4d4: {  	vm0 =	vgt.u32 v4, s21  }
0x4d5: {  	v11 =	vimm.s32 $0x0;
	vm1 =	vgt.f32 v9, v5;
	vm2 =	vlt.f32 v9, v7  }
0x4d6: {  	v12 =	vld.idx.msk [tilespmem:v10+s2+$0x0], $0xffff;
	s24 =	simm.s32 $0x8030;
	v13 =	vimm.s32 $0x0;
	vm1 =	vmand vm0, vm1;
	vm0 =	vmand vm0, vm2  }
0x4d7: {  	s25 =	simm.s32 $0x4;
	p2 =	por $0x1, $0x1;
	v10 =	vand.u32 $0x7FFF, v8;
	v8 =	vld [tilespmem:s24+$0x0];
	v14 =	vsel vm1, $0x1, v1;
	v15 =	vsel vm0, $0x1, v1  }
.LBB2_30:
0x4d8: {  	s26 =	smov.u32 s25;
	s25 =	sadd.s32 $0x1, s25  }
0x4d9: {  	v11 =	vadd.s32 v14, v11;
	v13 =	vadd.s32 v15, v13;
	p3 =	sne.s32 s18, s25  }
.Ltmp123:
0x4da: {  	(pc) =	sbr.rel @p3 .LBB2_30-.Ltmp123, $4  }
0x4db: {  	_ = 	snop  }
0x4dc: {  	vm0 =	vgt.u32 v4, s20;
	s20 =	smov.u32 s22;
	s22 =	smov.u32 s23;
	s23 =	smov.u32 s26;
	vm1 =	vgt.f32 v12, v5;
	vm2 =	vlt.f32 v12, v7;
	v12 =	vld.idx.msk [tilespmem:v10+s2+$0x0], $0xffff  }
0x4dd: {  	s24 =	sadd.s32 $0x10, s24;
	vm1 =	vmand vm0, vm1;
	vm0 =	vmand vm0, vm2;
	v10 =	vand.u32 $0x7FFF, v8  }
0x4de: {  	v14 =	vsel vm1, $0x1, v1;
	v15 =	vsel vm0, $0x1, v1;
	v8 =	vld [tilespmem:s24+$0x0]  }
0x4df: {  	s24 =	smov.u32 s20;
	s20 =	smov.u32 s23  }
.LBB2_32:
0x4e0: {  	_ =	sdelay $0x2  }
0x4e1: {  	v8 =	vand.u32 $0x7FFF, v8  }
0x4e2: {  	v10 =	vld.idx.msk @p0 [tilespmem:v10+s2+$0x0], $0xffff;
	vm0 =	vgt.u32 @p1 v4, s24;
	v11 =	vadd.s32 @p2 v14, v11  }
0x4e3: {  	vm13 =	vgt.u32 v4, s20;
	vm1 =	vgt.f32 @p1 v12, v5;
	vm2 =	vlt.f32 @p1 v12, v7  }
0x4e4: {  	v12 =	vadd.s32 @p2 v15, v13;
	vm1 =	vmand @p1 vm0, vm1;
	vm0 =	vmand @p1 vm0, vm2  }
0x4e5: {  	s21 =	smov.u32 @p0 s22;
	v11 =	vpsel p2, v11, v6;
	v12 =	vpsel p2, v12, v6;
	v14 =	vsel @p1 vm0, $0x1, v1  }
0x4e6: {  	v13 =	vsel @p1 vm1, $0x1, v1;
	vm0 =	vgt.u32 @p0 v4, s21;
	v14 =	vpsel p1, v14, v0;
	v8 =	vld.idx.msk [tilespmem:v8+s2+$0x0], $0xffff  }
0x4e7: {  	v13 =	vpsel p1, v13, v0;
	v9 =	vpsel p0, v10, v9;
	v10 =	vadd.s32 @p1 v14, v12  }
0x4e8: {  	vm1 =	vgt.f32 @p0 v9, v5;
	vm2 =	vlt.f32 @p0 v9, v7;
	v9 =	vadd.s32 @p1 v13, v11  }
0x4e9: {  	v10 =	vpsel p1, v10, v6;
	vm1 =	vmand @p0 vm0, vm1;
	vm0 =	vmand @p0 vm0, vm2  }
0x4ea: {  	v9 =	vpsel p1, v9, v6;
	v11 =	vsel @p0 vm1, $0x1, v1;
	v12 =	vsel @p0 vm0, $0x1, v1  }
.Ltmp124:
0x4eb: {  	v11 =	vpsel p0, v11, v0;
	v12 =	vpsel p0, v12, v0;
	vm14 =	vgt.f32 v8, v5;
	(pc) =	sbr.rel .LBB2_33-.Ltmp124, $4  }
0x4ec: {  	v5 =	vadd.s32 @p0 v11, v9;
	vm15 =	vlt.f32 v8, v7;
	v7 =	vadd.s32 @p0 v12, v10  }
0x4ed: {  	vm1 =	vmand vm13, vm14;
	vm0 =	vmand vm13, vm15;
	v5 =	vpsel p0, v5, v6  }
0x4ee: {  	v6 =	vpsel p0, v7, v6;
	v8 =	vsel vm1, $0x1, v1;
	v63 =	vsel vm0, $0x1, v1  }
0x4ef: {  	v5 =	vadd.s32 v8, v5;
	v6 =	vadd.s32 v63, v6  }
.LBB2_23:
.Ltmp125:
0x4f0: {  	(pc) =	sbr.rel .LBB2_32-.Ltmp125, $2  }
0x4f1: {  	_ =	sdelay $0x2  }
0x4f2: {  	v11 =	vimm.s32 $0x0;
	v13 =	vimm.s32 $0x0;
	s20 =	simm.s32 $0x0  }
.LBB2_25:
.Ltmp126:
0x4f3: {  	(pc) =	sbr.rel .LBB2_32-.Ltmp126, $2  }
0x4f4: {  	_ =	sdelay $0x2  }
0x4f5: {  	v11 =	vimm.s32 $0x0;
	v13 =	vimm.s32 $0x0;
	s22 =	simm.s32 $0x0  }
.LBB2_27:
.Ltmp127:
0x4f6: {  	(pc) =	sbr.rel .LBB2_32-.Ltmp127, $2  }
0x4f7: {  	_ =	sdelay $0x2  }
0x4f8: {  	v11 =	vimm.s32 $0x0;
	v13 =	vimm.s32 $0x0;
	s24 =	simm.s32 $0x0;
	s22 =	simm.s32 $0x1;
	s20 =	simm.s32 $0x2;
	v12 =	vmov v9  }
.LBB2_29:
.Ltmp128:
0x4f9: {  	(pc) =	sbr.rel .LBB2_32-.Ltmp128, $2  }
0x4fa: {  	_ =	sdelay $0x2  }
0x4fb: {  	v11 =	vimm.s32 $0x0;
	v13 =	vimm.s32 $0x0;
	s24 =	simm.s32 $0x1;
	s20 =	simm.s32 $0x3  }
.LBB2_76:
.Ltmp129:
0x4fc: {  	(pc) =	sbr.rel .LBB2_77-.Ltmp129, $3  }
0x4fd: {  	_ =	sdelay $0x1  }
0x4fe: {  	s19 =	simm.f32 $2.599999900e+00  }
0x4ff: {  	s19 =	simm.f32 @p0 $2.599999900e+00  }
.LBB2_80:
0x500: {  	v5 =	vimm.s32 $0x0;
	v6 =	vimm.s32 $0x0  }
.LBB2_92:
0x501: {  	(xrf0) =	vadd.scan.msk.s32 $0xffff, v5  }
0x502: {  	(xrf0) =	vadd.scan.msk.s32 $0xffff, v6;
	_ =	sdelay $0x4  }
0x503: {  	v5, _, _ =	vpop (xrf0)  }
0x504: {  	(v2sf) =	vpush v5, $0xF;
	v5, _, _ =	vpop (xrf0)  }
0x505: {  	(v2sf) =	vpush v5, $0xF;
	_ =	sdelay $0xd  }
0x506: {  	s20 =	spop (v2sf)  }
0x507: {  	s21 =	spop (v2sf);
	p0 =	slt.s32 s20, $0x40  }
0x508: {  	p1 =	slt.s32 @!p0 s21, $0x40  }
0x509: {  	p1 =	por p0, p1  }
.Ltmp130:
0x50a: {  	_ = 	snop;
	(pc) =	sbr.rel @!p1 .LBB2_93-.Ltmp130, $2  }
0x50b: {  	_ =	sdelay $0x2  }
0x50c: {  	s19 =	smov.u32 @p0 s19  }
.LBB2_77:
0x50d: {  	s18 =	simm.s32 $0x40  }
0x50e: {  	v4 =	vld [tilespmem:s18+$0x30]  }
0x50f: {  	v10 =	vld [tilespmem:s18+$0x20]  }
0x510: {  	v11 =	vld [tilespmem:s18+$0x10]  }
0x511: {  	v12 =	vld [tilespmem:s18+$0x0]  }
0x512: {  	p0 =	sgt.f32 s19, $0.0e+00;
	s20 =	sadd.f32 s19, s19;
	v14 =	vld [tilespmem:s18+$0xFFFFFFF0]  }
0x513: {  	v13 =	vld [tilespmem:s18+$0xFFFFFFC0]  }
0x514: {  	s30 =	simm.s32 $0x0;
	v15 =	vld [tilespmem:s18+$0xFFFFFFD0];
	s20 =	smov.u32 @p0 s19  }
0x515: {  	s21 =	simm.s32 $0x10;
	v6 =	vlaneseq.u32;
	s31 =	simm.s32 $0x20;
	v16 =	vld [tilespmem:s18+$0xFFFFFFE0];
	s19 =	sadd.f32 $-1.000000000e+00, s20  }
0x516: {  	v9 =	vor.u32 s30, v0;
	v8 =	vor.u32 s21, v0;
	v7 =	vor.u32 s31, v0  }
0x517: {  	v5 =	vmov s19;
	v10 =	vand.u32 $0x7FFFFFFF, v10;
	v4 =	vand.u32 $0x7FFFFFFF, v4  }
0x518: {  	v17 =	vand.u32 $0x7FFFFFFF, v13;
	v13 =	vand.u32 $0x7FFFFFFF, v12;
	v12 =	vand.u32 $0x7FFFFFFF, v11  }
0x519: {  	v11 =	vand.u32 $0x7FFFFFFF, v15;
	v14 =	vand.u32 $0x7FFFFFFF, v14;
	vm0 =	vgt.f32 v17, v5  }
0x51a: {  	s22 =	simm.s32 $0xC0;
	v16 =	vand.u32 $0x7FFFFFFF, v16;
	vm1 =	vgt.f32 v11, v5;
	v15 =	vsel vm0, $0x10, v1  }
0x51b: {  	s18 =	simm.s32 $0x70;
	s21 =	simm.s32 $0x0;
	s20 =	simm.s32 $0x70;
	vm2 =	vgt.f32 v16, v5;
	v11 =	vadd.s32 v6, v15;
	v15 =	vsel vm1, $0x10, v1  }
.LBB2_78:
0x51c: {  	v16 =	vld [tilespmem:s22+$0x30];
	v15 =	vadd.s32 v11, v15;
	v17 =	vsel vm2, $0x10, v1;
	vm5 =	vgt.f32 v14, v5  }
0x51d: {  	s21 =	sadd.s32 $0x8, s21;
	vm4 =	vgt.f32 v13, v5;
	v14 =	vld [tilespmem:s22+$0x20];
	v17 =	vadd.s32 v15, v17;
	v18 =	vsel vm5, $0x10, v1  }
0x51e: {  	vm3 =	vgt.f32 v12, v5;
	p0 =	slt.u32 s21, $0x7F8;
	v19 =	vld [tilespmem:s22+$0x10];
	v13 =	vadd.s32 v17, v18;
	v18 =	vsel vm4, $0x10, v1  }
0x51f: {  	v12 =	vld [tilespmem:s22+$0x0];
	[tilespmem:v6+s15+$0x0] =	vst.idx.msk vm0, v9;
	v18 =	vadd.s32 v13, v18;
	v6 =	vsel vm3, $0x10, v1;
	vm0 =	vgt.f32 v10, v5  }
0x520: {  	s23 =	sadd.s32 $0xFFFFFFC0, s18;
	v20 =	vld [tilespmem:s22+$0xFFFFFFF0];
	[tilespmem:v11+s15+$0x0] =	vst.idx.msk vm1, v8;
	v11 =	vadd.s32 v18, v6;
	v6 =	vsel vm0, $0x10, v1;
	vm1 =	vgt.f32 v4, v5  }
0x521: {  	v4 =	vor.u32 s23, v0;
	s23 =	sadd.s32 $0xFFFFFFD0, s18;
	v21 =	vld [tilespmem:s22+$0xFFFFFFC0];
	[tilespmem:v15+s15+$0x0] =	vst.idx.msk vm2, v7;
	v15 =	vadd.s32 v11, v6;
	v6 =	vsel vm1, $0x10, v1  }
0x522: {  	s18 =	sadd.s32 $0x80, s18;
	v22 =	vld [tilespmem:s22+$0xFFFFFFD0];
	[tilespmem:v17+s15+$0x0] =	vst.idx.msk vm5, v4;
	v4 =	vor.u32 s23, v0;
	s23 =	sadd.s32 $0xFFFFFFE0, s20;
	v6 =	vadd.s32 v15, v6  }
0x523: {  	v23 =	vor.u32 s20, v0;
	s24 =	sadd.s32 $0xFFFFFF90, s18;
	s25 =	sadd.s32 $0xFFFFFFA0, s18;
	v17 =	vld [tilespmem:s22+$0xFFFFFFE0];
	[tilespmem:v13+s15+$0x0] =	vst.idx.msk vm4, v4;
	v4 =	vor.u32 s23, v0;
	s23 =	sadd.s32 $0xFFFFFFF0, s20  }
0x524: {  	v9 =	vor.u32 s24, v0;
	v8 =	vor.u32 s25, v0;
	s24 =	sadd.s32 $0xFFFFFFB0, s18;
	s20 =	smov.u32 s18;
	[tilespmem:v18+s15+$0x0] =	vst.idx.msk vm3, v4;
	v13 =	vor.u32 s23, v0  }
.Ltmp131:
0x525: {  	v10 =	vand.u32 $0x7FFFFFFF, v14;
	v7 =	vor.u32 s24, v0;
	v4 =	vand.u32 $0x7FFFFFFF, v16;
	[tilespmem:v11+s15+$0x0] =	vst.idx.msk vm0, v13;
	(pc) =	sbr.rel @p0 .LBB2_78-.Ltmp131, $4  }
0x526: {  	v13 =	vand.u32 $0x7FFFFFFF, v12;
	v12 =	vand.u32 $0x7FFFFFFF, v19;
	v11 =	vand.u32 $0x7FFFFFFF, v21;
	[tilespmem:v15+s15+$0x0] =	vst.idx.msk vm1, v23  }
0x527: {  	v14 =	vand.u32 $0x7FFFFFFF, v20;
	vm0 =	vgt.f32 v11, v5;
	v11 =	vand.u32 $0x7FFFFFFF, v22  }
0x528: {  	v15 =	vsel vm0, $0x10, v1;
	vm1 =	vgt.f32 v11, v5;
	v16 =	vand.u32 $0x7FFFFFFF, v17  }
0x529: {  	s22 =	sadd.s32 $0x80, s22;
	v11 =	vadd.s32 v6, v15;
	v15 =	vsel vm1, $0x10, v1;
	vm2 =	vgt.f32 v16, v5  }
0x52a: {  	v15 =	vadd.s32 v11, v15;
	v16 =	vsel vm2, $0x10, v1;
	vm3 =	vgt.f32 v14, v5  }
0x52b: {  	vm4 =	vgt.f32 v13, v5;
	v56 =	vadd.s32 v15, v16;
	v57 =	vsel vm3, $0x10, v1  }
0x52c: {  	vm5 =	vgt.f32 v12, v5;
	v59 =	vsel vm4, $0x10, v1;
	v58 =	vadd.s32 v56, v57  }
0x52d: {  	vm6 =	vgt.f32 v10, v5;
	v61 =	vsel vm5, $0x10, v1;
	v60 =	vadd.s32 v58, v59  }
0x52e: {  	vm7 =	vgt.f32 v4, v5;
	v63 =	vsel vm6, $0x10, v1;
	v62 =	vadd.s32 v60, v61  }
0x52f: {  	v4 =	vsel vm7, $0x10, v1;
	v16 =	vadd.s32 v62, v63  }
0x530: {  	v4 =	vadd.s32 v16, v4  }
0x531: {  	v4 =	vadd.s32 v2, v4  }
0x532: {  	v4 =	vshrl.u32 v4, $0x4  }
0x533: {  	v17 =	vor.u32 $0x80000000, v4  }
0x534: {  	(xrf0) =	vmax.scan.msk.u32 $0xffff, v17;
	_ =	sdelay $0x5  }
0x535: {  	v17, _, _ =	vpop (xrf0)  }
0x536: {  	(v2sf) =	vpush v17, $0xF;
	_ =	sdelay $0xe  }
0x537: {  	[tilespmem:v6+s15+$0x0] =	vst.idx.msk vm0, v9;
	s31 =	spop (v2sf)  }
0x538: {  	[tilespmem:v11+s15+$0x0] =	vst.idx.msk vm1, v8;
	s21 =	sadd.s32 $0xFFFFFFC0, s18;
	s28 =	sadd.s32 $0xFFFFFFD0, s18;
	s18 =	sxor.u32 $0x80000000, s31  }
0x539: {  	v6 =	vor.u32 s21, v0;
	[tilespmem:v15+s15+$0x0] =	vst.idx.msk vm2, v7;
	p0 =	slt.s32 s18, $0x1  }
.Ltmp132:
0x53a: {  	s29 =	sadd.s32 $0xFFFFFFE0, s20;
	[tilespmem:v56+s15+$0x0] =	vst.idx.msk vm3, v6;
	v6 =	vor.u32 s28, v0;
	(pc) =	sbr.rel @p0 .LBB2_80-.Ltmp132, $4  }
0x53b: {  	s30 =	sadd.s32 $0xFFFFFFF0, s20;
	[tilespmem:v58+s15+$0x0] =	vst.idx.msk vm4, v6;
	v6 =	vor.u32 s29, v0  }
0x53c: {  	[tilespmem:v60+s15+$0x0] =	vst.idx.msk vm5, v6;
	v6 =	vor.u32 s30, v0  }
0x53d: {  	v7 =	vor.u32 s20, v0;
	[tilespmem:v62+s15+$0x0] =	vst.idx.msk vm6, v6  }
0x53e: {  	[tilespmem:v16+s15+$0x0] =	vst.idx.msk vm7, v7  }
0x53f: {  	p3 =	sne.s32 s18, $0x1  }
.Ltmp133:
0x540: {  	_ = 	snop;
	(pc) =	sbr.rel @!p3 .LBB2_82-.Ltmp133, $4  }
0x541: {  	_ = 	snop  }
0x542: {  	s22 =	ssub.f32 $0.0e+00, s19  }
0x543: {  	s21 =	simm.s32 $0x0;
	s23 =	simm.s32 $0x8000;
	s20 =	simm.s32 $0x1  }
0x544: {  	v6 =	vimm.s32 $0x0;
	p0 =	por $0x0, $0x0;
	p1 =	por $0x0, $0x0;
	p2 =	por $0x0, $0x0;
	v8 =	vld [tilespmem:s23+$0x0];
	v7 =	vmov s22  }
0x545: {  	p3 =	sne.s32 s18, $0x2  }
.Ltmp134:
0x546: {  	_ = 	snop;
	(pc) =	sbr.rel @!p3 .LBB2_84-.Ltmp134, $3  }
0x547: {  	_ =	sdelay $0x1  }
0x548: {  	s23 =	simm.s32 $0x8010  }
0x549: {  	s22 =	simm.s32 $0x2;
	p0 =	por $0x1, $0x1;
	v10 =	vand.u32 $0x7FFF, v8;
	v8 =	vld [tilespmem:s23+$0x0]  }
0x54a: {  	p3 =	sne.s32 s18, $0x3  }
.Ltmp135:
0x54b: {  	_ = 	snop;
	(pc) =	sbr.rel @!p3 .LBB2_86-.Ltmp135, $3  }
0x54c: {  	_ =	sdelay $0x1  }
0x54d: {  	v9 =	vld.idx.msk [tilespmem:v10+s2+$0x0], $0xffff;
	s24 =	simm.s32 $0x8020  }
0x54e: {  	s23 =	simm.s32 $0x3;
	p1 =	por $0x1, $0x1;
	v10 =	vand.u32 $0x7FFF, v8;
	v8 =	vld [tilespmem:s24+$0x0]  }
0x54f: {  	p3 =	sne.s32 s18, $0x4  }
.Ltmp136:
0x550: {  	_ = 	snop;
	(pc) =	sbr.rel @!p3 .LBB2_88-.Ltmp136, $4  }
0x551: {  	vm0 =	vgt.u32 v4, s21  }
0x552: {  	v11 =	vimm.s32 $0x0;
	vm1 =	vgt.f32 v9, v5;
	vm2 =	vlt.f32 v9, v7  }
0x553: {  	v12 =	vld.idx.msk [tilespmem:v10+s2+$0x0], $0xffff;
	s24 =	simm.s32 $0x8030;
	v13 =	vimm.s32 $0x0;
	vm1 =	vmand vm0, vm1;
	vm0 =	vmand vm0, vm2  }
0x554: {  	s25 =	simm.s32 $0x4;
	p2 =	por $0x1, $0x1;
	v10 =	vand.u32 $0x7FFF, v8;
	v8 =	vld [tilespmem:s24+$0x0];
	v14 =	vsel vm1, $0x1, v1;
	v15 =	vsel vm0, $0x1, v1  }
.LBB2_89:
0x555: {  	s26 =	smov.u32 s25;
	s25 =	sadd.s32 $0x1, s25  }
0x556: {  	v11 =	vadd.s32 v14, v11;
	v13 =	vadd.s32 v15, v13;
	p3 =	sne.s32 s18, s25  }
.Ltmp137:
0x557: {  	(pc) =	sbr.rel @p3 .LBB2_89-.Ltmp137, $4  }
0x558: {  	_ = 	snop  }
0x559: {  	vm0 =	vgt.u32 v4, s20;
	s20 =	smov.u32 s22;
	s22 =	smov.u32 s23;
	s23 =	smov.u32 s26;
	vm1 =	vgt.f32 v12, v5;
	vm2 =	vlt.f32 v12, v7;
	v12 =	vld.idx.msk [tilespmem:v10+s2+$0x0], $0xffff  }
0x55a: {  	s24 =	sadd.s32 $0x10, s24;
	vm1 =	vmand vm0, vm1;
	vm0 =	vmand vm0, vm2;
	v10 =	vand.u32 $0x7FFF, v8  }
0x55b: {  	v14 =	vsel vm1, $0x1, v1;
	v15 =	vsel vm0, $0x1, v1;
	v8 =	vld [tilespmem:s24+$0x0]  }
0x55c: {  	s24 =	smov.u32 s20;
	s20 =	smov.u32 s23  }
.LBB2_91:
0x55d: {  	_ =	sdelay $0x2  }
0x55e: {  	v8 =	vand.u32 $0x7FFF, v8  }
0x55f: {  	v10 =	vld.idx.msk @p0 [tilespmem:v10+s2+$0x0], $0xffff;
	vm0 =	vgt.u32 @p1 v4, s24;
	v11 =	vadd.s32 @p2 v14, v11  }
0x560: {  	vm13 =	vgt.u32 v4, s20;
	vm1 =	vgt.f32 @p1 v12, v5;
	vm2 =	vlt.f32 @p1 v12, v7  }
0x561: {  	v12 =	vadd.s32 @p2 v15, v13;
	vm1 =	vmand @p1 vm0, vm1;
	vm0 =	vmand @p1 vm0, vm2  }
0x562: {  	s21 =	smov.u32 @p0 s22;
	v11 =	vpsel p2, v11, v6;
	v12 =	vpsel p2, v12, v6;
	v14 =	vsel @p1 vm0, $0x1, v1  }
0x563: {  	v13 =	vsel @p1 vm1, $0x1, v1;
	vm0 =	vgt.u32 @p0 v4, s21;
	v14 =	vpsel p1, v14, v0;
	v8 =	vld.idx.msk [tilespmem:v8+s2+$0x0], $0xffff  }
0x564: {  	v13 =	vpsel p1, v13, v0;
	v9 =	vpsel p0, v10, v9;
	v10 =	vadd.s32 @p1 v14, v12  }
0x565: {  	vm1 =	vgt.f32 @p0 v9, v5;
	vm2 =	vlt.f32 @p0 v9, v7;
	v9 =	vadd.s32 @p1 v13, v11  }
0x566: {  	v10 =	vpsel p1, v10, v6;
	vm1 =	vmand @p0 vm0, vm1;
	vm0 =	vmand @p0 vm0, vm2  }
0x567: {  	v9 =	vpsel p1, v9, v6;
	v11 =	vsel @p0 vm1, $0x1, v1;
	v12 =	vsel @p0 vm0, $0x1, v1  }
.Ltmp138:
0x568: {  	v11 =	vpsel p0, v11, v0;
	v12 =	vpsel p0, v12, v0;
	vm14 =	vgt.f32 v8, v5;
	(pc) =	sbr.rel .LBB2_92-.Ltmp138, $4  }
0x569: {  	v5 =	vadd.s32 @p0 v11, v9;
	vm15 =	vlt.f32 v8, v7;
	v7 =	vadd.s32 @p0 v12, v10  }
0x56a: {  	vm1 =	vmand vm13, vm14;
	vm0 =	vmand vm13, vm15;
	v5 =	vpsel p0, v5, v6  }
0x56b: {  	v6 =	vpsel p0, v7, v6;
	v8 =	vsel vm1, $0x1, v1;
	v63 =	vsel vm0, $0x1, v1  }
0x56c: {  	v5 =	vadd.s32 v8, v5;
	v6 =	vadd.s32 v63, v6  }
.LBB2_82:
.Ltmp139:
0x56d: {  	(pc) =	sbr.rel .LBB2_91-.Ltmp139, $2  }
0x56e: {  	_ =	sdelay $0x2  }
0x56f: {  	v11 =	vimm.s32 $0x0;
	v13 =	vimm.s32 $0x0;
	s20 =	simm.s32 $0x0  }
.LBB2_84:
.Ltmp140:
0x570: {  	(pc) =	sbr.rel .LBB2_91-.Ltmp140, $2  }
0x571: {  	_ =	sdelay $0x2  }
0x572: {  	v11 =	vimm.s32 $0x0;
	v13 =	vimm.s32 $0x0;
	s22 =	simm.s32 $0x0  }
.LBB2_86:
.Ltmp141:
0x573: {  	(pc) =	sbr.rel .LBB2_91-.Ltmp141, $2  }
0x574: {  	_ =	sdelay $0x2  }
0x575: {  	v11 =	vimm.s32 $0x0;
	v13 =	vimm.s32 $0x0;
	s24 =	simm.s32 $0x0;
	s22 =	simm.s32 $0x1;
	s20 =	simm.s32 $0x2;
	v12 =	vmov v9  }
.LBB2_88:
.Ltmp142:
0x576: {  	(pc) =	sbr.rel .LBB2_91-.Ltmp142, $2  }
0x577: {  	_ =	sdelay $0x2  }
0x578: {  	v11 =	vimm.s32 $0x0;
	v13 =	vimm.s32 $0x0;
	s24 =	simm.s32 $0x1;
	s20 =	simm.s32 $0x3  }
.LBB2_135:
.Ltmp143:
0x579: {  	(pc) =	sbr.rel .LBB2_136-.Ltmp143, $3  }
0x57a: {  	_ =	sdelay $0x1  }
0x57b: {  	s19 =	simm.f32 $2.599999900e+00  }
0x57c: {  	s19 =	simm.f32 @p0 $2.599999900e+00  }
.LBB2_139:
0x57d: {  	v5 =	vimm.s32 $0x0;
	v6 =	vimm.s32 $0x0  }
.LBB2_151:
0x57e: {  	(xrf0) =	vadd.scan.msk.s32 $0xffff, v5  }
0x57f: {  	(xrf0) =	vadd.scan.msk.s32 $0xffff, v6;
	_ =	sdelay $0x4  }
0x580: {  	v5, _, _ =	vpop (xrf0)  }
0x581: {  	(v2sf) =	vpush v5, $0xF;
	v5, _, _ =	vpop (xrf0)  }
0x582: {  	(v2sf) =	vpush v5, $0xF;
	_ =	sdelay $0xd  }
0x583: {  	s20 =	spop (v2sf)  }
0x584: {  	s21 =	spop (v2sf);
	p0 =	slt.s32 s20, $0x40  }
0x585: {  	p1 =	slt.s32 @!p0 s21, $0x40  }
0x586: {  	p1 =	por p0, p1  }
.Ltmp144:
0x587: {  	_ = 	snop;
	(pc) =	sbr.rel @!p1 .LBB2_152-.Ltmp144, $2  }
0x588: {  	_ =	sdelay $0x2  }
0x589: {  	s19 =	smov.u32 @p0 s19  }
.LBB2_136:
0x58a: {  	s18 =	simm.s32 $0x40  }
0x58b: {  	v4 =	vld [tilespmem:s18+$0x30]  }
0x58c: {  	v10 =	vld [tilespmem:s18+$0x20]  }
0x58d: {  	v11 =	vld [tilespmem:s18+$0x10]  }
0x58e: {  	v12 =	vld [tilespmem:s18+$0x0]  }
0x58f: {  	p0 =	sgt.f32 s19, $0.0e+00;
	s20 =	sadd.f32 s19, s19;
	v14 =	vld [tilespmem:s18+$0xFFFFFFF0]  }
0x590: {  	v13 =	vld [tilespmem:s18+$0xFFFFFFC0]  }
0x591: {  	s30 =	simm.s32 $0x0;
	v15 =	vld [tilespmem:s18+$0xFFFFFFD0];
	s20 =	smov.u32 @p0 s19  }
0x592: {  	s21 =	simm.s32 $0x10;
	v6 =	vlaneseq.u32;
	s31 =	simm.s32 $0x20;
	v16 =	vld [tilespmem:s18+$0xFFFFFFE0];
	s19 =	sadd.f32 $-1.000000000e+00, s20  }
0x593: {  	v9 =	vor.u32 s30, v0;
	v8 =	vor.u32 s21, v0;
	v7 =	vor.u32 s31, v0  }
0x594: {  	v5 =	vmov s19;
	v10 =	vand.u32 $0x7FFFFFFF, v10;
	v4 =	vand.u32 $0x7FFFFFFF, v4  }
0x595: {  	v17 =	vand.u32 $0x7FFFFFFF, v13;
	v13 =	vand.u32 $0x7FFFFFFF, v12;
	v12 =	vand.u32 $0x7FFFFFFF, v11  }
0x596: {  	v11 =	vand.u32 $0x7FFFFFFF, v15;
	v14 =	vand.u32 $0x7FFFFFFF, v14;
	vm0 =	vgt.f32 v17, v5  }
0x597: {  	s22 =	simm.s32 $0xC0;
	v16 =	vand.u32 $0x7FFFFFFF, v16;
	vm1 =	vgt.f32 v11, v5;
	v15 =	vsel vm0, $0x10, v1  }
0x598: {  	s18 =	simm.s32 $0x70;
	s21 =	simm.s32 $0x0;
	s20 =	simm.s32 $0x70;
	vm2 =	vgt.f32 v16, v5;
	v11 =	vadd.s32 v6, v15;
	v15 =	vsel vm1, $0x10, v1  }
.LBB2_137:
0x599: {  	v16 =	vld [tilespmem:s22+$0x30];
	v15 =	vadd.s32 v11, v15;
	v17 =	vsel vm2, $0x10, v1;
	vm5 =	vgt.f32 v14, v5  }
0x59a: {  	s21 =	sadd.s32 $0x8, s21;
	vm4 =	vgt.f32 v13, v5;
	v14 =	vld [tilespmem:s22+$0x20];
	v17 =	vadd.s32 v15, v17;
	v18 =	vsel vm5, $0x10, v1  }
0x59b: {  	vm3 =	vgt.f32 v12, v5;
	p0 =	slt.u32 s21, $0x7F8;
	v19 =	vld [tilespmem:s22+$0x10];
	v13 =	vadd.s32 v17, v18;
	v18 =	vsel vm4, $0x10, v1  }
0x59c: {  	v12 =	vld [tilespmem:s22+$0x0];
	[tilespmem:v6+s15+$0x0] =	vst.idx.msk vm0, v9;
	v18 =	vadd.s32 v13, v18;
	v6 =	vsel vm3, $0x10, v1;
	vm0 =	vgt.f32 v10, v5  }
0x59d: {  	s23 =	sadd.s32 $0xFFFFFFC0, s18;
	v20 =	vld [tilespmem:s22+$0xFFFFFFF0];
	[tilespmem:v11+s15+$0x0] =	vst.idx.msk vm1, v8;
	v11 =	vadd.s32 v18, v6;
	v6 =	vsel vm0, $0x10, v1;
	vm1 =	vgt.f32 v4, v5  }
0x59e: {  	v4 =	vor.u32 s23, v0;
	s23 =	sadd.s32 $0xFFFFFFD0, s18;
	v21 =	vld [tilespmem:s22+$0xFFFFFFC0];
	[tilespmem:v15+s15+$0x0] =	vst.idx.msk vm2, v7;
	v15 =	vadd.s32 v11, v6;
	v6 =	vsel vm1, $0x10, v1  }
0x59f: {  	s18 =	sadd.s32 $0x80, s18;
	v22 =	vld [tilespmem:s22+$0xFFFFFFD0];
	[tilespmem:v17+s15+$0x0] =	vst.idx.msk vm5, v4;
	v4 =	vor.u32 s23, v0;
	s23 =	sadd.s32 $0xFFFFFFE0, s20;
	v6 =	vadd.s32 v15, v6  }
0x5a0: {  	v23 =	vor.u32 s20, v0;
	s24 =	sadd.s32 $0xFFFFFF90, s18;
	s25 =	sadd.s32 $0xFFFFFFA0, s18;
	v17 =	vld [tilespmem:s22+$0xFFFFFFE0];
	[tilespmem:v13+s15+$0x0] =	vst.idx.msk vm4, v4;
	v4 =	vor.u32 s23, v0;
	s23 =	sadd.s32 $0xFFFFFFF0, s20  }
0x5a1: {  	v9 =	vor.u32 s24, v0;
	v8 =	vor.u32 s25, v0;
	s24 =	sadd.s32 $0xFFFFFFB0, s18;
	s20 =	smov.u32 s18;
	[tilespmem:v18+s15+$0x0] =	vst.idx.msk vm3, v4;
	v13 =	vor.u32 s23, v0  }
.Ltmp145:
0x5a2: {  	v10 =	vand.u32 $0x7FFFFFFF, v14;
	v7 =	vor.u32 s24, v0;
	v4 =	vand.u32 $0x7FFFFFFF, v16;
	[tilespmem:v11+s15+$0x0] =	vst.idx.msk vm0, v13;
	(pc) =	sbr.rel @p0 .LBB2_137-.Ltmp145, $4  }
0x5a3: {  	v13 =	vand.u32 $0x7FFFFFFF, v12;
	v12 =	vand.u32 $0x7FFFFFFF, v19;
	v11 =	vand.u32 $0x7FFFFFFF, v21;
	[tilespmem:v15+s15+$0x0] =	vst.idx.msk vm1, v23  }
0x5a4: {  	v14 =	vand.u32 $0x7FFFFFFF, v20;
	vm0 =	vgt.f32 v11, v5;
	v11 =	vand.u32 $0x7FFFFFFF, v22  }
0x5a5: {  	v15 =	vsel vm0, $0x10, v1;
	vm1 =	vgt.f32 v11, v5;
	v16 =	vand.u32 $0x7FFFFFFF, v17  }
0x5a6: {  	s22 =	sadd.s32 $0x80, s22;
	v11 =	vadd.s32 v6, v15;
	v15 =	vsel vm1, $0x10, v1;
	vm2 =	vgt.f32 v16, v5  }
0x5a7: {  	v15 =	vadd.s32 v11, v15;
	v16 =	vsel vm2, $0x10, v1;
	vm3 =	vgt.f32 v14, v5  }
0x5a8: {  	vm4 =	vgt.f32 v13, v5;
	v56 =	vadd.s32 v15, v16;
	v57 =	vsel vm3, $0x10, v1  }
0x5a9: {  	vm5 =	vgt.f32 v12, v5;
	v59 =	vsel vm4, $0x10, v1;
	v58 =	vadd.s32 v56, v57  }
0x5aa: {  	vm6 =	vgt.f32 v10, v5;
	v61 =	vsel vm5, $0x10, v1;
	v60 =	vadd.s32 v58, v59  }
0x5ab: {  	vm7 =	vgt.f32 v4, v5;
	v63 =	vsel vm6, $0x10, v1;
	v62 =	vadd.s32 v60, v61  }
0x5ac: {  	v4 =	vsel vm7, $0x10, v1;
	v16 =	vadd.s32 v62, v63  }
0x5ad: {  	v4 =	vadd.s32 v16, v4  }
0x5ae: {  	v4 =	vadd.s32 v2, v4  }
0x5af: {  	v4 =	vshrl.u32 v4, $0x4  }
0x5b0: {  	v17 =	vor.u32 $0x80000000, v4  }
0x5b1: {  	(xrf0) =	vmax.scan.msk.u32 $0xffff, v17;
	_ =	sdelay $0x5  }
0x5b2: {  	v17, _, _ =	vpop (xrf0)  }
0x5b3: {  	(v2sf) =	vpush v17, $0xF;
	_ =	sdelay $0xe  }
0x5b4: {  	[tilespmem:v6+s15+$0x0] =	vst.idx.msk vm0, v9;
	s31 =	spop (v2sf)  }
0x5b5: {  	[tilespmem:v11+s15+$0x0] =	vst.idx.msk vm1, v8;
	s21 =	sadd.s32 $0xFFFFFFC0, s18;
	s28 =	sadd.s32 $0xFFFFFFD0, s18;
	s18 =	sxor.u32 $0x80000000, s31  }
0x5b6: {  	v6 =	vor.u32 s21, v0;
	[tilespmem:v15+s15+$0x0] =	vst.idx.msk vm2, v7;
	p0 =	slt.s32 s18, $0x1  }
.Ltmp146:
0x5b7: {  	s29 =	sadd.s32 $0xFFFFFFE0, s20;
	[tilespmem:v56+s15+$0x0] =	vst.idx.msk vm3, v6;
	v6 =	vor.u32 s28, v0;
	(pc) =	sbr.rel @p0 .LBB2_139-.Ltmp146, $4  }
0x5b8: {  	s30 =	sadd.s32 $0xFFFFFFF0, s20;
	[tilespmem:v58+s15+$0x0] =	vst.idx.msk vm4, v6;
	v6 =	vor.u32 s29, v0  }
0x5b9: {  	[tilespmem:v60+s15+$0x0] =	vst.idx.msk vm5, v6;
	v6 =	vor.u32 s30, v0  }
0x5ba: {  	v7 =	vor.u32 s20, v0;
	[tilespmem:v62+s15+$0x0] =	vst.idx.msk vm6, v6  }
0x5bb: {  	[tilespmem:v16+s15+$0x0] =	vst.idx.msk vm7, v7  }
0x5bc: {  	p3 =	sne.s32 s18, $0x1  }
.Ltmp147:
0x5bd: {  	_ = 	snop;
	(pc) =	sbr.rel @!p3 .LBB2_141-.Ltmp147, $4  }
0x5be: {  	_ = 	snop  }
0x5bf: {  	s22 =	ssub.f32 $0.0e+00, s19  }
0x5c0: {  	s21 =	simm.s32 $0x0;
	s23 =	simm.s32 $0x8000;
	s20 =	simm.s32 $0x1  }
0x5c1: {  	v6 =	vimm.s32 $0x0;
	p0 =	por $0x0, $0x0;
	p1 =	por $0x0, $0x0;
	p2 =	por $0x0, $0x0;
	v8 =	vld [tilespmem:s23+$0x0];
	v7 =	vmov s22  }
0x5c2: {  	p3 =	sne.s32 s18, $0x2  }
.Ltmp148:
0x5c3: {  	_ = 	snop;
	(pc) =	sbr.rel @!p3 .LBB2_143-.Ltmp148, $3  }
0x5c4: {  	_ =	sdelay $0x1  }
0x5c5: {  	s23 =	simm.s32 $0x8010  }
0x5c6: {  	s22 =	simm.s32 $0x2;
	p0 =	por $0x1, $0x1;
	v10 =	vand.u32 $0x7FFF, v8;
	v8 =	vld [tilespmem:s23+$0x0]  }
0x5c7: {  	p3 =	sne.s32 s18, $0x3  }
.Ltmp149:
0x5c8: {  	_ = 	snop;
	(pc) =	sbr.rel @!p3 .LBB2_145-.Ltmp149, $3  }
0x5c9: {  	_ =	sdelay $0x1  }
0x5ca: {  	v9 =	vld.idx.msk [tilespmem:v10+s2+$0x0], $0xffff;
	s24 =	simm.s32 $0x8020  }
0x5cb: {  	s23 =	simm.s32 $0x3;
	p1 =	por $0x1, $0x1;
	v10 =	vand.u32 $0x7FFF, v8;
	v8 =	vld [tilespmem:s24+$0x0]  }
0x5cc: {  	p3 =	sne.s32 s18, $0x4  }
.Ltmp150:
0x5cd: {  	_ = 	snop;
	(pc) =	sbr.rel @!p3 .LBB2_147-.Ltmp150, $4  }
0x5ce: {  	vm0 =	vgt.u32 v4, s21  }
0x5cf: {  	v11 =	vimm.s32 $0x0;
	vm1 =	vgt.f32 v9, v5;
	vm2 =	vlt.f32 v9, v7  }
0x5d0: {  	v12 =	vld.idx.msk [tilespmem:v10+s2+$0x0], $0xffff;
	s24 =	simm.s32 $0x8030;
	v13 =	vimm.s32 $0x0;
	vm1 =	vmand vm0, vm1;
	vm0 =	vmand vm0, vm2  }
0x5d1: {  	s25 =	simm.s32 $0x4;
	p2 =	por $0x1, $0x1;
	v10 =	vand.u32 $0x7FFF, v8;
	v8 =	vld [tilespmem:s24+$0x0];
	v14 =	vsel vm1, $0x1, v1;
	v15 =	vsel vm0, $0x1, v1  }
.LBB2_148:
0x5d2: {  	s26 =	smov.u32 s25;
	s25 =	sadd.s32 $0x1, s25  }
0x5d3: {  	v11 =	vadd.s32 v14, v11;
	v13 =	vadd.s32 v15, v13;
	p3 =	sne.s32 s18, s25  }
.Ltmp151:
0x5d4: {  	(pc) =	sbr.rel @p3 .LBB2_148-.Ltmp151, $4  }
0x5d5: {  	_ = 	snop  }
0x5d6: {  	vm0 =	vgt.u32 v4, s20;
	s20 =	smov.u32 s22;
	s22 =	smov.u32 s23;
	s23 =	smov.u32 s26;
	vm1 =	vgt.f32 v12, v5;
	vm2 =	vlt.f32 v12, v7;
	v12 =	vld.idx.msk [tilespmem:v10+s2+$0x0], $0xffff  }
0x5d7: {  	s24 =	sadd.s32 $0x10, s24;
	vm1 =	vmand vm0, vm1;
	vm0 =	vmand vm0, vm2;
	v10 =	vand.u32 $0x7FFF, v8  }
0x5d8: {  	v14 =	vsel vm1, $0x1, v1;
	v15 =	vsel vm0, $0x1, v1;
	v8 =	vld [tilespmem:s24+$0x0]  }
0x5d9: {  	s24 =	smov.u32 s20;
	s20 =	smov.u32 s23  }
.LBB2_150:
0x5da: {  	_ =	sdelay $0x2  }
0x5db: {  	v8 =	vand.u32 $0x7FFF, v8  }
0x5dc: {  	v10 =	vld.idx.msk @p0 [tilespmem:v10+s2+$0x0], $0xffff;
	vm0 =	vgt.u32 @p1 v4, s24;
	v11 =	vadd.s32 @p2 v14, v11  }
0x5dd: {  	vm13 =	vgt.u32 v4, s20;
	vm1 =	vgt.f32 @p1 v12, v5;
	vm2 =	vlt.f32 @p1 v12, v7  }
0x5de: {  	v12 =	vadd.s32 @p2 v15, v13;
	vm1 =	vmand @p1 vm0, vm1;
	vm0 =	vmand @p1 vm0, vm2  }
0x5df: {  	s21 =	smov.u32 @p0 s22;
	v11 =	vpsel p2, v11, v6;
	v12 =	vpsel p2, v12, v6;
	v14 =	vsel @p1 vm0, $0x1, v1  }
0x5e0: {  	v13 =	vsel @p1 vm1, $0x1, v1;
	vm0 =	vgt.u32 @p0 v4, s21;
	v14 =	vpsel p1, v14, v0;
	v8 =	vld.idx.msk [tilespmem:v8+s2+$0x0], $0xffff  }
0x5e1: {  	v13 =	vpsel p1, v13, v0;
	v9 =	vpsel p0, v10, v9;
	v10 =	vadd.s32 @p1 v14, v12  }
0x5e2: {  	vm1 =	vgt.f32 @p0 v9, v5;
	vm2 =	vlt.f32 @p0 v9, v7;
	v9 =	vadd.s32 @p1 v13, v11  }
0x5e3: {  	v10 =	vpsel p1, v10, v6;
	vm1 =	vmand @p0 vm0, vm1;
	vm0 =	vmand @p0 vm0, vm2  }
0x5e4: {  	v9 =	vpsel p1, v9, v6;
	v11 =	vsel @p0 vm1, $0x1, v1;
	v12 =	vsel @p0 vm0, $0x1, v1  }
.Ltmp152:
0x5e5: {  	v11 =	vpsel p0, v11, v0;
	v12 =	vpsel p0, v12, v0;
	vm14 =	vgt.f32 v8, v5;
	(pc) =	sbr.rel .LBB2_151-.Ltmp152, $4  }
0x5e6: {  	v5 =	vadd.s32 @p0 v11, v9;
	vm15 =	vlt.f32 v8, v7;
	v7 =	vadd.s32 @p0 v12, v10  }
0x5e7: {  	vm1 =	vmand vm13, vm14;
	vm0 =	vmand vm13, vm15;
	v5 =	vpsel p0, v5, v6  }
0x5e8: {  	v6 =	vpsel p0, v7, v6;
	v8 =	vsel vm1, $0x1, v1;
	v63 =	vsel vm0, $0x1, v1  }
0x5e9: {  	v5 =	vadd.s32 v8, v5;
	v6 =	vadd.s32 v63, v6  }
.LBB2_141:
.Ltmp153:
0x5ea: {  	(pc) =	sbr.rel .LBB2_150-.Ltmp153, $2  }
0x5eb: {  	_ =	sdelay $0x2  }
0x5ec: {  	v11 =	vimm.s32 $0x0;
	v13 =	vimm.s32 $0x0;
	s20 =	simm.s32 $0x0  }
.LBB2_143:
.Ltmp154:
0x5ed: {  	(pc) =	sbr.rel .LBB2_150-.Ltmp154, $2  }
0x5ee: {  	_ =	sdelay $0x2  }
0x5ef: {  	v11 =	vimm.s32 $0x0;
	v13 =	vimm.s32 $0x0;
	s22 =	simm.s32 $0x0  }
.LBB2_145:
.Ltmp155:
0x5f0: {  	(pc) =	sbr.rel .LBB2_150-.Ltmp155, $2  }
0x5f1: {  	_ =	sdelay $0x2  }
0x5f2: {  	v11 =	vimm.s32 $0x0;
	v13 =	vimm.s32 $0x0;
	s24 =	simm.s32 $0x0;
	s22 =	simm.s32 $0x1;
	s20 =	simm.s32 $0x2;
	v12 =	vmov v9  }
.LBB2_147:
.Ltmp156:
0x5f3: {  	(pc) =	sbr.rel .LBB2_150-.Ltmp156, $2  }
0x5f4: {  	_ =	sdelay $0x2  }
0x5f5: {  	v11 =	vimm.s32 $0x0;
	v13 =	vimm.s32 $0x0;
	s24 =	simm.s32 $0x1;
	s20 =	simm.s32 $0x3  }
.LBB2_194:
.Ltmp157:
0x5f6: {  	(pc) =	sbr.rel .LBB2_195-.Ltmp157, $3  }
0x5f7: {  	_ =	sdelay $0x1  }
0x5f8: {  	s19 =	simm.f32 $2.599999900e+00  }
0x5f9: {  	s19 =	simm.f32 @p0 $2.599999900e+00  }
.LBB2_198:
0x5fa: {  	v5 =	vimm.s32 $0x0;
	v6 =	vimm.s32 $0x0  }
.LBB2_210:
0x5fb: {  	(xrf0) =	vadd.scan.msk.s32 $0xffff, v5  }
0x5fc: {  	(xrf0) =	vadd.scan.msk.s32 $0xffff, v6;
	_ =	sdelay $0x4  }
0x5fd: {  	v5, _, _ =	vpop (xrf0)  }
0x5fe: {  	(v2sf) =	vpush v5, $0xF;
	v5, _, _ =	vpop (xrf0)  }
0x5ff: {  	(v2sf) =	vpush v5, $0xF;
	_ =	sdelay $0xd  }
0x600: {  	s20 =	spop (v2sf)  }
0x601: {  	s21 =	spop (v2sf);
	p0 =	slt.s32 s20, $0x40  }
0x602: {  	p1 =	slt.s32 @!p0 s21, $0x40  }
0x603: {  	p1 =	por p0, p1  }
.Ltmp158:
0x604: {  	_ = 	snop;
	(pc) =	sbr.rel @!p1 .LBB2_211-.Ltmp158, $2  }
0x605: {  	_ =	sdelay $0x2  }
0x606: {  	s19 =	smov.u32 @p0 s19  }
.LBB2_195:
0x607: {  	s18 =	simm.s32 $0x40  }
0x608: {  	v4 =	vld [tilespmem:s18+$0x30]  }
0x609: {  	v10 =	vld [tilespmem:s18+$0x20]  }
0x60a: {  	v11 =	vld [tilespmem:s18+$0x10]  }
0x60b: {  	v12 =	vld [tilespmem:s18+$0x0]  }
0x60c: {  	p0 =	sgt.f32 s19, $0.0e+00;
	s20 =	sadd.f32 s19, s19;
	v14 =	vld [tilespmem:s18+$0xFFFFFFF0]  }
0x60d: {  	v13 =	vld [tilespmem:s18+$0xFFFFFFC0]  }
0x60e: {  	s30 =	simm.s32 $0x0;
	v15 =	vld [tilespmem:s18+$0xFFFFFFD0];
	s20 =	smov.u32 @p0 s19  }
0x60f: {  	s21 =	simm.s32 $0x10;
	v6 =	vlaneseq.u32;
	s31 =	simm.s32 $0x20;
	v16 =	vld [tilespmem:s18+$0xFFFFFFE0];
	s19 =	sadd.f32 $-1.000000000e+00, s20  }
0x610: {  	v9 =	vor.u32 s30, v0;
	v8 =	vor.u32 s21, v0;
	v7 =	vor.u32 s31, v0  }
0x611: {  	v5 =	vmov s19;
	v10 =	vand.u32 $0x7FFFFFFF, v10;
	v4 =	vand.u32 $0x7FFFFFFF, v4  }
0x612: {  	v17 =	vand.u32 $0x7FFFFFFF, v13;
	v13 =	vand.u32 $0x7FFFFFFF, v12;
	v12 =	vand.u32 $0x7FFFFFFF, v11  }
0x613: {  	v11 =	vand.u32 $0x7FFFFFFF, v15;
	v14 =	vand.u32 $0x7FFFFFFF, v14;
	vm0 =	vgt.f32 v17, v5  }
0x614: {  	s22 =	simm.s32 $0xC0;
	v16 =	vand.u32 $0x7FFFFFFF, v16;
	vm1 =	vgt.f32 v11, v5;
	v15 =	vsel vm0, $0x10, v1  }
0x615: {  	s18 =	simm.s32 $0x70;
	s21 =	simm.s32 $0x0;
	s20 =	simm.s32 $0x70;
	vm2 =	vgt.f32 v16, v5;
	v11 =	vadd.s32 v6, v15;
	v15 =	vsel vm1, $0x10, v1  }
.LBB2_196:
0x616: {  	v16 =	vld [tilespmem:s22+$0x30];
	v15 =	vadd.s32 v11, v15;
	v17 =	vsel vm2, $0x10, v1;
	vm5 =	vgt.f32 v14, v5  }
0x617: {  	s21 =	sadd.s32 $0x8, s21;
	vm4 =	vgt.f32 v13, v5;
	v14 =	vld [tilespmem:s22+$0x20];
	v17 =	vadd.s32 v15, v17;
	v18 =	vsel vm5, $0x10, v1  }
0x618: {  	vm3 =	vgt.f32 v12, v5;
	p0 =	slt.u32 s21, $0x7F8;
	v19 =	vld [tilespmem:s22+$0x10];
	v13 =	vadd.s32 v17, v18;
	v18 =	vsel vm4, $0x10, v1  }
0x619: {  	v12 =	vld [tilespmem:s22+$0x0];
	[tilespmem:v6+s15+$0x0] =	vst.idx.msk vm0, v9;
	v18 =	vadd.s32 v13, v18;
	v6 =	vsel vm3, $0x10, v1;
	vm0 =	vgt.f32 v10, v5  }
0x61a: {  	s23 =	sadd.s32 $0xFFFFFFC0, s18;
	v20 =	vld [tilespmem:s22+$0xFFFFFFF0];
	[tilespmem:v11+s15+$0x0] =	vst.idx.msk vm1, v8;
	v11 =	vadd.s32 v18, v6;
	v6 =	vsel vm0, $0x10, v1;
	vm1 =	vgt.f32 v4, v5  }
0x61b: {  	v4 =	vor.u32 s23, v0;
	s23 =	sadd.s32 $0xFFFFFFD0, s18;
	v21 =	vld [tilespmem:s22+$0xFFFFFFC0];
	[tilespmem:v15+s15+$0x0] =	vst.idx.msk vm2, v7;
	v15 =	vadd.s32 v11, v6;
	v6 =	vsel vm1, $0x10, v1  }
0x61c: {  	s18 =	sadd.s32 $0x80, s18;
	v22 =	vld [tilespmem:s22+$0xFFFFFFD0];
	[tilespmem:v17+s15+$0x0] =	vst.idx.msk vm5, v4;
	v4 =	vor.u32 s23, v0;
	s23 =	sadd.s32 $0xFFFFFFE0, s20;
	v6 =	vadd.s32 v15, v6  }
0x61d: {  	v23 =	vor.u32 s20, v0;
	s24 =	sadd.s32 $0xFFFFFF90, s18;
	s25 =	sadd.s32 $0xFFFFFFA0, s18;
	v17 =	vld [tilespmem:s22+$0xFFFFFFE0];
	[tilespmem:v13+s15+$0x0] =	vst.idx.msk vm4, v4;
	v4 =	vor.u32 s23, v0;
	s23 =	sadd.s32 $0xFFFFFFF0, s20  }
0x61e: {  	v9 =	vor.u32 s24, v0;
	v8 =	vor.u32 s25, v0;
	s24 =	sadd.s32 $0xFFFFFFB0, s18;
	s20 =	smov.u32 s18;
	[tilespmem:v18+s15+$0x0] =	vst.idx.msk vm3, v4;
	v13 =	vor.u32 s23, v0  }
.Ltmp159:
0x61f: {  	v10 =	vand.u32 $0x7FFFFFFF, v14;
	v7 =	vor.u32 s24, v0;
	v4 =	vand.u32 $0x7FFFFFFF, v16;
	[tilespmem:v11+s15+$0x0] =	vst.idx.msk vm0, v13;
	(pc) =	sbr.rel @p0 .LBB2_196-.Ltmp159, $4  }
0x620: {  	v13 =	vand.u32 $0x7FFFFFFF, v12;
	v12 =	vand.u32 $0x7FFFFFFF, v19;
	v11 =	vand.u32 $0x7FFFFFFF, v21;
	[tilespmem:v15+s15+$0x0] =	vst.idx.msk vm1, v23  }
0x621: {  	v14 =	vand.u32 $0x7FFFFFFF, v20;
	vm0 =	vgt.f32 v11, v5;
	v11 =	vand.u32 $0x7FFFFFFF, v22  }
0x622: {  	v15 =	vsel vm0, $0x10, v1;
	vm1 =	vgt.f32 v11, v5;
	v16 =	vand.u32 $0x7FFFFFFF, v17  }
0x623: {  	s22 =	sadd.s32 $0x80, s22;
	v11 =	vadd.s32 v6, v15;
	v15 =	vsel vm1, $0x10, v1;
	vm2 =	vgt.f32 v16, v5  }
0x624: {  	v15 =	vadd.s32 v11, v15;
	v16 =	vsel vm2, $0x10, v1;
	vm3 =	vgt.f32 v14, v5  }
0x625: {  	vm4 =	vgt.f32 v13, v5;
	v56 =	vadd.s32 v15, v16;
	v57 =	vsel vm3, $0x10, v1  }
0x626: {  	vm5 =	vgt.f32 v12, v5;
	v59 =	vsel vm4, $0x10, v1;
	v58 =	vadd.s32 v56, v57  }
0x627: {  	vm6 =	vgt.f32 v10, v5;
	v61 =	vsel vm5, $0x10, v1;
	v60 =	vadd.s32 v58, v59  }
0x628: {  	vm7 =	vgt.f32 v4, v5;
	v63 =	vsel vm6, $0x10, v1;
	v62 =	vadd.s32 v60, v61  }
0x629: {  	v4 =	vsel vm7, $0x10, v1;
	v16 =	vadd.s32 v62, v63  }
0x62a: {  	v4 =	vadd.s32 v16, v4  }
0x62b: {  	v4 =	vadd.s32 v2, v4  }
0x62c: {  	v4 =	vshrl.u32 v4, $0x4  }
0x62d: {  	v17 =	vor.u32 $0x80000000, v4  }
0x62e: {  	(xrf0) =	vmax.scan.msk.u32 $0xffff, v17;
	_ =	sdelay $0x5  }
0x62f: {  	v17, _, _ =	vpop (xrf0)  }
0x630: {  	(v2sf) =	vpush v17, $0xF;
	_ =	sdelay $0xe  }
0x631: {  	[tilespmem:v6+s15+$0x0] =	vst.idx.msk vm0, v9;
	s31 =	spop (v2sf)  }
0x632: {  	[tilespmem:v11+s15+$0x0] =	vst.idx.msk vm1, v8;
	s21 =	sadd.s32 $0xFFFFFFC0, s18;
	s28 =	sadd.s32 $0xFFFFFFD0, s18;
	s18 =	sxor.u32 $0x80000000, s31  }
0x633: {  	v6 =	vor.u32 s21, v0;
	[tilespmem:v15+s15+$0x0] =	vst.idx.msk vm2, v7;
	p0 =	slt.s32 s18, $0x1  }
.Ltmp160:
0x634: {  	s29 =	sadd.s32 $0xFFFFFFE0, s20;
	[tilespmem:v56+s15+$0x0] =	vst.idx.msk vm3, v6;
	v6 =	vor.u32 s28, v0;
	(pc) =	sbr.rel @p0 .LBB2_198-.Ltmp160, $4  }
0x635: {  	s30 =	sadd.s32 $0xFFFFFFF0, s20;
	[tilespmem:v58+s15+$0x0] =	vst.idx.msk vm4, v6;
	v6 =	vor.u32 s29, v0  }
0x636: {  	[tilespmem:v60+s15+$0x0] =	vst.idx.msk vm5, v6;
	v6 =	vor.u32 s30, v0  }
0x637: {  	v7 =	vor.u32 s20, v0;
	[tilespmem:v62+s15+$0x0] =	vst.idx.msk vm6, v6  }
0x638: {  	[tilespmem:v16+s15+$0x0] =	vst.idx.msk vm7, v7  }
0x639: {  	p3 =	sne.s32 s18, $0x1  }
.Ltmp161:
0x63a: {  	_ = 	snop;
	(pc) =	sbr.rel @!p3 .LBB2_200-.Ltmp161, $4  }
0x63b: {  	_ = 	snop  }
0x63c: {  	s22 =	ssub.f32 $0.0e+00, s19  }
0x63d: {  	s21 =	simm.s32 $0x0;
	s23 =	simm.s32 $0x8000;
	s20 =	simm.s32 $0x1  }
0x63e: {  	v6 =	vimm.s32 $0x0;
	p0 =	por $0x0, $0x0;
	p1 =	por $0x0, $0x0;
	p2 =	por $0x0, $0x0;
	v8 =	vld [tilespmem:s23+$0x0];
	v7 =	vmov s22  }
0x63f: {  	p3 =	sne.s32 s18, $0x2  }
.Ltmp162:
0x640: {  	_ = 	snop;
	(pc) =	sbr.rel @!p3 .LBB2_202-.Ltmp162, $3  }
0x641: {  	_ =	sdelay $0x1  }
0x642: {  	s23 =	simm.s32 $0x8010  }
0x643: {  	s22 =	simm.s32 $0x2;
	p0 =	por $0x1, $0x1;
	v10 =	vand.u32 $0x7FFF, v8;
	v8 =	vld [tilespmem:s23+$0x0]  }
0x644: {  	p3 =	sne.s32 s18, $0x3  }
.Ltmp163:
0x645: {  	_ = 	snop;
	(pc) =	sbr.rel @!p3 .LBB2_204-.Ltmp163, $3  }
0x646: {  	_ =	sdelay $0x1  }
0x647: {  	v9 =	vld.idx.msk [tilespmem:v10+s2+$0x0], $0xffff;
	s24 =	simm.s32 $0x8020  }
0x648: {  	s23 =	simm.s32 $0x3;
	p1 =	por $0x1, $0x1;
	v10 =	vand.u32 $0x7FFF, v8;
	v8 =	vld [tilespmem:s24+$0x0]  }
0x649: {  	p3 =	sne.s32 s18, $0x4  }
.Ltmp164:
0x64a: {  	_ = 	snop;
	(pc) =	sbr.rel @!p3 .LBB2_206-.Ltmp164, $4  }
0x64b: {  	vm0 =	vgt.u32 v4, s21  }
0x64c: {  	v11 =	vimm.s32 $0x0;
	vm1 =	vgt.f32 v9, v5;
	vm2 =	vlt.f32 v9, v7  }
0x64d: {  	v12 =	vld.idx.msk [tilespmem:v10+s2+$0x0], $0xffff;
	s24 =	simm.s32 $0x8030;
	v13 =	vimm.s32 $0x0;
	vm1 =	vmand vm0, vm1;
	vm0 =	vmand vm0, vm2  }
0x64e: {  	s25 =	simm.s32 $0x4;
	p2 =	por $0x1, $0x1;
	v10 =	vand.u32 $0x7FFF, v8;
	v8 =	vld [tilespmem:s24+$0x0];
	v14 =	vsel vm1, $0x1, v1;
	v15 =	vsel vm0, $0x1, v1  }
.LBB2_207:
0x64f: {  	s26 =	smov.u32 s25;
	s25 =	sadd.s32 $0x1, s25  }
0x650: {  	v11 =	vadd.s32 v14, v11;
	v13 =	vadd.s32 v15, v13;
	p3 =	sne.s32 s18, s25  }
.Ltmp165:
0x651: {  	(pc) =	sbr.rel @p3 .LBB2_207-.Ltmp165, $4  }
0x652: {  	_ = 	snop  }
0x653: {  	vm0 =	vgt.u32 v4, s20;
	s20 =	smov.u32 s22;
	s22 =	smov.u32 s23;
	s23 =	smov.u32 s26;
	vm1 =	vgt.f32 v12, v5;
	vm2 =	vlt.f32 v12, v7;
	v12 =	vld.idx.msk [tilespmem:v10+s2+$0x0], $0xffff  }
0x654: {  	s24 =	sadd.s32 $0x10, s24;
	vm1 =	vmand vm0, vm1;
	vm0 =	vmand vm0, vm2;
	v10 =	vand.u32 $0x7FFF, v8  }
0x655: {  	v14 =	vsel vm1, $0x1, v1;
	v15 =	vsel vm0, $0x1, v1;
	v8 =	vld [tilespmem:s24+$0x0]  }
0x656: {  	s24 =	smov.u32 s20;
	s20 =	smov.u32 s23  }
.LBB2_209:
0x657: {  	_ =	sdelay $0x2  }
0x658: {  	v8 =	vand.u32 $0x7FFF, v8  }
0x659: {  	v10 =	vld.idx.msk @p0 [tilespmem:v10+s2+$0x0], $0xffff;
	vm0 =	vgt.u32 @p1 v4, s24;
	v11 =	vadd.s32 @p2 v14, v11  }
0x65a: {  	vm13 =	vgt.u32 v4, s20;
	vm1 =	vgt.f32 @p1 v12, v5;
	vm2 =	vlt.f32 @p1 v12, v7  }
0x65b: {  	v12 =	vadd.s32 @p2 v15, v13;
	vm1 =	vmand @p1 vm0, vm1;
	vm0 =	vmand @p1 vm0, vm2  }
0x65c: {  	s21 =	smov.u32 @p0 s22;
	v11 =	vpsel p2, v11, v6;
	v12 =	vpsel p2, v12, v6;
	v14 =	vsel @p1 vm0, $0x1, v1  }
0x65d: {  	v13 =	vsel @p1 vm1, $0x1, v1;
	vm0 =	vgt.u32 @p0 v4, s21;
	v14 =	vpsel p1, v14, v0;
	v8 =	vld.idx.msk [tilespmem:v8+s2+$0x0], $0xffff  }
0x65e: {  	v13 =	vpsel p1, v13, v0;
	v9 =	vpsel p0, v10, v9;
	v10 =	vadd.s32 @p1 v14, v12  }
0x65f: {  	vm1 =	vgt.f32 @p0 v9, v5;
	vm2 =	vlt.f32 @p0 v9, v7;
	v9 =	vadd.s32 @p1 v13, v11  }
0x660: {  	v10 =	vpsel p1, v10, v6;
	vm1 =	vmand @p0 vm0, vm1;
	vm0 =	vmand @p0 vm0, vm2  }
0x661: {  	v9 =	vpsel p1, v9, v6;
	v11 =	vsel @p0 vm1, $0x1, v1;
	v12 =	vsel @p0 vm0, $0x1, v1  }
.Ltmp166:
0x662: {  	v11 =	vpsel p0, v11, v0;
	v12 =	vpsel p0, v12, v0;
	vm14 =	vgt.f32 v8, v5;
	(pc) =	sbr.rel .LBB2_210-.Ltmp166, $4  }
0x663: {  	v5 =	vadd.s32 @p0 v11, v9;
	vm15 =	vlt.f32 v8, v7;
	v7 =	vadd.s32 @p0 v12, v10  }
0x664: {  	vm1 =	vmand vm13, vm14;
	vm0 =	vmand vm13, vm15;
	v5 =	vpsel p0, v5, v6  }
0x665: {  	v6 =	vpsel p0, v7, v6;
	v8 =	vsel vm1, $0x1, v1;
	v63 =	vsel vm0, $0x1, v1  }
0x666: {  	v5 =	vadd.s32 v8, v5;
	v6 =	vadd.s32 v63, v6  }
.LBB2_200:
.Ltmp167:
0x667: {  	(pc) =	sbr.rel .LBB2_209-.Ltmp167, $2  }
0x668: {  	_ =	sdelay $0x2  }
0x669: {  	v11 =	vimm.s32 $0x0;
	v13 =	vimm.s32 $0x0;
	s20 =	simm.s32 $0x0  }
.LBB2_202:
.Ltmp168:
0x66a: {  	(pc) =	sbr.rel .LBB2_209-.Ltmp168, $2  }
0x66b: {  	_ =	sdelay $0x2  }
0x66c: {  	v11 =	vimm.s32 $0x0;
	v13 =	vimm.s32 $0x0;
	s22 =	simm.s32 $0x0  }
.LBB2_204:
.Ltmp169:
0x66d: {  	(pc) =	sbr.rel .LBB2_209-.Ltmp169, $2  }
0x66e: {  	_ =	sdelay $0x2  }
0x66f: {  	v11 =	vimm.s32 $0x0;
	v13 =	vimm.s32 $0x0;
	s24 =	simm.s32 $0x0;
	s22 =	simm.s32 $0x1;
	s20 =	simm.s32 $0x2;
	v12 =	vmov v9  }
.LBB2_206:
.Ltmp170:
0x670: {  	(pc) =	sbr.rel .LBB2_209-.Ltmp170, $2  }
0x671: {  	_ =	sdelay $0x2  }
0x672: {  	v11 =	vimm.s32 $0x0;
	v13 =	vimm.s32 $0x0;
	s24 =	simm.s32 $0x1;
	s20 =	simm.s32 $0x3  }
.LBB2_6:
.Ltmp171:
0x673: {  	(pc) =	sbr.rel .LBB2_15-.Ltmp171, $2  }
0x674: {  	_ =	sdelay $0x2  }
0x675: {  	v9 =	vimm.s32 $0x0;
	v11 =	vimm.s32 $0x0;
	s19 =	simm.s32 $0x0  }
.LBB2_36:
.Ltmp172:
0x676: {  	(pc) =	sbr.rel .LBB2_60-.Ltmp172, $2  }
0x677: {  	_ =	sdelay $0x2  }
0x678: {  	s23 =	simm.s32 $0x10020  }
.LBB2_65:
.Ltmp173:
0x679: {  	(pc) =	sbr.rel .LBB2_74-.Ltmp173, $2  }
0x67a: {  	_ =	sdelay $0x2  }
0x67b: {  	v9 =	vimm.s32 $0x0;
	v11 =	vimm.s32 $0x0;
	s19 =	simm.s32 $0x0  }
.LBB2_95:
.Ltmp174:
0x67c: {  	(pc) =	sbr.rel .LBB2_119-.Ltmp174, $2  }
0x67d: {  	_ =	sdelay $0x2  }
0x67e: {  	s23 =	simm.s32 $0x10020  }
.LBB2_124:
.Ltmp175:
0x67f: {  	(pc) =	sbr.rel .LBB2_133-.Ltmp175, $2  }
0x680: {  	_ =	sdelay $0x2  }
0x681: {  	v9 =	vimm.s32 $0x0;
	v11 =	vimm.s32 $0x0;
	s19 =	simm.s32 $0x0  }
.LBB2_154:
.Ltmp176:
0x682: {  	(pc) =	sbr.rel .LBB2_178-.Ltmp176, $2  }
0x683: {  	_ =	sdelay $0x2  }
0x684: {  	s23 =	simm.s32 $0x10020  }
.LBB2_183:
.Ltmp177:
0x685: {  	(pc) =	sbr.rel .LBB2_192-.Ltmp177, $2  }
0x686: {  	_ =	sdelay $0x2  }
0x687: {  	v9 =	vimm.s32 $0x0;
	v11 =	vimm.s32 $0x0;
	s19 =	simm.s32 $0x0  }
.LBB2_213:
.Ltmp178:
0x688: {  	(pc) =	sbr.rel .LBB2_235-.Ltmp178, $2  }
0x689: {  	_ =	sdelay $0x2  }
0x68a: {  	s23 =	simm.s32 $0x10020  }
.LBB2_8:
.Ltmp179:
0x68b: {  	(pc) =	sbr.rel .LBB2_15-.Ltmp179, $2  }
0x68c: {  	_ =	sdelay $0x2  }
0x68d: {  	v9 =	vimm.s32 $0x0;
	v11 =	vimm.s32 $0x0;
	s21 =	simm.s32 $0x0  }
.LBB2_55:
.Ltmp180:
0x68e: {  	(pc) =	sbr.rel .LBB2_60-.Ltmp180, $2  }
0x68f: {  	_ =	sdelay $0x2  }
0x690: {  	s21 =	simm.s32 $0x0;
	s23 =	simm.s32 $0x10020;
	s22 =	simm.s32 $0x4  }
.LBB2_67:
.Ltmp181:
0x691: {  	(pc) =	sbr.rel .LBB2_74-.Ltmp181, $2  }
0x692: {  	_ =	sdelay $0x2  }
0x693: {  	v9 =	vimm.s32 $0x0;
	v11 =	vimm.s32 $0x0;
	s21 =	simm.s32 $0x0  }
.LBB2_114:
.Ltmp182:
0x694: {  	(pc) =	sbr.rel .LBB2_119-.Ltmp182, $2  }
0x695: {  	_ =	sdelay $0x2  }
0x696: {  	s21 =	simm.s32 $0x0;
	s23 =	simm.s32 $0x10020;
	s22 =	simm.s32 $0x4  }
.LBB2_126:
.Ltmp183:
0x697: {  	(pc) =	sbr.rel .LBB2_133-.Ltmp183, $2  }
0x698: {  	_ =	sdelay $0x2  }
0x699: {  	v9 =	vimm.s32 $0x0;
	v11 =	vimm.s32 $0x0;
	s21 =	simm.s32 $0x0  }
.LBB2_173:
.Ltmp184:
0x69a: {  	(pc) =	sbr.rel .LBB2_178-.Ltmp184, $2  }
0x69b: {  	_ =	sdelay $0x2  }
0x69c: {  	s21 =	simm.s32 $0x0;
	s23 =	simm.s32 $0x10020;
	s22 =	simm.s32 $0x4  }
.LBB2_185:
.Ltmp185:
0x69d: {  	(pc) =	sbr.rel .LBB2_192-.Ltmp185, $2  }
0x69e: {  	_ =	sdelay $0x2  }
0x69f: {  	v9 =	vimm.s32 $0x0;
	v11 =	vimm.s32 $0x0;
	s21 =	simm.s32 $0x0  }
.LBB2_230:
.Ltmp186:
0x6a0: {  	(pc) =	sbr.rel .LBB2_235-.Ltmp186, $2  }
0x6a1: {  	_ =	sdelay $0x2  }
0x6a2: {  	s21 =	simm.s32 $0x0;
	s23 =	simm.s32 $0x10020;
	s22 =	simm.s32 $0x4  }
.LBB2_10:
.Ltmp187:
0x6a3: {  	(pc) =	sbr.rel .LBB2_15-.Ltmp187, $2  }
0x6a4: {  	_ =	sdelay $0x2  }
0x6a5: {  	v9 =	vimm.s32 $0x0;
	v11 =	vimm.s32 $0x0;
	s23 =	simm.s32 $0x0;
	s21 =	simm.s32 $0x1;
	s19 =	simm.s32 $0x2;
	v10 =	vmov v7  }
.LBB2_57:
.Ltmp188:
0x6a6: {  	(pc) =	sbr.rel .LBB2_60-.Ltmp188, $2  }
0x6a7: {  	_ =	sdelay $0x2  }
0x6a8: {  	s23 =	simm.s32 $0x10020;
	s22 =	simm.s32 $0x8  }
.LBB2_69:
.Ltmp189:
0x6a9: {  	(pc) =	sbr.rel .LBB2_74-.Ltmp189, $2  }
0x6aa: {  	_ =	sdelay $0x2  }
0x6ab: {  	v9 =	vimm.s32 $0x0;
	v11 =	vimm.s32 $0x0;
	s23 =	simm.s32 $0x0;
	s21 =	simm.s32 $0x1;
	s19 =	simm.s32 $0x2;
	v10 =	vmov v7  }
.LBB2_116:
.Ltmp190:
0x6ac: {  	(pc) =	sbr.rel .LBB2_119-.Ltmp190, $2  }
0x6ad: {  	_ =	sdelay $0x2  }
0x6ae: {  	s23 =	simm.s32 $0x10020;
	s22 =	simm.s32 $0x8  }
.LBB2_128:
.Ltmp191:
0x6af: {  	(pc) =	sbr.rel .LBB2_133-.Ltmp191, $2  }
0x6b0: {  	_ =	sdelay $0x2  }
0x6b1: {  	v9 =	vimm.s32 $0x0;
	v11 =	vimm.s32 $0x0;
	s23 =	simm.s32 $0x0;
	s21 =	simm.s32 $0x1;
	s19 =	simm.s32 $0x2;
	v10 =	vmov v7  }
.LBB2_175:
.Ltmp192:
0x6b2: {  	(pc) =	sbr.rel .LBB2_178-.Ltmp192, $2  }
0x6b3: {  	_ =	sdelay $0x2  }
0x6b4: {  	s23 =	simm.s32 $0x10020;
	s22 =	simm.s32 $0x8  }
.LBB2_187:
.Ltmp193:
0x6b5: {  	(pc) =	sbr.rel .LBB2_192-.Ltmp193, $2  }
0x6b6: {  	_ =	sdelay $0x2  }
0x6b7: {  	v9 =	vimm.s32 $0x0;
	v11 =	vimm.s32 $0x0;
	s23 =	simm.s32 $0x0;
	s21 =	simm.s32 $0x1;
	s19 =	simm.s32 $0x2;
	v10 =	vmov v7  }
.LBB2_232:
.Ltmp194:
0x6b8: {  	(pc) =	sbr.rel .LBB2_235-.Ltmp194, $2  }
0x6b9: {  	_ =	sdelay $0x2  }
0x6ba: {  	s23 =	simm.s32 $0x10020;
	s22 =	simm.s32 $0x8  }
.LBB2_12:
.Ltmp195:
0x6bb: {  	(pc) =	sbr.rel .LBB2_15-.Ltmp195, $2  }
0x6bc: {  	_ =	sdelay $0x2  }
0x6bd: {  	v9 =	vimm.s32 $0x0;
	v11 =	vimm.s32 $0x0;
	s23 =	simm.s32 $0x1;
	s19 =	simm.s32 $0x3  }
.LBB2_71:
.Ltmp196:
0x6be: {  	(pc) =	sbr.rel .LBB2_74-.Ltmp196, $2  }
0x6bf: {  	_ =	sdelay $0x2  }
0x6c0: {  	v9 =	vimm.s32 $0x0;
	v11 =	vimm.s32 $0x0;
	s23 =	simm.s32 $0x1;
	s19 =	simm.s32 $0x3  }
.LBB2_130:
.Ltmp197:
0x6c1: {  	(pc) =	sbr.rel .LBB2_133-.Ltmp197, $2  }
0x6c2: {  	_ =	sdelay $0x2  }
0x6c3: {  	v9 =	vimm.s32 $0x0;
	v11 =	vimm.s32 $0x0;
	s23 =	simm.s32 $0x1;
	s19 =	simm.s32 $0x3  }
.LBB2_189:
.Ltmp198:
0x6c4: {  	(pc) =	sbr.rel .LBB2_192-.Ltmp198, $2  }
0x6c5: {  	_ =	sdelay $0x2  }
0x6c6: {  	v9 =	vimm.s32 $0x0;
	v11 =	vimm.s32 $0x0;
	s23 =	simm.s32 $0x1;
	s19 =	simm.s32 $0x3  }
.LBB2_228:
0x6c7: {  	_ =	sfence.sel $0x180000  }
0x6c8: {  	[bflag:$0x0] =	sbarrier.arrive $0xFFFF  }
0x6c9: {  	p0 =	sne.s32 s1, $0x0;
	_ =	strace $0x90000047  }
0x6ca: {  	s0 =	sadd.s32 @!p0 $0x100000, s0;
	[bflag:$0x2] =	sbarrier.arrive $0xFFFF  }
0x6cb: {  	[sflag:s0] =	ssyncadd.tile.s32 @!p0 $0x1;
	_ =	shalt  }
.Lfunc_end2:
_tile_overlayer_lowered:
.L_overlay_start_2:
0x6cc: {  	(tag) =	ssettag $0x2  }
0x6cd: {  	s0 =	rddreg [dreg:$0x0];
	s2 =	stileid.u32  }
0x6ce: {  	s1 =	rddreg [dreg:$0x1];
	p0 =	sne.s32 s2, $0x0  }
0x6cf: {  	s3 =	rddreg [dreg:$0x2];
	[bflag:$0x3] =	sbarrier.arrive $0xFFFF;
	s2 =	simm.s32 @!p0 $0x1C01  }
0x6d0: {  	[timem:s3], [sflag:s2] =	dma.local @!p0 [hbm:s0], s1  }
0x6d1: {  	s0 =	simm.s32 @!p0 $0x1  }
0x6d2: {  	_ =	swait.ge @!p0 [sflag:s0], s1  }
0x6d3: {  	s1 =	ssub.s32 @!p0 $0x0, s1;
	[sflag:s0] =	ssyncset.done @!p0 $0x0  }
0x6d4: {  	[sflag:s0] =	ssyncadd.s32 @!p0 s1  }
0x6d5: {  	[bflag:$0x3] =	sbarrier.arrive $0xFFFF  }
0x6d6: {  	_ =	shalt  }

</sc_bundles>
